<compile_context>
chip_gen: v7x
topology: tpu7x:2x2x1
jax: 0.10.2.dev20260603
libtpu: 0.0.44.dev20260713+nightly
codegen_flags: <defaults>
</compile_context>

<pallas_src>
import functools

import jax
import jax.numpy as jnp
from jax import lax
from jax.experimental import pallas as pl
from jax.experimental.pallas import tpu as pltpu
from jax.experimental.pallas import tpu_sc as plsc

V = 1000000
D = 64
B = 16384
NS = 5

NC = 2
NSC = 16
NW = NC * NSC
EPW = B // NW
C = 128
NCHUNK = EPW // C
NR = C * NS

WB = 1024
LOG2WB = 10
NBLK = (V + 2 * WB - 1) // (2 * WB)
VP = NBLK * WB


def _xpose_kernel(x_ref, out_ref):
    x = x_ref[...]
    a = x[:, :WB]
    b = x[:, WB:]
    out_ref[...] = jnp.concatenate([a.T, b.T], axis=1)


_xpose = pl.pallas_call(
    _xpose_kernel,
    grid=(NBLK,),
    in_specs=[pl.BlockSpec((D, 2 * WB), lambda i: (0, i))],
    out_specs=pl.BlockSpec((WB, 2 * D), lambda i: (i, 0)),
    out_shape=jax.ShapeDtypeStruct((VP, 2 * D), jnp.float32),
)


def _packed_row(v):
    return lax.shift_left(lax.shift_right_logical(v, LOG2WB + 1), LOG2WB) + (v & (WB - 1))


_mesh = plsc.VectorSubcoreMesh(
    core_axis_name="c", subcore_axis_name="s", num_cores=NC, num_subcores=NSC
)


@functools.partial(
    pl.kernel,
    out_type=jax.ShapeDtypeStruct((NW, 8, EPW), jnp.float32),
    mesh=_mesh,
    compiler_params=pltpu.CompilerParams(needs_layout_passes=False),
    scratch_types=[
        pltpu.VMEM((C,), jnp.int32),
        pltpu.VMEM((C,), jnp.int32),
        pltpu.VMEM((NR,), jnp.int32),
        pltpu.VMEM((C,), jnp.int32),
        pltpu.VMEM((C,), jnp.int32),
        pltpu.VMEM((NR,), jnp.int32),
        pltpu.VMEM((C, 128), jnp.float32),
        pltpu.VMEM((C, 128), jnp.float32),
        pltpu.VMEM((NR, 128), jnp.float32),
        pltpu.VMEM((8, C), jnp.float32),
        pltpu.SemaphoreType.DMA,
    ],
)
def _sc_dots(in_w, out_w, noise_w, in_tbl2, out_tbl2, dots_hbm,
             iidx, oidx, nidx, irow, orow, nrow, irows, orows, nrows,
             dots_v, sem):
    wid = lax.axis_index("s") * NC + lax.axis_index("c")
    lane = lax.iota(jnp.int32, 16)
    zeros16 = jnp.zeros((16,), jnp.float32)

    def chunk_body(c_i, carry):
        base = wid * EPW + c_i * C

        pltpu.sync_copy(in_w.at[pl.ds(base, C)], iidx)
        pltpu.sync_copy(out_w.at[pl.ds(base, C)], oidx)
        pltpu.sync_copy(noise_w.at[pl.ds(base * NS, NR)], nidx)

        for t in range(C // 16):
            s = pl.ds(t * 16, 16)
            irow[s] = _packed_row(iidx[s])
            orow[s] = _packed_row(oidx[s])
        for t in range(NR // 16):
            s = pl.ds(t * 16, 16)
            nrow[s] = _packed_row(nidx[s])

        cps = [
            pltpu.async_copy(in_tbl2.at[irow], irows, sem),
            pltpu.async_copy(out_tbl2.at[orow], orows, sem),
        ]
        for n in range(NS):
            cps.append(
                pltpu.async_copy(out_tbl2.at[nrow.at[pl.ds(n * C, C)]],
                                 nrows.at[pl.ds(n * C, C)], sem))
        for cp in cps:
            cp.wait()

        def group_body(g, carry2):
            e_vec = g * 16 + lane
            hin = ((plsc.load_gather(iidx, [e_vec]) >> LOG2WB) & 1) * 64
            hout = ((plsc.load_gather(oidx, [e_vec]) >> LOG2WB) & 1) * 64
            rvecs = []
            hns = []
            for n in range(NS):
                r_vec = e_vec * NS + n
                rvecs.append(r_vec)
                hns.append(((plsc.load_gather(nidx, [r_vec]) >> LOG2WB) & 1) * 64)
            accp = zeros16
            accn = [zeros16] * NS
            for d0 in range(D):
                dv = (d0 + lane) & 63
                a = plsc.load_gather(irows, [e_vec, hin + dv])
                b = plsc.load_gather(orows, [e_vec, hout + dv])
                accp = accp + a * b
                for n in range(NS):
                    cn = plsc.load_gather(nrows, [rvecs[n], hns[n] + dv])
                    accn[n] = accn[n] + a * cn
            s = pl.ds(g * 16, 16)
            dots_v[0, s] = accp
            for n in range(NS):
                dots_v[1 + n, s] = accn[n]
            dots_v[6, s] = zeros16
            dots_v[7, s] = zeros16
            return carry2

        lax.fori_loop(0, C // 16, group_body, 0)

        pltpu.sync_copy(dots_v, dots_hbm.at[wid, :, pl.ds(c_i * C, C)])
        return carry

    lax.fori_loop(0, NCHUNK, chunk_body, 0)


def _tc_loss_kernel(dots_ref, out_ref):
    x = dots_ref[...]
    row = lax.broadcasted_iota(jnp.int32, x.shape, 1)
    t = jnp.where(row == 0, x, -x)
    terms = jnp.log(1.0 / (1.0 + jnp.exp(-t)))
    terms = jnp.where(row < 6, terms, 0.0)
    out_ref[0, 0] = -jnp.sum(terms) / B


_tc_loss = pl.pallas_call(
    _tc_loss_kernel,
    out_shape=jax.ShapeDtypeStruct((1, 1), jnp.float32),
    out_specs=pl.BlockSpec(memory_space=pltpu.SMEM),
)


def kernel(input_words, output_words, noise_words, in_embed_weight, out_embed_weight):
    in_tbl2 = _xpose(in_embed_weight.T)
    out_tbl2 = _xpose(out_embed_weight.T)
    dots = _sc_dots(input_words, output_words, noise_words, in_tbl2, out_tbl2)
    return _tc_loss(dots)[0, 0]

# --- scband reference (transcript-rebuilt; emitter-appended) ---
"""Pipeline reference for scband-network-60919816127009 (READ-ONLY COPY).

The authoritative reference and input builder live on the scoring server;
editing this copy changes nothing except your own understanding.
"""

import jax, jax.numpy as jnp
import numpy as np

V = 1000000
D = 64
B = 16384
NS = 5


def setup_inputs(seed: int = 0) -> dict:
    key = jax.random.key(seed)
    k1, k2, k3, k4, k5 = jax.random.split(key, 5)
    input_words = jax.random.randint(k1, (B,), 0, V, dtype=jnp.int64 if jax.config.jax_enable_x64 else jnp.int32).astype(jnp.int32)
    output_words = jax.random.randint(k2, (B,), 0, V).astype(jnp.int32)
    noise_words = jax.random.randint(k3, (B * NS,), 0, V).astype(jnp.int32)
    in_embed_weight = jax.random.uniform(k4, (V, D), dtype=jnp.float32, minval=-1.0, maxval=1.0)
    out_embed_weight = jax.random.uniform(k5, (V, D), dtype=jnp.float32, minval=-1.0, maxval=1.0)
    return {
        'input_words': input_words,
        'output_words': output_words,
        'noise_words': noise_words,
        'in_embed_weight': in_embed_weight,
        'out_embed_weight': out_embed_weight,
    }


def reference(input_words, output_words, noise_words, in_embed_weight, out_embed_weight):
    # forward_input: gather from in_embed table
    input_vectors = jnp.take(in_embed_weight, input_words, axis=0)      # [B, D]
    # forward_output: gather from out_embed table
    output_vectors = jnp.take(out_embed_weight, output_words, axis=0)   # [B, D]
    # forward_noise: gather noise word embeddings, reshape to [B, NS, D]
    noise_vectors = jnp.take(out_embed_weight, noise_words, axis=0).reshape(B, NS, D)
    # NegativeSamplingLoss
    # out_loss = log(sigmoid(output . input)) per example
    out_loss = jnp.log(jax.nn.sigmoid(jnp.sum(output_vectors * input_vectors, axis=-1)))  # [B]
    # noise_loss = sum over samples of log(sigmoid(-noise . input))
    noise_dots = jnp.einsum('bnd,bd->bn', noise_vectors, input_vectors)  # [B, NS]
    noise_loss = jnp.log(jax.nn.sigmoid(-noise_dots)).sum(axis=1)        # [B]
    loss = -(out_loss + noise_loss).mean()
    return loss

if __name__ == "__main__":
    import jax
    _d = setup_inputs()
    print(jax.jit(kernel)(*tuple(_d.values())))

</pallas_src>

<mosaic_0001>
#map = affine_map<(d0, d1) -> (0)>
#map1 = affine_map<(d0, d1) -> (0, 0)>
#map2 = affine_map<(d0, d1) -> (0, 0, 0)>
module attributes {stable_mosaic.version = 14 : i64} {
  func.func @_sc_dots(%arg0: i32, %arg1: i32, %arg2: memref<16384xi32, #tpu.memory_space<hbm>>, %arg3: memref<16384xi32, #tpu.memory_space<hbm>>, %arg4: memref<81920xi32, #tpu.memory_space<hbm>>, %arg5: memref<500736x128xf32, #tpu.memory_space<hbm>>, %arg6: memref<500736x128xf32, #tpu.memory_space<hbm>>, %arg7: memref<32x8x512xf32, #tpu.memory_space<hbm>>, %arg8: memref<128xi32, #tpu.memory_space<vmem>>, %arg9: memref<128xi32, #tpu.memory_space<vmem>>, %arg10: memref<640xi32, #tpu.memory_space<vmem>>, %arg11: memref<128xi32, #tpu.memory_space<vmem>>, %arg12: memref<128xi32, #tpu.memory_space<vmem>>, %arg13: memref<640xi32, #tpu.memory_space<vmem>>, %arg14: memref<128x128xf32, #tpu.memory_space<vmem>>, %arg15: memref<128x128xf32, #tpu.memory_space<vmem>>, %arg16: memref<640x128xf32, #tpu.memory_space<vmem>>, %arg17: memref<8x128xf32, #tpu.memory_space<vmem>>, %arg18: memref<!tpu.dma_semaphore, #tpu.memory_space<semaphore_mem>>) attributes {dimension_semantics = [#tpu.dimension_semantics<core_parallel>, #tpu.dimension_semantics<subcore_parallel>], iteration_bounds = array<i64: 2, 16>, scalar_prefetch = 0 : i64, scratch_operands = 11 : i64, tpu.core_type = #tpu.core_type<sc_vector_subcore>, window_params = [{transform_indices = #map}, {transform_indices = #map}, {transform_indices = #map}, {transform_indices = #map1}, {transform_indices = #map1}, {transform_indices = #map2}]} {
    %mul3A = arith.constant 2 : i32
    %mul3A_0 = arith.muli %arg1, %mul3A : i32
    %add3A = arith.addi %mul3A_0, %arg0 : i32
    %iota3A = tpu.iota {dimensions = array<i32: 0>} : vector<16xi32>
    %broadcast_in_dim3A = arith.constant 0.000000e+00 : f32
    %broadcast_in_dim3A_1 = vector.broadcast %broadcast_in_dim3A : f32 to vector<16xf32>
    %scan3A = arith.constant 0 : i32
    %scan3A_2 = arith.constant 0 : i32
    %scan3A_3 = arith.constant 4 : i32
    %scan3A_4 = arith.addi %scan3A_2, %scan3A_3 : i32
    %scan3A_5 = arith.constant 1 : i32
    scf.for %scan3A_7 = %scan3A_2 to %scan3A_4 step %scan3A_5  : i32 {
      %mul3A_8 = arith.constant 512 : i32
      %mul3A_9 = arith.muli %add3A, %mul3A_8 : i32
      %mul3A_10 = arith.constant 128 : i32
      %mul3A_11 = arith.muli %scan3A_7, %mul3A_10 : i32
      %add3A_12 = arith.addi %mul3A_9, %mul3A_11 : i32
      "tpu.region"() ({
        %run_scoped3A = tpu.sem_alloc : memref<!tpu.dma_semaphore, #tpu.memory_space<semaphore_mem>>
        %dma_start3A_892 = tpu.memref_slice %arg2[%add3A_12] : memref<16384xi32, #tpu.memory_space<hbm>> -> memref<128xi32, #tpu.memory_space<hbm>>
        %dma_start3A_893 = tpu.memref_slice %arg2[%add3A_12] : memref<16384xi32, #tpu.memory_space<hbm>> -> memref<128xi32, #tpu.memory_space<hbm>>
        tpu.enqueue_dma source(%dma_start3A_893 : memref<128xi32, #tpu.memory_space<hbm>>) target(%arg8 : memref<128xi32, #tpu.memory_space<vmem>>) target_semaphore(%run_scoped3A : memref<!tpu.dma_semaphore, #tpu.memory_space<semaphore_mem>>)
        %dma_wait3A_894 = tpu.memref_slice %arg2[%add3A_12] : memref<16384xi32, #tpu.memory_space<hbm>> -> memref<128xi32, #tpu.memory_space<hbm>>
        %dma_wait3A_895 = tpu.memref_slice %arg2[%add3A_12] : memref<16384xi32, #tpu.memory_space<hbm>> -> memref<128xi32, #tpu.memory_space<hbm>>
        tpu.wait_dma2 semaphore(%run_scoped3A : memref<!tpu.dma_semaphore, #tpu.memory_space<semaphore_mem>>) src(%dma_wait3A_895 : memref<128xi32, #tpu.memory_space<hbm>>) dst(%arg8 : memref<128xi32, #tpu.memory_space<vmem>>)
        tpu.yield
      }) : () -> ()
      "tpu.region"() ({
        %run_scoped3A = tpu.sem_alloc : memref<!tpu.dma_semaphore, #tpu.memory_space<semaphore_mem>>
        %dma_start3A_892 = tpu.memref_slice %arg3[%add3A_12] : memref<16384xi32, #tpu.memory_space<hbm>> -> memref<128xi32, #tpu.memory_space<hbm>>
        %dma_start3A_893 = tpu.memref_slice %arg3[%add3A_12] : memref<16384xi32, #tpu.memory_space<hbm>> -> memref<128xi32, #tpu.memory_space<hbm>>
        tpu.enqueue_dma source(%dma_start3A_893 : memref<128xi32, #tpu.memory_space<hbm>>) target(%arg9 : memref<128xi32, #tpu.memory_space<vmem>>) target_semaphore(%run_scoped3A : memref<!tpu.dma_semaphore, #tpu.memory_space<semaphore_mem>>)
        %dma_wait3A_894 = tpu.memref_slice %arg3[%add3A_12] : memref<16384xi32, #tpu.memory_space<hbm>> -> memref<128xi32, #tpu.memory_space<hbm>>
        %dma_wait3A_895 = tpu.memref_slice %arg3[%add3A_12] : memref<16384xi32, #tpu.memory_space<hbm>> -> memref<128xi32, #tpu.memory_space<hbm>>
        tpu.wait_dma2 semaphore(%run_scoped3A : memref<!tpu.dma_semaphore, #tpu.memory_space<semaphore_mem>>) src(%dma_wait3A_895 : memref<128xi32, #tpu.memory_space<hbm>>) dst(%arg9 : memref<128xi32, #tpu.memory_space<vmem>>)
        tpu.yield
      }) : () -> ()
      %mul3A_13 = arith.constant 5 : i32
      %mul3A_14 = arith.muli %add3A_12, %mul3A_13 : i32
      "tpu.region"() ({
        %run_scoped3A = tpu.sem_alloc : memref<!tpu.dma_semaphore, #tpu.memory_space<semaphore_mem>>
        %dma_start3A_892 = tpu.memref_slice %arg4[%mul3A_14] : memref<81920xi32, #tpu.memory_space<hbm>> -> memref<640xi32, #tpu.memory_space<hbm>>
        %dma_start3A_893 = tpu.memref_slice %arg4[%mul3A_14] : memref<81920xi32, #tpu.memory_space<hbm>> -> memref<640xi32, #tpu.memory_space<hbm>>
        tpu.enqueue_dma source(%dma_start3A_893 : memref<640xi32, #tpu.memory_space<hbm>>) target(%arg10 : memref<640xi32, #tpu.memory_space<vmem>>) target_semaphore(%run_scoped3A : memref<!tpu.dma_semaphore, #tpu.memory_space<semaphore_mem>>)
        %dma_wait3A_894 = tpu.memref_slice %arg4[%mul3A_14] : memref<81920xi32, #tpu.memory_space<hbm>> -> memref<640xi32, #tpu.memory_space<hbm>>
        %dma_wait3A_895 = tpu.memref_slice %arg4[%mul3A_14] : memref<81920xi32, #tpu.memory_space<hbm>> -> memref<640xi32, #tpu.memory_space<hbm>>
        tpu.wait_dma2 semaphore(%run_scoped3A : memref<!tpu.dma_semaphore, #tpu.memory_space<semaphore_mem>>) src(%dma_wait3A_895 : memref<640xi32, #tpu.memory_space<hbm>>) dst(%arg10 : memref<640xi32, #tpu.memory_space<vmem>>)
        tpu.yield
      }) : () -> ()
      %get3A = arith.constant 0 : index
      %get3A_15 = tpu.vector_load %arg8[%get3A] {strides = array<i32>} : memref<128xi32, #tpu.memory_space<vmem>>, vector<16xi32>,
      %shift_right_logical3A = arith.constant 11 : i32
      %shift_right_logical3A_16 = vector.broadcast %shift_right_logical3A : i32 to vector<16xi32>
      %shift_right_logical3A_17 = arith.shrui %get3A_15, %shift_right_logical3A_16 : vector<16xi32>
      %shift_left3A = arith.constant 10 : i32
      %shift_left3A_18 = vector.broadcast %shift_left3A : i32 to vector<16xi32>
      %shift_left3A_19 = arith.shli %shift_right_logical3A_17, %shift_left3A_18 : vector<16xi32>
      %and3A = arith.constant 1023 : i32
      %and3A_20 = vector.broadcast %and3A : i32 to vector<16xi32>
      %and3A_21 = arith.andi %get3A_15, %and3A_20 : vector<16xi32>
      %add3A_22 = arith.addi %shift_left3A_19, %and3A_21 : vector<16xi32>
      %swap3A = arith.constant 0 : index
      %swap3A_23 = tpu.vector_load %arg11[%swap3A] {strides = array<i32>} : memref<128xi32, #tpu.memory_space<vmem>>, vector<16xi32>,
      tpu.vector_store %arg11[%swap3A], %add3A_22 {strides = array<i32>} : memref<128xi32, #tpu.memory_space<vmem>>, vector<16xi32>,
      %get3A_24 = arith.constant 0 : index
      %get3A_25 = tpu.vector_load %arg9[%get3A_24] {strides = array<i32>} : memref<128xi32, #tpu.memory_space<vmem>>, vector<16xi32>,
      %shift_right_logical3A_26 = arith.constant 11 : i32
      %shift_right_logical3A_27 = vector.broadcast %shift_right_logical3A_26 : i32 to vector<16xi32>
      %shift_right_logical3A_28 = arith.shrui %get3A_25, %shift_right_logical3A_27 : vector<16xi32>
      %shift_left3A_29 = arith.constant 10 : i32
      %shift_left3A_30 = vector.broadcast %shift_left3A_29 : i32 to vector<16xi32>
      %shift_left3A_31 = arith.shli %shift_right_logical3A_28, %shift_left3A_30 : vector<16xi32>
      %and3A_32 = arith.constant 1023 : i32
      %and3A_33 = vector.broadcast %and3A_32 : i32 to vector<16xi32>
      %and3A_34 = arith.andi %get3A_25, %and3A_33 : vector<16xi32>
      %add3A_35 = arith.addi %shift_left3A_31, %and3A_34 : vector<16xi32>
      %swap3A_36 = arith.constant 0 : index
      %swap3A_37 = tpu.vector_load %arg12[%swap3A_36] {strides = array<i32>} : memref<128xi32, #tpu.memory_space<vmem>>, vector<16xi32>,
      tpu.vector_store %arg12[%swap3A_36], %add3A_35 {strides = array<i32>} : memref<128xi32, #tpu.memory_space<vmem>>, vector<16xi32>,
      %get3A_38 = arith.constant 16 : index
      %get3A_39 = tpu.vector_load %arg8[%get3A_38] {strides = array<i32>} : memref<128xi32, #tpu.memory_space<vmem>>, vector<16xi32>,
      %shift_right_logical3A_40 = arith.constant 11 : i32
      %shift_right_logical3A_41 = vector.broadcast %shift_right_logical3A_40 : i32 to vector<16xi32>
      %shift_right_logical3A_42 = arith.shrui %get3A_39, %shift_right_logical3A_41 : vector<16xi32>
      %shift_left3A_43 = arith.constant 10 : i32
      %shift_left3A_44 = vector.broadcast %shift_left3A_43 : i32 to vector<16xi32>
      %shift_left3A_45 = arith.shli %shift_right_logical3A_42, %shift_left3A_44 : vector<16xi32>
      %and3A_46 = arith.constant 1023 : i32
      %and3A_47 = vector.broadcast %and3A_46 : i32 to vector<16xi32>
      %and3A_48 = arith.andi %get3A_39, %and3A_47 : vector<16xi32>
      %add3A_49 = arith.addi %shift_left3A_45, %and3A_48 : vector<16xi32>
      %swap3A_50 = arith.constant 16 : index
      %swap3A_51 = tpu.vector_load %arg11[%swap3A_50] {strides = array<i32>} : memref<128xi32, #tpu.memory_space<vmem>>, vector<16xi32>,
      tpu.vector_store %arg11[%swap3A_50], %add3A_49 {strides = array<i32>} : memref<128xi32, #tpu.memory_space<vmem>>, vector<16xi32>,
      %get3A_52 = arith.constant 16 : index
      %get3A_53 = tpu.vector_load %arg9[%get3A_52] {strides = array<i32>} : memref<128xi32, #tpu.memory_space<vmem>>, vector<16xi32>,
      %shift_right_logical3A_54 = arith.constant 11 : i32
      %shift_right_logical3A_55 = vector.broadcast %shift_right_logical3A_54 : i32 to vector<16xi32>
      %shift_right_logical3A_56 = arith.shrui %get3A_53, %shift_right_logical3A_55 : vector<16xi32>
      %shift_left3A_57 = arith.constant 10 : i32
      %shift_left3A_58 = vector.broadcast %shift_left3A_57 : i32 to vector<16xi32>
      %shift_left3A_59 = arith.shli %shift_right_logical3A_56, %shift_left3A_58 : vector<16xi32>
      %and3A_60 = arith.constant 1023 : i32
      %and3A_61 = vector.broadcast %and3A_60 : i32 to vector<16xi32>
      %and3A_62 = arith.andi %get3A_53, %and3A_61 : vector<16xi32>
      %add3A_63 = arith.addi %shift_left3A_59, %and3A_62 : vector<16xi32>
      %swap3A_64 = arith.constant 16 : index
      %swap3A_65 = tpu.vector_load %arg12[%swap3A_64] {strides = array<i32>} : memref<128xi32, #tpu.memory_space<vmem>>, vector<16xi32>,
      tpu.vector_store %arg12[%swap3A_64], %add3A_63 {strides = array<i32>} : memref<128xi32, #tpu.memory_space<vmem>>, vector<16xi32>,
      %get3A_66 = arith.constant 32 : index
      %get3A_67 = tpu.vector_load %arg8[%get3A_66] {strides = array<i32>} : memref<128xi32, #tpu.memory_space<vmem>>, vector<16xi32>,
      %shift_right_logical3A_68 = arith.constant 11 : i32
      %shift_right_logical3A_69 = vector.broadcast %shift_right_logical3A_68 : i32 to vector<16xi32>
      %shift_right_logical3A_70 = arith.shrui %get3A_67, %shift_right_logical3A_69 : vector<16xi32>
      %shift_left3A_71 = arith.constant 10 : i32
      %shift_left3A_72 = vector.broadcast %shift_left3A_71 : i32 to vector<16xi32>
      %shift_left3A_73 = arith.shli %shift_right_logical3A_70, %shift_left3A_72 : vector<16xi32>
      %and3A_74 = arith.constant 1023 : i32
      %and3A_75 = vector.broadcast %and3A_74 : i32 to vector<16xi32>
      %and3A_76 = arith.andi %get3A_67, %and3A_75 : vector<16xi32>
      %add3A_77 = arith.addi %shift_left3A_73, %and3A_76 : vector<16xi32>
      %swap3A_78 = arith.constant 32 : index
      %swap3A_79 = tpu.vector_load %arg11[%swap3A_78] {strides = array<i32>} : memref<128xi32, #tpu.memory_space<vmem>>, vector<16xi32>,
      tpu.vector_store %arg11[%swap3A_78], %add3A_77 {strides = array<i32>} : memref<128xi32, #tpu.memory_space<vmem>>, vector<16xi32>,
      %get3A_80 = arith.constant 32 : index
      %get3A_81 = tpu.vector_load %arg9[%get3A_80] {strides = array<i32>} : memref<128xi32, #tpu.memory_space<vmem>>, vector<16xi32>,
      %shift_right_logical3A_82 = arith.constant 11 : i32
      %shift_right_logical3A_83 = vector.broadcast %shift_right_logical3A_82 : i32 to vector<16xi32>
      %shift_right_logical3A_84 = arith.shrui %get3A_81, %shift_right_logical3A_83 : vector<16xi32>
      %shift_left3A_85 = arith.constant 10 : i32
      %shift_left3A_86 = vector.broadcast %shift_left3A_85 : i32 to vector<16xi32>
      %shift_left3A_87 = arith.shli %shift_right_logical3A_84, %shift_left3A_86 : vector<16xi32>
      %and3A_88 = arith.constant 1023 : i32
      %and3A_89 = vector.broadcast %and3A_88 : i32 to vector<16xi32>
      %and3A_90 = arith.andi %get3A_81, %and3A_89 : vector<16xi32>
      %add3A_91 = arith.addi %shift_left3A_87, %and3A_90 : vector<16xi32>
      %swap3A_92 = arith.constant 32 : index
      %swap3A_93 = tpu.vector_load %arg12[%swap3A_92] {strides = array<i32>} : memref<128xi32, #tpu.memory_space<vmem>>, vector<16xi32>,
      tpu.vector_store %arg12[%swap3A_92], %add3A_91 {strides = array<i32>} : memref<128xi32, #tpu.memory_space<vmem>>, vector<16xi32>,
      %get3A_94 = arith.constant 48 : index
      %get3A_95 = tpu.vector_load %arg8[%get3A_94] {strides = array<i32>} : memref<128xi32, #tpu.memory_space<vmem>>, vector<16xi32>,
      %shift_right_logical3A_96 = arith.constant 11 : i32
      %shift_right_logical3A_97 = vector.broadcast %shift_right_logical3A_96 : i32 to vector<16xi32>
      %shift_right_logical3A_98 = arith.shrui %get3A_95, %shift_right_logical3A_97 : vector<16xi32>
      %shift_left3A_99 = arith.constant 10 : i32
      %shift_left3A_100 = vector.broadcast %shift_left3A_99 : i32 to vector<16xi32>
      %shift_left3A_101 = arith.shli %shift_right_logical3A_98, %shift_left3A_100 : vector<16xi32>
      %and3A_102 = arith.constant 1023 : i32
      %and3A_103 = vector.broadcast %and3A_102 : i32 to vector<16xi32>
      %and3A_104 = arith.andi %get3A_95, %and3A_103 : vector<16xi32>
      %add3A_105 = arith.addi %shift_left3A_101, %and3A_104 : vector<16xi32>
      %swap3A_106 = arith.constant 48 : index
      %swap3A_107 = tpu.vector_load %arg11[%swap3A_106] {strides = array<i32>} : memref<128xi32, #tpu.memory_space<vmem>>, vector<16xi32>,
      tpu.vector_store %arg11[%swap3A_106], %add3A_105 {strides = array<i32>} : memref<128xi32, #tpu.memory_space<vmem>>, vector<16xi32>,
      %get3A_108 = arith.constant 48 : index
      %get3A_109 = tpu.vector_load %arg9[%get3A_108] {strides = array<i32>} : memref<128xi32, #tpu.memory_space<vmem>>, vector<16xi32>,
      %shift_right_logical3A_110 = arith.constant 11 : i32
      %shift_right_logical3A_111 = vector.broadcast %shift_right_logical3A_110 : i32 to vector<16xi32>
      %shift_right_logical3A_112 = arith.shrui %get3A_109, %shift_right_logical3A_111 : vector<16xi32>
      %shift_left3A_113 = arith.constant 10 : i32
      %shift_left3A_114 = vector.broadcast %shift_left3A_113 : i32 to vector<16xi32>
      %shift_left3A_115 = arith.shli %shift_right_logical3A_112, %shift_left3A_114 : vector<16xi32>
      %and3A_116 = arith.constant 1023 : i32
      %and3A_117 = vector.broadcast %and3A_116 : i32 to vector<16xi32>
      %and3A_118 = arith.andi %get3A_109, %and3A_117 : vector<16xi32>
      %add3A_119 = arith.addi %shift_left3A_115, %and3A_118 : vector<16xi32>
      %swap3A_120 = arith.constant 48 : index
      %swap3A_121 = tpu.vector_load %arg12[%swap3A_120] {strides = array<i32>} : memref<128xi32, #tpu.memory_space<vmem>>, vector<16xi32>,
      tpu.vector_store %arg12[%swap3A_120], %add3A_119 {strides = array<i32>} : memref<128xi32, #tpu.memory_space<vmem>>, vector<16xi32>,
      %get3A_122 = arith.constant 64 : index
      %get3A_123 = tpu.vector_load %arg8[%get3A_122] {strides = array<i32>} : memref<128xi32, #tpu.memory_space<vmem>>, vector<16xi32>,
      %shift_right_logical3A_124 = arith.constant 11 : i32
      %shift_right_logical3A_125 = vector.broadcast %shift_right_logical3A_124 : i32 to vector<16xi32>
      %shift_right_logical3A_126 = arith.shrui %get3A_123, %shift_right_logical3A_125 : vector<16xi32>
      %shift_left3A_127 = arith.constant 10 : i32
      %shift_left3A_128 = vector.broadcast %shift_left3A_127 : i32 to vector<16xi32>
      %shift_left3A_129 = arith.shli %shift_right_logical3A_126, %shift_left3A_128 : vector<16xi32>
      %and3A_130 = arith.constant 1023 : i32
      %and3A_131 = vector.broadcast %and3A_130 : i32 to vector<16xi32>
      %and3A_132 = arith.andi %get3A_123, %and3A_131 : vector<16xi32>
      %add3A_133 = arith.addi %shift_left3A_129, %and3A_132 : vector<16xi32>
      %swap3A_134 = arith.constant 64 : index
      %swap3A_135 = tpu.vector_load %arg11[%swap3A_134] {strides = array<i32>} : memref<128xi32, #tpu.memory_space<vmem>>, vector<16xi32>,
      tpu.vector_store %arg11[%swap3A_134], %add3A_133 {strides = array<i32>} : memref<128xi32, #tpu.memory_space<vmem>>, vector<16xi32>,
      %get3A_136 = arith.constant 64 : index
      %get3A_137 = tpu.vector_load %arg9[%get3A_136] {strides = array<i32>} : memref<128xi32, #tpu.memory_space<vmem>>, vector<16xi32>,
      %shift_right_logical3A_138 = arith.constant 11 : i32
      %shift_right_logical3A_139 = vector.broadcast %shift_right_logical3A_138 : i32 to vector<16xi32>
      %shift_right_logical3A_140 = arith.shrui %get3A_137, %shift_right_logical3A_139 : vector<16xi32>
      %shift_left3A_141 = arith.constant 10 : i32
      %shift_left3A_142 = vector.broadcast %shift_left3A_141 : i32 to vector<16xi32>
      %shift_left3A_143 = arith.shli %shift_right_logical3A_140, %shift_left3A_142 : vector<16xi32>
      %and3A_144 = arith.constant 1023 : i32
      %and3A_145 = vector.broadcast %and3A_144 : i32 to vector<16xi32>
      %and3A_146 = arith.andi %get3A_137, %and3A_145 : vector<16xi32>
      %add3A_147 = arith.addi %shift_left3A_143, %and3A_146 : vector<16xi32>
      %swap3A_148 = arith.constant 64 : index
      %swap3A_149 = tpu.vector_load %arg12[%swap3A_148] {strides = array<i32>} : memref<128xi32, #tpu.memory_space<vmem>>, vector<16xi32>,
      tpu.vector_store %arg12[%swap3A_148], %add3A_147 {strides = array<i32>} : memref<128xi32, #tpu.memory_space<vmem>>, vector<16xi32>,
      %get3A_150 = arith.constant 80 : index
      %get3A_151 = tpu.vector_load %arg8[%get3A_150] {strides = array<i32>} : memref<128xi32, #tpu.memory_space<vmem>>, vector<16xi32>,
      %shift_right_logical3A_152 = arith.constant 11 : i32
      %shift_right_logical3A_153 = vector.broadcast %shift_right_logical3A_152 : i32 to vector<16xi32>
      %shift_right_logical3A_154 = arith.shrui %get3A_151, %shift_right_logical3A_153 : vector<16xi32>
      %shift_left3A_155 = arith.constant 10 : i32
      %shift_left3A_156 = vector.broadcast %shift_left3A_155 : i32 to vector<16xi32>
      %shift_left3A_157 = arith.shli %shift_right_logical3A_154, %shift_left3A_156 : vector<16xi32>
      %and3A_158 = arith.constant 1023 : i32
      %and3A_159 = vector.broadcast %and3A_158 : i32 to vector<16xi32>
      %and3A_160 = arith.andi %get3A_151, %and3A_159 : vector<16xi32>
      %add3A_161 = arith.addi %shift_left3A_157, %and3A_160 : vector<16xi32>
      %swap3A_162 = arith.constant 80 : index
      %swap3A_163 = tpu.vector_load %arg11[%swap3A_162] {strides = array<i32>} : memref<128xi32, #tpu.memory_space<vmem>>, vector<16xi32>,
      tpu.vector_store %arg11[%swap3A_162], %add3A_161 {strides = array<i32>} : memref<128xi32, #tpu.memory_space<vmem>>, vector<16xi32>,
      %get3A_164 = arith.constant 80 : index
      %get3A_165 = tpu.vector_load %arg9[%get3A_164] {strides = array<i32>} : memref<128xi32, #tpu.memory_space<vmem>>, vector<16xi32>,
      %shift_right_logical3A_166 = arith.constant 11 : i32
      %shift_right_logical3A_167 = vector.broadcast %shift_right_logical3A_166 : i32 to vector<16xi32>
      %shift_right_logical3A_168 = arith.shrui %get3A_165, %shift_right_logical3A_167 : vector<16xi32>
      %shift_left3A_169 = arith.constant 10 : i32
      %shift_left3A_170 = vector.broadcast %shift_left3A_169 : i32 to vector<16xi32>
      %shift_left3A_171 = arith.shli %shift_right_logical3A_168, %shift_left3A_170 : vector<16xi32>
      %and3A_172 = arith.constant 1023 : i32
      %and3A_173 = vector.broadcast %and3A_172 : i32 to vector<16xi32>
      %and3A_174 = arith.andi %get3A_165, %and3A_173 : vector<16xi32>
      %add3A_175 = arith.addi %shift_left3A_171, %and3A_174 : vector<16xi32>
      %swap3A_176 = arith.constant 80 : index
      %swap3A_177 = tpu.vector_load %arg12[%swap3A_176] {strides = array<i32>} : memref<128xi32, #tpu.memory_space<vmem>>, vector<16xi32>,
      tpu.vector_store %arg12[%swap3A_176], %add3A_175 {strides = array<i32>} : memref<128xi32, #tpu.memory_space<vmem>>, vector<16xi32>,
      %get3A_178 = arith.constant 96 : index
      %get3A_179 = tpu.vector_load %arg8[%get3A_178] {strides = array<i32>} : memref<128xi32, #tpu.memory_space<vmem>>, vector<16xi32>,
      %shift_right_logical3A_180 = arith.constant 11 : i32
      %shift_right_logical3A_181 = vector.broadcast %shift_right_logical3A_180 : i32 to vector<16xi32>
      %shift_right_logical3A_182 = arith.shrui %get3A_179, %shift_right_logical3A_181 : vector<16xi32>
      %shift_left3A_183 = arith.constant 10 : i32
      %shift_left3A_184 = vector.broadcast %shift_left3A_183 : i32 to vector<16xi32>
      %shift_left3A_185 = arith.shli %shift_right_logical3A_182, %shift_left3A_184 : vector<16xi32>
      %and3A_186 = arith.constant 1023 : i32
      %and3A_187 = vector.broadcast %and3A_186 : i32 to vector<16xi32>
      %and3A_188 = arith.andi %get3A_179, %and3A_187 : vector<16xi32>
      %add3A_189 = arith.addi %shift_left3A_185, %and3A_188 : vector<16xi32>
      %swap3A_190 = arith.constant 96 : index
      %swap3A_191 = tpu.vector_load %arg11[%swap3A_190] {strides = array<i32>} : memref<128xi32, #tpu.memory_space<vmem>>, vector<16xi32>,
      tpu.vector_store %arg11[%swap3A_190], %add3A_189 {strides = array<i32>} : memref<128xi32, #tpu.memory_space<vmem>>, vector<16xi32>,
      %get3A_192 = arith.constant 96 : index
      %get3A_193 = tpu.vector_load %arg9[%get3A_192] {strides = array<i32>} : memref<128xi32, #tpu.memory_space<vmem>>, vector<16xi32>,
      %shift_right_logical3A_194 = arith.constant 11 : i32
      %shift_right_logical3A_195 = vector.broadcast %shift_right_logical3A_194 : i32 to vector<16xi32>
      %shift_right_logical3A_196 = arith.shrui %get3A_193, %shift_right_logical3A_195 : vector<16xi32>
      %shift_left3A_197 = arith.constant 10 : i32
      %shift_left3A_198 = vector.broadcast %shift_left3A_197 : i32 to vector<16xi32>
      %shift_left3A_199 = arith.shli %shift_right_logical3A_196, %shift_left3A_198 : vector<16xi32>
      %and3A_200 = arith.constant 1023 : i32
      %and3A_201 = vector.broadcast %and3A_200 : i32 to vector<16xi32>
      %and3A_202 = arith.andi %get3A_193, %and3A_201 : vector<16xi32>
      %add3A_203 = arith.addi %shift_left3A_199, %and3A_202 : vector<16xi32>
      %swap3A_204 = arith.constant 96 : index
      %swap3A_205 = tpu.vector_load %arg12[%swap3A_204] {strides = array<i32>} : memref<128xi32, #tpu.memory_space<vmem>>, vector<16xi32>,
      tpu.vector_store %arg12[%swap3A_204], %add3A_203 {strides = array<i32>} : memref<128xi32, #tpu.memory_space<vmem>>, vector<16xi32>,
      %get3A_206 = arith.constant 112 : index
      %get3A_207 = tpu.vector_load %arg8[%get3A_206] {strides = array<i32>} : memref<128xi32, #tpu.memory_space<vmem>>, vector<16xi32>,
      %shift_right_logical3A_208 = arith.constant 11 : i32
      %shift_right_logical3A_209 = vector.broadcast %shift_right_logical3A_208 : i32 to vector<16xi32>
      %shift_right_logical3A_210 = arith.shrui %get3A_207, %shift_right_logical3A_209 : vector<16xi32>
      %shift_left3A_211 = arith.constant 10 : i32
      %shift_left3A_212 = vector.broadcast %shift_left3A_211 : i32 to vector<16xi32>
      %shift_left3A_213 = arith.shli %shift_right_logical3A_210, %shift_left3A_212 : vector<16xi32>
      %and3A_214 = arith.constant 1023 : i32
      %and3A_215 = vector.broadcast %and3A_214 : i32 to vector<16xi32>
      %and3A_216 = arith.andi %get3A_207, %and3A_215 : vector<16xi32>
      %add3A_217 = arith.addi %shift_left3A_213, %and3A_216 : vector<16xi32>
      %swap3A_218 = arith.constant 112 : index
      %swap3A_219 = tpu.vector_load %arg11[%swap3A_218] {strides = array<i32>} : memref<128xi32, #tpu.memory_space<vmem>>, vector<16xi32>,
      tpu.vector_store %arg11[%swap3A_218], %add3A_217 {strides = array<i32>} : memref<128xi32, #tpu.memory_space<vmem>>, vector<16xi32>,
      %get3A_220 = arith.constant 112 : index
      %get3A_221 = tpu.vector_load %arg9[%get3A_220] {strides = array<i32>} : memref<128xi32, #tpu.memory_space<vmem>>, vector<16xi32>,
      %shift_right_logical3A_222 = arith.constant 11 : i32
      %shift_right_logical3A_223 = vector.broadcast %shift_right_logical3A_222 : i32 to vector<16xi32>
      %shift_right_logical3A_224 = arith.shrui %get3A_221, %shift_right_logical3A_223 : vector<16xi32>
      %shift_left3A_225 = arith.constant 10 : i32
      %shift_left3A_226 = vector.broadcast %shift_left3A_225 : i32 to vector<16xi32>
      %shift_left3A_227 = arith.shli %shift_right_logical3A_224, %shift_left3A_226 : vector<16xi32>
      %and3A_228 = arith.constant 1023 : i32
      %and3A_229 = vector.broadcast %and3A_228 : i32 to vector<16xi32>
      %and3A_230 = arith.andi %get3A_221, %and3A_229 : vector<16xi32>
      %add3A_231 = arith.addi %shift_left3A_227, %and3A_230 : vector<16xi32>
      %swap3A_232 = arith.constant 112 : index
      %swap3A_233 = tpu.vector_load %arg12[%swap3A_232] {strides = array<i32>} : memref<128xi32, #tpu.memory_space<vmem>>, vector<16xi32>,
      tpu.vector_store %arg12[%swap3A_232], %add3A_231 {strides = array<i32>} : memref<128xi32, #tpu.memory_space<vmem>>, vector<16xi32>,
      %get3A_234 = arith.constant 0 : index
      %get3A_235 = tpu.vector_load %arg10[%get3A_234] {strides = array<i32>} : memref<640xi32, #tpu.memory_space<vmem>>, vector<16xi32>,
      %shift_right_logical3A_236 = arith.constant 11 : i32
      %shift_right_logical3A_237 = vector.broadcast %shift_right_logical3A_236 : i32 to vector<16xi32>
      %shift_right_logical3A_238 = arith.shrui %get3A_235, %shift_right_logical3A_237 : vector<16xi32>
      %shift_left3A_239 = arith.constant 10 : i32
      %shift_left3A_240 = vector.broadcast %shift_left3A_239 : i32 to vector<16xi32>
      %shift_left3A_241 = arith.shli %shift_right_logical3A_238, %shift_left3A_240 : vector<16xi32>
      %and3A_242 = arith.constant 1023 : i32
      %and3A_243 = vector.broadcast %and3A_242 : i32 to vector<16xi32>
      %and3A_244 = arith.andi %get3A_235, %and3A_243 : vector<16xi32>
      %add3A_245 = arith.addi %shift_left3A_241, %and3A_244 : vector<16xi32>
      %swap3A_246 = arith.constant 0 : index
      %swap3A_247 = tpu.vector_load %arg13[%swap3A_246] {strides = array<i32>} : memref<640xi32, #tpu.memory_space<vmem>>, vector<16xi32>,
      tpu.vector_store %arg13[%swap3A_246], %add3A_245 {strides = array<i32>} : memref<640xi32, #tpu.memory_space<vmem>>, vector<16xi32>,
      %get3A_248 = arith.constant 16 : index
      %get3A_249 = tpu.vector_load %arg10[%get3A_248] {strides = array<i32>} : memref<640xi32, #tpu.memory_space<vmem>>, vector<16xi32>,
      %shift_right_logical3A_250 = arith.constant 11 : i32
      %shift_right_logical3A_251 = vector.broadcast %shift_right_logical3A_250 : i32 to vector<16xi32>
      %shift_right_logical3A_252 = arith.shrui %get3A_249, %shift_right_logical3A_251 : vector<16xi32>
      %shift_left3A_253 = arith.constant 10 : i32
      %shift_left3A_254 = vector.broadcast %shift_left3A_253 : i32 to vector<16xi32>
      %shift_left3A_255 = arith.shli %shift_right_logical3A_252, %shift_left3A_254 : vector<16xi32>
      %and3A_256 = arith.constant 1023 : i32
      %and3A_257 = vector.broadcast %and3A_256 : i32 to vector<16xi32>
      %and3A_258 = arith.andi %get3A_249, %and3A_257 : vector<16xi32>
      %add3A_259 = arith.addi %shift_left3A_255, %and3A_258 : vector<16xi32>
      %swap3A_260 = arith.constant 16 : index
      %swap3A_261 = tpu.vector_load %arg13[%swap3A_260] {strides = array<i32>} : memref<640xi32, #tpu.memory_space<vmem>>, vector<16xi32>,
      tpu.vector_store %arg13[%swap3A_260], %add3A_259 {strides = array<i32>} : memref<640xi32, #tpu.memory_space<vmem>>, vector<16xi32>,
      %get3A_262 = arith.constant 32 : index
      %get3A_263 = tpu.vector_load %arg10[%get3A_262] {strides = array<i32>} : memref<640xi32, #tpu.memory_space<vmem>>, vector<16xi32>,
      %shift_right_logical3A_264 = arith.constant 11 : i32
      %shift_right_logical3A_265 = vector.broadcast %shift_right_logical3A_264 : i32 to vector<16xi32>
      %shift_right_logical3A_266 = arith.shrui %get3A_263, %shift_right_logical3A_265 : vector<16xi32>
      %shift_left3A_267 = arith.constant 10 : i32
      %shift_left3A_268 = vector.broadcast %shift_left3A_267 : i32 to vector<16xi32>
      %shift_left3A_269 = arith.shli %shift_right_logical3A_266, %shift_left3A_268 : vector<16xi32>
      %and3A_270 = arith.constant 1023 : i32
      %and3A_271 = vector.broadcast %and3A_270 : i32 to vector<16xi32>
      %and3A_272 = arith.andi %get3A_263, %and3A_271 : vector<16xi32>
      %add3A_273 = arith.addi %shift_left3A_269, %and3A_272 : vector<16xi32>
      %swap3A_274 = arith.constant 32 : index
      %swap3A_275 = tpu.vector_load %arg13[%swap3A_274] {strides = array<i32>} : memref<640xi32, #tpu.memory_space<vmem>>, vector<16xi32>,
      tpu.vector_store %arg13[%swap3A_274], %add3A_273 {strides = array<i32>} : memref<640xi32, #tpu.memory_space<vmem>>, vector<16xi32>,
      %get3A_276 = arith.constant 48 : index
      %get3A_277 = tpu.vector_load %arg10[%get3A_276] {strides = array<i32>} : memref<640xi32, #tpu.memory_space<vmem>>, vector<16xi32>,
      %shift_right_logical3A_278 = arith.constant 11 : i32
      %shift_right_logical3A_279 = vector.broadcast %shift_right_logical3A_278 : i32 to vector<16xi32>
      %shift_right_logical3A_280 = arith.shrui %get3A_277, %shift_right_logical3A_279 : vector<16xi32>
      %shift_left3A_281 = arith.constant 10 : i32
      %shift_left3A_282 = vector.broadcast %shift_left3A_281 : i32 to vector<16xi32>
      %shift_left3A_283 = arith.shli %shift_right_logical3A_280, %shift_left3A_282 : vector<16xi32>
      %and3A_284 = arith.constant 1023 : i32
      %and3A_285 = vector.broadcast %and3A_284 : i32 to vector<16xi32>
      %and3A_286 = arith.andi %get3A_277, %and3A_285 : vector<16xi32>
      %add3A_287 = arith.addi %shift_left3A_283, %and3A_286 : vector<16xi32>
      %swap3A_288 = arith.constant 48 : index
      %swap3A_289 = tpu.vector_load %arg13[%swap3A_288] {strides = array<i32>} : memref<640xi32, #tpu.memory_space<vmem>>, vector<16xi32>,
      tpu.vector_store %arg13[%swap3A_288], %add3A_287 {strides = array<i32>} : memref<640xi32, #tpu.memory_space<vmem>>, vector<16xi32>,
      %get3A_290 = arith.constant 64 : index
      %get3A_291 = tpu.vector_load %arg10[%get3A_290] {strides = array<i32>} : memref<640xi32, #tpu.memory_space<vmem>>, vector<16xi32>,
      %shift_right_logical3A_292 = arith.constant 11 : i32
      %shift_right_logical3A_293 = vector.broadcast %shift_right_logical3A_292 : i32 to vector<16xi32>
      %shift_right_logical3A_294 = arith.shrui %get3A_291, %shift_right_logical3A_293 : vector<16xi32>
      %shift_left3A_295 = arith.constant 10 : i32
      %shift_left3A_296 = vector.broadcast %shift_left3A_295 : i32 to vector<16xi32>
      %shift_left3A_297 = arith.shli %shift_right_logical3A_294, %shift_left3A_296 : vector<16xi32>
      %and3A_298 = arith.constant 1023 : i32
      %and3A_299 = vector.broadcast %and3A_298 : i32 to vector<16xi32>
      %and3A_300 = arith.andi %get3A_291, %and3A_299 : vector<16xi32>
      %add3A_301 = arith.addi %shift_left3A_297, %and3A_300 : vector<16xi32>
      %swap3A_302 = arith.constant 64 : index
      %swap3A_303 = tpu.vector_load %arg13[%swap3A_302] {strides = array<i32>} : memref<640xi32, #tpu.memory_space<vmem>>, vector<16xi32>,
      tpu.vector_store %arg13[%swap3A_302], %add3A_301 {strides = array<i32>} : memref<640xi32, #tpu.memory_space<vmem>>, vector<16xi32>,
      %get3A_304 = arith.constant 80 : index
      %get3A_305 = tpu.vector_load %arg10[%get3A_304] {strides = array<i32>} : memref<640xi32, #tpu.memory_space<vmem>>, vector<16xi32>,
      %shift_right_logical3A_306 = arith.constant 11 : i32
      %shift_right_logical3A_307 = vector.broadcast %shift_right_logical3A_306 : i32 to vector<16xi32>
      %shift_right_logical3A_308 = arith.shrui %get3A_305, %shift_right_logical3A_307 : vector<16xi32>
      %shift_left3A_309 = arith.constant 10 : i32
      %shift_left3A_310 = vector.broadcast %shift_left3A_309 : i32 to vector<16xi32>
      %shift_left3A_311 = arith.shli %shift_right_logical3A_308, %shift_left3A_310 : vector<16xi32>
      %and3A_312 = arith.constant 1023 : i32
      %and3A_313 = vector.broadcast %and3A_312 : i32 to vector<16xi32>
      %and3A_314 = arith.andi %get3A_305, %and3A_313 : vector<16xi32>
      %add3A_315 = arith.addi %shift_left3A_311, %and3A_314 : vector<16xi32>
      %swap3A_316 = arith.constant 80 : index
      %swap3A_317 = tpu.vector_load %arg13[%swap3A_316] {strides = array<i32>} : memref<640xi32, #tpu.memory_space<vmem>>, vector<16xi32>,
      tpu.vector_store %arg13[%swap3A_316], %add3A_315 {strides = array<i32>} : memref<640xi32, #tpu.memory_space<vmem>>, vector<16xi32>,
      %get3A_318 = arith.constant 96 : index
      %get3A_319 = tpu.vector_load %arg10[%get3A_318] {strides = array<i32>} : memref<640xi32, #tpu.memory_space<vmem>>, vector<16xi32>,
      %shift_right_logical3A_320 = arith.constant 11 : i32
      %shift_right_logical3A_321 = vector.broadcast %shift_right_logical3A_320 : i32 to vector<16xi32>
      %shift_right_logical3A_322 = arith.shrui %get3A_319, %shift_right_logical3A_321 : vector<16xi32>
      %shift_left3A_323 = arith.constant 10 : i32
      %shift_left3A_324 = vector.broadcast %shift_left3A_323 : i32 to vector<16xi32>
      %shift_left3A_325 = arith.shli %shift_right_logical3A_322, %shift_left3A_324 : vector<16xi32>
      %and3A_326 = arith.constant 1023 : i32
      %and3A_327 = vector.broadcast %and3A_326 : i32 to vector<16xi32>
      %and3A_328 = arith.andi %get3A_319, %and3A_327 : vector<16xi32>
      %add3A_329 = arith.addi %shift_left3A_325, %and3A_328 : vector<16xi32>
      %swap3A_330 = arith.constant 96 : index
      %swap3A_331 = tpu.vector_load %arg13[%swap3A_330] {strides = array<i32>} : memref<640xi32, #tpu.memory_space<vmem>>, vector<16xi32>,
      tpu.vector_store %arg13[%swap3A_330], %add3A_329 {strides = array<i32>} : memref<640xi32, #tpu.memory_space<vmem>>, vector<16xi32>,
      %get3A_332 = arith.constant 112 : index
      %get3A_333 = tpu.vector_load %arg10[%get3A_332] {strides = array<i32>} : memref<640xi32, #tpu.memory_space<vmem>>, vector<16xi32>,
      %shift_right_logical3A_334 = arith.constant 11 : i32
      %shift_right_logical3A_335 = vector.broadcast %shift_right_logical3A_334 : i32 to vector<16xi32>
      %shift_right_logical3A_336 = arith.shrui %get3A_333, %shift_right_logical3A_335 : vector<16xi32>
      %shift_left3A_337 = arith.constant 10 : i32
      %shift_left3A_338 = vector.broadcast %shift_left3A_337 : i32 to vector<16xi32>
      %shift_left3A_339 = arith.shli %shift_right_logical3A_336, %shift_left3A_338 : vector<16xi32>
      %and3A_340 = arith.constant 1023 : i32
      %and3A_341 = vector.broadcast %and3A_340 : i32 to vector<16xi32>
      %and3A_342 = arith.andi %get3A_333, %and3A_341 : vector<16xi32>
      %add3A_343 = arith.addi %shift_left3A_339, %and3A_342 : vector<16xi32>
      %swap3A_344 = arith.constant 112 : index
      %swap3A_345 = tpu.vector_load %arg13[%swap3A_344] {strides = array<i32>} : memref<640xi32, #tpu.memory_space<vmem>>, vector<16xi32>,
      tpu.vector_store %arg13[%swap3A_344], %add3A_343 {strides = array<i32>} : memref<640xi32, #tpu.memory_space<vmem>>, vector<16xi32>,
      %get3A_346 = arith.constant 128 : index
      %get3A_347 = tpu.vector_load %arg10[%get3A_346] {strides = array<i32>} : memref<640xi32, #tpu.memory_space<vmem>>, vector<16xi32>,
      %shift_right_logical3A_348 = arith.constant 11 : i32
      %shift_right_logical3A_349 = vector.broadcast %shift_right_logical3A_348 : i32 to vector<16xi32>
      %shift_right_logical3A_350 = arith.shrui %get3A_347, %shift_right_logical3A_349 : vector<16xi32>
      %shift_left3A_351 = arith.constant 10 : i32
      %shift_left3A_352 = vector.broadcast %shift_left3A_351 : i32 to vector<16xi32>
      %shift_left3A_353 = arith.shli %shift_right_logical3A_350, %shift_left3A_352 : vector<16xi32>
      %and3A_354 = arith.constant 1023 : i32
      %and3A_355 = vector.broadcast %and3A_354 : i32 to vector<16xi32>
      %and3A_356 = arith.andi %get3A_347, %and3A_355 : vector<16xi32>
      %add3A_357 = arith.addi %shift_left3A_353, %and3A_356 : vector<16xi32>
      %swap3A_358 = arith.constant 128 : index
      %swap3A_359 = tpu.vector_load %arg13[%swap3A_358] {strides = array<i32>} : memref<640xi32, #tpu.memory_space<vmem>>, vector<16xi32>,
      tpu.vector_store %arg13[%swap3A_358], %add3A_357 {strides = array<i32>} : memref<640xi32, #tpu.memory_space<vmem>>, vector<16xi32>,
      %get3A_360 = arith.constant 144 : index
      %get3A_361 = tpu.vector_load %arg10[%get3A_360] {strides = array<i32>} : memref<640xi32, #tpu.memory_space<vmem>>, vector<16xi32>,
      %shift_right_logical3A_362 = arith.constant 11 : i32
      %shift_right_logical3A_363 = vector.broadcast %shift_right_logical3A_362 : i32 to vector<16xi32>
      %shift_right_logical3A_364 = arith.shrui %get3A_361, %shift_right_logical3A_363 : vector<16xi32>
      %shift_left3A_365 = arith.constant 10 : i32
      %shift_left3A_366 = vector.broadcast %shift_left3A_365 : i32 to vector<16xi32>
      %shift_left3A_367 = arith.shli %shift_right_logical3A_364, %shift_left3A_366 : vector<16xi32>
      %and3A_368 = arith.constant 1023 : i32
      %and3A_369 = vector.broadcast %and3A_368 : i32 to vector<16xi32>
      %and3A_370 = arith.andi %get3A_361, %and3A_369 : vector<16xi32>
      %add3A_371 = arith.addi %shift_left3A_367, %and3A_370 : vector<16xi32>
      %swap3A_372 = arith.constant 144 : index
      %swap3A_373 = tpu.vector_load %arg13[%swap3A_372] {strides = array<i32>} : memref<640xi32, #tpu.memory_space<vmem>>, vector<16xi32>,
      tpu.vector_store %arg13[%swap3A_372], %add3A_371 {strides = array<i32>} : memref<640xi32, #tpu.memory_space<vmem>>, vector<16xi32>,
      %get3A_374 = arith.constant 160 : index
      %get3A_375 = tpu.vector_load %arg10[%get3A_374] {strides = array<i32>} : memref<640xi32, #tpu.memory_space<vmem>>, vector<16xi32>,
      %shift_right_logical3A_376 = arith.constant 11 : i32
      %shift_right_logical3A_377 = vector.broadcast %shift_right_logical3A_376 : i32 to vector<16xi32>
      %shift_right_logical3A_378 = arith.shrui %get3A_375, %shift_right_logical3A_377 : vector<16xi32>
      %shift_left3A_379 = arith.constant 10 : i32
      %shift_left3A_380 = vector.broadcast %shift_left3A_379 : i32 to vector<16xi32>
      %shift_left3A_381 = arith.shli %shift_right_logical3A_378, %shift_left3A_380 : vector<16xi32>
      %and3A_382 = arith.constant 1023 : i32
      %and3A_383 = vector.broadcast %and3A_382 : i32 to vector<16xi32>
      %and3A_384 = arith.andi %get3A_375, %and3A_383 : vector<16xi32>
      %add3A_385 = arith.addi %shift_left3A_381, %and3A_384 : vector<16xi32>
      %swap3A_386 = arith.constant 160 : index
      %swap3A_387 = tpu.vector_load %arg13[%swap3A_386] {strides = array<i32>} : memref<640xi32, #tpu.memory_space<vmem>>, vector<16xi32>,
      tpu.vector_store %arg13[%swap3A_386], %add3A_385 {strides = array<i32>} : memref<640xi32, #tpu.memory_space<vmem>>, vector<16xi32>,
      %get3A_388 = arith.constant 176 : index
      %get3A_389 = tpu.vector_load %arg10[%get3A_388] {strides = array<i32>} : memref<640xi32, #tpu.memory_space<vmem>>, vector<16xi32>,
      %shift_right_logical3A_390 = arith.constant 11 : i32
      %shift_right_logical3A_391 = vector.broadcast %shift_right_logical3A_390 : i32 to vector<16xi32>
      %shift_right_logical3A_392 = arith.shrui %get3A_389, %shift_right_logical3A_391 : vector<16xi32>
      %shift_left3A_393 = arith.constant 10 : i32
      %shift_left3A_394 = vector.broadcast %shift_left3A_393 : i32 to vector<16xi32>
      %shift_left3A_395 = arith.shli %shift_right_logical3A_392, %shift_left3A_394 : vector<16xi32>
      %and3A_396 = arith.constant 1023 : i32
      %and3A_397 = vector.broadcast %and3A_396 : i32 to vector<16xi32>
      %and3A_398 = arith.andi %get3A_389, %and3A_397 : vector<16xi32>
      %add3A_399 = arith.addi %shift_left3A_395, %and3A_398 : vector<16xi32>
      %swap3A_400 = arith.constant 176 : index
      %swap3A_401 = tpu.vector_load %arg13[%swap3A_400] {strides = array<i32>} : memref<640xi32, #tpu.memory_space<vmem>>, vector<16xi32>,
      tpu.vector_store %arg13[%swap3A_400], %add3A_399 {strides = array<i32>} : memref<640xi32, #tpu.memory_space<vmem>>, vector<16xi32>,
      %get3A_402 = arith.constant 192 : index
      %get3A_403 = tpu.vector_load %arg10[%get3A_402] {strides = array<i32>} : memref<640xi32, #tpu.memory_space<vmem>>, vector<16xi32>,
      %shift_right_logical3A_404 = arith.constant 11 : i32
      %shift_right_logical3A_405 = vector.broadcast %shift_right_logical3A_404 : i32 to vector<16xi32>
      %shift_right_logical3A_406 = arith.shrui %get3A_403, %shift_right_logical3A_405 : vector<16xi32>
      %shift_left3A_407 = arith.constant 10 : i32
      %shift_left3A_408 = vector.broadcast %shift_left3A_407 : i32 to vector<16xi32>
      %shift_left3A_409 = arith.shli %shift_right_logical3A_406, %shift_left3A_408 : vector<16xi32>
      %and3A_410 = arith.constant 1023 : i32
      %and3A_411 = vector.broadcast %and3A_410 : i32 to vector<16xi32>
      %and3A_412 = arith.andi %get3A_403, %and3A_411 : vector<16xi32>
      %add3A_413 = arith.addi %shift_left3A_409, %and3A_412 : vector<16xi32>
      %swap3A_414 = arith.constant 192 : index
      %swap3A_415 = tpu.vector_load %arg13[%swap3A_414] {strides = array<i32>} : memref<640xi32, #tpu.memory_space<vmem>>, vector<16xi32>,
      tpu.vector_store %arg13[%swap3A_414], %add3A_413 {strides = array<i32>} : memref<640xi32, #tpu.memory_space<vmem>>, vector<16xi32>,
      %get3A_416 = arith.constant 208 : index
      %get3A_417 = tpu.vector_load %arg10[%get3A_416] {strides = array<i32>} : memref<640xi32, #tpu.memory_space<vmem>>, vector<16xi32>,
      %shift_right_logical3A_418 = arith.constant 11 : i32
      %shift_right_logical3A_419 = vector.broadcast %shift_right_logical3A_418 : i32 to vector<16xi32>
      %shift_right_logical3A_420 = arith.shrui %get3A_417, %shift_right_logical3A_419 : vector<16xi32>
      %shift_left3A_421 = arith.constant 10 : i32
      %shift_left3A_422 = vector.broadcast %shift_left3A_421 : i32 to vector<16xi32>
      %shift_left3A_423 = arith.shli %shift_right_logical3A_420, %shift_left3A_422 : vector<16xi32>
      %and3A_424 = arith.constant 1023 : i32
      %and3A_425 = vector.broadcast %and3A_424 : i32 to vector<16xi32>
      %and3A_426 = arith.andi %get3A_417, %and3A_425 : vector<16xi32>
      %add3A_427 = arith.addi %shift_left3A_423, %and3A_426 : vector<16xi32>
      %swap3A_428 = arith.constant 208 : index
      %swap3A_429 = tpu.vector_load %arg13[%swap3A_428] {strides = array<i32>} : memref<640xi32, #tpu.memory_space<vmem>>, vector<16xi32>,
      tpu.vector_store %arg13[%swap3A_428], %add3A_427 {strides = array<i32>} : memref<640xi32, #tpu.memory_space<vmem>>, vector<16xi32>,
      %get3A_430 = arith.constant 224 : index
      %get3A_431 = tpu.vector_load %arg10[%get3A_430] {strides = array<i32>} : memref<640xi32, #tpu.memory_space<vmem>>, vector<16xi32>,
      %shift_right_logical3A_432 = arith.constant 11 : i32
      %shift_right_logical3A_433 = vector.broadcast %shift_right_logical3A_432 : i32 to vector<16xi32>
      %shift_right_logical3A_434 = arith.shrui %get3A_431, %shift_right_logical3A_433 : vector<16xi32>
      %shift_left3A_435 = arith.constant 10 : i32
      %shift_left3A_436 = vector.broadcast %shift_left3A_435 : i32 to vector<16xi32>
      %shift_left3A_437 = arith.shli %shift_right_logical3A_434, %shift_left3A_436 : vector<16xi32>
      %and3A_438 = arith.constant 1023 : i32
      %and3A_439 = vector.broadcast %and3A_438 : i32 to vector<16xi32>
      %and3A_440 = arith.andi %get3A_431, %and3A_439 : vector<16xi32>
      %add3A_441 = arith.addi %shift_left3A_437, %and3A_440 : vector<16xi32>
      %swap3A_442 = arith.constant 224 : index
      %swap3A_443 = tpu.vector_load %arg13[%swap3A_442] {strides = array<i32>} : memref<640xi32, #tpu.memory_space<vmem>>, vector<16xi32>,
      tpu.vector_store %arg13[%swap3A_442], %add3A_441 {strides = array<i32>} : memref<640xi32, #tpu.memory_space<vmem>>, vector<16xi32>,
      %get3A_444 = arith.constant 240 : index
      %get3A_445 = tpu.vector_load %arg10[%get3A_444] {strides = array<i32>} : memref<640xi32, #tpu.memory_space<vmem>>, vector<16xi32>,
      %shift_right_logical3A_446 = arith.constant 11 : i32
      %shift_right_logical3A_447 = vector.broadcast %shift_right_logical3A_446 : i32 to vector<16xi32>
      %shift_right_logical3A_448 = arith.shrui %get3A_445, %shift_right_logical3A_447 : vector<16xi32>
      %shift_left3A_449 = arith.constant 10 : i32
      %shift_left3A_450 = vector.broadcast %shift_left3A_449 : i32 to vector<16xi32>
      %shift_left3A_451 = arith.shli %shift_right_logical3A_448, %shift_left3A_450 : vector<16xi32>
      %and3A_452 = arith.constant 1023 : i32
      %and3A_453 = vector.broadcast %and3A_452 : i32 to vector<16xi32>
      %and3A_454 = arith.andi %get3A_445, %and3A_453 : vector<16xi32>
      %add3A_455 = arith.addi %shift_left3A_451, %and3A_454 : vector<16xi32>
      %swap3A_456 = arith.constant 240 : index
      %swap3A_457 = tpu.vector_load %arg13[%swap3A_456] {strides = array<i32>} : memref<640xi32, #tpu.memory_space<vmem>>, vector<16xi32>,
      tpu.vector_store %arg13[%swap3A_456], %add3A_455 {strides = array<i32>} : memref<640xi32, #tpu.memory_space<vmem>>, vector<16xi32>,
      %get3A_458 = arith.constant 256 : index
      %get3A_459 = tpu.vector_load %arg10[%get3A_458] {strides = array<i32>} : memref<640xi32, #tpu.memory_space<vmem>>, vector<16xi32>,
      %shift_right_logical3A_460 = arith.constant 11 : i32
      %shift_right_logical3A_461 = vector.broadcast %shift_right_logical3A_460 : i32 to vector<16xi32>
      %shift_right_logical3A_462 = arith.shrui %get3A_459, %shift_right_logical3A_461 : vector<16xi32>
      %shift_left3A_463 = arith.constant 10 : i32
      %shift_left3A_464 = vector.broadcast %shift_left3A_463 : i32 to vector<16xi32>
      %shift_left3A_465 = arith.shli %shift_right_logical3A_462, %shift_left3A_464 : vector<16xi32>
      %and3A_466 = arith.constant 1023 : i32
      %and3A_467 = vector.broadcast %and3A_466 : i32 to vector<16xi32>
      %and3A_468 = arith.andi %get3A_459, %and3A_467 : vector<16xi32>
      %add3A_469 = arith.addi %shift_left3A_465, %and3A_468 : vector<16xi32>
      %swap3A_470 = arith.constant 256 : index
      %swap3A_471 = tpu.vector_load %arg13[%swap3A_470] {strides = array<i32>} : memref<640xi32, #tpu.memory_space<vmem>>, vector<16xi32>,
      tpu.vector_store %arg13[%swap3A_470], %add3A_469 {strides = array<i32>} : memref<640xi32, #tpu.memory_space<vmem>>, vector<16xi32>,
      %get3A_472 = arith.constant 272 : index
      %get3A_473 = tpu.vector_load %arg10[%get3A_472] {strides = array<i32>} : memref<640xi32, #tpu.memory_space<vmem>>, vector<16xi32>,
      %shift_right_logical3A_474 = arith.constant 11 : i32
      %shift_right_logical3A_475 = vector.broadcast %shift_right_logical3A_474 : i32 to vector<16xi32>
      %shift_right_logical3A_476 = arith.shrui %get3A_473, %shift_right_logical3A_475 : vector<16xi32>
      %shift_left3A_477 = arith.constant 10 : i32
      %shift_left3A_478 = vector.broadcast %shift_left3A_477 : i32 to vector<16xi32>
      %shift_left3A_479 = arith.shli %shift_right_logical3A_476, %shift_left3A_478 : vector<16xi32>
      %and3A_480 = arith.constant 1023 : i32
      %and3A_481 = vector.broadcast %and3A_480 : i32 to vector<16xi32>
      %and3A_482 = arith.andi %get3A_473, %and3A_481 : vector<16xi32>
      %add3A_483 = arith.addi %shift_left3A_479, %and3A_482 : vector<16xi32>
      %swap3A_484 = arith.constant 272 : index
      %swap3A_485 = tpu.vector_load %arg13[%swap3A_484] {strides = array<i32>} : memref<640xi32, #tpu.memory_space<vmem>>, vector<16xi32>,
      tpu.vector_store %arg13[%swap3A_484], %add3A_483 {strides = array<i32>} : memref<640xi32, #tpu.memory_space<vmem>>, vector<16xi32>,
      %get3A_486 = arith.constant 288 : index
      %get3A_487 = tpu.vector_load %arg10[%get3A_486] {strides = array<i32>} : memref<640xi32, #tpu.memory_space<vmem>>, vector<16xi32>,
      %shift_right_logical3A_488 = arith.constant 11 : i32
      %shift_right_logical3A_489 = vector.broadcast %shift_right_logical3A_488 : i32 to vector<16xi32>
      %shift_right_logical3A_490 = arith.shrui %get3A_487, %shift_right_logical3A_489 : vector<16xi32>
      %shift_left3A_491 = arith.constant 10 : i32
      %shift_left3A_492 = vector.broadcast %shift_left3A_491 : i32 to vector<16xi32>
      %shift_left3A_493 = arith.shli %shift_right_logical3A_490, %shift_left3A_492 : vector<16xi32>
      %and3A_494 = arith.constant 1023 : i32
      %and3A_495 = vector.broadcast %and3A_494 : i32 to vector<16xi32>
      %and3A_496 = arith.andi %get3A_487, %and3A_495 : vector<16xi32>
      %add3A_497 = arith.addi %shift_left3A_493, %and3A_496 : vector<16xi32>
      %swap3A_498 = arith.constant 288 : index
      %swap3A_499 = tpu.vector_load %arg13[%swap3A_498] {strides = array<i32>} : memref<640xi32, #tpu.memory_space<vmem>>, vector<16xi32>,
      tpu.vector_store %arg13[%swap3A_498], %add3A_497 {strides = array<i32>} : memref<640xi32, #tpu.memory_space<vmem>>, vector<16xi32>,
      %get3A_500 = arith.constant 304 : index
      %get3A_501 = tpu.vector_load %arg10[%get3A_500] {strides = array<i32>} : memref<640xi32, #tpu.memory_space<vmem>>, vector<16xi32>,
      %shift_right_logical3A_502 = arith.constant 11 : i32
      %shift_right_logical3A_503 = vector.broadcast %shift_right_logical3A_502 : i32 to vector<16xi32>
      %shift_right_logical3A_504 = arith.shrui %get3A_501, %shift_right_logical3A_503 : vector<16xi32>
      %shift_left3A_505 = arith.constant 10 : i32
      %shift_left3A_506 = vector.broadcast %shift_left3A_505 : i32 to vector<16xi32>
      %shift_left3A_507 = arith.shli %shift_right_logical3A_504, %shift_left3A_506 : vector<16xi32>
      %and3A_508 = arith.constant 1023 : i32
      %and3A_509 = vector.broadcast %and3A_508 : i32 to vector<16xi32>
      %and3A_510 = arith.andi %get3A_501, %and3A_509 : vector<16xi32>
      %add3A_511 = arith.addi %shift_left3A_507, %and3A_510 : vector<16xi32>
      %swap3A_512 = arith.constant 304 : index
      %swap3A_513 = tpu.vector_load %arg13[%swap3A_512] {strides = array<i32>} : memref<640xi32, #tpu.memory_space<vmem>>, vector<16xi32>,
      tpu.vector_store %arg13[%swap3A_512], %add3A_511 {strides = array<i32>} : memref<640xi32, #tpu.memory_space<vmem>>, vector<16xi32>,
      %get3A_514 = arith.constant 320 : index
      %get3A_515 = tpu.vector_load %arg10[%get3A_514] {strides = array<i32>} : memref<640xi32, #tpu.memory_space<vmem>>, vector<16xi32>,
      %shift_right_logical3A_516 = arith.constant 11 : i32
      %shift_right_logical3A_517 = vector.broadcast %shift_right_logical3A_516 : i32 to vector<16xi32>
      %shift_right_logical3A_518 = arith.shrui %get3A_515, %shift_right_logical3A_517 : vector<16xi32>
      %shift_left3A_519 = arith.constant 10 : i32
      %shift_left3A_520 = vector.broadcast %shift_left3A_519 : i32 to vector<16xi32>
      %shift_left3A_521 = arith.shli %shift_right_logical3A_518, %shift_left3A_520 : vector<16xi32>
      %and3A_522 = arith.constant 1023 : i32
      %and3A_523 = vector.broadcast %and3A_522 : i32 to vector<16xi32>
      %and3A_524 = arith.andi %get3A_515, %and3A_523 : vector<16xi32>
      %add3A_525 = arith.addi %shift_left3A_521, %and3A_524 : vector<16xi32>
      %swap3A_526 = arith.constant 320 : index
      %swap3A_527 = tpu.vector_load %arg13[%swap3A_526] {strides = array<i32>} : memref<640xi32, #tpu.memory_space<vmem>>, vector<16xi32>,
      tpu.vector_store %arg13[%swap3A_526], %add3A_525 {strides = array<i32>} : memref<640xi32, #tpu.memory_space<vmem>>, vector<16xi32>,
      %get3A_528 = arith.constant 336 : index
      %get3A_529 = tpu.vector_load %arg10[%get3A_528] {strides = array<i32>} : memref<640xi32, #tpu.memory_space<vmem>>, vector<16xi32>,
      %shift_right_logical3A_530 = arith.constant 11 : i32
      %shift_right_logical3A_531 = vector.broadcast %shift_right_logical3A_530 : i32 to vector<16xi32>
      %shift_right_logical3A_532 = arith.shrui %get3A_529, %shift_right_logical3A_531 : vector<16xi32>
      %shift_left3A_533 = arith.constant 10 : i32
      %shift_left3A_534 = vector.broadcast %shift_left3A_533 : i32 to vector<16xi32>
      %shift_left3A_535 = arith.shli %shift_right_logical3A_532, %shift_left3A_534 : vector<16xi32>
      %and3A_536 = arith.constant 1023 : i32
      %and3A_537 = vector.broadcast %and3A_536 : i32 to vector<16xi32>
      %and3A_538 = arith.andi %get3A_529, %and3A_537 : vector<16xi32>
      %add3A_539 = arith.addi %shift_left3A_535, %and3A_538 : vector<16xi32>
      %swap3A_540 = arith.constant 336 : index
      %swap3A_541 = tpu.vector_load %arg13[%swap3A_540] {strides = array<i32>} : memref<640xi32, #tpu.memory_space<vmem>>, vector<16xi32>,
      tpu.vector_store %arg13[%swap3A_540], %add3A_539 {strides = array<i32>} : memref<640xi32, #tpu.memory_space<vmem>>, vector<16xi32>,
      %get3A_542 = arith.constant 352 : index
      %get3A_543 = tpu.vector_load %arg10[%get3A_542] {strides = array<i32>} : memref<640xi32, #tpu.memory_space<vmem>>, vector<16xi32>,
      %shift_right_logical3A_544 = arith.constant 11 : i32
      %shift_right_logical3A_545 = vector.broadcast %shift_right_logical3A_544 : i32 to vector<16xi32>
      %shift_right_logical3A_546 = arith.shrui %get3A_543, %shift_right_logical3A_545 : vector<16xi32>
      %shift_left3A_547 = arith.constant 10 : i32
      %shift_left3A_548 = vector.broadcast %shift_left3A_547 : i32 to vector<16xi32>
      %shift_left3A_549 = arith.shli %shift_right_logical3A_546, %shift_left3A_548 : vector<16xi32>
      %and3A_550 = arith.constant 1023 : i32
      %and3A_551 = vector.broadcast %and3A_550 : i32 to vector<16xi32>
      %and3A_552 = arith.andi %get3A_543, %and3A_551 : vector<16xi32>
      %add3A_553 = arith.addi %shift_left3A_549, %and3A_552 : vector<16xi32>
      %swap3A_554 = arith.constant 352 : index
      %swap3A_555 = tpu.vector_load %arg13[%swap3A_554] {strides = array<i32>} : memref<640xi32, #tpu.memory_space<vmem>>, vector<16xi32>,
      tpu.vector_store %arg13[%swap3A_554], %add3A_553 {strides = array<i32>} : memref<640xi32, #tpu.memory_space<vmem>>, vector<16xi32>,
      %get3A_556 = arith.constant 368 : index
      %get3A_557 = tpu.vector_load %arg10[%get3A_556] {strides = array<i32>} : memref<640xi32, #tpu.memory_space<vmem>>, vector<16xi32>,
      %shift_right_logical3A_558 = arith.constant 11 : i32
      %shift_right_logical3A_559 = vector.broadcast %shift_right_logical3A_558 : i32 to vector<16xi32>
      %shift_right_logical3A_560 = arith.shrui %get3A_557, %shift_right_logical3A_559 : vector<16xi32>
      %shift_left3A_561 = arith.constant 10 : i32
      %shift_left3A_562 = vector.broadcast %shift_left3A_561 : i32 to vector<16xi32>
      %shift_left3A_563 = arith.shli %shift_right_logical3A_560, %shift_left3A_562 : vector<16xi32>
      %and3A_564 = arith.constant 1023 : i32
      %and3A_565 = vector.broadcast %and3A_564 : i32 to vector<16xi32>
      %and3A_566 = arith.andi %get3A_557, %and3A_565 : vector<16xi32>
      %add3A_567 = arith.addi %shift_left3A_563, %and3A_566 : vector<16xi32>
      %swap3A_568 = arith.constant 368 : index
      %swap3A_569 = tpu.vector_load %arg13[%swap3A_568] {strides = array<i32>} : memref<640xi32, #tpu.memory_space<vmem>>, vector<16xi32>,
      tpu.vector_store %arg13[%swap3A_568], %add3A_567 {strides = array<i32>} : memref<640xi32, #tpu.memory_space<vmem>>, vector<16xi32>,
      %get3A_570 = arith.constant 384 : index
      %get3A_571 = tpu.vector_load %arg10[%get3A_570] {strides = array<i32>} : memref<640xi32, #tpu.memory_space<vmem>>, vector<16xi32>,
      %shift_right_logical3A_572 = arith.constant 11 : i32
      %shift_right_logical3A_573 = vector.broadcast %shift_right_logical3A_572 : i32 to vector<16xi32>
      %shift_right_logical3A_574 = arith.shrui %get3A_571, %shift_right_logical3A_573 : vector<16xi32>
      %shift_left3A_575 = arith.constant 10 : i32
      %shift_left3A_576 = vector.broadcast %shift_left3A_575 : i32 to vector<16xi32>
      %shift_left3A_577 = arith.shli %shift_right_logical3A_574, %shift_left3A_576 : vector<16xi32>
      %and3A_578 = arith.constant 1023 : i32
      %and3A_579 = vector.broadcast %and3A_578 : i32 to vector<16xi32>
      %and3A_580 = arith.andi %get3A_571, %and3A_579 : vector<16xi32>
      %add3A_581 = arith.addi %shift_left3A_577, %and3A_580 : vector<16xi32>
      %swap3A_582 = arith.constant 384 : index
      %swap3A_583 = tpu.vector_load %arg13[%swap3A_582] {strides = array<i32>} : memref<640xi32, #tpu.memory_space<vmem>>, vector<16xi32>,
      tpu.vector_store %arg13[%swap3A_582], %add3A_581 {strides = array<i32>} : memref<640xi32, #tpu.memory_space<vmem>>, vector<16xi32>,
      %get3A_584 = arith.constant 400 : index
      %get3A_585 = tpu.vector_load %arg10[%get3A_584] {strides = array<i32>} : memref<640xi32, #tpu.memory_space<vmem>>, vector<16xi32>,
      %shift_right_logical3A_586 = arith.constant 11 : i32
      %shift_right_logical3A_587 = vector.broadcast %shift_right_logical3A_586 : i32 to vector<16xi32>
      %shift_right_logical3A_588 = arith.shrui %get3A_585, %shift_right_logical3A_587 : vector<16xi32>
      %shift_left3A_589 = arith.constant 10 : i32
      %shift_left3A_590 = vector.broadcast %shift_left3A_589 : i32 to vector<16xi32>
      %shift_left3A_591 = arith.shli %shift_right_logical3A_588, %shift_left3A_590 : vector<16xi32>
      %and3A_592 = arith.constant 1023 : i32
      %and3A_593 = vector.broadcast %and3A_592 : i32 to vector<16xi32>
      %and3A_594 = arith.andi %get3A_585, %and3A_593 : vector<16xi32>
      %add3A_595 = arith.addi %shift_left3A_591, %and3A_594 : vector<16xi32>
      %swap3A_596 = arith.constant 400 : index
      %swap3A_597 = tpu.vector_load %arg13[%swap3A_596] {strides = array<i32>} : memref<640xi32, #tpu.memory_space<vmem>>, vector<16xi32>,
      tpu.vector_store %arg13[%swap3A_596], %add3A_595 {strides = array<i32>} : memref<640xi32, #tpu.memory_space<vmem>>, vector<16xi32>,
      %get3A_598 = arith.constant 416 : index
      %get3A_599 = tpu.vector_load %arg10[%get3A_598] {strides = array<i32>} : memref<640xi32, #tpu.memory_space<vmem>>, vector<16xi32>,
      %shift_right_logical3A_600 = arith.constant 11 : i32
      %shift_right_logical3A_601 = vector.broadcast %shift_right_logical3A_600 : i32 to vector<16xi32>
      %shift_right_logical3A_602 = arith.shrui %get3A_599, %shift_right_logical3A_601 : vector<16xi32>
      %shift_left3A_603 = arith.constant 10 : i32
      %shift_left3A_604 = vector.broadcast %shift_left3A_603 : i32 to vector<16xi32>
      %shift_left3A_605 = arith.shli %shift_right_logical3A_602, %shift_left3A_604 : vector<16xi32>
      %and3A_606 = arith.constant 1023 : i32
      %and3A_607 = vector.broadcast %and3A_606 : i32 to vector<16xi32>
      %and3A_608 = arith.andi %get3A_599, %and3A_607 : vector<16xi32>
      %add3A_609 = arith.addi %shift_left3A_605, %and3A_608 : vector<16xi32>
      %swap3A_610 = arith.constant 416 : index
      %swap3A_611 = tpu.vector_load %arg13[%swap3A_610] {strides = array<i32>} : memref<640xi32, #tpu.memory_space<vmem>>, vector<16xi32>,
      tpu.vector_store %arg13[%swap3A_610], %add3A_609 {strides = array<i32>} : memref<640xi32, #tpu.memory_space<vmem>>, vector<16xi32>,
      %get3A_612 = arith.constant 432 : index
      %get3A_613 = tpu.vector_load %arg10[%get3A_612] {strides = array<i32>} : memref<640xi32, #tpu.memory_space<vmem>>, vector<16xi32>,
      %shift_right_logical3A_614 = arith.constant 11 : i32
      %shift_right_logical3A_615 = vector.broadcast %shift_right_logical3A_614 : i32 to vector<16xi32>
      %shift_right_logical3A_616 = arith.shrui %get3A_613, %shift_right_logical3A_615 : vector<16xi32>
      %shift_left3A_617 = arith.constant 10 : i32
      %shift_left3A_618 = vector.broadcast %shift_left3A_617 : i32 to vector<16xi32>
      %shift_left3A_619 = arith.shli %shift_right_logical3A_616, %shift_left3A_618 : vector<16xi32>
      %and3A_620 = arith.constant 1023 : i32
      %and3A_621 = vector.broadcast %and3A_620 : i32 to vector<16xi32>
      %and3A_622 = arith.andi %get3A_613, %and3A_621 : vector<16xi32>
      %add3A_623 = arith.addi %shift_left3A_619, %and3A_622 : vector<16xi32>
      %swap3A_624 = arith.constant 432 : index
      %swap3A_625 = tpu.vector_load %arg13[%swap3A_624] {strides = array<i32>} : memref<640xi32, #tpu.memory_space<vmem>>, vector<16xi32>,
      tpu.vector_store %arg13[%swap3A_624], %add3A_623 {strides = array<i32>} : memref<640xi32, #tpu.memory_space<vmem>>, vector<16xi32>,
      %get3A_626 = arith.constant 448 : index
      %get3A_627 = tpu.vector_load %arg10[%get3A_626] {strides = array<i32>} : memref<640xi32, #tpu.memory_space<vmem>>, vector<16xi32>,
      %shift_right_logical3A_628 = arith.constant 11 : i32
      %shift_right_logical3A_629 = vector.broadcast %shift_right_logical3A_628 : i32 to vector<16xi32>
      %shift_right_logical3A_630 = arith.shrui %get3A_627, %shift_right_logical3A_629 : vector<16xi32>
      %shift_left3A_631 = arith.constant 10 : i32
      %shift_left3A_632 = vector.broadcast %shift_left3A_631 : i32 to vector<16xi32>
      %shift_left3A_633 = arith.shli %shift_right_logical3A_630, %shift_left3A_632 : vector<16xi32>
      %and3A_634 = arith.constant 1023 : i32
      %and3A_635 = vector.broadcast %and3A_634 : i32 to vector<16xi32>
      %and3A_636 = arith.andi %get3A_627, %and3A_635 : vector<16xi32>
      %add3A_637 = arith.addi %shift_left3A_633, %and3A_636 : vector<16xi32>
      %swap3A_638 = arith.constant 448 : index
      %swap3A_639 = tpu.vector_load %arg13[%swap3A_638] {strides = array<i32>} : memref<640xi32, #tpu.memory_space<vmem>>, vector<16xi32>,
      tpu.vector_store %arg13[%swap3A_638], %add3A_637 {strides = array<i32>} : memref<640xi32, #tpu.memory_space<vmem>>, vector<16xi32>,
      %get3A_640 = arith.constant 464 : index
      %get3A_641 = tpu.vector_load %arg10[%get3A_640] {strides = array<i32>} : memref<640xi32, #tpu.memory_space<vmem>>, vector<16xi32>,
      %shift_right_logical3A_642 = arith.constant 11 : i32
      %shift_right_logical3A_643 = vector.broadcast %shift_right_logical3A_642 : i32 to vector<16xi32>
      %shift_right_logical3A_644 = arith.shrui %get3A_641, %shift_right_logical3A_643 : vector<16xi32>
      %shift_left3A_645 = arith.constant 10 : i32
      %shift_left3A_646 = vector.broadcast %shift_left3A_645 : i32 to vector<16xi32>
      %shift_left3A_647 = arith.shli %shift_right_logical3A_644, %shift_left3A_646 : vector<16xi32>
      %and3A_648 = arith.constant 1023 : i32
      %and3A_649 = vector.broadcast %and3A_648 : i32 to vector<16xi32>
      %and3A_650 = arith.andi %get3A_641, %and3A_649 : vector<16xi32>
      %add3A_651 = arith.addi %shift_left3A_647, %and3A_650 : vector<16xi32>
      %swap3A_652 = arith.constant 464 : index
      %swap3A_653 = tpu.vector_load %arg13[%swap3A_652] {strides = array<i32>} : memref<640xi32, #tpu.memory_space<vmem>>, vector<16xi32>,
      tpu.vector_store %arg13[%swap3A_652], %add3A_651 {strides = array<i32>} : memref<640xi32, #tpu.memory_space<vmem>>, vector<16xi32>,
      %get3A_654 = arith.constant 480 : index
      %get3A_655 = tpu.vector_load %arg10[%get3A_654] {strides = array<i32>} : memref<640xi32, #tpu.memory_space<vmem>>, vector<16xi32>,
      %shift_right_logical3A_656 = arith.constant 11 : i32
      %shift_right_logical3A_657 = vector.broadcast %shift_right_logical3A_656 : i32 to vector<16xi32>
      %shift_right_logical3A_658 = arith.shrui %get3A_655, %shift_right_logical3A_657 : vector<16xi32>
      %shift_left3A_659 = arith.constant 10 : i32
      %shift_left3A_660 = vector.broadcast %shift_left3A_659 : i32 to vector<16xi32>
      %shift_left3A_661 = arith.shli %shift_right_logical3A_658, %shift_left3A_660 : vector<16xi32>
      %and3A_662 = arith.constant 1023 : i32
      %and3A_663 = vector.broadcast %and3A_662 : i32 to vector<16xi32>
      %and3A_664 = arith.andi %get3A_655, %and3A_663 : vector<16xi32>
      %add3A_665 = arith.addi %shift_left3A_661, %and3A_664 : vector<16xi32>
      %swap3A_666 = arith.constant 480 : index
      %swap3A_667 = tpu.vector_load %arg13[%swap3A_666] {strides = array<i32>} : memref<640xi32, #tpu.memory_space<vmem>>, vector<16xi32>,
      tpu.vector_store %arg13[%swap3A_666], %add3A_665 {strides = array<i32>} : memref<640xi32, #tpu.memory_space<vmem>>, vector<16xi32>,
      %get3A_668 = arith.constant 496 : index
      %get3A_669 = tpu.vector_load %arg10[%get3A_668] {strides = array<i32>} : memref<640xi32, #tpu.memory_space<vmem>>, vector<16xi32>,
      %shift_right_logical3A_670 = arith.constant 11 : i32
      %shift_right_logical3A_671 = vector.broadcast %shift_right_logical3A_670 : i32 to vector<16xi32>
      %shift_right_logical3A_672 = arith.shrui %get3A_669, %shift_right_logical3A_671 : vector<16xi32>
      %shift_left3A_673 = arith.constant 10 : i32
      %shift_left3A_674 = vector.broadcast %shift_left3A_673 : i32 to vector<16xi32>
      %shift_left3A_675 = arith.shli %shift_right_logical3A_672, %shift_left3A_674 : vector<16xi32>
      %and3A_676 = arith.constant 1023 : i32
      %and3A_677 = vector.broadcast %and3A_676 : i32 to vector<16xi32>
      %and3A_678 = arith.andi %get3A_669, %and3A_677 : vector<16xi32>
      %add3A_679 = arith.addi %shift_left3A_675, %and3A_678 : vector<16xi32>
      %swap3A_680 = arith.constant 496 : index
      %swap3A_681 = tpu.vector_load %arg13[%swap3A_680] {strides = array<i32>} : memref<640xi32, #tpu.memory_space<vmem>>, vector<16xi32>,
      tpu.vector_store %arg13[%swap3A_680], %add3A_679 {strides = array<i32>} : memref<640xi32, #tpu.memory_space<vmem>>, vector<16xi32>,
      %get3A_682 = arith.constant 512 : index
      %get3A_683 = tpu.vector_load %arg10[%get3A_682] {strides = array<i32>} : memref<640xi32, #tpu.memory_space<vmem>>, vector<16xi32>,
      %shift_right_logical3A_684 = arith.constant 11 : i32
      %shift_right_logical3A_685 = vector.broadcast %shift_right_logical3A_684 : i32 to vector<16xi32>
      %shift_right_logical3A_686 = arith.shrui %get3A_683, %shift_right_logical3A_685 : vector<16xi32>
      %shift_left3A_687 = arith.constant 10 : i32
      %shift_left3A_688 = vector.broadcast %shift_left3A_687 : i32 to vector<16xi32>
      %shift_left3A_689 = arith.shli %shift_right_logical3A_686, %shift_left3A_688 : vector<16xi32>
      %and3A_690 = arith.constant 1023 : i32
      %and3A_691 = vector.broadcast %and3A_690 : i32 to vector<16xi32>
      %and3A_692 = arith.andi %get3A_683, %and3A_691 : vector<16xi32>
      %add3A_693 = arith.addi %shift_left3A_689, %and3A_692 : vector<16xi32>
      %swap3A_694 = arith.constant 512 : index
      %swap3A_695 = tpu.vector_load %arg13[%swap3A_694] {strides = array<i32>} : memref<640xi32, #tpu.memory_space<vmem>>, vector<16xi32>,
      tpu.vector_store %arg13[%swap3A_694], %add3A_693 {strides = array<i32>} : memref<640xi32, #tpu.memory_space<vmem>>, vector<16xi32>,
      %get3A_696 = arith.constant 528 : index
      %get3A_697 = tpu.vector_load %arg10[%get3A_696] {strides = array<i32>} : memref<640xi32, #tpu.memory_space<vmem>>, vector<16xi32>,
      %shift_right_logical3A_698 = arith.constant 11 : i32
      %shift_right_logical3A_699 = vector.broadcast %shift_right_logical3A_698 : i32 to vector<16xi32>
      %shift_right_logical3A_700 = arith.shrui %get3A_697, %shift_right_logical3A_699 : vector<16xi32>
      %shift_left3A_701 = arith.constant 10 : i32
      %shift_left3A_702 = vector.broadcast %shift_left3A_701 : i32 to vector<16xi32>
      %shift_left3A_703 = arith.shli %shift_right_logical3A_700, %shift_left3A_702 : vector<16xi32>
      %and3A_704 = arith.constant 1023 : i32
      %and3A_705 = vector.broadcast %and3A_704 : i32 to vector<16xi32>
      %and3A_706 = arith.andi %get3A_697, %and3A_705 : vector<16xi32>
      %add3A_707 = arith.addi %shift_left3A_703, %and3A_706 : vector<16xi32>
      %swap3A_708 = arith.constant 528 : index
      %swap3A_709 = tpu.vector_load %arg13[%swap3A_708] {strides = array<i32>} : memref<640xi32, #tpu.memory_space<vmem>>, vector<16xi32>,
      tpu.vector_store %arg13[%swap3A_708], %add3A_707 {strides = array<i32>} : memref<640xi32, #tpu.memory_space<vmem>>, vector<16xi32>,
      %get3A_710 = arith.constant 544 : index
      %get3A_711 = tpu.vector_load %arg10[%get3A_710] {strides = array<i32>} : memref<640xi32, #tpu.memory_space<vmem>>, vector<16xi32>,
      %shift_right_logical3A_712 = arith.constant 11 : i32
      %shift_right_logical3A_713 = vector.broadcast %shift_right_logical3A_712 : i32 to vector<16xi32>
      %shift_right_logical3A_714 = arith.shrui %get3A_711, %shift_right_logical3A_713 : vector<16xi32>
      %shift_left3A_715 = arith.constant 10 : i32
      %shift_left3A_716 = vector.broadcast %shift_left3A_715 : i32 to vector<16xi32>
      %shift_left3A_717 = arith.shli %shift_right_logical3A_714, %shift_left3A_716 : vector<16xi32>
      %and3A_718 = arith.constant 1023 : i32
      %and3A_719 = vector.broadcast %and3A_718 : i32 to vector<16xi32>
      %and3A_720 = arith.andi %get3A_711, %and3A_719 : vector<16xi32>
      %add3A_721 = arith.addi %shift_left3A_717, %and3A_720 : vector<16xi32>
      %swap3A_722 = arith.constant 544 : index
      %swap3A_723 = tpu.vector_load %arg13[%swap3A_722] {strides = array<i32>} : memref<640xi32, #tpu.memory_space<vmem>>, vector<16xi32>,
      tpu.vector_store %arg13[%swap3A_722], %add3A_721 {strides = array<i32>} : memref<640xi32, #tpu.memory_space<vmem>>, vector<16xi32>,
      %get3A_724 = arith.constant 560 : index
      %get3A_725 = tpu.vector_load %arg10[%get3A_724] {strides = array<i32>} : memref<640xi32, #tpu.memory_space<vmem>>, vector<16xi32>,
      %shift_right_logical3A_726 = arith.constant 11 : i32
      %shift_right_logical3A_727 = vector.broadcast %shift_right_logical3A_726 : i32 to vector<16xi32>
      %shift_right_logical3A_728 = arith.shrui %get3A_725, %shift_right_logical3A_727 : vector<16xi32>
      %shift_left3A_729 = arith.constant 10 : i32
      %shift_left3A_730 = vector.broadcast %shift_left3A_729 : i32 to vector<16xi32>
      %shift_left3A_731 = arith.shli %shift_right_logical3A_728, %shift_left3A_730 : vector<16xi32>
      %and3A_732 = arith.constant 1023 : i32
      %and3A_733 = vector.broadcast %and3A_732 : i32 to vector<16xi32>
      %and3A_734 = arith.andi %get3A_725, %and3A_733 : vector<16xi32>
      %add3A_735 = arith.addi %shift_left3A_731, %and3A_734 : vector<16xi32>
      %swap3A_736 = arith.constant 560 : index
      %swap3A_737 = tpu.vector_load %arg13[%swap3A_736] {strides = array<i32>} : memref<640xi32, #tpu.memory_space<vmem>>, vector<16xi32>,
      tpu.vector_store %arg13[%swap3A_736], %add3A_735 {strides = array<i32>} : memref<640xi32, #tpu.memory_space<vmem>>, vector<16xi32>,
      %get3A_738 = arith.constant 576 : index
      %get3A_739 = tpu.vector_load %arg10[%get3A_738] {strides = array<i32>} : memref<640xi32, #tpu.memory_space<vmem>>, vector<16xi32>,
      %shift_right_logical3A_740 = arith.constant 11 : i32
      %shift_right_logical3A_741 = vector.broadcast %shift_right_logical3A_740 : i32 to vector<16xi32>
      %shift_right_logical3A_742 = arith.shrui %get3A_739, %shift_right_logical3A_741 : vector<16xi32>
      %shift_left3A_743 = arith.constant 10 : i32
      %shift_left3A_744 = vector.broadcast %shift_left3A_743 : i32 to vector<16xi32>
      %shift_left3A_745 = arith.shli %shift_right_logical3A_742, %shift_left3A_744 : vector<16xi32>
      %and3A_746 = arith.constant 1023 : i32
      %and3A_747 = vector.broadcast %and3A_746 : i32 to vector<16xi32>
      %and3A_748 = arith.andi %get3A_739, %and3A_747 : vector<16xi32>
      %add3A_749 = arith.addi %shift_left3A_745, %and3A_748 : vector<16xi32>
      %swap3A_750 = arith.constant 576 : index
      %swap3A_751 = tpu.vector_load %arg13[%swap3A_750] {strides = array<i32>} : memref<640xi32, #tpu.memory_space<vmem>>, vector<16xi32>,
      tpu.vector_store %arg13[%swap3A_750], %add3A_749 {strides = array<i32>} : memref<640xi32, #tpu.memory_space<vmem>>, vector<16xi32>,
      %get3A_752 = arith.constant 592 : index
      %get3A_753 = tpu.vector_load %arg10[%get3A_752] {strides = array<i32>} : memref<640xi32, #tpu.memory_space<vmem>>, vector<16xi32>,
      %shift_right_logical3A_754 = arith.constant 11 : i32
      %shift_right_logical3A_755 = vector.broadcast %shift_right_logical3A_754 : i32 to vector<16xi32>
      %shift_right_logical3A_756 = arith.shrui %get3A_753, %shift_right_logical3A_755 : vector<16xi32>
      %shift_left3A_757 = arith.constant 10 : i32
      %shift_left3A_758 = vector.broadcast %shift_left3A_757 : i32 to vector<16xi32>
      %shift_left3A_759 = arith.shli %shift_right_logical3A_756, %shift_left3A_758 : vector<16xi32>
      %and3A_760 = arith.constant 1023 : i32
      %and3A_761 = vector.broadcast %and3A_760 : i32 to vector<16xi32>
      %and3A_762 = arith.andi %get3A_753, %and3A_761 : vector<16xi32>
      %add3A_763 = arith.addi %shift_left3A_759, %and3A_762 : vector<16xi32>
      %swap3A_764 = arith.constant 592 : index
      %swap3A_765 = tpu.vector_load %arg13[%swap3A_764] {strides = array<i32>} : memref<640xi32, #tpu.memory_space<vmem>>, vector<16xi32>,
      tpu.vector_store %arg13[%swap3A_764], %add3A_763 {strides = array<i32>} : memref<640xi32, #tpu.memory_space<vmem>>, vector<16xi32>,
      %get3A_766 = arith.constant 608 : index
      %get3A_767 = tpu.vector_load %arg10[%get3A_766] {strides = array<i32>} : memref<640xi32, #tpu.memory_space<vmem>>, vector<16xi32>,
      %shift_right_logical3A_768 = arith.constant 11 : i32
      %shift_right_logical3A_769 = vector.broadcast %shift_right_logical3A_768 : i32 to vector<16xi32>
      %shift_right_logical3A_770 = arith.shrui %get3A_767, %shift_right_logical3A_769 : vector<16xi32>
      %shift_left3A_771 = arith.constant 10 : i32
      %shift_left3A_772 = vector.broadcast %shift_left3A_771 : i32 to vector<16xi32>
      %shift_left3A_773 = arith.shli %shift_right_logical3A_770, %shift_left3A_772 : vector<16xi32>
      %and3A_774 = arith.constant 1023 : i32
      %and3A_775 = vector.broadcast %and3A_774 : i32 to vector<16xi32>
      %and3A_776 = arith.andi %get3A_767, %and3A_775 : vector<16xi32>
      %add3A_777 = arith.addi %shift_left3A_773, %and3A_776 : vector<16xi32>
      %swap3A_778 = arith.constant 608 : index
      %swap3A_779 = tpu.vector_load %arg13[%swap3A_778] {strides = array<i32>} : memref<640xi32, #tpu.memory_space<vmem>>, vector<16xi32>,
      tpu.vector_store %arg13[%swap3A_778], %add3A_777 {strides = array<i32>} : memref<640xi32, #tpu.memory_space<vmem>>, vector<16xi32>,
      %get3A_780 = arith.constant 624 : index
      %get3A_781 = tpu.vector_load %arg10[%get3A_780] {strides = array<i32>} : memref<640xi32, #tpu.memory_space<vmem>>, vector<16xi32>,
      %shift_right_logical3A_782 = arith.constant 11 : i32
      %shift_right_logical3A_783 = vector.broadcast %shift_right_logical3A_782 : i32 to vector<16xi32>
      %shift_right_logical3A_784 = arith.shrui %get3A_781, %shift_right_logical3A_783 : vector<16xi32>
      %shift_left3A_785 = arith.constant 10 : i32
      %shift_left3A_786 = vector.broadcast %shift_left3A_785 : i32 to vector<16xi32>
      %shift_left3A_787 = arith.shli %shift_right_logical3A_784, %shift_left3A_786 : vector<16xi32>
      %and3A_788 = arith.constant 1023 : i32
      %and3A_789 = vector.broadcast %and3A_788 : i32 to vector<16xi32>
      %and3A_790 = arith.andi %get3A_781, %and3A_789 : vector<16xi32>
      %add3A_791 = arith.addi %shift_left3A_787, %and3A_790 : vector<16xi32>
      %swap3A_792 = arith.constant 624 : index
      %swap3A_793 = tpu.vector_load %arg13[%swap3A_792] {strides = array<i32>} : memref<640xi32, #tpu.memory_space<vmem>>, vector<16xi32>,
      tpu.vector_store %arg13[%swap3A_792], %add3A_791 {strides = array<i32>} : memref<640xi32, #tpu.memory_space<vmem>>, vector<16xi32>,
      %dma_start3A = arith.constant 0 : i32
      %dma_start3A_794 = arith.constant 0 : i32
      %dma_start3A_795 = tpu.memref_slice %arg5[%dma_start3A, %dma_start3A_794] : memref<500736x128xf32, #tpu.memory_space<hbm>> -> memref<500736x128xf32, #tpu.memory_space<hbm>>
      tpu.enqueue_indirect_dma source(%dma_start3A_795 : memref<500736x128xf32, #tpu.memory_space<hbm>>) target(%arg14 : memref<128x128xf32, #tpu.memory_space<vmem>>) offsets(%arg11 : memref<128xi32, #tpu.memory_space<vmem>>) semaphore(%arg18 : memref<!tpu.dma_semaphore, #tpu.memory_space<semaphore_mem>>)
      %dma_start3A_796 = arith.constant 0 : i32
      %dma_start3A_797 = arith.constant 0 : i32
      %dma_start3A_798 = tpu.memref_slice %arg6[%dma_start3A_796, %dma_start3A_797] : memref<500736x128xf32, #tpu.memory_space<hbm>> -> memref<500736x128xf32, #tpu.memory_space<hbm>>
      tpu.enqueue_indirect_dma source(%dma_start3A_798 : memref<500736x128xf32, #tpu.memory_space<hbm>>) target(%arg15 : memref<128x128xf32, #tpu.memory_space<vmem>>) offsets(%arg12 : memref<128xi32, #tpu.memory_space<vmem>>) semaphore(%arg18 : memref<!tpu.dma_semaphore, #tpu.memory_space<semaphore_mem>>)
      %dma_start3A_799 = arith.constant 0 : i32
      %dma_start3A_800 = arith.constant 0 : i32
      %dma_start3A_801 = tpu.memref_slice %arg16[%dma_start3A_799, %dma_start3A_800] : memref<640x128xf32, #tpu.memory_space<vmem>> -> memref<128x128xf32, #tpu.memory_space<vmem>>
      %dma_start3A_802 = arith.constant 0 : i32
      %dma_start3A_803 = tpu.memref_slice %arg13[%dma_start3A_802] : memref<640xi32, #tpu.memory_space<vmem>> -> memref<128xi32, #tpu.memory_space<vmem>>
      %dma_start3A_804 = arith.constant 0 : i32
      %dma_start3A_805 = arith.constant 0 : i32
      %dma_start3A_806 = tpu.memref_slice %arg6[%dma_start3A_804, %dma_start3A_805] : memref<500736x128xf32, #tpu.memory_space<hbm>> -> memref<500736x128xf32, #tpu.memory_space<hbm>>
      tpu.enqueue_indirect_dma source(%dma_start3A_806 : memref<500736x128xf32, #tpu.memory_space<hbm>>) target(%dma_start3A_801 : memref<128x128xf32, #tpu.memory_space<vmem>>) offsets(%dma_start3A_803 : memref<128xi32, #tpu.memory_space<vmem>>) semaphore(%arg18 : memref<!tpu.dma_semaphore, #tpu.memory_space<semaphore_mem>>)
      %dma_start3A_807 = arith.constant 128 : i32
      %dma_start3A_808 = arith.constant 0 : i32
      %dma_start3A_809 = tpu.memref_slice %arg16[%dma_start3A_807, %dma_start3A_808] : memref<640x128xf32, #tpu.memory_space<vmem>> -> memref<128x128xf32, #tpu.memory_space<vmem>>
      %dma_start3A_810 = arith.constant 128 : i32
      %dma_start3A_811 = tpu.memref_slice %arg13[%dma_start3A_810] : memref<640xi32, #tpu.memory_space<vmem>> -> memref<128xi32, #tpu.memory_space<vmem>>
      %dma_start3A_812 = arith.constant 0 : i32
      %dma_start3A_813 = arith.constant 0 : i32
      %dma_start3A_814 = tpu.memref_slice %arg6[%dma_start3A_812, %dma_start3A_813] : memref<500736x128xf32, #tpu.memory_space<hbm>> -> memref<500736x128xf32, #tpu.memory_space<hbm>>
      tpu.enqueue_indirect_dma source(%dma_start3A_814 : memref<500736x128xf32, #tpu.memory_space<hbm>>) target(%dma_start3A_809 : memref<128x128xf32, #tpu.memory_space<vmem>>) offsets(%dma_start3A_811 : memref<128xi32, #tpu.memory_space<vmem>>) semaphore(%arg18 : memref<!tpu.dma_semaphore, #tpu.memory_space<semaphore_mem>>)
      %dma_start3A_815 = arith.constant 256 : i32
      %dma_start3A_816 = arith.constant 0 : i32
      %dma_start3A_817 = tpu.memref_slice %arg16[%dma_start3A_815, %dma_start3A_816] : memref<640x128xf32, #tpu.memory_space<vmem>> -> memref<128x128xf32, #tpu.memory_space<vmem>>
      %dma_start3A_818 = arith.constant 256 : i32
      %dma_start3A_819 = tpu.memref_slice %arg13[%dma_start3A_818] : memref<640xi32, #tpu.memory_space<vmem>> -> memref<128xi32, #tpu.memory_space<vmem>>
      %dma_start3A_820 = arith.constant 0 : i32
      %dma_start3A_821 = arith.constant 0 : i32
      %dma_start3A_822 = tpu.memref_slice %arg6[%dma_start3A_820, %dma_start3A_821] : memref<500736x128xf32, #tpu.memory_space<hbm>> -> memref<500736x128xf32, #tpu.memory_space<hbm>>
      tpu.enqueue_indirect_dma source(%dma_start3A_822 : memref<500736x128xf32, #tpu.memory_space<hbm>>) target(%dma_start3A_817 : memref<128x128xf32, #tpu.memory_space<vmem>>) offsets(%dma_start3A_819 : memref<128xi32, #tpu.memory_space<vmem>>) semaphore(%arg18 : memref<!tpu.dma_semaphore, #tpu.memory_space<semaphore_mem>>)
      %dma_start3A_823 = arith.constant 384 : i32
      %dma_start3A_824 = arith.constant 0 : i32
      %dma_start3A_825 = tpu.memref_slice %arg16[%dma_start3A_823, %dma_start3A_824] : memref<640x128xf32, #tpu.memory_space<vmem>> -> memref<128x128xf32, #tpu.memory_space<vmem>>
      %dma_start3A_826 = arith.constant 384 : i32
      %dma_start3A_827 = tpu.memref_slice %arg13[%dma_start3A_826] : memref<640xi32, #tpu.memory_space<vmem>> -> memref<128xi32, #tpu.memory_space<vmem>>
      %dma_start3A_828 = arith.constant 0 : i32
      %dma_start3A_829 = arith.constant 0 : i32
      %dma_start3A_830 = tpu.memref_slice %arg6[%dma_start3A_828, %dma_start3A_829] : memref<500736x128xf32, #tpu.memory_space<hbm>> -> memref<500736x128xf32, #tpu.memory_space<hbm>>
      tpu.enqueue_indirect_dma source(%dma_start3A_830 : memref<500736x128xf32, #tpu.memory_space<hbm>>) target(%dma_start3A_825 : memref<128x128xf32, #tpu.memory_space<vmem>>) offsets(%dma_start3A_827 : memref<128xi32, #tpu.memory_space<vmem>>) semaphore(%arg18 : memref<!tpu.dma_semaphore, #tpu.memory_space<semaphore_mem>>)
      %dma_start3A_831 = arith.constant 512 : i32
      %dma_start3A_832 = arith.constant 0 : i32
      %dma_start3A_833 = tpu.memref_slice %arg16[%dma_start3A_831, %dma_start3A_832] : memref<640x128xf32, #tpu.memory_space<vmem>> -> memref<128x128xf32, #tpu.memory_space<vmem>>
      %dma_start3A_834 = arith.constant 512 : i32
      %dma_start3A_835 = tpu.memref_slice %arg13[%dma_start3A_834] : memref<640xi32, #tpu.memory_space<vmem>> -> memref<128xi32, #tpu.memory_space<vmem>>
      %dma_start3A_836 = arith.constant 0 : i32
      %dma_start3A_837 = arith.constant 0 : i32
      %dma_start3A_838 = tpu.memref_slice %arg6[%dma_start3A_836, %dma_start3A_837] : memref<500736x128xf32, #tpu.memory_space<hbm>> -> memref<500736x128xf32, #tpu.memory_space<hbm>>
      tpu.enqueue_indirect_dma source(%dma_start3A_838 : memref<500736x128xf32, #tpu.memory_space<hbm>>) target(%dma_start3A_833 : memref<128x128xf32, #tpu.memory_space<vmem>>) offsets(%dma_start3A_835 : memref<128xi32, #tpu.memory_space<vmem>>) semaphore(%arg18 : memref<!tpu.dma_semaphore, #tpu.memory_space<semaphore_mem>>)
      %dma_wait3A = arith.constant 0 : i32
      %dma_wait3A_839 = arith.constant 0 : i32
      %dma_wait3A_840 = tpu.memref_slice %arg5[%dma_wait3A, %dma_wait3A_839] : memref<500736x128xf32, #tpu.memory_space<hbm>> -> memref<500736x128xf32, #tpu.memory_space<hbm>>
      tpu.wait_indirect_dma semaphore(%arg18 : memref<!tpu.dma_semaphore, #tpu.memory_space<semaphore_mem>>) src(%dma_wait3A_840 : memref<500736x128xf32, #tpu.memory_space<hbm>>) dst(%arg14 : memref<128x128xf32, #tpu.memory_space<vmem>>)
      %dma_wait3A_841 = arith.constant 0 : i32
      %dma_wait3A_842 = arith.constant 0 : i32
      %dma_wait3A_843 = tpu.memref_slice %arg6[%dma_wait3A_841, %dma_wait3A_842] : memref<500736x128xf32, #tpu.memory_space<hbm>> -> memref<500736x128xf32, #tpu.memory_space<hbm>>
      tpu.wait_indirect_dma semaphore(%arg18 : memref<!tpu.dma_semaphore, #tpu.memory_space<semaphore_mem>>) src(%dma_wait3A_843 : memref<500736x128xf32, #tpu.memory_space<hbm>>) dst(%arg15 : memref<128x128xf32, #tpu.memory_space<vmem>>)
      %dma_wait3A_844 = arith.constant 0 : i32
      %dma_wait3A_845 = arith.constant 0 : i32
      %dma_wait3A_846 = tpu.memref_slice %arg16[%dma_wait3A_844, %dma_wait3A_845] : memref<640x128xf32, #tpu.memory_space<vmem>> -> memref<128x128xf32, #tpu.memory_space<vmem>>
      %dma_wait3A_847 = arith.constant 0 : i32
      %dma_wait3A_848 = tpu.memref_slice %arg13[%dma_wait3A_847] : memref<640xi32, #tpu.memory_space<vmem>> -> memref<128xi32, #tpu.memory_space<vmem>>
      %dma_wait3A_849 = arith.constant 0 : i32
      %dma_wait3A_850 = arith.constant 0 : i32
      %dma_wait3A_851 = tpu.memref_slice %arg6[%dma_wait3A_849, %dma_wait3A_850] : memref<500736x128xf32, #tpu.memory_space<hbm>> -> memref<500736x128xf32, #tpu.memory_space<hbm>>
      tpu.wait_indirect_dma semaphore(%arg18 : memref<!tpu.dma_semaphore, #tpu.memory_space<semaphore_mem>>) src(%dma_wait3A_851 : memref<500736x128xf32, #tpu.memory_space<hbm>>) dst(%dma_wait3A_846 : memref<128x128xf32, #tpu.memory_space<vmem>>)
      %dma_wait3A_852 = arith.constant 128 : i32
      %dma_wait3A_853 = arith.constant 0 : i32
      %dma_wait3A_854 = tpu.memref_slice %arg16[%dma_wait3A_852, %dma_wait3A_853] : memref<640x128xf32, #tpu.memory_space<vmem>> -> memref<128x128xf32, #tpu.memory_space<vmem>>
      %dma_wait3A_855 = arith.constant 128 : i32
      %dma_wait3A_856 = tpu.memref_slice %arg13[%dma_wait3A_855] : memref<640xi32, #tpu.memory_space<vmem>> -> memref<128xi32, #tpu.memory_space<vmem>>
      %dma_wait3A_857 = arith.constant 0 : i32
      %dma_wait3A_858 = arith.constant 0 : i32
      %dma_wait3A_859 = tpu.memref_slice %arg6[%dma_wait3A_857, %dma_wait3A_858] : memref<500736x128xf32, #tpu.memory_space<hbm>> -> memref<500736x128xf32, #tpu.memory_space<hbm>>
      tpu.wait_indirect_dma semaphore(%arg18 : memref<!tpu.dma_semaphore, #tpu.memory_space<semaphore_mem>>) src(%dma_wait3A_859 : memref<500736x128xf32, #tpu.memory_space<hbm>>) dst(%dma_wait3A_854 : memref<128x128xf32, #tpu.memory_space<vmem>>)
      %dma_wait3A_860 = arith.constant 256 : i32
      %dma_wait3A_861 = arith.constant 0 : i32
      %dma_wait3A_862 = tpu.memref_slice %arg16[%dma_wait3A_860, %dma_wait3A_861] : memref<640x128xf32, #tpu.memory_space<vmem>> -> memref<128x128xf32, #tpu.memory_space<vmem>>
      %dma_wait3A_863 = arith.constant 256 : i32
      %dma_wait3A_864 = tpu.memref_slice %arg13[%dma_wait3A_863] : memref<640xi32, #tpu.memory_space<vmem>> -> memref<128xi32, #tpu.memory_space<vmem>>
      %dma_wait3A_865 = arith.constant 0 : i32
      %dma_wait3A_866 = arith.constant 0 : i32
      %dma_wait3A_867 = tpu.memref_slice %arg6[%dma_wait3A_865, %dma_wait3A_866] : memref<500736x128xf32, #tpu.memory_space<hbm>> -> memref<500736x128xf32, #tpu.memory_space<hbm>>
      tpu.wait_indirect_dma semaphore(%arg18 : memref<!tpu.dma_semaphore, #tpu.memory_space<semaphore_mem>>) src(%dma_wait3A_867 : memref<500736x128xf32, #tpu.memory_space<hbm>>) dst(%dma_wait3A_862 : memref<128x128xf32, #tpu.memory_space<vmem>>)
      %dma_wait3A_868 = arith.constant 384 : i32
      %dma_wait3A_869 = arith.constant 0 : i32
      %dma_wait3A_870 = tpu.memref_slice %arg16[%dma_wait3A_868, %dma_wait3A_869] : memref<640x128xf32, #tpu.memory_space<vmem>> -> memref<128x128xf32, #tpu.memory_space<vmem>>
      %dma_wait3A_871 = arith.constant 384 : i32
      %dma_wait3A_872 = tpu.memref_slice %arg13[%dma_wait3A_871] : memref<640xi32, #tpu.memory_space<vmem>> -> memref<128xi32, #tpu.memory_space<vmem>>
      %dma_wait3A_873 = arith.constant 0 : i32
      %dma_wait3A_874 = arith.constant 0 : i32
      %dma_wait3A_875 = tpu.memref_slice %arg6[%dma_wait3A_873, %dma_wait3A_874] : memref<500736x128xf32, #tpu.memory_space<hbm>> -> memref<500736x128xf32, #tpu.memory_space<hbm>>
      tpu.wait_indirect_dma semaphore(%arg18 : memref<!tpu.dma_semaphore, #tpu.memory_space<semaphore_mem>>) src(%dma_wait3A_875 : memref<500736x128xf32, #tpu.memory_space<hbm>>) dst(%dma_wait3A_870 : memref<128x128xf32, #tpu.memory_space<vmem>>)
      %dma_wait3A_876 = arith.constant 512 : i32
      %dma_wait3A_877 = arith.constant 0 : i32
      %dma_wait3A_878 = tpu.memref_slice %arg16[%dma_wait3A_876, %dma_wait3A_877] : memref<640x128xf32, #tpu.memory_space<vmem>> -> memref<128x128xf32, #tpu.memory_space<vmem>>
      %dma_wait3A_879 = arith.constant 512 : i32
      %dma_wait3A_880 = tpu.memref_slice %arg13[%dma_wait3A_879] : memref<640xi32, #tpu.memory_space<vmem>> -> memref<128xi32, #tpu.memory_space<vmem>>
      %dma_wait3A_881 = arith.constant 0 : i32
      %dma_wait3A_882 = arith.constant 0 : i32
      %dma_wait3A_883 = tpu.memref_slice %arg6[%dma_wait3A_881, %dma_wait3A_882] : memref<500736x128xf32, #tpu.memory_space<hbm>> -> memref<500736x128xf32, #tpu.memory_space<hbm>>
      tpu.wait_indirect_dma semaphore(%arg18 : memref<!tpu.dma_semaphore, #tpu.memory_space<semaphore_mem>>) src(%dma_wait3A_883 : memref<500736x128xf32, #tpu.memory_space<hbm>>) dst(%dma_wait3A_878 : memref<128x128xf32, #tpu.memory_space<vmem>>)
      %scan3A_884 = arith.constant 0 : i32
      %scan3A_885 = arith.constant 0 : i32
      %scan3A_886 = arith.constant 8 : i32
      %scan3A_887 = arith.addi %scan3A_885, %scan3A_886 : i32
      %scan3A_888 = arith.constant 1 : i32
      scf.for %scan3A_892 = %scan3A_885 to %scan3A_887 step %scan3A_888  : i32 {
        %mul3A_893 = arith.constant 16 : i32
        %mul3A_894 = arith.muli %scan3A_892, %mul3A_893 : i32
        %add3A_895 = vector.broadcast %mul3A_894 : i32 to vector<16xi32>
        %add3A_896 = arith.addi %add3A_895, %iota3A : vector<16xi32>
        %gather3A = tpu.vector_load_idx %arg8[%add3A_896] : memref<128xi32, #tpu.memory_space<vmem>>[vector<16xi32>], vector<16xi32>,
        %shift_right_arithmetic3A = arith.constant 10 : i32
        %shift_right_arithmetic3A_897 = vector.broadcast %shift_right_arithmetic3A : i32 to vector<16xi32>
        %shift_right_arithmetic3A_898 = arith.shrsi %gather3A, %shift_right_arithmetic3A_897 : vector<16xi32>
        %and3A_899 = arith.constant 1 : i32
        %and3A_900 = vector.broadcast %and3A_899 : i32 to vector<16xi32>
        %and3A_901 = arith.andi %shift_right_arithmetic3A_898, %and3A_900 : vector<16xi32>
        %mul3A_902 = arith.constant 64 : i32
        %mul3A_903 = vector.broadcast %mul3A_902 : i32 to vector<16xi32>
        %mul3A_904 = arith.muli %and3A_901, %mul3A_903 : vector<16xi32>
        %gather3A_905 = tpu.vector_load_idx %arg9[%add3A_896] : memref<128xi32, #tpu.memory_space<vmem>>[vector<16xi32>], vector<16xi32>,
        %shift_right_arithmetic3A_906 = arith.constant 10 : i32
        %shift_right_arithmetic3A_907 = vector.broadcast %shift_right_arithmetic3A_906 : i32 to vector<16xi32>
        %shift_right_arithmetic3A_908 = arith.shrsi %gather3A_905, %shift_right_arithmetic3A_907 : vector<16xi32>
        %and3A_909 = arith.constant 1 : i32
        %and3A_910 = vector.broadcast %and3A_909 : i32 to vector<16xi32>
        %and3A_911 = arith.andi %shift_right_arithmetic3A_908, %and3A_910 : vector<16xi32>
        %mul3A_912 = arith.constant 64 : i32
        %mul3A_913 = vector.broadcast %mul3A_912 : i32 to vector<16xi32>
        %mul3A_914 = arith.muli %and3A_911, %mul3A_913 : vector<16xi32>
        %mul3A_915 = arith.constant 5 : i32
        %mul3A_916 = vector.broadcast %mul3A_915 : i32 to vector<16xi32>
        %mul3A_917 = arith.muli %add3A_896, %mul3A_916 : vector<16xi32>
        %add3A_918 = arith.constant 0 : i32
        %add3A_919 = vector.broadcast %add3A_918 : i32 to vector<16xi32>
        %add3A_920 = arith.addi %mul3A_917, %add3A_919 : vector<16xi32>
        %gather3A_921 = tpu.vector_load_idx %arg10[%add3A_920] : memref<640xi32, #tpu.memory_space<vmem>>[vector<16xi32>], vector<16xi32>,
        %shift_right_arithmetic3A_922 = arith.constant 10 : i32
        %shift_right_arithmetic3A_923 = vector.broadcast %shift_right_arithmetic3A_922 : i32 to vector<16xi32>
        %shift_right_arithmetic3A_924 = arith.shrsi %gather3A_921, %shift_right_arithmetic3A_923 : vector<16xi32>
        %and3A_925 = arith.constant 1 : i32
        %and3A_926 = vector.broadcast %and3A_925 : i32 to vector<16xi32>
        %and3A_927 = arith.andi %shift_right_arithmetic3A_924, %and3A_926 : vector<16xi32>
        %mul3A_928 = arith.constant 64 : i32
        %mul3A_929 = vector.broadcast %mul3A_928 : i32 to vector<16xi32>
        %mul3A_930 = arith.muli %and3A_927, %mul3A_929 : vector<16xi32>
        %mul3A_931 = arith.constant 5 : i32
        %mul3A_932 = vector.broadcast %mul3A_931 : i32 to vector<16xi32>
        %mul3A_933 = arith.muli %add3A_896, %mul3A_932 : vector<16xi32>
        %add3A_934 = arith.constant 1 : i32
        %add3A_935 = vector.broadcast %add3A_934 : i32 to vector<16xi32>
        %add3A_936 = arith.addi %mul3A_933, %add3A_935 : vector<16xi32>
        %gather3A_937 = tpu.vector_load_idx %arg10[%add3A_936] : memref<640xi32, #tpu.memory_space<vmem>>[vector<16xi32>], vector<16xi32>,
        %shift_right_arithmetic3A_938 = arith.constant 10 : i32
        %shift_right_arithmetic3A_939 = vector.broadcast %shift_right_arithmetic3A_938 : i32 to vector<16xi32>
        %shift_right_arithmetic3A_940 = arith.shrsi %gather3A_937, %shift_right_arithmetic3A_939 : vector<16xi32>
        %and3A_941 = arith.constant 1 : i32
        %and3A_942 = vector.broadcast %and3A_941 : i32 to vector<16xi32>
        %and3A_943 = arith.andi %shift_right_arithmetic3A_940, %and3A_942 : vector<16xi32>
        %mul3A_944 = arith.constant 64 : i32
        %mul3A_945 = vector.broadcast %mul3A_944 : i32 to vector<16xi32>
        %mul3A_946 = arith.muli %and3A_943, %mul3A_945 : vector<16xi32>
        %mul3A_947 = arith.constant 5 : i32
        %mul3A_948 = vector.broadcast %mul3A_947 : i32 to vector<16xi32>
        %mul3A_949 = arith.muli %add3A_896, %mul3A_948 : vector<16xi32>
        %add3A_950 = arith.constant 2 : i32
        %add3A_951 = vector.broadcast %add3A_950 : i32 to vector<16xi32>
        %add3A_952 = arith.addi %mul3A_949, %add3A_951 : vector<16xi32>
        %gather3A_953 = tpu.vector_load_idx %arg10[%add3A_952] : memref<640xi32, #tpu.memory_space<vmem>>[vector<16xi32>], vector<16xi32>,
        %shift_right_arithmetic3A_954 = arith.constant 10 : i32
        %shift_right_arithmetic3A_955 = vector.broadcast %shift_right_arithmetic3A_954 : i32 to vector<16xi32>
        %shift_right_arithmetic3A_956 = arith.shrsi %gather3A_953, %shift_right_arithmetic3A_955 : vector<16xi32>
        %and3A_957 = arith.constant 1 : i32
        %and3A_958 = vector.broadcast %and3A_957 : i32 to vector<16xi32>
        %and3A_959 = arith.andi %shift_right_arithmetic3A_956, %and3A_958 : vector<16xi32>
        %mul3A_960 = arith.constant 64 : i32
        %mul3A_961 = vector.broadcast %mul3A_960 : i32 to vector<16xi32>
        %mul3A_962 = arith.muli %and3A_959, %mul3A_961 : vector<16xi32>
        %mul3A_963 = arith.constant 5 : i32
        %mul3A_964 = vector.broadcast %mul3A_963 : i32 to vector<16xi32>
        %mul3A_965 = arith.muli %add3A_896, %mul3A_964 : vector<16xi32>
        %add3A_966 = arith.constant 3 : i32
        %add3A_967 = vector.broadcast %add3A_966 : i32 to vector<16xi32>
        %add3A_968 = arith.addi %mul3A_965, %add3A_967 : vector<16xi32>
        %gather3A_969 = tpu.vector_load_idx %arg10[%add3A_968] : memref<640xi32, #tpu.memory_space<vmem>>[vector<16xi32>], vector<16xi32>,
        %shift_right_arithmetic3A_970 = arith.constant 10 : i32
        %shift_right_arithmetic3A_971 = vector.broadcast %shift_right_arithmetic3A_970 : i32 to vector<16xi32>
        %shift_right_arithmetic3A_972 = arith.shrsi %gather3A_969, %shift_right_arithmetic3A_971 : vector<16xi32>
        %and3A_973 = arith.constant 1 : i32
        %and3A_974 = vector.broadcast %and3A_973 : i32 to vector<16xi32>
        %and3A_975 = arith.andi %shift_right_arithmetic3A_972, %and3A_974 : vector<16xi32>
        %mul3A_976 = arith.constant 64 : i32
        %mul3A_977 = vector.broadcast %mul3A_976 : i32 to vector<16xi32>
        %mul3A_978 = arith.muli %and3A_975, %mul3A_977 : vector<16xi32>
        %mul3A_979 = arith.constant 5 : i32
        %mul3A_980 = vector.broadcast %mul3A_979 : i32 to vector<16xi32>
        %mul3A_981 = arith.muli %add3A_896, %mul3A_980 : vector<16xi32>
        %add3A_982 = arith.constant 4 : i32
        %add3A_983 = vector.broadcast %add3A_982 : i32 to vector<16xi32>
        %add3A_984 = arith.addi %mul3A_981, %add3A_983 : vector<16xi32>
        %gather3A_985 = tpu.vector_load_idx %arg10[%add3A_984] : memref<640xi32, #tpu.memory_space<vmem>>[vector<16xi32>], vector<16xi32>,
        %shift_right_arithmetic3A_986 = arith.constant 10 : i32
        %shift_right_arithmetic3A_987 = vector.broadcast %shift_right_arithmetic3A_986 : i32 to vector<16xi32>
        %shift_right_arithmetic3A_988 = arith.shrsi %gather3A_985, %shift_right_arithmetic3A_987 : vector<16xi32>
        %and3A_989 = arith.constant 1 : i32
        %and3A_990 = vector.broadcast %and3A_989 : i32 to vector<16xi32>
        %and3A_991 = arith.andi %shift_right_arithmetic3A_988, %and3A_990 : vector<16xi32>
        %mul3A_992 = arith.constant 64 : i32
        %mul3A_993 = vector.broadcast %mul3A_992 : i32 to vector<16xi32>
        %mul3A_994 = arith.muli %and3A_991, %mul3A_993 : vector<16xi32>
        %add3A_995 = arith.constant 0 : i32
        %add3A_996 = vector.broadcast %add3A_995 : i32 to vector<16xi32>
        %add3A_997 = arith.addi %add3A_996, %iota3A : vector<16xi32>
        %and3A_998 = arith.constant 63 : i32
        %and3A_999 = vector.broadcast %and3A_998 : i32 to vector<16xi32>
        %and3A_1000 = arith.andi %add3A_997, %and3A_999 : vector<16xi32>
        %add3A_1001 = arith.addi %mul3A_904, %and3A_1000 : vector<16xi32>
        %gather3A_1002 = tpu.vector_load_idx %arg14[%add3A_896, %add3A_1001] : memref<128x128xf32, #tpu.memory_space<vmem>>[vector<16xi32>, vector<16xi32>], vector<16xf32>,
        %add3A_1003 = arith.addi %mul3A_914, %and3A_1000 : vector<16xi32>
        %gather3A_1004 = tpu.vector_load_idx %arg15[%add3A_896, %add3A_1003] : memref<128x128xf32, #tpu.memory_space<vmem>>[vector<16xi32>, vector<16xi32>], vector<16xf32>,
        %mul3A_1005 = arith.mulf %gather3A_1002, %gather3A_1004 : vector<16xf32>
        %add3A_1006 = arith.addf %broadcast_in_dim3A_1, %mul3A_1005 : vector<16xf32>
        %add3A_1007 = arith.addi %mul3A_930, %and3A_1000 : vector<16xi32>
        %gather3A_1008 = tpu.vector_load_idx %arg16[%add3A_920, %add3A_1007] : memref<640x128xf32, #tpu.memory_space<vmem>>[vector<16xi32>, vector<16xi32>], vector<16xf32>,
        %mul3A_1009 = arith.mulf %gather3A_1002, %gather3A_1008 : vector<16xf32>
        %add3A_1010 = arith.addf %broadcast_in_dim3A_1, %mul3A_1009 : vector<16xf32>
        %add3A_1011 = arith.addi %mul3A_946, %and3A_1000 : vector<16xi32>
        %gather3A_1012 = tpu.vector_load_idx %arg16[%add3A_936, %add3A_1011] : memref<640x128xf32, #tpu.memory_space<vmem>>[vector<16xi32>, vector<16xi32>], vector<16xf32>,
        %mul3A_1013 = arith.mulf %gather3A_1002, %gather3A_1012 : vector<16xf32>
        %add3A_1014 = arith.addf %broadcast_in_dim3A_1, %mul3A_1013 : vector<16xf32>
        %add3A_1015 = arith.addi %mul3A_962, %and3A_1000 : vector<16xi32>
        %gather3A_1016 = tpu.vector_load_idx %arg16[%add3A_952, %add3A_1015] : memref<640x128xf32, #tpu.memory_space<vmem>>[vector<16xi32>, vector<16xi32>], vector<16xf32>,
        %mul3A_1017 = arith.mulf %gather3A_1002, %gather3A_1016 : vector<16xf32>
        %add3A_1018 = arith.addf %broadcast_in_dim3A_1, %mul3A_1017 : vector<16xf32>
        %add3A_1019 = arith.addi %mul3A_978, %and3A_1000 : vector<16xi32>
        %gather3A_1020 = tpu.vector_load_idx %arg16[%add3A_968, %add3A_1019] : memref<640x128xf32, #tpu.memory_space<vmem>>[vector<16xi32>, vector<16xi32>], vector<16xf32>,
        %mul3A_1021 = arith.mulf %gather3A_1002, %gather3A_1020 : vector<16xf32>
        %add3A_1022 = arith.addf %broadcast_in_dim3A_1, %mul3A_1021 : vector<16xf32>
        %add3A_1023 = arith.addi %mul3A_994, %and3A_1000 : vector<16xi32>
        %gather3A_1024 = tpu.vector_load_idx %arg16[%add3A_984, %add3A_1023] : memref<640x128xf32, #tpu.memory_space<vmem>>[vector<16xi32>, vector<16xi32>], vector<16xf32>,
        %mul3A_1025 = arith.mulf %gather3A_1002, %gather3A_1024 : vector<16xf32>
        %add3A_1026 = arith.addf %broadcast_in_dim3A_1, %mul3A_1025 : vector<16xf32>
        %add3A_1027 = arith.constant 1 : i32
        %add3A_1028 = vector.broadcast %add3A_1027 : i32 to vector<16xi32>
        %add3A_1029 = arith.addi %add3A_1028, %iota3A : vector<16xi32>
        %and3A_1030 = arith.constant 63 : i32
        %and3A_1031 = vector.broadcast %and3A_1030 : i32 to vector<16xi32>
        %and3A_1032 = arith.andi %add3A_1029, %and3A_1031 : vector<16xi32>
        %add3A_1033 = arith.addi %mul3A_904, %and3A_1032 : vector<16xi32>
        %gather3A_1034 = tpu.vector_load_idx %arg14[%add3A_896, %add3A_1033] : memref<128x128xf32, #tpu.memory_space<vmem>>[vector<16xi32>, vector<16xi32>], vector<16xf32>,
        %add3A_1035 = arith.addi %mul3A_914, %and3A_1032 : vector<16xi32>
        %gather3A_1036 = tpu.vector_load_idx %arg15[%add3A_896, %add3A_1035] : memref<128x128xf32, #tpu.memory_space<vmem>>[vector<16xi32>, vector<16xi32>], vector<16xf32>,
        %mul3A_1037 = arith.mulf %gather3A_1034, %gather3A_1036 : vector<16xf32>
        %add3A_1038 = arith.addf %add3A_1006, %mul3A_1037 : vector<16xf32>
        %add3A_1039 = arith.addi %mul3A_930, %and3A_1032 : vector<16xi32>
        %gather3A_1040 = tpu.vector_load_idx %arg16[%add3A_920, %add3A_1039] : memref<640x128xf32, #tpu.memory_space<vmem>>[vector<16xi32>, vector<16xi32>], vector<16xf32>,
        %mul3A_1041 = arith.mulf %gather3A_1034, %gather3A_1040 : vector<16xf32>
        %add3A_1042 = arith.addf %add3A_1010, %mul3A_1041 : vector<16xf32>
        %add3A_1043 = arith.addi %mul3A_946, %and3A_1032 : vector<16xi32>
        %gather3A_1044 = tpu.vector_load_idx %arg16[%add3A_936, %add3A_1043] : memref<640x128xf32, #tpu.memory_space<vmem>>[vector<16xi32>, vector<16xi32>], vector<16xf32>,
        %mul3A_1045 = arith.mulf %gather3A_1034, %gather3A_1044 : vector<16xf32>
        %add3A_1046 = arith.addf %add3A_1014, %mul3A_1045 : vector<16xf32>
        %add3A_1047 = arith.addi %mul3A_962, %and3A_1032 : vector<16xi32>
        %gather3A_1048 = tpu.vector_load_idx %arg16[%add3A_952, %add3A_1047] : memref<640x128xf32, #tpu.memory_space<vmem>>[vector<16xi32>, vector<16xi32>], vector<16xf32>,
        %mul3A_1049 = arith.mulf %gather3A_1034, %gather3A_1048 : vector<16xf32>
        %add3A_1050 = arith.addf %add3A_1018, %mul3A_1049 : vector<16xf32>
        %add3A_1051 = arith.addi %mul3A_978, %and3A_1032 : vector<16xi32>
        %gather3A_1052 = tpu.vector_load_idx %arg16[%add3A_968, %add3A_1051] : memref<640x128xf32, #tpu.memory_space<vmem>>[vector<16xi32>, vector<16xi32>], vector<16xf32>,
        %mul3A_1053 = arith.mulf %gather3A_1034, %gather3A_1052 : vector<16xf32>
        %add3A_1054 = arith.addf %add3A_1022, %mul3A_1053 : vector<16xf32>
        %add3A_1055 = arith.addi %mul3A_994, %and3A_1032 : vector<16xi32>
        %gather3A_1056 = tpu.vector_load_idx %arg16[%add3A_984, %add3A_1055] : memref<640x128xf32, #tpu.memory_space<vmem>>[vector<16xi32>, vector<16xi32>], vector<16xf32>,
        %mul3A_1057 = arith.mulf %gather3A_1034, %gather3A_1056 : vector<16xf32>
        %add3A_1058 = arith.addf %add3A_1026, %mul3A_1057 : vector<16xf32>
        %add3A_1059 = arith.constant 2 : i32
        %add3A_1060 = vector.broadcast %add3A_1059 : i32 to vector<16xi32>
        %add3A_1061 = arith.addi %add3A_1060, %iota3A : vector<16xi32>
        %and3A_1062 = arith.constant 63 : i32
        %and3A_1063 = vector.broadcast %and3A_1062 : i32 to vector<16xi32>
        %and3A_1064 = arith.andi %add3A_1061, %and3A_1063 : vector<16xi32>
        %add3A_1065 = arith.addi %mul3A_904, %and3A_1064 : vector<16xi32>
        %gather3A_1066 = tpu.vector_load_idx %arg14[%add3A_896, %add3A_1065] : memref<128x128xf32, #tpu.memory_space<vmem>>[vector<16xi32>, vector<16xi32>], vector<16xf32>,
        %add3A_1067 = arith.addi %mul3A_914, %and3A_1064 : vector<16xi32>
        %gather3A_1068 = tpu.vector_load_idx %arg15[%add3A_896, %add3A_1067] : memref<128x128xf32, #tpu.memory_space<vmem>>[vector<16xi32>, vector<16xi32>], vector<16xf32>,
        %mul3A_1069 = arith.mulf %gather3A_1066, %gather3A_1068 : vector<16xf32>
        %add3A_1070 = arith.addf %add3A_1038, %mul3A_1069 : vector<16xf32>
        %add3A_1071 = arith.addi %mul3A_930, %and3A_1064 : vector<16xi32>
        %gather3A_1072 = tpu.vector_load_idx %arg16[%add3A_920, %add3A_1071] : memref<640x128xf32, #tpu.memory_space<vmem>>[vector<16xi32>, vector<16xi32>], vector<16xf32>,
        %mul3A_1073 = arith.mulf %gather3A_1066, %gather3A_1072 : vector<16xf32>
        %add3A_1074 = arith.addf %add3A_1042, %mul3A_1073 : vector<16xf32>
        %add3A_1075 = arith.addi %mul3A_946, %and3A_1064 : vector<16xi32>
        %gather3A_1076 = tpu.vector_load_idx %arg16[%add3A_936, %add3A_1075] : memref<640x128xf32, #tpu.memory_space<vmem>>[vector<16xi32>, vector<16xi32>], vector<16xf32>,
        %mul3A_1077 = arith.mulf %gather3A_1066, %gather3A_1076 : vector<16xf32>
        %add3A_1078 = arith.addf %add3A_1046, %mul3A_1077 : vector<16xf32>
        %add3A_1079 = arith.addi %mul3A_962, %and3A_1064 : vector<16xi32>
        %gather3A_1080 = tpu.vector_load_idx %arg16[%add3A_952, %add3A_1079] : memref<640x128xf32, #tpu.memory_space<vmem>>[vector<16xi32>, vector<16xi32>], vector<16xf32>,
        %mul3A_1081 = arith.mulf %gather3A_1066, %gather3A_1080 : vector<16xf32>
        %add3A_1082 = arith.addf %add3A_1050, %mul3A_1081 : vector<16xf32>
        %add3A_1083 = arith.addi %mul3A_978, %and3A_1064 : vector<16xi32>
        %gather3A_1084 = tpu.vector_load_idx %arg16[%add3A_968, %add3A_1083] : memref<640x128xf32, #tpu.memory_space<vmem>>[vector<16xi32>, vector<16xi32>], vector<16xf32>,
        %mul3A_1085 = arith.mulf %gather3A_1066, %gather3A_1084 : vector<16xf32>
        %add3A_1086 = arith.addf %add3A_1054, %mul3A_1085 : vector<16xf32>
        %add3A_1087 = arith.addi %mul3A_994, %and3A_1064 : vector<16xi32>
        %gather3A_1088 = tpu.vector_load_idx %arg16[%add3A_984, %add3A_1087] : memref<640x128xf32, #tpu.memory_space<vmem>>[vector<16xi32>, vector<16xi32>], vector<16xf32>,
        %mul3A_1089 = arith.mulf %gather3A_1066, %gather3A_1088 : vector<16xf32>
        %add3A_1090 = arith.addf %add3A_1058, %mul3A_1089 : vector<16xf32>
        %add3A_1091 = arith.constant 3 : i32
        %add3A_1092 = vector.broadcast %add3A_1091 : i32 to vector<16xi32>
        %add3A_1093 = arith.addi %add3A_1092, %iota3A : vector<16xi32>
        %and3A_1094 = arith.constant 63 : i32
        %and3A_1095 = vector.broadcast %and3A_1094 : i32 to vector<16xi32>
        %and3A_1096 = arith.andi %add3A_1093, %and3A_1095 : vector<16xi32>
        %add3A_1097 = arith.addi %mul3A_904, %and3A_1096 : vector<16xi32>
        %gather3A_1098 = tpu.vector_load_idx %arg14[%add3A_896, %add3A_1097] : memref<128x128xf32, #tpu.memory_space<vmem>>[vector<16xi32>, vector<16xi32>], vector<16xf32>,
        %add3A_1099 = arith.addi %mul3A_914, %and3A_1096 : vector<16xi32>
        %gather3A_1100 = tpu.vector_load_idx %arg15[%add3A_896, %add3A_1099] : memref<128x128xf32, #tpu.memory_space<vmem>>[vector<16xi32>, vector<16xi32>], vector<16xf32>,
        %mul3A_1101 = arith.mulf %gather3A_1098, %gather3A_1100 : vector<16xf32>
        %add3A_1102 = arith.addf %add3A_1070, %mul3A_1101 : vector<16xf32>
        %add3A_1103 = arith.addi %mul3A_930, %and3A_1096 : vector<16xi32>
        %gather3A_1104 = tpu.vector_load_idx %arg16[%add3A_920, %add3A_1103] : memref<640x128xf32, #tpu.memory_space<vmem>>[vector<16xi32>, vector<16xi32>], vector<16xf32>,
        %mul3A_1105 = arith.mulf %gather3A_1098, %gather3A_1104 : vector<16xf32>
        %add3A_1106 = arith.addf %add3A_1074, %mul3A_1105 : vector<16xf32>
        %add3A_1107 = arith.addi %mul3A_946, %and3A_1096 : vector<16xi32>
        %gather3A_1108 = tpu.vector_load_idx %arg16[%add3A_936, %add3A_1107] : memref<640x128xf32, #tpu.memory_space<vmem>>[vector<16xi32>, vector<16xi32>], vector<16xf32>,
        %mul3A_1109 = arith.mulf %gather3A_1098, %gather3A_1108 : vector<16xf32>
        %add3A_1110 = arith.addf %add3A_1078, %mul3A_1109 : vector<16xf32>
        %add3A_1111 = arith.addi %mul3A_962, %and3A_1096 : vector<16xi32>
        %gather3A_1112 = tpu.vector_load_idx %arg16[%add3A_952, %add3A_1111] : memref<640x128xf32, #tpu.memory_space<vmem>>[vector<16xi32>, vector<16xi32>], vector<16xf32>,
        %mul3A_1113 = arith.mulf %gather3A_1098, %gather3A_1112 : vector<16xf32>
        %add3A_1114 = arith.addf %add3A_1082, %mul3A_1113 : vector<16xf32>
        %add3A_1115 = arith.addi %mul3A_978, %and3A_1096 : vector<16xi32>
        %gather3A_1116 = tpu.vector_load_idx %arg16[%add3A_968, %add3A_1115] : memref<640x128xf32, #tpu.memory_space<vmem>>[vector<16xi32>, vector<16xi32>], vector<16xf32>,
        %mul3A_1117 = arith.mulf %gather3A_1098, %gather3A_1116 : vector<16xf32>
        %add3A_1118 = arith.addf %add3A_1086, %mul3A_1117 : vector<16xf32>
        %add3A_1119 = arith.addi %mul3A_994, %and3A_1096 : vector<16xi32>
        %gather3A_1120 = tpu.vector_load_idx %arg16[%add3A_984, %add3A_1119] : memref<640x128xf32, #tpu.memory_space<vmem>>[vector<16xi32>, vector<16xi32>], vector<16xf32>,
        %mul3A_1121 = arith.mulf %gather3A_1098, %gather3A_1120 : vector<16xf32>
        %add3A_1122 = arith.addf %add3A_1090, %mul3A_1121 : vector<16xf32>
        %add3A_1123 = arith.constant 4 : i32
        %add3A_1124 = vector.broadcast %add3A_1123 : i32 to vector<16xi32>
        %add3A_1125 = arith.addi %add3A_1124, %iota3A : vector<16xi32>
        %and3A_1126 = arith.constant 63 : i32
        %and3A_1127 = vector.broadcast %and3A_1126 : i32 to vector<16xi32>
        %and3A_1128 = arith.andi %add3A_1125, %and3A_1127 : vector<16xi32>
        %add3A_1129 = arith.addi %mul3A_904, %and3A_1128 : vector<16xi32>
        %gather3A_1130 = tpu.vector_load_idx %arg14[%add3A_896, %add3A_1129] : memref<128x128xf32, #tpu.memory_space<vmem>>[vector<16xi32>, vector<16xi32>], vector<16xf32>,
        %add3A_1131 = arith.addi %mul3A_914, %and3A_1128 : vector<16xi32>
        %gather3A_1132 = tpu.vector_load_idx %arg15[%add3A_896, %add3A_1131] : memref<128x128xf32, #tpu.memory_space<vmem>>[vector<16xi32>, vector<16xi32>], vector<16xf32>,
        %mul3A_1133 = arith.mulf %gather3A_1130, %gather3A_1132 : vector<16xf32>
        %add3A_1134 = arith.addf %add3A_1102, %mul3A_1133 : vector<16xf32>
        %add3A_1135 = arith.addi %mul3A_930, %and3A_1128 : vector<16xi32>
        %gather3A_1136 = tpu.vector_load_idx %arg16[%add3A_920, %add3A_1135] : memref<640x128xf32, #tpu.memory_space<vmem>>[vector<16xi32>, vector<16xi32>], vector<16xf32>,
        %mul3A_1137 = arith.mulf %gather3A_1130, %gather3A_1136 : vector<16xf32>
        %add3A_1138 = arith.addf %add3A_1106, %mul3A_1137 : vector<16xf32>
        %add3A_1139 = arith.addi %mul3A_946, %and3A_1128 : vector<16xi32>
        %gather3A_1140 = tpu.vector_load_idx %arg16[%add3A_936, %add3A_1139] : memref<640x128xf32, #tpu.memory_space<vmem>>[vector<16xi32>, vector<16xi32>], vector<16xf32>,
        %mul3A_1141 = arith.mulf %gather3A_1130, %gather3A_1140 : vector<16xf32>
        %add3A_1142 = arith.addf %add3A_1110, %mul3A_1141 : vector<16xf32>
        %add3A_1143 = arith.addi %mul3A_962, %and3A_1128 : vector<16xi32>
        %gather3A_1144 = tpu.vector_load_idx %arg16[%add3A_952, %add3A_1143] : memref<640x128xf32, #tpu.memory_space<vmem>>[vector<16xi32>, vector<16xi32>], vector<16xf32>,
        %mul3A_1145 = arith.mulf %gather3A_1130, %gather3A_1144 : vector<16xf32>
        %add3A_1146 = arith.addf %add3A_1114, %mul3A_1145 : vector<16xf32>
        %add3A_1147 = arith.addi %mul3A_978, %and3A_1128 : vector<16xi32>
        %gather3A_1148 = tpu.vector_load_idx %arg16[%add3A_968, %add3A_1147] : memref<640x128xf32, #tpu.memory_space<vmem>>[vector<16xi32>, vector<16xi32>], vector<16xf32>,
        %mul3A_1149 = arith.mulf %gather3A_1130, %gather3A_1148 : vector<16xf32>
        %add3A_1150 = arith.addf %add3A_1118, %mul3A_1149 : vector<16xf32>
        %add3A_1151 = arith.addi %mul3A_994, %and3A_1128 : vector<16xi32>
        %gather3A_1152 = tpu.vector_load_idx %arg16[%add3A_984, %add3A_1151] : memref<640x128xf32, #tpu.memory_space<vmem>>[vector<16xi32>, vector<16xi32>], vector<16xf32>,
        %mul3A_1153 = arith.mulf %gather3A_1130, %gather3A_1152 : vector<16xf32>
        %add3A_1154 = arith.addf %add3A_1122, %mul3A_1153 : vector<16xf32>
        %add3A_1155 = arith.constant 5 : i32
        %add3A_1156 = vector.broadcast %add3A_1155 : i32 to vector<16xi32>
        %add3A_1157 = arith.addi %add3A_1156, %iota3A : vector<16xi32>
        %and3A_1158 = arith.constant 63 : i32
        %and3A_1159 = vector.broadcast %and3A_1158 : i32 to vector<16xi32>
        %and3A_1160 = arith.andi %add3A_1157, %and3A_1159 : vector<16xi32>
        %add3A_1161 = arith.addi %mul3A_904, %and3A_1160 : vector<16xi32>
        %gather3A_1162 = tpu.vector_load_idx %arg14[%add3A_896, %add3A_1161] : memref<128x128xf32, #tpu.memory_space<vmem>>[vector<16xi32>, vector<16xi32>], vector<16xf32>,
        %add3A_1163 = arith.addi %mul3A_914, %and3A_1160 : vector<16xi32>
        %gather3A_1164 = tpu.vector_load_idx %arg15[%add3A_896, %add3A_1163] : memref<128x128xf32, #tpu.memory_space<vmem>>[vector<16xi32>, vector<16xi32>], vector<16xf32>,
        %mul3A_1165 = arith.mulf %gather3A_1162, %gather3A_1164 : vector<16xf32>
        %add3A_1166 = arith.addf %add3A_1134, %mul3A_1165 : vector<16xf32>
        %add3A_1167 = arith.addi %mul3A_930, %and3A_1160 : vector<16xi32>
        %gather3A_1168 = tpu.vector_load_idx %arg16[%add3A_920, %add3A_1167] : memref<640x128xf32, #tpu.memory_space<vmem>>[vector<16xi32>, vector<16xi32>], vector<16xf32>,
        %mul3A_1169 = arith.mulf %gather3A_1162, %gather3A_1168 : vector<16xf32>
        %add3A_1170 = arith.addf %add3A_1138, %mul3A_1169 : vector<16xf32>
        %add3A_1171 = arith.addi %mul3A_946, %and3A_1160 : vector<16xi32>
        %gather3A_1172 = tpu.vector_load_idx %arg16[%add3A_936, %add3A_1171] : memref<640x128xf32, #tpu.memory_space<vmem>>[vector<16xi32>, vector<16xi32>], vector<16xf32>,
        %mul3A_1173 = arith.mulf %gather3A_1162, %gather3A_1172 : vector<16xf32>
        %add3A_1174 = arith.addf %add3A_1142, %mul3A_1173 : vector<16xf32>
        %add3A_1175 = arith.addi %mul3A_962, %and3A_1160 : vector<16xi32>
        %gather3A_1176 = tpu.vector_load_idx %arg16[%add3A_952, %add3A_1175] : memref<640x128xf32, #tpu.memory_space<vmem>>[vector<16xi32>, vector<16xi32>], vector<16xf32>,
        %mul3A_1177 = arith.mulf %gather3A_1162, %gather3A_1176 : vector<16xf32>
        %add3A_1178 = arith.addf %add3A_1146, %mul3A_1177 : vector<16xf32>
        %add3A_1179 = arith.addi %mul3A_978, %and3A_1160 : vector<16xi32>
        %gather3A_1180 = tpu.vector_load_idx %arg16[%add3A_968, %add3A_1179] : memref<640x128xf32, #tpu.memory_space<vmem>>[vector<16xi32>, vector<16xi32>], vector<16xf32>,
        %mul3A_1181 = arith.mulf %gather3A_1162, %gather3A_1180 : vector<16xf32>
        %add3A_1182 = arith.addf %add3A_1150, %mul3A_1181 : vector<16xf32>
        %add3A_1183 = arith.addi %mul3A_994, %and3A_1160 : vector<16xi32>
        %gather3A_1184 = tpu.vector_load_idx %arg16[%add3A_984, %add3A_1183] : memref<640x128xf32, #tpu.memory_space<vmem>>[vector<16xi32>, vector<16xi32>], vector<16xf32>,
        %mul3A_1185 = arith.mulf %gather3A_1162, %gather3A_1184 : vector<16xf32>
        %add3A_1186 = arith.addf %add3A_1154, %mul3A_1185 : vector<16xf32>
        %add3A_1187 = arith.constant 6 : i32
        %add3A_1188 = vector.broadcast %add3A_1187 : i32 to vector<16xi32>
        %add3A_1189 = arith.addi %add3A_1188, %iota3A : vector<16xi32>
        %and3A_1190 = arith.constant 63 : i32
        %and3A_1191 = vector.broadcast %and3A_1190 : i32 to vector<16xi32>
        %and3A_1192 = arith.andi %add3A_1189, %and3A_1191 : vector<16xi32>
        %add3A_1193 = arith.addi %mul3A_904, %and3A_1192 : vector<16xi32>
        %gather3A_1194 = tpu.vector_load_idx %arg14[%add3A_896, %add3A_1193] : memref<128x128xf32, #tpu.memory_space<vmem>>[vector<16xi32>, vector<16xi32>], vector<16xf32>,
        %add3A_1195 = arith.addi %mul3A_914, %and3A_1192 : vector<16xi32>
        %gather3A_1196 = tpu.vector_load_idx %arg15[%add3A_896, %add3A_1195] : memref<128x128xf32, #tpu.memory_space<vmem>>[vector<16xi32>, vector<16xi32>], vector<16xf32>,
        %mul3A_1197 = arith.mulf %gather3A_1194, %gather3A_1196 : vector<16xf32>
        %add3A_1198 = arith.addf %add3A_1166, %mul3A_1197 : vector<16xf32>
        %add3A_1199 = arith.addi %mul3A_930, %and3A_1192 : vector<16xi32>
        %gather3A_1200 = tpu.vector_load_idx %arg16[%add3A_920, %add3A_1199] : memref<640x128xf32, #tpu.memory_space<vmem>>[vector<16xi32>, vector<16xi32>], vector<16xf32>,
        %mul3A_1201 = arith.mulf %gather3A_1194, %gather3A_1200 : vector<16xf32>
        %add3A_1202 = arith.addf %add3A_1170, %mul3A_1201 : vector<16xf32>
        %add3A_1203 = arith.addi %mul3A_946, %and3A_1192 : vector<16xi32>
        %gather3A_1204 = tpu.vector_load_idx %arg16[%add3A_936, %add3A_1203] : memref<640x128xf32, #tpu.memory_space<vmem>>[vector<16xi32>, vector<16xi32>], vector<16xf32>,
        %mul3A_1205 = arith.mulf %gather3A_1194, %gather3A_1204 : vector<16xf32>
        %add3A_1206 = arith.addf %add3A_1174, %mul3A_1205 : vector<16xf32>
        %add3A_1207 = arith.addi %mul3A_962, %and3A_1192 : vector<16xi32>
        %gather3A_1208 = tpu.vector_load_idx %arg16[%add3A_952, %add3A_1207] : memref<640x128xf32, #tpu.memory_space<vmem>>[vector<16xi32>, vector<16xi32>], vector<16xf32>,
        %mul3A_1209 = arith.mulf %gather3A_1194, %gather3A_1208 : vector<16xf32>
        %add3A_1210 = arith.addf %add3A_1178, %mul3A_1209 : vector<16xf32>
        %add3A_1211 = arith.addi %mul3A_978, %and3A_1192 : vector<16xi32>
        %gather3A_1212 = tpu.vector_load_idx %arg16[%add3A_968, %add3A_1211] : memref<640x128xf32, #tpu.memory_space<vmem>>[vector<16xi32>, vector<16xi32>], vector<16xf32>,
        %mul3A_1213 = arith.mulf %gather3A_1194, %gather3A_1212 : vector<16xf32>
        %add3A_1214 = arith.addf %add3A_1182, %mul3A_1213 : vector<16xf32>
        %add3A_1215 = arith.addi %mul3A_994, %and3A_1192 : vector<16xi32>
        %gather3A_1216 = tpu.vector_load_idx %arg16[%add3A_984, %add3A_1215] : memref<640x128xf32, #tpu.memory_space<vmem>>[vector<16xi32>, vector<16xi32>], vector<16xf32>,
        %mul3A_1217 = arith.mulf %gather3A_1194, %gather3A_1216 : vector<16xf32>
        %add3A_1218 = arith.addf %add3A_1186, %mul3A_1217 : vector<16xf32>
        %add3A_1219 = arith.constant 7 : i32
        %add3A_1220 = vector.broadcast %add3A_1219 : i32 to vector<16xi32>
        %add3A_1221 = arith.addi %add3A_1220, %iota3A : vector<16xi32>
        %and3A_1222 = arith.constant 63 : i32
        %and3A_1223 = vector.broadcast %and3A_1222 : i32 to vector<16xi32>
        %and3A_1224 = arith.andi %add3A_1221, %and3A_1223 : vector<16xi32>
        %add3A_1225 = arith.addi %mul3A_904, %and3A_1224 : vector<16xi32>
        %gather3A_1226 = tpu.vector_load_idx %arg14[%add3A_896, %add3A_1225] : memref<128x128xf32, #tpu.memory_space<vmem>>[vector<16xi32>, vector<16xi32>], vector<16xf32>,
        %add3A_1227 = arith.addi %mul3A_914, %and3A_1224 : vector<16xi32>
        %gather3A_1228 = tpu.vector_load_idx %arg15[%add3A_896, %add3A_1227] : memref<128x128xf32, #tpu.memory_space<vmem>>[vector<16xi32>, vector<16xi32>], vector<16xf32>,
        %mul3A_1229 = arith.mulf %gather3A_1226, %gather3A_1228 : vector<16xf32>
        %add3A_1230 = arith.addf %add3A_1198, %mul3A_1229 : vector<16xf32>
        %add3A_1231 = arith.addi %mul3A_930, %and3A_1224 : vector<16xi32>
        %gather3A_1232 = tpu.vector_load_idx %arg16[%add3A_920, %add3A_1231] : memref<640x128xf32, #tpu.memory_space<vmem>>[vector<16xi32>, vector<16xi32>], vector<16xf32>,
        %mul3A_1233 = arith.mulf %gather3A_1226, %gather3A_1232 : vector<16xf32>
        %add3A_1234 = arith.addf %add3A_1202, %mul3A_1233 : vector<16xf32>
        %add3A_1235 = arith.addi %mul3A_946, %and3A_1224 : vector<16xi32>
        %gather3A_1236 = tpu.vector_load_idx %arg16[%add3A_936, %add3A_1235] : memref<640x128xf32, #tpu.memory_space<vmem>>[vector<16xi32>, vector<16xi32>], vector<16xf32>,
        %mul3A_1237 = arith.mulf %gather3A_1226, %gather3A_1236 : vector<16xf32>
        %add3A_1238 = arith.addf %add3A_1206, %mul3A_1237 : vector<16xf32>
        %add3A_1239 = arith.addi %mul3A_962, %and3A_1224 : vector<16xi32>
        %gather3A_1240 = tpu.vector_load_idx %arg16[%add3A_952, %add3A_1239] : memref<640x128xf32, #tpu.memory_space<vmem>>[vector<16xi32>, vector<16xi32>], vector<16xf32>,
        %mul3A_1241 = arith.mulf %gather3A_1226, %gather3A_1240 : vector<16xf32>
        %add3A_1242 = arith.addf %add3A_1210, %mul3A_1241 : vector<16xf32>
        %add3A_1243 = arith.addi %mul3A_978, %and3A_1224 : vector<16xi32>
        %gather3A_1244 = tpu.vector_load_idx %arg16[%add3A_968, %add3A_1243] : memref<640x128xf32, #tpu.memory_space<vmem>>[vector<16xi32>, vector<16xi32>], vector<16xf32>,
        %mul3A_1245 = arith.mulf %gather3A_1226, %gather3A_1244 : vector<16xf32>
        %add3A_1246 = arith.addf %add3A_1214, %mul3A_1245 : vector<16xf32>
        %add3A_1247 = arith.addi %mul3A_994, %and3A_1224 : vector<16xi32>
        %gather3A_1248 = tpu.vector_load_idx %arg16[%add3A_984, %add3A_1247] : memref<640x128xf32, #tpu.memory_space<vmem>>[vector<16xi32>, vector<16xi32>], vector<16xf32>,
        %mul3A_1249 = arith.mulf %gather3A_1226, %gather3A_1248 : vector<16xf32>
        %add3A_1250 = arith.addf %add3A_1218, %mul3A_1249 : vector<16xf32>
        %add3A_1251 = arith.constant 8 : i32
        %add3A_1252 = vector.broadcast %add3A_1251 : i32 to vector<16xi32>
        %add3A_1253 = arith.addi %add3A_1252, %iota3A : vector<16xi32>
        %and3A_1254 = arith.constant 63 : i32
        %and3A_1255 = vector.broadcast %and3A_1254 : i32 to vector<16xi32>
        %and3A_1256 = arith.andi %add3A_1253, %and3A_1255 : vector<16xi32>
        %add3A_1257 = arith.addi %mul3A_904, %and3A_1256 : vector<16xi32>
        %gather3A_1258 = tpu.vector_load_idx %arg14[%add3A_896, %add3A_1257] : memref<128x128xf32, #tpu.memory_space<vmem>>[vector<16xi32>, vector<16xi32>], vector<16xf32>,
        %add3A_1259 = arith.addi %mul3A_914, %and3A_1256 : vector<16xi32>
        %gather3A_1260 = tpu.vector_load_idx %arg15[%add3A_896, %add3A_1259] : memref<128x128xf32, #tpu.memory_space<vmem>>[vector<16xi32>, vector<16xi32>], vector<16xf32>,
        %mul3A_1261 = arith.mulf %gather3A_1258, %gather3A_1260 : vector<16xf32>
        %add3A_1262 = arith.addf %add3A_1230, %mul3A_1261 : vector<16xf32>
        %add3A_1263 = arith.addi %mul3A_930, %and3A_1256 : vector<16xi32>
        %gather3A_1264 = tpu.vector_load_idx %arg16[%add3A_920, %add3A_1263] : memref<640x128xf32, #tpu.memory_space<vmem>>[vector<16xi32>, vector<16xi32>], vector<16xf32>,
        %mul3A_1265 = arith.mulf %gather3A_1258, %gather3A_1264 : vector<16xf32>
        %add3A_1266 = arith.addf %add3A_1234, %mul3A_1265 : vector<16xf32>
        %add3A_1267 = arith.addi %mul3A_946, %and3A_1256 : vector<16xi32>
        %gather3A_1268 = tpu.vector_load_idx %arg16[%add3A_936, %add3A_1267] : memref<640x128xf32, #tpu.memory_space<vmem>>[vector<16xi32>, vector<16xi32>], vector<16xf32>,
        %mul3A_1269 = arith.mulf %gather3A_1258, %gather3A_1268 : vector<16xf32>
        %add3A_1270 = arith.addf %add3A_1238, %mul3A_1269 : vector<16xf32>
        %add3A_1271 = arith.addi %mul3A_962, %and3A_1256 : vector<16xi32>
        %gather3A_1272 = tpu.vector_load_idx %arg16[%add3A_952, %add3A_1271] : memref<640x128xf32, #tpu.memory_space<vmem>>[vector<16xi32>, vector<16xi32>], vector<16xf32>,
        %mul3A_1273 = arith.mulf %gather3A_1258, %gather3A_1272 : vector<16xf32>
        %add3A_1274 = arith.addf %add3A_1242, %mul3A_1273 : vector<16xf32>
        %add3A_1275 = arith.addi %mul3A_978, %and3A_1256 : vector<16xi32>
        %gather3A_1276 = tpu.vector_load_idx %arg16[%add3A_968, %add3A_1275] : memref<640x128xf32, #tpu.memory_space<vmem>>[vector<16xi32>, vector<16xi32>], vector<16xf32>,
        %mul3A_1277 = arith.mulf %gather3A_1258, %gather3A_1276 : vector<16xf32>
        %add3A_1278 = arith.addf %add3A_1246, %mul3A_1277 : vector<16xf32>
        %add3A_1279 = arith.addi %mul3A_994, %and3A_1256 : vector<16xi32>
        %gather3A_1280 = tpu.vector_load_idx %arg16[%add3A_984, %add3A_1279] : memref<640x128xf32, #tpu.memory_space<vmem>>[vector<16xi32>, vector<16xi32>], vector<16xf32>,
        %mul3A_1281 = arith.mulf %gather3A_1258, %gather3A_1280 : vector<16xf32>
        %add3A_1282 = arith.addf %add3A_1250, %mul3A_1281 : vector<16xf32>
        %add3A_1283 = arith.constant 9 : i32
        %add3A_1284 = vector.broadcast %add3A_1283 : i32 to vector<16xi32>
        %add3A_1285 = arith.addi %add3A_1284, %iota3A : vector<16xi32>
        %and3A_1286 = arith.constant 63 : i32
        %and3A_1287 = vector.broadcast %and3A_1286 : i32 to vector<16xi32>
        %and3A_1288 = arith.andi %add3A_1285, %and3A_1287 : vector<16xi32>
        %add3A_1289 = arith.addi %mul3A_904, %and3A_1288 : vector<16xi32>
        %gather3A_1290 = tpu.vector_load_idx %arg14[%add3A_896, %add3A_1289] : memref<128x128xf32, #tpu.memory_space<vmem>>[vector<16xi32>, vector<16xi32>], vector<16xf32>,
        %add3A_1291 = arith.addi %mul3A_914, %and3A_1288 : vector<16xi32>
        %gather3A_1292 = tpu.vector_load_idx %arg15[%add3A_896, %add3A_1291] : memref<128x128xf32, #tpu.memory_space<vmem>>[vector<16xi32>, vector<16xi32>], vector<16xf32>,
        %mul3A_1293 = arith.mulf %gather3A_1290, %gather3A_1292 : vector<16xf32>
        %add3A_1294 = arith.addf %add3A_1262, %mul3A_1293 : vector<16xf32>
        %add3A_1295 = arith.addi %mul3A_930, %and3A_1288 : vector<16xi32>
        %gather3A_1296 = tpu.vector_load_idx %arg16[%add3A_920, %add3A_1295] : memref<640x128xf32, #tpu.memory_space<vmem>>[vector<16xi32>, vector<16xi32>], vector<16xf32>,
        %mul3A_1297 = arith.mulf %gather3A_1290, %gather3A_1296 : vector<16xf32>
        %add3A_1298 = arith.addf %add3A_1266, %mul3A_1297 : vector<16xf32>
        %add3A_1299 = arith.addi %mul3A_946, %and3A_1288 : vector<16xi32>
        %gather3A_1300 = tpu.vector_load_idx %arg16[%add3A_936, %add3A_1299] : memref<640x128xf32, #tpu.memory_space<vmem>>[vector<16xi32>, vector<16xi32>], vector<16xf32>,
        %mul3A_1301 = arith.mulf %gather3A_1290, %gather3A_1300 : vector<16xf32>
        %add3A_1302 = arith.addf %add3A_1270, %mul3A_1301 : vector<16xf32>
        %add3A_1303 = arith.addi %mul3A_962, %and3A_1288 : vector<16xi32>
        %gather3A_1304 = tpu.vector_load_idx %arg16[%add3A_952, %add3A_1303] : memref<640x128xf32, #tpu.memory_space<vmem>>[vector<16xi32>, vector<16xi32>], vector<16xf32>,
        %mul3A_1305 = arith.mulf %gather3A_1290, %gather3A_1304 : vector<16xf32>
        %add3A_1306 = arith.addf %add3A_1274, %mul3A_1305 : vector<16xf32>
        %add3A_1307 = arith.addi %mul3A_978, %and3A_1288 : vector<16xi32>
        %gather3A_1308 = tpu.vector_load_idx %arg16[%add3A_968, %add3A_1307] : memref<640x128xf32, #tpu.memory_space<vmem>>[vector<16xi32>, vector<16xi32>], vector<16xf32>,
        %mul3A_1309 = arith.mulf %gather3A_1290, %gather3A_1308 : vector<16xf32>
        %add3A_1310 = arith.addf %add3A_1278, %mul3A_1309 : vector<16xf32>
        %add3A_1311 = arith.addi %mul3A_994, %and3A_1288 : vector<16xi32>
        %gather3A_1312 = tpu.vector_load_idx %arg16[%add3A_984, %add3A_1311] : memref<640x128xf32, #tpu.memory_space<vmem>>[vector<16xi32>, vector<16xi32>], vector<16xf32>,
        %mul3A_1313 = arith.mulf %gather3A_1290, %gather3A_1312 : vector<16xf32>
        %add3A_1314 = arith.addf %add3A_1282, %mul3A_1313 : vector<16xf32>
        %add3A_1315 = arith.constant 10 : i32
        %add3A_1316 = vector.broadcast %add3A_1315 : i32 to vector<16xi32>
        %add3A_1317 = arith.addi %add3A_1316, %iota3A : vector<16xi32>
        %and3A_1318 = arith.constant 63 : i32
        %and3A_1319 = vector.broadcast %and3A_1318 : i32 to vector<16xi32>
        %and3A_1320 = arith.andi %add3A_1317, %and3A_1319 : vector<16xi32>
        %add3A_1321 = arith.addi %mul3A_904, %and3A_1320 : vector<16xi32>
        %gather3A_1322 = tpu.vector_load_idx %arg14[%add3A_896, %add3A_1321] : memref<128x128xf32, #tpu.memory_space<vmem>>[vector<16xi32>, vector<16xi32>], vector<16xf32>,
        %add3A_1323 = arith.addi %mul3A_914, %and3A_1320 : vector<16xi32>
        %gather3A_1324 = tpu.vector_load_idx %arg15[%add3A_896, %add3A_1323] : memref<128x128xf32, #tpu.memory_space<vmem>>[vector<16xi32>, vector<16xi32>], vector<16xf32>,
        %mul3A_1325 = arith.mulf %gather3A_1322, %gather3A_1324 : vector<16xf32>
        %add3A_1326 = arith.addf %add3A_1294, %mul3A_1325 : vector<16xf32>
        %add3A_1327 = arith.addi %mul3A_930, %and3A_1320 : vector<16xi32>
        %gather3A_1328 = tpu.vector_load_idx %arg16[%add3A_920, %add3A_1327] : memref<640x128xf32, #tpu.memory_space<vmem>>[vector<16xi32>, vector<16xi32>], vector<16xf32>,
        %mul3A_1329 = arith.mulf %gather3A_1322, %gather3A_1328 : vector<16xf32>
        %add3A_1330 = arith.addf %add3A_1298, %mul3A_1329 : vector<16xf32>
        %add3A_1331 = arith.addi %mul3A_946, %and3A_1320 : vector<16xi32>
        %gather3A_1332 = tpu.vector_load_idx %arg16[%add3A_936, %add3A_1331] : memref<640x128xf32, #tpu.memory_space<vmem>>[vector<16xi32>, vector<16xi32>], vector<16xf32>,
        %mul3A_1333 = arith.mulf %gather3A_1322, %gather3A_1332 : vector<16xf32>
        %add3A_1334 = arith.addf %add3A_1302, %mul3A_1333 : vector<16xf32>
        %add3A_1335 = arith.addi %mul3A_962, %and3A_1320 : vector<16xi32>
        %gather3A_1336 = tpu.vector_load_idx %arg16[%add3A_952, %add3A_1335] : memref<640x128xf32, #tpu.memory_space<vmem>>[vector<16xi32>, vector<16xi32>], vector<16xf32>,
        %mul3A_1337 = arith.mulf %gather3A_1322, %gather3A_1336 : vector<16xf32>
        %add3A_1338 = arith.addf %add3A_1306, %mul3A_1337 : vector<16xf32>
        %add3A_1339 = arith.addi %mul3A_978, %and3A_1320 : vector<16xi32>
        %gather3A_1340 = tpu.vector_load_idx %arg16[%add3A_968, %add3A_1339] : memref<640x128xf32, #tpu.memory_space<vmem>>[vector<16xi32>, vector<16xi32>], vector<16xf32>,
        %mul3A_1341 = arith.mulf %gather3A_1322, %gather3A_1340 : vector<16xf32>
        %add3A_1342 = arith.addf %add3A_1310, %mul3A_1341 : vector<16xf32>
        %add3A_1343 = arith.addi %mul3A_994, %and3A_1320 : vector<16xi32>
        %gather3A_1344 = tpu.vector_load_idx %arg16[%add3A_984, %add3A_1343] : memref<640x128xf32, #tpu.memory_space<vmem>>[vector<16xi32>, vector<16xi32>], vector<16xf32>,
        %mul3A_1345 = arith.mulf %gather3A_1322, %gather3A_1344 : vector<16xf32>
        %add3A_1346 = arith.addf %add3A_1314, %mul3A_1345 : vector<16xf32>
        %add3A_1347 = arith.constant 11 : i32
        %add3A_1348 = vector.broadcast %add3A_1347 : i32 to vector<16xi32>
        %add3A_1349 = arith.addi %add3A_1348, %iota3A : vector<16xi32>
        %and3A_1350 = arith.constant 63 : i32
        %and3A_1351 = vector.broadcast %and3A_1350 : i32 to vector<16xi32>
        %and3A_1352 = arith.andi %add3A_1349, %and3A_1351 : vector<16xi32>
        %add3A_1353 = arith.addi %mul3A_904, %and3A_1352 : vector<16xi32>
        %gather3A_1354 = tpu.vector_load_idx %arg14[%add3A_896, %add3A_1353] : memref<128x128xf32, #tpu.memory_space<vmem>>[vector<16xi32>, vector<16xi32>], vector<16xf32>,
        %add3A_1355 = arith.addi %mul3A_914, %and3A_1352 : vector<16xi32>
        %gather3A_1356 = tpu.vector_load_idx %arg15[%add3A_896, %add3A_1355] : memref<128x128xf32, #tpu.memory_space<vmem>>[vector<16xi32>, vector<16xi32>], vector<16xf32>,
        %mul3A_1357 = arith.mulf %gather3A_1354, %gather3A_1356 : vector<16xf32>
        %add3A_1358 = arith.addf %add3A_1326, %mul3A_1357 : vector<16xf32>
        %add3A_1359 = arith.addi %mul3A_930, %and3A_1352 : vector<16xi32>
        %gather3A_1360 = tpu.vector_load_idx %arg16[%add3A_920, %add3A_1359] : memref<640x128xf32, #tpu.memory_space<vmem>>[vector<16xi32>, vector<16xi32>], vector<16xf32>,
        %mul3A_1361 = arith.mulf %gather3A_1354, %gather3A_1360 : vector<16xf32>
        %add3A_1362 = arith.addf %add3A_1330, %mul3A_1361 : vector<16xf32>
        %add3A_1363 = arith.addi %mul3A_946, %and3A_1352 : vector<16xi32>
        %gather3A_1364 = tpu.vector_load_idx %arg16[%add3A_936, %add3A_1363] : memref<640x128xf32, #tpu.memory_space<vmem>>[vector<16xi32>, vector<16xi32>], vector<16xf32>,
        %mul3A_1365 = arith.mulf %gather3A_1354, %gather3A_1364 : vector<16xf32>
        %add3A_1366 = arith.addf %add3A_1334, %mul3A_1365 : vector<16xf32>
        %add3A_1367 = arith.addi %mul3A_962, %and3A_1352 : vector<16xi32>
        %gather3A_1368 = tpu.vector_load_idx %arg16[%add3A_952, %add3A_1367] : memref<640x128xf32, #tpu.memory_space<vmem>>[vector<16xi32>, vector<16xi32>], vector<16xf32>,
        %mul3A_1369 = arith.mulf %gather3A_1354, %gather3A_1368 : vector<16xf32>
        %add3A_1370 = arith.addf %add3A_1338, %mul3A_1369 : vector<16xf32>
        %add3A_1371 = arith.addi %mul3A_978, %and3A_1352 : vector<16xi32>
        %gather3A_1372 = tpu.vector_load_idx %arg16[%add3A_968, %add3A_1371] : memref<640x128xf32, #tpu.memory_space<vmem>>[vector<16xi32>, vector<16xi32>], vector<16xf32>,
        %mul3A_1373 = arith.mulf %gather3A_1354, %gather3A_1372 : vector<16xf32>
        %add3A_1374 = arith.addf %add3A_1342, %mul3A_1373 : vector<16xf32>
        %add3A_1375 = arith.addi %mul3A_994, %and3A_1352 : vector<16xi32>
        %gather3A_1376 = tpu.vector_load_idx %arg16[%add3A_984, %add3A_1375] : memref<640x128xf32, #tpu.memory_space<vmem>>[vector<16xi32>, vector<16xi32>], vector<16xf32>,
        %mul3A_1377 = arith.mulf %gather3A_1354, %gather3A_1376 : vector<16xf32>
        %add3A_1378 = arith.addf %add3A_1346, %mul3A_1377 : vector<16xf32>
        %add3A_1379 = arith.constant 12 : i32
        %add3A_1380 = vector.broadcast %add3A_1379 : i32 to vector<16xi32>
        %add3A_1381 = arith.addi %add3A_1380, %iota3A : vector<16xi32>
        %and3A_1382 = arith.constant 63 : i32
        %and3A_1383 = vector.broadcast %and3A_1382 : i32 to vector<16xi32>
        %and3A_1384 = arith.andi %add3A_1381, %and3A_1383 : vector<16xi32>
        %add3A_1385 = arith.addi %mul3A_904, %and3A_1384 : vector<16xi32>
        %gather3A_1386 = tpu.vector_load_idx %arg14[%add3A_896, %add3A_1385] : memref<128x128xf32, #tpu.memory_space<vmem>>[vector<16xi32>, vector<16xi32>], vector<16xf32>,
        %add3A_1387 = arith.addi %mul3A_914, %and3A_1384 : vector<16xi32>
        %gather3A_1388 = tpu.vector_load_idx %arg15[%add3A_896, %add3A_1387] : memref<128x128xf32, #tpu.memory_space<vmem>>[vector<16xi32>, vector<16xi32>], vector<16xf32>,
        %mul3A_1389 = arith.mulf %gather3A_1386, %gather3A_1388 : vector<16xf32>
        %add3A_1390 = arith.addf %add3A_1358, %mul3A_1389 : vector<16xf32>
        %add3A_1391 = arith.addi %mul3A_930, %and3A_1384 : vector<16xi32>
        %gather3A_1392 = tpu.vector_load_idx %arg16[%add3A_920, %add3A_1391] : memref<640x128xf32, #tpu.memory_space<vmem>>[vector<16xi32>, vector<16xi32>], vector<16xf32>,
        %mul3A_1393 = arith.mulf %gather3A_1386, %gather3A_1392 : vector<16xf32>
        %add3A_1394 = arith.addf %add3A_1362, %mul3A_1393 : vector<16xf32>
        %add3A_1395 = arith.addi %mul3A_946, %and3A_1384 : vector<16xi32>
        %gather3A_1396 = tpu.vector_load_idx %arg16[%add3A_936, %add3A_1395] : memref<640x128xf32, #tpu.memory_space<vmem>>[vector<16xi32>, vector<16xi32>], vector<16xf32>,
        %mul3A_1397 = arith.mulf %gather3A_1386, %gather3A_1396 : vector<16xf32>
        %add3A_1398 = arith.addf %add3A_1366, %mul3A_1397 : vector<16xf32>
        %add3A_1399 = arith.addi %mul3A_962, %and3A_1384 : vector<16xi32>
        %gather3A_1400 = tpu.vector_load_idx %arg16[%add3A_952, %add3A_1399] : memref<640x128xf32, #tpu.memory_space<vmem>>[vector<16xi32>, vector<16xi32>], vector<16xf32>,
        %mul3A_1401 = arith.mulf %gather3A_1386, %gather3A_1400 : vector<16xf32>
        %add3A_1402 = arith.addf %add3A_1370, %mul3A_1401 : vector<16xf32>
        %add3A_1403 = arith.addi %mul3A_978, %and3A_1384 : vector<16xi32>
        %gather3A_1404 = tpu.vector_load_idx %arg16[%add3A_968, %add3A_1403] : memref<640x128xf32, #tpu.memory_space<vmem>>[vector<16xi32>, vector<16xi32>], vector<16xf32>,
        %mul3A_1405 = arith.mulf %gather3A_1386, %gather3A_1404 : vector<16xf32>
        %add3A_1406 = arith.addf %add3A_1374, %mul3A_1405 : vector<16xf32>
        %add3A_1407 = arith.addi %mul3A_994, %and3A_1384 : vector<16xi32>
        %gather3A_1408 = tpu.vector_load_idx %arg16[%add3A_984, %add3A_1407] : memref<640x128xf32, #tpu.memory_space<vmem>>[vector<16xi32>, vector<16xi32>], vector<16xf32>,
        %mul3A_1409 = arith.mulf %gather3A_1386, %gather3A_1408 : vector<16xf32>
        %add3A_1410 = arith.addf %add3A_1378, %mul3A_1409 : vector<16xf32>
        %add3A_1411 = arith.constant 13 : i32
        %add3A_1412 = vector.broadcast %add3A_1411 : i32 to vector<16xi32>
        %add3A_1413 = arith.addi %add3A_1412, %iota3A : vector<16xi32>
        %and3A_1414 = arith.constant 63 : i32
        %and3A_1415 = vector.broadcast %and3A_1414 : i32 to vector<16xi32>
        %and3A_1416 = arith.andi %add3A_1413, %and3A_1415 : vector<16xi32>
        %add3A_1417 = arith.addi %mul3A_904, %and3A_1416 : vector<16xi32>
        %gather3A_1418 = tpu.vector_load_idx %arg14[%add3A_896, %add3A_1417] : memref<128x128xf32, #tpu.memory_space<vmem>>[vector<16xi32>, vector<16xi32>], vector<16xf32>,
        %add3A_1419 = arith.addi %mul3A_914, %and3A_1416 : vector<16xi32>
        %gather3A_1420 = tpu.vector_load_idx %arg15[%add3A_896, %add3A_1419] : memref<128x128xf32, #tpu.memory_space<vmem>>[vector<16xi32>, vector<16xi32>], vector<16xf32>,
        %mul3A_1421 = arith.mulf %gather3A_1418, %gather3A_1420 : vector<16xf32>
        %add3A_1422 = arith.addf %add3A_1390, %mul3A_1421 : vector<16xf32>
        %add3A_1423 = arith.addi %mul3A_930, %and3A_1416 : vector<16xi32>
        %gather3A_1424 = tpu.vector_load_idx %arg16[%add3A_920, %add3A_1423] : memref<640x128xf32, #tpu.memory_space<vmem>>[vector<16xi32>, vector<16xi32>], vector<16xf32>,
        %mul3A_1425 = arith.mulf %gather3A_1418, %gather3A_1424 : vector<16xf32>
        %add3A_1426 = arith.addf %add3A_1394, %mul3A_1425 : vector<16xf32>
        %add3A_1427 = arith.addi %mul3A_946, %and3A_1416 : vector<16xi32>
        %gather3A_1428 = tpu.vector_load_idx %arg16[%add3A_936, %add3A_1427] : memref<640x128xf32, #tpu.memory_space<vmem>>[vector<16xi32>, vector<16xi32>], vector<16xf32>,
        %mul3A_1429 = arith.mulf %gather3A_1418, %gather3A_1428 : vector<16xf32>
        %add3A_1430 = arith.addf %add3A_1398, %mul3A_1429 : vector<16xf32>
        %add3A_1431 = arith.addi %mul3A_962, %and3A_1416 : vector<16xi32>
        %gather3A_1432 = tpu.vector_load_idx %arg16[%add3A_952, %add3A_1431] : memref<640x128xf32, #tpu.memory_space<vmem>>[vector<16xi32>, vector<16xi32>], vector<16xf32>,
        %mul3A_1433 = arith.mulf %gather3A_1418, %gather3A_1432 : vector<16xf32>
        %add3A_1434 = arith.addf %add3A_1402, %mul3A_1433 : vector<16xf32>
        %add3A_1435 = arith.addi %mul3A_978, %and3A_1416 : vector<16xi32>
        %gather3A_1436 = tpu.vector_load_idx %arg16[%add3A_968, %add3A_1435] : memref<640x128xf32, #tpu.memory_space<vmem>>[vector<16xi32>, vector<16xi32>], vector<16xf32>,
        %mul3A_1437 = arith.mulf %gather3A_1418, %gather3A_1436 : vector<16xf32>
        %add3A_1438 = arith.addf %add3A_1406, %mul3A_1437 : vector<16xf32>
        %add3A_1439 = arith.addi %mul3A_994, %and3A_1416 : vector<16xi32>
        %gather3A_1440 = tpu.vector_load_idx %arg16[%add3A_984, %add3A_1439] : memref<640x128xf32, #tpu.memory_space<vmem>>[vector<16xi32>, vector<16xi32>], vector<16xf32>,
        %mul3A_1441 = arith.mulf %gather3A_1418, %gather3A_1440 : vector<16xf32>
        %add3A_1442 = arith.addf %add3A_1410, %mul3A_1441 : vector<16xf32>
        %add3A_1443 = arith.constant 14 : i32
        %add3A_1444 = vector.broadcast %add3A_1443 : i32 to vector<16xi32>
        %add3A_1445 = arith.addi %add3A_1444, %iota3A : vector<16xi32>
        %and3A_1446 = arith.constant 63 : i32
        %and3A_1447 = vector.broadcast %and3A_1446 : i32 to vector<16xi32>
        %and3A_1448 = arith.andi %add3A_1445, %and3A_1447 : vector<16xi32>
        %add3A_1449 = arith.addi %mul3A_904, %and3A_1448 : vector<16xi32>
        %gather3A_1450 = tpu.vector_load_idx %arg14[%add3A_896, %add3A_1449] : memref<128x128xf32, #tpu.memory_space<vmem>>[vector<16xi32>, vector<16xi32>], vector<16xf32>,
        %add3A_1451 = arith.addi %mul3A_914, %and3A_1448 : vector<16xi32>
        %gather3A_1452 = tpu.vector_load_idx %arg15[%add3A_896, %add3A_1451] : memref<128x128xf32, #tpu.memory_space<vmem>>[vector<16xi32>, vector<16xi32>], vector<16xf32>,
        %mul3A_1453 = arith.mulf %gather3A_1450, %gather3A_1452 : vector<16xf32>
        %add3A_1454 = arith.addf %add3A_1422, %mul3A_1453 : vector<16xf32>
        %add3A_1455 = arith.addi %mul3A_930, %and3A_1448 : vector<16xi32>
        %gather3A_1456 = tpu.vector_load_idx %arg16[%add3A_920, %add3A_1455] : memref<640x128xf32, #tpu.memory_space<vmem>>[vector<16xi32>, vector<16xi32>], vector<16xf32>,
        %mul3A_1457 = arith.mulf %gather3A_1450, %gather3A_1456 : vector<16xf32>
        %add3A_1458 = arith.addf %add3A_1426, %mul3A_1457 : vector<16xf32>
        %add3A_1459 = arith.addi %mul3A_946, %and3A_1448 : vector<16xi32>
        %gather3A_1460 = tpu.vector_load_idx %arg16[%add3A_936, %add3A_1459] : memref<640x128xf32, #tpu.memory_space<vmem>>[vector<16xi32>, vector<16xi32>], vector<16xf32>,
        %mul3A_1461 = arith.mulf %gather3A_1450, %gather3A_1460 : vector<16xf32>
        %add3A_1462 = arith.addf %add3A_1430, %mul3A_1461 : vector<16xf32>
        %add3A_1463 = arith.addi %mul3A_962, %and3A_1448 : vector<16xi32>
        %gather3A_1464 = tpu.vector_load_idx %arg16[%add3A_952, %add3A_1463] : memref<640x128xf32, #tpu.memory_space<vmem>>[vector<16xi32>, vector<16xi32>], vector<16xf32>,
        %mul3A_1465 = arith.mulf %gather3A_1450, %gather3A_1464 : vector<16xf32>
        %add3A_1466 = arith.addf %add3A_1434, %mul3A_1465 : vector<16xf32>
        %add3A_1467 = arith.addi %mul3A_978, %and3A_1448 : vector<16xi32>
        %gather3A_1468 = tpu.vector_load_idx %arg16[%add3A_968, %add3A_1467] : memref<640x128xf32, #tpu.memory_space<vmem>>[vector<16xi32>, vector<16xi32>], vector<16xf32>,
        %mul3A_1469 = arith.mulf %gather3A_1450, %gather3A_1468 : vector<16xf32>
        %add3A_1470 = arith.addf %add3A_1438, %mul3A_1469 : vector<16xf32>
        %add3A_1471 = arith.addi %mul3A_994, %and3A_1448 : vector<16xi32>
        %gather3A_1472 = tpu.vector_load_idx %arg16[%add3A_984, %add3A_1471] : memref<640x128xf32, #tpu.memory_space<vmem>>[vector<16xi32>, vector<16xi32>], vector<16xf32>,
        %mul3A_1473 = arith.mulf %gather3A_1450, %gather3A_1472 : vector<16xf32>
        %add3A_1474 = arith.addf %add3A_1442, %mul3A_1473 : vector<16xf32>
        %add3A_1475 = arith.constant 15 : i32
        %add3A_1476 = vector.broadcast %add3A_1475 : i32 to vector<16xi32>
        %add3A_1477 = arith.addi %add3A_1476, %iota3A : vector<16xi32>
        %and3A_1478 = arith.constant 63 : i32
        %and3A_1479 = vector.broadcast %and3A_1478 : i32 to vector<16xi32>
        %and3A_1480 = arith.andi %add3A_1477, %and3A_1479 : vector<16xi32>
        %add3A_1481 = arith.addi %mul3A_904, %and3A_1480 : vector<16xi32>
        %gather3A_1482 = tpu.vector_load_idx %arg14[%add3A_896, %add3A_1481] : memref<128x128xf32, #tpu.memory_space<vmem>>[vector<16xi32>, vector<16xi32>], vector<16xf32>,
        %add3A_1483 = arith.addi %mul3A_914, %and3A_1480 : vector<16xi32>
        %gather3A_1484 = tpu.vector_load_idx %arg15[%add3A_896, %add3A_1483] : memref<128x128xf32, #tpu.memory_space<vmem>>[vector<16xi32>, vector<16xi32>], vector<16xf32>,
        %mul3A_1485 = arith.mulf %gather3A_1482, %gather3A_1484 : vector<16xf32>
        %add3A_1486 = arith.addf %add3A_1454, %mul3A_1485 : vector<16xf32>
        %add3A_1487 = arith.addi %mul3A_930, %and3A_1480 : vector<16xi32>
        %gather3A_1488 = tpu.vector_load_idx %arg16[%add3A_920, %add3A_1487] : memref<640x128xf32, #tpu.memory_space<vmem>>[vector<16xi32>, vector<16xi32>], vector<16xf32>,
        %mul3A_1489 = arith.mulf %gather3A_1482, %gather3A_1488 : vector<16xf32>
        %add3A_1490 = arith.addf %add3A_1458, %mul3A_1489 : vector<16xf32>
        %add3A_1491 = arith.addi %mul3A_946, %and3A_1480 : vector<16xi32>
        %gather3A_1492 = tpu.vector_load_idx %arg16[%add3A_936, %add3A_1491] : memref<640x128xf32, #tpu.memory_space<vmem>>[vector<16xi32>, vector<16xi32>], vector<16xf32>,
        %mul3A_1493 = arith.mulf %gather3A_1482, %gather3A_1492 : vector<16xf32>
        %add3A_1494 = arith.addf %add3A_1462, %mul3A_1493 : vector<16xf32>
        %add3A_1495 = arith.addi %mul3A_962, %and3A_1480 : vector<16xi32>
        %gather3A_1496 = tpu.vector_load_idx %arg16[%add3A_952, %add3A_1495] : memref<640x128xf32, #tpu.memory_space<vmem>>[vector<16xi32>, vector<16xi32>], vector<16xf32>,
        %mul3A_1497 = arith.mulf %gather3A_1482, %gather3A_1496 : vector<16xf32>
        %add3A_1498 = arith.addf %add3A_1466, %mul3A_1497 : vector<16xf32>
        %add3A_1499 = arith.addi %mul3A_978, %and3A_1480 : vector<16xi32>
        %gather3A_1500 = tpu.vector_load_idx %arg16[%add3A_968, %add3A_1499] : memref<640x128xf32, #tpu.memory_space<vmem>>[vector<16xi32>, vector<16xi32>], vector<16xf32>,
        %mul3A_1501 = arith.mulf %gather3A_1482, %gather3A_1500 : vector<16xf32>
        %add3A_1502 = arith.addf %add3A_1470, %mul3A_1501 : vector<16xf32>
        %add3A_1503 = arith.addi %mul3A_994, %and3A_1480 : vector<16xi32>
        %gather3A_1504 = tpu.vector_load_idx %arg16[%add3A_984, %add3A_1503] : memref<640x128xf32, #tpu.memory_space<vmem>>[vector<16xi32>, vector<16xi32>], vector<16xf32>,
        %mul3A_1505 = arith.mulf %gather3A_1482, %gather3A_1504 : vector<16xf32>
        %add3A_1506 = arith.addf %add3A_1474, %mul3A_1505 : vector<16xf32>
        %add3A_1507 = arith.constant 16 : i32
        %add3A_1508 = vector.broadcast %add3A_1507 : i32 to vector<16xi32>
        %add3A_1509 = arith.addi %add3A_1508, %iota3A : vector<16xi32>
        %and3A_1510 = arith.constant 63 : i32
        %and3A_1511 = vector.broadcast %and3A_1510 : i32 to vector<16xi32>
        %and3A_1512 = arith.andi %add3A_1509, %and3A_1511 : vector<16xi32>
        %add3A_1513 = arith.addi %mul3A_904, %and3A_1512 : vector<16xi32>
        %gather3A_1514 = tpu.vector_load_idx %arg14[%add3A_896, %add3A_1513] : memref<128x128xf32, #tpu.memory_space<vmem>>[vector<16xi32>, vector<16xi32>], vector<16xf32>,
        %add3A_1515 = arith.addi %mul3A_914, %and3A_1512 : vector<16xi32>
        %gather3A_1516 = tpu.vector_load_idx %arg15[%add3A_896, %add3A_1515] : memref<128x128xf32, #tpu.memory_space<vmem>>[vector<16xi32>, vector<16xi32>], vector<16xf32>,
        %mul3A_1517 = arith.mulf %gather3A_1514, %gather3A_1516 : vector<16xf32>
        %add3A_1518 = arith.addf %add3A_1486, %mul3A_1517 : vector<16xf32>
        %add3A_1519 = arith.addi %mul3A_930, %and3A_1512 : vector<16xi32>
        %gather3A_1520 = tpu.vector_load_idx %arg16[%add3A_920, %add3A_1519] : memref<640x128xf32, #tpu.memory_space<vmem>>[vector<16xi32>, vector<16xi32>], vector<16xf32>,
        %mul3A_1521 = arith.mulf %gather3A_1514, %gather3A_1520 : vector<16xf32>
        %add3A_1522 = arith.addf %add3A_1490, %mul3A_1521 : vector<16xf32>
        %add3A_1523 = arith.addi %mul3A_946, %and3A_1512 : vector<16xi32>
        %gather3A_1524 = tpu.vector_load_idx %arg16[%add3A_936, %add3A_1523] : memref<640x128xf32, #tpu.memory_space<vmem>>[vector<16xi32>, vector<16xi32>], vector<16xf32>,
        %mul3A_1525 = arith.mulf %gather3A_1514, %gather3A_1524 : vector<16xf32>
        %add3A_1526 = arith.addf %add3A_1494, %mul3A_1525 : vector<16xf32>
        %add3A_1527 = arith.addi %mul3A_962, %and3A_1512 : vector<16xi32>
        %gather3A_1528 = tpu.vector_load_idx %arg16[%add3A_952, %add3A_1527] : memref<640x128xf32, #tpu.memory_space<vmem>>[vector<16xi32>, vector<16xi32>], vector<16xf32>,
        %mul3A_1529 = arith.mulf %gather3A_1514, %gather3A_1528 : vector<16xf32>
        %add3A_1530 = arith.addf %add3A_1498, %mul3A_1529 : vector<16xf32>
        %add3A_1531 = arith.addi %mul3A_978, %and3A_1512 : vector<16xi32>
        %gather3A_1532 = tpu.vector_load_idx %arg16[%add3A_968, %add3A_1531] : memref<640x128xf32, #tpu.memory_space<vmem>>[vector<16xi32>, vector<16xi32>], vector<16xf32>,
        %mul3A_1533 = arith.mulf %gather3A_1514, %gather3A_1532 : vector<16xf32>
        %add3A_1534 = arith.addf %add3A_1502, %mul3A_1533 : vector<16xf32>
        %add3A_1535 = arith.addi %mul3A_994, %and3A_1512 : vector<16xi32>
        %gather3A_1536 = tpu.vector_load_idx %arg16[%add3A_984, %add3A_1535] : memref<640x128xf32, #tpu.memory_space<vmem>>[vector<16xi32>, vector<16xi32>], vector<16xf32>,
        %mul3A_1537 = arith.mulf %gather3A_1514, %gather3A_1536 : vector<16xf32>
        %add3A_1538 = arith.addf %add3A_1506, %mul3A_1537 : vector<16xf32>
        %add3A_1539 = arith.constant 17 : i32
        %add3A_1540 = vector.broadcast %add3A_1539 : i32 to vector<16xi32>
        %add3A_1541 = arith.addi %add3A_1540, %iota3A : vector<16xi32>
        %and3A_1542 = arith.constant 63 : i32
        %and3A_1543 = vector.broadcast %and3A_1542 : i32 to vector<16xi32>
        %and3A_1544 = arith.andi %add3A_1541, %and3A_1543 : vector<16xi32>
        %add3A_1545 = arith.addi %mul3A_904, %and3A_1544 : vector<16xi32>
        %gather3A_1546 = tpu.vector_load_idx %arg14[%add3A_896, %add3A_1545] : memref<128x128xf32, #tpu.memory_space<vmem>>[vector<16xi32>, vector<16xi32>], vector<16xf32>,
        %add3A_1547 = arith.addi %mul3A_914, %and3A_1544 : vector<16xi32>
        %gather3A_1548 = tpu.vector_load_idx %arg15[%add3A_896, %add3A_1547] : memref<128x128xf32, #tpu.memory_space<vmem>>[vector<16xi32>, vector<16xi32>], vector<16xf32>,
        %mul3A_1549 = arith.mulf %gather3A_1546, %gather3A_1548 : vector<16xf32>
        %add3A_1550 = arith.addf %add3A_1518, %mul3A_1549 : vector<16xf32>
        %add3A_1551 = arith.addi %mul3A_930, %and3A_1544 : vector<16xi32>
        %gather3A_1552 = tpu.vector_load_idx %arg16[%add3A_920, %add3A_1551] : memref<640x128xf32, #tpu.memory_space<vmem>>[vector<16xi32>, vector<16xi32>], vector<16xf32>,
        %mul3A_1553 = arith.mulf %gather3A_1546, %gather3A_1552 : vector<16xf32>
        %add3A_1554 = arith.addf %add3A_1522, %mul3A_1553 : vector<16xf32>
        %add3A_1555 = arith.addi %mul3A_946, %and3A_1544 : vector<16xi32>
        %gather3A_1556 = tpu.vector_load_idx %arg16[%add3A_936, %add3A_1555] : memref<640x128xf32, #tpu.memory_space<vmem>>[vector<16xi32>, vector<16xi32>], vector<16xf32>,
        %mul3A_1557 = arith.mulf %gather3A_1546, %gather3A_1556 : vector<16xf32>
        %add3A_1558 = arith.addf %add3A_1526, %mul3A_1557 : vector<16xf32>
        %add3A_1559 = arith.addi %mul3A_962, %and3A_1544 : vector<16xi32>
        %gather3A_1560 = tpu.vector_load_idx %arg16[%add3A_952, %add3A_1559] : memref<640x128xf32, #tpu.memory_space<vmem>>[vector<16xi32>, vector<16xi32>], vector<16xf32>,
        %mul3A_1561 = arith.mulf %gather3A_1546, %gather3A_1560 : vector<16xf32>
        %add3A_1562 = arith.addf %add3A_1530, %mul3A_1561 : vector<16xf32>
        %add3A_1563 = arith.addi %mul3A_978, %and3A_1544 : vector<16xi32>
        %gather3A_1564 = tpu.vector_load_idx %arg16[%add3A_968, %add3A_1563] : memref<640x128xf32, #tpu.memory_space<vmem>>[vector<16xi32>, vector<16xi32>], vector<16xf32>,
        %mul3A_1565 = arith.mulf %gather3A_1546, %gather3A_1564 : vector<16xf32>
        %add3A_1566 = arith.addf %add3A_1534, %mul3A_1565 : vector<16xf32>
        %add3A_1567 = arith.addi %mul3A_994, %and3A_1544 : vector<16xi32>
        %gather3A_1568 = tpu.vector_load_idx %arg16[%add3A_984, %add3A_1567] : memref<640x128xf32, #tpu.memory_space<vmem>>[vector<16xi32>, vector<16xi32>], vector<16xf32>,
        %mul3A_1569 = arith.mulf %gather3A_1546, %gather3A_1568 : vector<16xf32>
        %add3A_1570 = arith.addf %add3A_1538, %mul3A_1569 : vector<16xf32>
        %add3A_1571 = arith.constant 18 : i32
        %add3A_1572 = vector.broadcast %add3A_1571 : i32 to vector<16xi32>
        %add3A_1573 = arith.addi %add3A_1572, %iota3A : vector<16xi32>
        %and3A_1574 = arith.constant 63 : i32
        %and3A_1575 = vector.broadcast %and3A_1574 : i32 to vector<16xi32>
        %and3A_1576 = arith.andi %add3A_1573, %and3A_1575 : vector<16xi32>
        %add3A_1577 = arith.addi %mul3A_904, %and3A_1576 : vector<16xi32>
        %gather3A_1578 = tpu.vector_load_idx %arg14[%add3A_896, %add3A_1577] : memref<128x128xf32, #tpu.memory_space<vmem>>[vector<16xi32>, vector<16xi32>], vector<16xf32>,
        %add3A_1579 = arith.addi %mul3A_914, %and3A_1576 : vector<16xi32>
        %gather3A_1580 = tpu.vector_load_idx %arg15[%add3A_896, %add3A_1579] : memref<128x128xf32, #tpu.memory_space<vmem>>[vector<16xi32>, vector<16xi32>], vector<16xf32>,
        %mul3A_1581 = arith.mulf %gather3A_1578, %gather3A_1580 : vector<16xf32>
        %add3A_1582 = arith.addf %add3A_1550, %mul3A_1581 : vector<16xf32>
        %add3A_1583 = arith.addi %mul3A_930, %and3A_1576 : vector<16xi32>
        %gather3A_1584 = tpu.vector_load_idx %arg16[%add3A_920, %add3A_1583] : memref<640x128xf32, #tpu.memory_space<vmem>>[vector<16xi32>, vector<16xi32>], vector<16xf32>,
        %mul3A_1585 = arith.mulf %gather3A_1578, %gather3A_1584 : vector<16xf32>
        %add3A_1586 = arith.addf %add3A_1554, %mul3A_1585 : vector<16xf32>
        %add3A_1587 = arith.addi %mul3A_946, %and3A_1576 : vector<16xi32>
        %gather3A_1588 = tpu.vector_load_idx %arg16[%add3A_936, %add3A_1587] : memref<640x128xf32, #tpu.memory_space<vmem>>[vector<16xi32>, vector<16xi32>], vector<16xf32>,
        %mul3A_1589 = arith.mulf %gather3A_1578, %gather3A_1588 : vector<16xf32>
        %add3A_1590 = arith.addf %add3A_1558, %mul3A_1589 : vector<16xf32>
        %add3A_1591 = arith.addi %mul3A_962, %and3A_1576 : vector<16xi32>
        %gather3A_1592 = tpu.vector_load_idx %arg16[%add3A_952, %add3A_1591] : memref<640x128xf32, #tpu.memory_space<vmem>>[vector<16xi32>, vector<16xi32>], vector<16xf32>,
        %mul3A_1593 = arith.mulf %gather3A_1578, %gather3A_1592 : vector<16xf32>
        %add3A_1594 = arith.addf %add3A_1562, %mul3A_1593 : vector<16xf32>
        %add3A_1595 = arith.addi %mul3A_978, %and3A_1576 : vector<16xi32>
        %gather3A_1596 = tpu.vector_load_idx %arg16[%add3A_968, %add3A_1595] : memref<640x128xf32, #tpu.memory_space<vmem>>[vector<16xi32>, vector<16xi32>], vector<16xf32>,
        %mul3A_1597 = arith.mulf %gather3A_1578, %gather3A_1596 : vector<16xf32>
        %add3A_1598 = arith.addf %add3A_1566, %mul3A_1597 : vector<16xf32>
        %add3A_1599 = arith.addi %mul3A_994, %and3A_1576 : vector<16xi32>
        %gather3A_1600 = tpu.vector_load_idx %arg16[%add3A_984, %add3A_1599] : memref<640x128xf32, #tpu.memory_space<vmem>>[vector<16xi32>, vector<16xi32>], vector<16xf32>,
        %mul3A_1601 = arith.mulf %gather3A_1578, %gather3A_1600 : vector<16xf32>
        %add3A_1602 = arith.addf %add3A_1570, %mul3A_1601 : vector<16xf32>
        %add3A_1603 = arith.constant 19 : i32
        %add3A_1604 = vector.broadcast %add3A_1603 : i32 to vector<16xi32>
        %add3A_1605 = arith.addi %add3A_1604, %iota3A : vector<16xi32>
        %and3A_1606 = arith.constant 63 : i32
        %and3A_1607 = vector.broadcast %and3A_1606 : i32 to vector<16xi32>
        %and3A_1608 = arith.andi %add3A_1605, %and3A_1607 : vector<16xi32>
        %add3A_1609 = arith.addi %mul3A_904, %and3A_1608 : vector<16xi32>
        %gather3A_1610 = tpu.vector_load_idx %arg14[%add3A_896, %add3A_1609] : memref<128x128xf32, #tpu.memory_space<vmem>>[vector<16xi32>, vector<16xi32>], vector<16xf32>,
        %add3A_1611 = arith.addi %mul3A_914, %and3A_1608 : vector<16xi32>
        %gather3A_1612 = tpu.vector_load_idx %arg15[%add3A_896, %add3A_1611] : memref<128x128xf32, #tpu.memory_space<vmem>>[vector<16xi32>, vector<16xi32>], vector<16xf32>,
        %mul3A_1613 = arith.mulf %gather3A_1610, %gather3A_1612 : vector<16xf32>
        %add3A_1614 = arith.addf %add3A_1582, %mul3A_1613 : vector<16xf32>
        %add3A_1615 = arith.addi %mul3A_930, %and3A_1608 : vector<16xi32>
        %gather3A_1616 = tpu.vector_load_idx %arg16[%add3A_920, %add3A_1615] : memref<640x128xf32, #tpu.memory_space<vmem>>[vector<16xi32>, vector<16xi32>], vector<16xf32>,
        %mul3A_1617 = arith.mulf %gather3A_1610, %gather3A_1616 : vector<16xf32>
        %add3A_1618 = arith.addf %add3A_1586, %mul3A_1617 : vector<16xf32>
        %add3A_1619 = arith.addi %mul3A_946, %and3A_1608 : vector<16xi32>
        %gather3A_1620 = tpu.vector_load_idx %arg16[%add3A_936, %add3A_1619] : memref<640x128xf32, #tpu.memory_space<vmem>>[vector<16xi32>, vector<16xi32>], vector<16xf32>,
        %mul3A_1621 = arith.mulf %gather3A_1610, %gather3A_1620 : vector<16xf32>
        %add3A_1622 = arith.addf %add3A_1590, %mul3A_1621 : vector<16xf32>
        %add3A_1623 = arith.addi %mul3A_962, %and3A_1608 : vector<16xi32>
        %gather3A_1624 = tpu.vector_load_idx %arg16[%add3A_952, %add3A_1623] : memref<640x128xf32, #tpu.memory_space<vmem>>[vector<16xi32>, vector<16xi32>], vector<16xf32>,
        %mul3A_1625 = arith.mulf %gather3A_1610, %gather3A_1624 : vector<16xf32>
        %add3A_1626 = arith.addf %add3A_1594, %mul3A_1625 : vector<16xf32>
        %add3A_1627 = arith.addi %mul3A_978, %and3A_1608 : vector<16xi32>
        %gather3A_1628 = tpu.vector_load_idx %arg16[%add3A_968, %add3A_1627] : memref<640x128xf32, #tpu.memory_space<vmem>>[vector<16xi32>, vector<16xi32>], vector<16xf32>,
        %mul3A_1629 = arith.mulf %gather3A_1610, %gather3A_1628 : vector<16xf32>
        %add3A_1630 = arith.addf %add3A_1598, %mul3A_1629 : vector<16xf32>
        %add3A_1631 = arith.addi %mul3A_994, %and3A_1608 : vector<16xi32>
        %gather3A_1632 = tpu.vector_load_idx %arg16[%add3A_984, %add3A_1631] : memref<640x128xf32, #tpu.memory_space<vmem>>[vector<16xi32>, vector<16xi32>], vector<16xf32>,
        %mul3A_1633 = arith.mulf %gather3A_1610, %gather3A_1632 : vector<16xf32>
        %add3A_1634 = arith.addf %add3A_1602, %mul3A_1633 : vector<16xf32>
        %add3A_1635 = arith.constant 20 : i32
        %add3A_1636 = vector.broadcast %add3A_1635 : i32 to vector<16xi32>
        %add3A_1637 = arith.addi %add3A_1636, %iota3A : vector<16xi32>
        %and3A_1638 = arith.constant 63 : i32
        %and3A_1639 = vector.broadcast %and3A_1638 : i32 to vector<16xi32>
        %and3A_1640 = arith.andi %add3A_1637, %and3A_1639 : vector<16xi32>
        %add3A_1641 = arith.addi %mul3A_904, %and3A_1640 : vector<16xi32>
        %gather3A_1642 = tpu.vector_load_idx %arg14[%add3A_896, %add3A_1641] : memref<128x128xf32, #tpu.memory_space<vmem>>[vector<16xi32>, vector<16xi32>], vector<16xf32>,
        %add3A_1643 = arith.addi %mul3A_914, %and3A_1640 : vector<16xi32>
        %gather3A_1644 = tpu.vector_load_idx %arg15[%add3A_896, %add3A_1643] : memref<128x128xf32, #tpu.memory_space<vmem>>[vector<16xi32>, vector<16xi32>], vector<16xf32>,
        %mul3A_1645 = arith.mulf %gather3A_1642, %gather3A_1644 : vector<16xf32>
        %add3A_1646 = arith.addf %add3A_1614, %mul3A_1645 : vector<16xf32>
        %add3A_1647 = arith.addi %mul3A_930, %and3A_1640 : vector<16xi32>
        %gather3A_1648 = tpu.vector_load_idx %arg16[%add3A_920, %add3A_1647] : memref<640x128xf32, #tpu.memory_space<vmem>>[vector<16xi32>, vector<16xi32>], vector<16xf32>,
        %mul3A_1649 = arith.mulf %gather3A_1642, %gather3A_1648 : vector<16xf32>
        %add3A_1650 = arith.addf %add3A_1618, %mul3A_1649 : vector<16xf32>
        %add3A_1651 = arith.addi %mul3A_946, %and3A_1640 : vector<16xi32>
        %gather3A_1652 = tpu.vector_load_idx %arg16[%add3A_936, %add3A_1651] : memref<640x128xf32, #tpu.memory_space<vmem>>[vector<16xi32>, vector<16xi32>], vector<16xf32>,
        %mul3A_1653 = arith.mulf %gather3A_1642, %gather3A_1652 : vector<16xf32>
        %add3A_1654 = arith.addf %add3A_1622, %mul3A_1653 : vector<16xf32>
        %add3A_1655 = arith.addi %mul3A_962, %and3A_1640 : vector<16xi32>
        %gather3A_1656 = tpu.vector_load_idx %arg16[%add3A_952, %add3A_1655] : memref<640x128xf32, #tpu.memory_space<vmem>>[vector<16xi32>, vector<16xi32>], vector<16xf32>,
        %mul3A_1657 = arith.mulf %gather3A_1642, %gather3A_1656 : vector<16xf32>
        %add3A_1658 = arith.addf %add3A_1626, %mul3A_1657 : vector<16xf32>
        %add3A_1659 = arith.addi %mul3A_978, %and3A_1640 : vector<16xi32>
        %gather3A_1660 = tpu.vector_load_idx %arg16[%add3A_968, %add3A_1659] : memref<640x128xf32, #tpu.memory_space<vmem>>[vector<16xi32>, vector<16xi32>], vector<16xf32>,
        %mul3A_1661 = arith.mulf %gather3A_1642, %gather3A_1660 : vector<16xf32>
        %add3A_1662 = arith.addf %add3A_1630, %mul3A_1661 : vector<16xf32>
        %add3A_1663 = arith.addi %mul3A_994, %and3A_1640 : vector<16xi32>
        %gather3A_1664 = tpu.vector_load_idx %arg16[%add3A_984, %add3A_1663] : memref<640x128xf32, #tpu.memory_space<vmem>>[vector<16xi32>, vector<16xi32>], vector<16xf32>,
        %mul3A_1665 = arith.mulf %gather3A_1642, %gather3A_1664 : vector<16xf32>
        %add3A_1666 = arith.addf %add3A_1634, %mul3A_1665 : vector<16xf32>
        %add3A_1667 = arith.constant 21 : i32
        %add3A_1668 = vector.broadcast %add3A_1667 : i32 to vector<16xi32>
        %add3A_1669 = arith.addi %add3A_1668, %iota3A : vector<16xi32>
        %and3A_1670 = arith.constant 63 : i32
        %and3A_1671 = vector.broadcast %and3A_1670 : i32 to vector<16xi32>
        %and3A_1672 = arith.andi %add3A_1669, %and3A_1671 : vector<16xi32>
        %add3A_1673 = arith.addi %mul3A_904, %and3A_1672 : vector<16xi32>
        %gather3A_1674 = tpu.vector_load_idx %arg14[%add3A_896, %add3A_1673] : memref<128x128xf32, #tpu.memory_space<vmem>>[vector<16xi32>, vector<16xi32>], vector<16xf32>,
        %add3A_1675 = arith.addi %mul3A_914, %and3A_1672 : vector<16xi32>
        %gather3A_1676 = tpu.vector_load_idx %arg15[%add3A_896, %add3A_1675] : memref<128x128xf32, #tpu.memory_space<vmem>>[vector<16xi32>, vector<16xi32>], vector<16xf32>,
        %mul3A_1677 = arith.mulf %gather3A_1674, %gather3A_1676 : vector<16xf32>
        %add3A_1678 = arith.addf %add3A_1646, %mul3A_1677 : vector<16xf32>
        %add3A_1679 = arith.addi %mul3A_930, %and3A_1672 : vector<16xi32>
        %gather3A_1680 = tpu.vector_load_idx %arg16[%add3A_920, %add3A_1679] : memref<640x128xf32, #tpu.memory_space<vmem>>[vector<16xi32>, vector<16xi32>], vector<16xf32>,
        %mul3A_1681 = arith.mulf %gather3A_1674, %gather3A_1680 : vector<16xf32>
        %add3A_1682 = arith.addf %add3A_1650, %mul3A_1681 : vector<16xf32>
        %add3A_1683 = arith.addi %mul3A_946, %and3A_1672 : vector<16xi32>
        %gather3A_1684 = tpu.vector_load_idx %arg16[%add3A_936, %add3A_1683] : memref<640x128xf32, #tpu.memory_space<vmem>>[vector<16xi32>, vector<16xi32>], vector<16xf32>,
        %mul3A_1685 = arith.mulf %gather3A_1674, %gather3A_1684 : vector<16xf32>
        %add3A_1686 = arith.addf %add3A_1654, %mul3A_1685 : vector<16xf32>
        %add3A_1687 = arith.addi %mul3A_962, %and3A_1672 : vector<16xi32>
        %gather3A_1688 = tpu.vector_load_idx %arg16[%add3A_952, %add3A_1687] : memref<640x128xf32, #tpu.memory_space<vmem>>[vector<16xi32>, vector<16xi32>], vector<16xf32>,
        %mul3A_1689 = arith.mulf %gather3A_1674, %gather3A_1688 : vector<16xf32>
        %add3A_1690 = arith.addf %add3A_1658, %mul3A_1689 : vector<16xf32>
        %add3A_1691 = arith.addi %mul3A_978, %and3A_1672 : vector<16xi32>
        %gather3A_1692 = tpu.vector_load_idx %arg16[%add3A_968, %add3A_1691] : memref<640x128xf32, #tpu.memory_space<vmem>>[vector<16xi32>, vector<16xi32>], vector<16xf32>,
        %mul3A_1693 = arith.mulf %gather3A_1674, %gather3A_1692 : vector<16xf32>
        %add3A_1694 = arith.addf %add3A_1662, %mul3A_1693 : vector<16xf32>
        %add3A_1695 = arith.addi %mul3A_994, %and3A_1672 : vector<16xi32>
        %gather3A_1696 = tpu.vector_load_idx %arg16[%add3A_984, %add3A_1695] : memref<640x128xf32, #tpu.memory_space<vmem>>[vector<16xi32>, vector<16xi32>], vector<16xf32>,
        %mul3A_1697 = arith.mulf %gather3A_1674, %gather3A_1696 : vector<16xf32>
        %add3A_1698 = arith.addf %add3A_1666, %mul3A_1697 : vector<16xf32>
        %add3A_1699 = arith.constant 22 : i32
        %add3A_1700 = vector.broadcast %add3A_1699 : i32 to vector<16xi32>
        %add3A_1701 = arith.addi %add3A_1700, %iota3A : vector<16xi32>
        %and3A_1702 = arith.constant 63 : i32
        %and3A_1703 = vector.broadcast %and3A_1702 : i32 to vector<16xi32>
        %and3A_1704 = arith.andi %add3A_1701, %and3A_1703 : vector<16xi32>
        %add3A_1705 = arith.addi %mul3A_904, %and3A_1704 : vector<16xi32>
        %gather3A_1706 = tpu.vector_load_idx %arg14[%add3A_896, %add3A_1705] : memref<128x128xf32, #tpu.memory_space<vmem>>[vector<16xi32>, vector<16xi32>], vector<16xf32>,
        %add3A_1707 = arith.addi %mul3A_914, %and3A_1704 : vector<16xi32>
        %gather3A_1708 = tpu.vector_load_idx %arg15[%add3A_896, %add3A_1707] : memref<128x128xf32, #tpu.memory_space<vmem>>[vector<16xi32>, vector<16xi32>], vector<16xf32>,
        %mul3A_1709 = arith.mulf %gather3A_1706, %gather3A_1708 : vector<16xf32>
        %add3A_1710 = arith.addf %add3A_1678, %mul3A_1709 : vector<16xf32>
        %add3A_1711 = arith.addi %mul3A_930, %and3A_1704 : vector<16xi32>
        %gather3A_1712 = tpu.vector_load_idx %arg16[%add3A_920, %add3A_1711] : memref<640x128xf32, #tpu.memory_space<vmem>>[vector<16xi32>, vector<16xi32>], vector<16xf32>,
        %mul3A_1713 = arith.mulf %gather3A_1706, %gather3A_1712 : vector<16xf32>
        %add3A_1714 = arith.addf %add3A_1682, %mul3A_1713 : vector<16xf32>
        %add3A_1715 = arith.addi %mul3A_946, %and3A_1704 : vector<16xi32>
        %gather3A_1716 = tpu.vector_load_idx %arg16[%add3A_936, %add3A_1715] : memref<640x128xf32, #tpu.memory_space<vmem>>[vector<16xi32>, vector<16xi32>], vector<16xf32>,
        %mul3A_1717 = arith.mulf %gather3A_1706, %gather3A_1716 : vector<16xf32>
        %add3A_1718 = arith.addf %add3A_1686, %mul3A_1717 : vector<16xf32>
        %add3A_1719 = arith.addi %mul3A_962, %and3A_1704 : vector<16xi32>
        %gather3A_1720 = tpu.vector_load_idx %arg16[%add3A_952, %add3A_1719] : memref<640x128xf32, #tpu.memory_space<vmem>>[vector<16xi32>, vector<16xi32>], vector<16xf32>,
        %mul3A_1721 = arith.mulf %gather3A_1706, %gather3A_1720 : vector<16xf32>
        %add3A_1722 = arith.addf %add3A_1690, %mul3A_1721 : vector<16xf32>
        %add3A_1723 = arith.addi %mul3A_978, %and3A_1704 : vector<16xi32>
        %gather3A_1724 = tpu.vector_load_idx %arg16[%add3A_968, %add3A_1723] : memref<640x128xf32, #tpu.memory_space<vmem>>[vector<16xi32>, vector<16xi32>], vector<16xf32>,
        %mul3A_1725 = arith.mulf %gather3A_1706, %gather3A_1724 : vector<16xf32>
        %add3A_1726 = arith.addf %add3A_1694, %mul3A_1725 : vector<16xf32>
        %add3A_1727 = arith.addi %mul3A_994, %and3A_1704 : vector<16xi32>
        %gather3A_1728 = tpu.vector_load_idx %arg16[%add3A_984, %add3A_1727] : memref<640x128xf32, #tpu.memory_space<vmem>>[vector<16xi32>, vector<16xi32>], vector<16xf32>,
        %mul3A_1729 = arith.mulf %gather3A_1706, %gather3A_1728 : vector<16xf32>
        %add3A_1730 = arith.addf %add3A_1698, %mul3A_1729 : vector<16xf32>
        %add3A_1731 = arith.constant 23 : i32
        %add3A_1732 = vector.broadcast %add3A_1731 : i32 to vector<16xi32>
        %add3A_1733 = arith.addi %add3A_1732, %iota3A : vector<16xi32>
        %and3A_1734 = arith.constant 63 : i32
        %and3A_1735 = vector.broadcast %and3A_1734 : i32 to vector<16xi32>
        %and3A_1736 = arith.andi %add3A_1733, %and3A_1735 : vector<16xi32>
        %add3A_1737 = arith.addi %mul3A_904, %and3A_1736 : vector<16xi32>
        %gather3A_1738 = tpu.vector_load_idx %arg14[%add3A_896, %add3A_1737] : memref<128x128xf32, #tpu.memory_space<vmem>>[vector<16xi32>, vector<16xi32>], vector<16xf32>,
        %add3A_1739 = arith.addi %mul3A_914, %and3A_1736 : vector<16xi32>
        %gather3A_1740 = tpu.vector_load_idx %arg15[%add3A_896, %add3A_1739] : memref<128x128xf32, #tpu.memory_space<vmem>>[vector<16xi32>, vector<16xi32>], vector<16xf32>,
        %mul3A_1741 = arith.mulf %gather3A_1738, %gather3A_1740 : vector<16xf32>
        %add3A_1742 = arith.addf %add3A_1710, %mul3A_1741 : vector<16xf32>
        %add3A_1743 = arith.addi %mul3A_930, %and3A_1736 : vector<16xi32>
        %gather3A_1744 = tpu.vector_load_idx %arg16[%add3A_920, %add3A_1743] : memref<640x128xf32, #tpu.memory_space<vmem>>[vector<16xi32>, vector<16xi32>], vector<16xf32>,
        %mul3A_1745 = arith.mulf %gather3A_1738, %gather3A_1744 : vector<16xf32>
        %add3A_1746 = arith.addf %add3A_1714, %mul3A_1745 : vector<16xf32>
        %add3A_1747 = arith.addi %mul3A_946, %and3A_1736 : vector<16xi32>
        %gather3A_1748 = tpu.vector_load_idx %arg16[%add3A_936, %add3A_1747] : memref<640x128xf32, #tpu.memory_space<vmem>>[vector<16xi32>, vector<16xi32>], vector<16xf32>,
        %mul3A_1749 = arith.mulf %gather3A_1738, %gather3A_1748 : vector<16xf32>
        %add3A_1750 = arith.addf %add3A_1718, %mul3A_1749 : vector<16xf32>
        %add3A_1751 = arith.addi %mul3A_962, %and3A_1736 : vector<16xi32>
        %gather3A_1752 = tpu.vector_load_idx %arg16[%add3A_952, %add3A_1751] : memref<640x128xf32, #tpu.memory_space<vmem>>[vector<16xi32>, vector<16xi32>], vector<16xf32>,
        %mul3A_1753 = arith.mulf %gather3A_1738, %gather3A_1752 : vector<16xf32>
        %add3A_1754 = arith.addf %add3A_1722, %mul3A_1753 : vector<16xf32>
        %add3A_1755 = arith.addi %mul3A_978, %and3A_1736 : vector<16xi32>
        %gather3A_1756 = tpu.vector_load_idx %arg16[%add3A_968, %add3A_1755] : memref<640x128xf32, #tpu.memory_space<vmem>>[vector<16xi32>, vector<16xi32>], vector<16xf32>,
        %mul3A_1757 = arith.mulf %gather3A_1738, %gather3A_1756 : vector<16xf32>
        %add3A_1758 = arith.addf %add3A_1726, %mul3A_1757 : vector<16xf32>
        %add3A_1759 = arith.addi %mul3A_994, %and3A_1736 : vector<16xi32>
        %gather3A_1760 = tpu.vector_load_idx %arg16[%add3A_984, %add3A_1759] : memref<640x128xf32, #tpu.memory_space<vmem>>[vector<16xi32>, vector<16xi32>], vector<16xf32>,
        %mul3A_1761 = arith.mulf %gather3A_1738, %gather3A_1760 : vector<16xf32>
        %add3A_1762 = arith.addf %add3A_1730, %mul3A_1761 : vector<16xf32>
        %add3A_1763 = arith.constant 24 : i32
        %add3A_1764 = vector.broadcast %add3A_1763 : i32 to vector<16xi32>
        %add3A_1765 = arith.addi %add3A_1764, %iota3A : vector<16xi32>
        %and3A_1766 = arith.constant 63 : i32
        %and3A_1767 = vector.broadcast %and3A_1766 : i32 to vector<16xi32>
        %and3A_1768 = arith.andi %add3A_1765, %and3A_1767 : vector<16xi32>
        %add3A_1769 = arith.addi %mul3A_904, %and3A_1768 : vector<16xi32>
        %gather3A_1770 = tpu.vector_load_idx %arg14[%add3A_896, %add3A_1769] : memref<128x128xf32, #tpu.memory_space<vmem>>[vector<16xi32>, vector<16xi32>], vector<16xf32>,
        %add3A_1771 = arith.addi %mul3A_914, %and3A_1768 : vector<16xi32>
        %gather3A_1772 = tpu.vector_load_idx %arg15[%add3A_896, %add3A_1771] : memref<128x128xf32, #tpu.memory_space<vmem>>[vector<16xi32>, vector<16xi32>], vector<16xf32>,
        %mul3A_1773 = arith.mulf %gather3A_1770, %gather3A_1772 : vector<16xf32>
        %add3A_1774 = arith.addf %add3A_1742, %mul3A_1773 : vector<16xf32>
        %add3A_1775 = arith.addi %mul3A_930, %and3A_1768 : vector<16xi32>
        %gather3A_1776 = tpu.vector_load_idx %arg16[%add3A_920, %add3A_1775] : memref<640x128xf32, #tpu.memory_space<vmem>>[vector<16xi32>, vector<16xi32>], vector<16xf32>,
        %mul3A_1777 = arith.mulf %gather3A_1770, %gather3A_1776 : vector<16xf32>
        %add3A_1778 = arith.addf %add3A_1746, %mul3A_1777 : vector<16xf32>
        %add3A_1779 = arith.addi %mul3A_946, %and3A_1768 : vector<16xi32>
        %gather3A_1780 = tpu.vector_load_idx %arg16[%add3A_936, %add3A_1779] : memref<640x128xf32, #tpu.memory_space<vmem>>[vector<16xi32>, vector<16xi32>], vector<16xf32>,
        %mul3A_1781 = arith.mulf %gather3A_1770, %gather3A_1780 : vector<16xf32>
        %add3A_1782 = arith.addf %add3A_1750, %mul3A_1781 : vector<16xf32>
        %add3A_1783 = arith.addi %mul3A_962, %and3A_1768 : vector<16xi32>
        %gather3A_1784 = tpu.vector_load_idx %arg16[%add3A_952, %add3A_1783] : memref<640x128xf32, #tpu.memory_space<vmem>>[vector<16xi32>, vector<16xi32>], vector<16xf32>,
        %mul3A_1785 = arith.mulf %gather3A_1770, %gather3A_1784 : vector<16xf32>
        %add3A_1786 = arith.addf %add3A_1754, %mul3A_1785 : vector<16xf32>
        %add3A_1787 = arith.addi %mul3A_978, %and3A_1768 : vector<16xi32>
        %gather3A_1788 = tpu.vector_load_idx %arg16[%add3A_968, %add3A_1787] : memref<640x128xf32, #tpu.memory_space<vmem>>[vector<16xi32>, vector<16xi32>], vector<16xf32>,
        %mul3A_1789 = arith.mulf %gather3A_1770, %gather3A_1788 : vector<16xf32>
        %add3A_1790 = arith.addf %add3A_1758, %mul3A_1789 : vector<16xf32>
        %add3A_1791 = arith.addi %mul3A_994, %and3A_1768 : vector<16xi32>
        %gather3A_1792 = tpu.vector_load_idx %arg16[%add3A_984, %add3A_1791] : memref<640x128xf32, #tpu.memory_space<vmem>>[vector<16xi32>, vector<16xi32>], vector<16xf32>,
        %mul3A_1793 = arith.mulf %gather3A_1770, %gather3A_1792 : vector<16xf32>
        %add3A_1794 = arith.addf %add3A_1762, %mul3A_1793 : vector<16xf32>
        %add3A_1795 = arith.constant 25 : i32
        %add3A_1796 = vector.broadcast %add3A_1795 : i32 to vector<16xi32>
        %add3A_1797 = arith.addi %add3A_1796, %iota3A : vector<16xi32>
        %and3A_1798 = arith.constant 63 : i32
        %and3A_1799 = vector.broadcast %and3A_1798 : i32 to vector<16xi32>
        %and3A_1800 = arith.andi %add3A_1797, %and3A_1799 : vector<16xi32>
        %add3A_1801 = arith.addi %mul3A_904, %and3A_1800 : vector<16xi32>
        %gather3A_1802 = tpu.vector_load_idx %arg14[%add3A_896, %add3A_1801] : memref<128x128xf32, #tpu.memory_space<vmem>>[vector<16xi32>, vector<16xi32>], vector<16xf32>,
        %add3A_1803 = arith.addi %mul3A_914, %and3A_1800 : vector<16xi32>
        %gather3A_1804 = tpu.vector_load_idx %arg15[%add3A_896, %add3A_1803] : memref<128x128xf32, #tpu.memory_space<vmem>>[vector<16xi32>, vector<16xi32>], vector<16xf32>,
        %mul3A_1805 = arith.mulf %gather3A_1802, %gather3A_1804 : vector<16xf32>
        %add3A_1806 = arith.addf %add3A_1774, %mul3A_1805 : vector<16xf32>
        %add3A_1807 = arith.addi %mul3A_930, %and3A_1800 : vector<16xi32>
        %gather3A_1808 = tpu.vector_load_idx %arg16[%add3A_920, %add3A_1807] : memref<640x128xf32, #tpu.memory_space<vmem>>[vector<16xi32>, vector<16xi32>], vector<16xf32>,
        %mul3A_1809 = arith.mulf %gather3A_1802, %gather3A_1808 : vector<16xf32>
        %add3A_1810 = arith.addf %add3A_1778, %mul3A_1809 : vector<16xf32>
        %add3A_1811 = arith.addi %mul3A_946, %and3A_1800 : vector<16xi32>
        %gather3A_1812 = tpu.vector_load_idx %arg16[%add3A_936, %add3A_1811] : memref<640x128xf32, #tpu.memory_space<vmem>>[vector<16xi32>, vector<16xi32>], vector<16xf32>,
        %mul3A_1813 = arith.mulf %gather3A_1802, %gather3A_1812 : vector<16xf32>
        %add3A_1814 = arith.addf %add3A_1782, %mul3A_1813 : vector<16xf32>
        %add3A_1815 = arith.addi %mul3A_962, %and3A_1800 : vector<16xi32>
        %gather3A_1816 = tpu.vector_load_idx %arg16[%add3A_952, %add3A_1815] : memref<640x128xf32, #tpu.memory_space<vmem>>[vector<16xi32>, vector<16xi32>], vector<16xf32>,
        %mul3A_1817 = arith.mulf %gather3A_1802, %gather3A_1816 : vector<16xf32>
        %add3A_1818 = arith.addf %add3A_1786, %mul3A_1817 : vector<16xf32>
        %add3A_1819 = arith.addi %mul3A_978, %and3A_1800 : vector<16xi32>
        %gather3A_1820 = tpu.vector_load_idx %arg16[%add3A_968, %add3A_1819] : memref<640x128xf32, #tpu.memory_space<vmem>>[vector<16xi32>, vector<16xi32>], vector<16xf32>,
        %mul3A_1821 = arith.mulf %gather3A_1802, %gather3A_1820 : vector<16xf32>
        %add3A_1822 = arith.addf %add3A_1790, %mul3A_1821 : vector<16xf32>
        %add3A_1823 = arith.addi %mul3A_994, %and3A_1800 : vector<16xi32>
        %gather3A_1824 = tpu.vector_load_idx %arg16[%add3A_984, %add3A_1823] : memref<640x128xf32, #tpu.memory_space<vmem>>[vector<16xi32>, vector<16xi32>], vector<16xf32>,
        %mul3A_1825 = arith.mulf %gather3A_1802, %gather3A_1824 : vector<16xf32>
        %add3A_1826 = arith.addf %add3A_1794, %mul3A_1825 : vector<16xf32>
        %add3A_1827 = arith.constant 26 : i32
        %add3A_1828 = vector.broadcast %add3A_1827 : i32 to vector<16xi32>
        %add3A_1829 = arith.addi %add3A_1828, %iota3A : vector<16xi32>
        %and3A_1830 = arith.constant 63 : i32
        %and3A_1831 = vector.broadcast %and3A_1830 : i32 to vector<16xi32>
        %and3A_1832 = arith.andi %add3A_1829, %and3A_1831 : vector<16xi32>
        %add3A_1833 = arith.addi %mul3A_904, %and3A_1832 : vector<16xi32>
        %gather3A_1834 = tpu.vector_load_idx %arg14[%add3A_896, %add3A_1833] : memref<128x128xf32, #tpu.memory_space<vmem>>[vector<16xi32>, vector<16xi32>], vector<16xf32>,
        %add3A_1835 = arith.addi %mul3A_914, %and3A_1832 : vector<16xi32>
        %gather3A_1836 = tpu.vector_load_idx %arg15[%add3A_896, %add3A_1835] : memref<128x128xf32, #tpu.memory_space<vmem>>[vector<16xi32>, vector<16xi32>], vector<16xf32>,
        %mul3A_1837 = arith.mulf %gather3A_1834, %gather3A_1836 : vector<16xf32>
        %add3A_1838 = arith.addf %add3A_1806, %mul3A_1837 : vector<16xf32>
        %add3A_1839 = arith.addi %mul3A_930, %and3A_1832 : vector<16xi32>
        %gather3A_1840 = tpu.vector_load_idx %arg16[%add3A_920, %add3A_1839] : memref<640x128xf32, #tpu.memory_space<vmem>>[vector<16xi32>, vector<16xi32>], vector<16xf32>,
        %mul3A_1841 = arith.mulf %gather3A_1834, %gather3A_1840 : vector<16xf32>
        %add3A_1842 = arith.addf %add3A_1810, %mul3A_1841 : vector<16xf32>
        %add3A_1843 = arith.addi %mul3A_946, %and3A_1832 : vector<16xi32>
        %gather3A_1844 = tpu.vector_load_idx %arg16[%add3A_936, %add3A_1843] : memref<640x128xf32, #tpu.memory_space<vmem>>[vector<16xi32>, vector<16xi32>], vector<16xf32>,
        %mul3A_1845 = arith.mulf %gather3A_1834, %gather3A_1844 : vector<16xf32>
        %add3A_1846 = arith.addf %add3A_1814, %mul3A_1845 : vector<16xf32>
        %add3A_1847 = arith.addi %mul3A_962, %and3A_1832 : vector<16xi32>
        %gather3A_1848 = tpu.vector_load_idx %arg16[%add3A_952, %add3A_1847] : memref<640x128xf32, #tpu.memory_space<vmem>>[vector<16xi32>, vector<16xi32>], vector<16xf32>,
        %mul3A_1849 = arith.mulf %gather3A_1834, %gather3A_1848 : vector<16xf32>
        %add3A_1850 = arith.addf %add3A_1818, %mul3A_1849 : vector<16xf32>
        %add3A_1851 = arith.addi %mul3A_978, %and3A_1832 : vector<16xi32>
        %gather3A_1852 = tpu.vector_load_idx %arg16[%add3A_968, %add3A_1851] : memref<640x128xf32, #tpu.memory_space<vmem>>[vector<16xi32>, vector<16xi32>], vector<16xf32>,
        %mul3A_1853 = arith.mulf %gather3A_1834, %gather3A_1852 : vector<16xf32>
        %add3A_1854 = arith.addf %add3A_1822, %mul3A_1853 : vector<16xf32>
        %add3A_1855 = arith.addi %mul3A_994, %and3A_1832 : vector<16xi32>
        %gather3A_1856 = tpu.vector_load_idx %arg16[%add3A_984, %add3A_1855] : memref<640x128xf32, #tpu.memory_space<vmem>>[vector<16xi32>, vector<16xi32>], vector<16xf32>,
        %mul3A_1857 = arith.mulf %gather3A_1834, %gather3A_1856 : vector<16xf32>
        %add3A_1858 = arith.addf %add3A_1826, %mul3A_1857 : vector<16xf32>
        %add3A_1859 = arith.constant 27 : i32
        %add3A_1860 = vector.broadcast %add3A_1859 : i32 to vector<16xi32>
        %add3A_1861 = arith.addi %add3A_1860, %iota3A : vector<16xi32>
        %and3A_1862 = arith.constant 63 : i32
        %and3A_1863 = vector.broadcast %and3A_1862 : i32 to vector<16xi32>
        %and3A_1864 = arith.andi %add3A_1861, %and3A_1863 : vector<16xi32>
        %add3A_1865 = arith.addi %mul3A_904, %and3A_1864 : vector<16xi32>
        %gather3A_1866 = tpu.vector_load_idx %arg14[%add3A_896, %add3A_1865] : memref<128x128xf32, #tpu.memory_space<vmem>>[vector<16xi32>, vector<16xi32>], vector<16xf32>,
        %add3A_1867 = arith.addi %mul3A_914, %and3A_1864 : vector<16xi32>
        %gather3A_1868 = tpu.vector_load_idx %arg15[%add3A_896, %add3A_1867] : memref<128x128xf32, #tpu.memory_space<vmem>>[vector<16xi32>, vector<16xi32>], vector<16xf32>,
        %mul3A_1869 = arith.mulf %gather3A_1866, %gather3A_1868 : vector<16xf32>
        %add3A_1870 = arith.addf %add3A_1838, %mul3A_1869 : vector<16xf32>
        %add3A_1871 = arith.addi %mul3A_930, %and3A_1864 : vector<16xi32>
        %gather3A_1872 = tpu.vector_load_idx %arg16[%add3A_920, %add3A_1871] : memref<640x128xf32, #tpu.memory_space<vmem>>[vector<16xi32>, vector<16xi32>], vector<16xf32>,
        %mul3A_1873 = arith.mulf %gather3A_1866, %gather3A_1872 : vector<16xf32>
        %add3A_1874 = arith.addf %add3A_1842, %mul3A_1873 : vector<16xf32>
        %add3A_1875 = arith.addi %mul3A_946, %and3A_1864 : vector<16xi32>
        %gather3A_1876 = tpu.vector_load_idx %arg16[%add3A_936, %add3A_1875] : memref<640x128xf32, #tpu.memory_space<vmem>>[vector<16xi32>, vector<16xi32>], vector<16xf32>,
        %mul3A_1877 = arith.mulf %gather3A_1866, %gather3A_1876 : vector<16xf32>
        %add3A_1878 = arith.addf %add3A_1846, %mul3A_1877 : vector<16xf32>
        %add3A_1879 = arith.addi %mul3A_962, %and3A_1864 : vector<16xi32>
        %gather3A_1880 = tpu.vector_load_idx %arg16[%add3A_952, %add3A_1879] : memref<640x128xf32, #tpu.memory_space<vmem>>[vector<16xi32>, vector<16xi32>], vector<16xf32>,
        %mul3A_1881 = arith.mulf %gather3A_1866, %gather3A_1880 : vector<16xf32>
        %add3A_1882 = arith.addf %add3A_1850, %mul3A_1881 : vector<16xf32>
        %add3A_1883 = arith.addi %mul3A_978, %and3A_1864 : vector<16xi32>
        %gather3A_1884 = tpu.vector_load_idx %arg16[%add3A_968, %add3A_1883] : memref<640x128xf32, #tpu.memory_space<vmem>>[vector<16xi32>, vector<16xi32>], vector<16xf32>,
        %mul3A_1885 = arith.mulf %gather3A_1866, %gather3A_1884 : vector<16xf32>
        %add3A_1886 = arith.addf %add3A_1854, %mul3A_1885 : vector<16xf32>
        %add3A_1887 = arith.addi %mul3A_994, %and3A_1864 : vector<16xi32>
        %gather3A_1888 = tpu.vector_load_idx %arg16[%add3A_984, %add3A_1887] : memref<640x128xf32, #tpu.memory_space<vmem>>[vector<16xi32>, vector<16xi32>], vector<16xf32>,
        %mul3A_1889 = arith.mulf %gather3A_1866, %gather3A_1888 : vector<16xf32>
        %add3A_1890 = arith.addf %add3A_1858, %mul3A_1889 : vector<16xf32>
        %add3A_1891 = arith.constant 28 : i32
        %add3A_1892 = vector.broadcast %add3A_1891 : i32 to vector<16xi32>
        %add3A_1893 = arith.addi %add3A_1892, %iota3A : vector<16xi32>
        %and3A_1894 = arith.constant 63 : i32
        %and3A_1895 = vector.broadcast %and3A_1894 : i32 to vector<16xi32>
        %and3A_1896 = arith.andi %add3A_1893, %and3A_1895 : vector<16xi32>
        %add3A_1897 = arith.addi %mul3A_904, %and3A_1896 : vector<16xi32>
        %gather3A_1898 = tpu.vector_load_idx %arg14[%add3A_896, %add3A_1897] : memref<128x128xf32, #tpu.memory_space<vmem>>[vector<16xi32>, vector<16xi32>], vector<16xf32>,
        %add3A_1899 = arith.addi %mul3A_914, %and3A_1896 : vector<16xi32>
        %gather3A_1900 = tpu.vector_load_idx %arg15[%add3A_896, %add3A_1899] : memref<128x128xf32, #tpu.memory_space<vmem>>[vector<16xi32>, vector<16xi32>], vector<16xf32>,
        %mul3A_1901 = arith.mulf %gather3A_1898, %gather3A_1900 : vector<16xf32>
        %add3A_1902 = arith.addf %add3A_1870, %mul3A_1901 : vector<16xf32>
        %add3A_1903 = arith.addi %mul3A_930, %and3A_1896 : vector<16xi32>
        %gather3A_1904 = tpu.vector_load_idx %arg16[%add3A_920, %add3A_1903] : memref<640x128xf32, #tpu.memory_space<vmem>>[vector<16xi32>, vector<16xi32>], vector<16xf32>,
        %mul3A_1905 = arith.mulf %gather3A_1898, %gather3A_1904 : vector<16xf32>
        %add3A_1906 = arith.addf %add3A_1874, %mul3A_1905 : vector<16xf32>
        %add3A_1907 = arith.addi %mul3A_946, %and3A_1896 : vector<16xi32>
        %gather3A_1908 = tpu.vector_load_idx %arg16[%add3A_936, %add3A_1907] : memref<640x128xf32, #tpu.memory_space<vmem>>[vector<16xi32>, vector<16xi32>], vector<16xf32>,
        %mul3A_1909 = arith.mulf %gather3A_1898, %gather3A_1908 : vector<16xf32>
        %add3A_1910 = arith.addf %add3A_1878, %mul3A_1909 : vector<16xf32>
        %add3A_1911 = arith.addi %mul3A_962, %and3A_1896 : vector<16xi32>
        %gather3A_1912 = tpu.vector_load_idx %arg16[%add3A_952, %add3A_1911] : memref<640x128xf32, #tpu.memory_space<vmem>>[vector<16xi32>, vector<16xi32>], vector<16xf32>,
        %mul3A_1913 = arith.mulf %gather3A_1898, %gather3A_1912 : vector<16xf32>
        %add3A_1914 = arith.addf %add3A_1882, %mul3A_1913 : vector<16xf32>
        %add3A_1915 = arith.addi %mul3A_978, %and3A_1896 : vector<16xi32>
        %gather3A_1916 = tpu.vector_load_idx %arg16[%add3A_968, %add3A_1915] : memref<640x128xf32, #tpu.memory_space<vmem>>[vector<16xi32>, vector<16xi32>], vector<16xf32>,
        %mul3A_1917 = arith.mulf %gather3A_1898, %gather3A_1916 : vector<16xf32>
        %add3A_1918 = arith.addf %add3A_1886, %mul3A_1917 : vector<16xf32>
        %add3A_1919 = arith.addi %mul3A_994, %and3A_1896 : vector<16xi32>
        %gather3A_1920 = tpu.vector_load_idx %arg16[%add3A_984, %add3A_1919] : memref<640x128xf32, #tpu.memory_space<vmem>>[vector<16xi32>, vector<16xi32>], vector<16xf32>,
        %mul3A_1921 = arith.mulf %gather3A_1898, %gather3A_1920 : vector<16xf32>
        %add3A_1922 = arith.addf %add3A_1890, %mul3A_1921 : vector<16xf32>
        %add3A_1923 = arith.constant 29 : i32
        %add3A_1924 = vector.broadcast %add3A_1923 : i32 to vector<16xi32>
        %add3A_1925 = arith.addi %add3A_1924, %iota3A : vector<16xi32>
        %and3A_1926 = arith.constant 63 : i32
        %and3A_1927 = vector.broadcast %and3A_1926 : i32 to vector<16xi32>
        %and3A_1928 = arith.andi %add3A_1925, %and3A_1927 : vector<16xi32>
        %add3A_1929 = arith.addi %mul3A_904, %and3A_1928 : vector<16xi32>
        %gather3A_1930 = tpu.vector_load_idx %arg14[%add3A_896, %add3A_1929] : memref<128x128xf32, #tpu.memory_space<vmem>>[vector<16xi32>, vector<16xi32>], vector<16xf32>,
        %add3A_1931 = arith.addi %mul3A_914, %and3A_1928 : vector<16xi32>
        %gather3A_1932 = tpu.vector_load_idx %arg15[%add3A_896, %add3A_1931] : memref<128x128xf32, #tpu.memory_space<vmem>>[vector<16xi32>, vector<16xi32>], vector<16xf32>,
        %mul3A_1933 = arith.mulf %gather3A_1930, %gather3A_1932 : vector<16xf32>
        %add3A_1934 = arith.addf %add3A_1902, %mul3A_1933 : vector<16xf32>
        %add3A_1935 = arith.addi %mul3A_930, %and3A_1928 : vector<16xi32>
        %gather3A_1936 = tpu.vector_load_idx %arg16[%add3A_920, %add3A_1935] : memref<640x128xf32, #tpu.memory_space<vmem>>[vector<16xi32>, vector<16xi32>], vector<16xf32>,
        %mul3A_1937 = arith.mulf %gather3A_1930, %gather3A_1936 : vector<16xf32>
        %add3A_1938 = arith.addf %add3A_1906, %mul3A_1937 : vector<16xf32>
        %add3A_1939 = arith.addi %mul3A_946, %and3A_1928 : vector<16xi32>
        %gather3A_1940 = tpu.vector_load_idx %arg16[%add3A_936, %add3A_1939] : memref<640x128xf32, #tpu.memory_space<vmem>>[vector<16xi32>, vector<16xi32>], vector<16xf32>,
        %mul3A_1941 = arith.mulf %gather3A_1930, %gather3A_1940 : vector<16xf32>
        %add3A_1942 = arith.addf %add3A_1910, %mul3A_1941 : vector<16xf32>
        %add3A_1943 = arith.addi %mul3A_962, %and3A_1928 : vector<16xi32>
        %gather3A_1944 = tpu.vector_load_idx %arg16[%add3A_952, %add3A_1943] : memref<640x128xf32, #tpu.memory_space<vmem>>[vector<16xi32>, vector<16xi32>], vector<16xf32>,
        %mul3A_1945 = arith.mulf %gather3A_1930, %gather3A_1944 : vector<16xf32>
        %add3A_1946 = arith.addf %add3A_1914, %mul3A_1945 : vector<16xf32>
        %add3A_1947 = arith.addi %mul3A_978, %and3A_1928 : vector<16xi32>
        %gather3A_1948 = tpu.vector_load_idx %arg16[%add3A_968, %add3A_1947] : memref<640x128xf32, #tpu.memory_space<vmem>>[vector<16xi32>, vector<16xi32>], vector<16xf32>,
        %mul3A_1949 = arith.mulf %gather3A_1930, %gather3A_1948 : vector<16xf32>
        %add3A_1950 = arith.addf %add3A_1918, %mul3A_1949 : vector<16xf32>
        %add3A_1951 = arith.addi %mul3A_994, %and3A_1928 : vector<16xi32>
        %gather3A_1952 = tpu.vector_load_idx %arg16[%add3A_984, %add3A_1951] : memref<640x128xf32, #tpu.memory_space<vmem>>[vector<16xi32>, vector<16xi32>], vector<16xf32>,
        %mul3A_1953 = arith.mulf %gather3A_1930, %gather3A_1952 : vector<16xf32>
        %add3A_1954 = arith.addf %add3A_1922, %mul3A_1953 : vector<16xf32>
        %add3A_1955 = arith.constant 30 : i32
        %add3A_1956 = vector.broadcast %add3A_1955 : i32 to vector<16xi32>
        %add3A_1957 = arith.addi %add3A_1956, %iota3A : vector<16xi32>
        %and3A_1958 = arith.constant 63 : i32
        %and3A_1959 = vector.broadcast %and3A_1958 : i32 to vector<16xi32>
        %and3A_1960 = arith.andi %add3A_1957, %and3A_1959 : vector<16xi32>
        %add3A_1961 = arith.addi %mul3A_904, %and3A_1960 : vector<16xi32>
        %gather3A_1962 = tpu.vector_load_idx %arg14[%add3A_896, %add3A_1961] : memref<128x128xf32, #tpu.memory_space<vmem>>[vector<16xi32>, vector<16xi32>], vector<16xf32>,
        %add3A_1963 = arith.addi %mul3A_914, %and3A_1960 : vector<16xi32>
        %gather3A_1964 = tpu.vector_load_idx %arg15[%add3A_896, %add3A_1963] : memref<128x128xf32, #tpu.memory_space<vmem>>[vector<16xi32>, vector<16xi32>], vector<16xf32>,
        %mul3A_1965 = arith.mulf %gather3A_1962, %gather3A_1964 : vector<16xf32>
        %add3A_1966 = arith.addf %add3A_1934, %mul3A_1965 : vector<16xf32>
        %add3A_1967 = arith.addi %mul3A_930, %and3A_1960 : vector<16xi32>
        %gather3A_1968 = tpu.vector_load_idx %arg16[%add3A_920, %add3A_1967] : memref<640x128xf32, #tpu.memory_space<vmem>>[vector<16xi32>, vector<16xi32>], vector<16xf32>,
        %mul3A_1969 = arith.mulf %gather3A_1962, %gather3A_1968 : vector<16xf32>
        %add3A_1970 = arith.addf %add3A_1938, %mul3A_1969 : vector<16xf32>
        %add3A_1971 = arith.addi %mul3A_946, %and3A_1960 : vector<16xi32>
        %gather3A_1972 = tpu.vector_load_idx %arg16[%add3A_936, %add3A_1971] : memref<640x128xf32, #tpu.memory_space<vmem>>[vector<16xi32>, vector<16xi32>], vector<16xf32>,
        %mul3A_1973 = arith.mulf %gather3A_1962, %gather3A_1972 : vector<16xf32>
        %add3A_1974 = arith.addf %add3A_1942, %mul3A_1973 : vector<16xf32>
        %add3A_1975 = arith.addi %mul3A_962, %and3A_1960 : vector<16xi32>
        %gather3A_1976 = tpu.vector_load_idx %arg16[%add3A_952, %add3A_1975] : memref<640x128xf32, #tpu.memory_space<vmem>>[vector<16xi32>, vector<16xi32>], vector<16xf32>,
        %mul3A_1977 = arith.mulf %gather3A_1962, %gather3A_1976 : vector<16xf32>
        %add3A_1978 = arith.addf %add3A_1946, %mul3A_1977 : vector<16xf32>
        %add3A_1979 = arith.addi %mul3A_978, %and3A_1960 : vector<16xi32>
        %gather3A_1980 = tpu.vector_load_idx %arg16[%add3A_968, %add3A_1979] : memref<640x128xf32, #tpu.memory_space<vmem>>[vector<16xi32>, vector<16xi32>], vector<16xf32>,
        %mul3A_1981 = arith.mulf %gather3A_1962, %gather3A_1980 : vector<16xf32>
        %add3A_1982 = arith.addf %add3A_1950, %mul3A_1981 : vector<16xf32>
        %add3A_1983 = arith.addi %mul3A_994, %and3A_1960 : vector<16xi32>
        %gather3A_1984 = tpu.vector_load_idx %arg16[%add3A_984, %add3A_1983] : memref<640x128xf32, #tpu.memory_space<vmem>>[vector<16xi32>, vector<16xi32>], vector<16xf32>,
        %mul3A_1985 = arith.mulf %gather3A_1962, %gather3A_1984 : vector<16xf32>
        %add3A_1986 = arith.addf %add3A_1954, %mul3A_1985 : vector<16xf32>
        %add3A_1987 = arith.constant 31 : i32
        %add3A_1988 = vector.broadcast %add3A_1987 : i32 to vector<16xi32>
        %add3A_1989 = arith.addi %add3A_1988, %iota3A : vector<16xi32>
        %and3A_1990 = arith.constant 63 : i32
        %and3A_1991 = vector.broadcast %and3A_1990 : i32 to vector<16xi32>
        %and3A_1992 = arith.andi %add3A_1989, %and3A_1991 : vector<16xi32>
        %add3A_1993 = arith.addi %mul3A_904, %and3A_1992 : vector<16xi32>
        %gather3A_1994 = tpu.vector_load_idx %arg14[%add3A_896, %add3A_1993] : memref<128x128xf32, #tpu.memory_space<vmem>>[vector<16xi32>, vector<16xi32>], vector<16xf32>,
        %add3A_1995 = arith.addi %mul3A_914, %and3A_1992 : vector<16xi32>
        %gather3A_1996 = tpu.vector_load_idx %arg15[%add3A_896, %add3A_1995] : memref<128x128xf32, #tpu.memory_space<vmem>>[vector<16xi32>, vector<16xi32>], vector<16xf32>,
        %mul3A_1997 = arith.mulf %gather3A_1994, %gather3A_1996 : vector<16xf32>
        %add3A_1998 = arith.addf %add3A_1966, %mul3A_1997 : vector<16xf32>
        %add3A_1999 = arith.addi %mul3A_930, %and3A_1992 : vector<16xi32>
        %gather3A_2000 = tpu.vector_load_idx %arg16[%add3A_920, %add3A_1999] : memref<640x128xf32, #tpu.memory_space<vmem>>[vector<16xi32>, vector<16xi32>], vector<16xf32>,
        %mul3A_2001 = arith.mulf %gather3A_1994, %gather3A_2000 : vector<16xf32>
        %add3A_2002 = arith.addf %add3A_1970, %mul3A_2001 : vector<16xf32>
        %add3A_2003 = arith.addi %mul3A_946, %and3A_1992 : vector<16xi32>
        %gather3A_2004 = tpu.vector_load_idx %arg16[%add3A_936, %add3A_2003] : memref<640x128xf32, #tpu.memory_space<vmem>>[vector<16xi32>, vector<16xi32>], vector<16xf32>,
        %mul3A_2005 = arith.mulf %gather3A_1994, %gather3A_2004 : vector<16xf32>
        %add3A_2006 = arith.addf %add3A_1974, %mul3A_2005 : vector<16xf32>
        %add3A_2007 = arith.addi %mul3A_962, %and3A_1992 : vector<16xi32>
        %gather3A_2008 = tpu.vector_load_idx %arg16[%add3A_952, %add3A_2007] : memref<640x128xf32, #tpu.memory_space<vmem>>[vector<16xi32>, vector<16xi32>], vector<16xf32>,
        %mul3A_2009 = arith.mulf %gather3A_1994, %gather3A_2008 : vector<16xf32>
        %add3A_2010 = arith.addf %add3A_1978, %mul3A_2009 : vector<16xf32>
        %add3A_2011 = arith.addi %mul3A_978, %and3A_1992 : vector<16xi32>
        %gather3A_2012 = tpu.vector_load_idx %arg16[%add3A_968, %add3A_2011] : memref<640x128xf32, #tpu.memory_space<vmem>>[vector<16xi32>, vector<16xi32>], vector<16xf32>,
        %mul3A_2013 = arith.mulf %gather3A_1994, %gather3A_2012 : vector<16xf32>
        %add3A_2014 = arith.addf %add3A_1982, %mul3A_2013 : vector<16xf32>
        %add3A_2015 = arith.addi %mul3A_994, %and3A_1992 : vector<16xi32>
        %gather3A_2016 = tpu.vector_load_idx %arg16[%add3A_984, %add3A_2015] : memref<640x128xf32, #tpu.memory_space<vmem>>[vector<16xi32>, vector<16xi32>], vector<16xf32>,
        %mul3A_2017 = arith.mulf %gather3A_1994, %gather3A_2016 : vector<16xf32>
        %add3A_2018 = arith.addf %add3A_1986, %mul3A_2017 : vector<16xf32>
        %add3A_2019 = arith.constant 32 : i32
        %add3A_2020 = vector.broadcast %add3A_2019 : i32 to vector<16xi32>
        %add3A_2021 = arith.addi %add3A_2020, %iota3A : vector<16xi32>
        %and3A_2022 = arith.constant 63 : i32
        %and3A_2023 = vector.broadcast %and3A_2022 : i32 to vector<16xi32>
        %and3A_2024 = arith.andi %add3A_2021, %and3A_2023 : vector<16xi32>
        %add3A_2025 = arith.addi %mul3A_904, %and3A_2024 : vector<16xi32>
        %gather3A_2026 = tpu.vector_load_idx %arg14[%add3A_896, %add3A_2025] : memref<128x128xf32, #tpu.memory_space<vmem>>[vector<16xi32>, vector<16xi32>], vector<16xf32>,
        %add3A_2027 = arith.addi %mul3A_914, %and3A_2024 : vector<16xi32>
        %gather3A_2028 = tpu.vector_load_idx %arg15[%add3A_896, %add3A_2027] : memref<128x128xf32, #tpu.memory_space<vmem>>[vector<16xi32>, vector<16xi32>], vector<16xf32>,
        %mul3A_2029 = arith.mulf %gather3A_2026, %gather3A_2028 : vector<16xf32>
        %add3A_2030 = arith.addf %add3A_1998, %mul3A_2029 : vector<16xf32>
        %add3A_2031 = arith.addi %mul3A_930, %and3A_2024 : vector<16xi32>
        %gather3A_2032 = tpu.vector_load_idx %arg16[%add3A_920, %add3A_2031] : memref<640x128xf32, #tpu.memory_space<vmem>>[vector<16xi32>, vector<16xi32>], vector<16xf32>,
        %mul3A_2033 = arith.mulf %gather3A_2026, %gather3A_2032 : vector<16xf32>
        %add3A_2034 = arith.addf %add3A_2002, %mul3A_2033 : vector<16xf32>
        %add3A_2035 = arith.addi %mul3A_946, %and3A_2024 : vector<16xi32>
        %gather3A_2036 = tpu.vector_load_idx %arg16[%add3A_936, %add3A_2035] : memref<640x128xf32, #tpu.memory_space<vmem>>[vector<16xi32>, vector<16xi32>], vector<16xf32>,
        %mul3A_2037 = arith.mulf %gather3A_2026, %gather3A_2036 : vector<16xf32>
        %add3A_2038 = arith.addf %add3A_2006, %mul3A_2037 : vector<16xf32>
        %add3A_2039 = arith.addi %mul3A_962, %and3A_2024 : vector<16xi32>
        %gather3A_2040 = tpu.vector_load_idx %arg16[%add3A_952, %add3A_2039] : memref<640x128xf32, #tpu.memory_space<vmem>>[vector<16xi32>, vector<16xi32>], vector<16xf32>,
        %mul3A_2041 = arith.mulf %gather3A_2026, %gather3A_2040 : vector<16xf32>
        %add3A_2042 = arith.addf %add3A_2010, %mul3A_2041 : vector<16xf32>
        %add3A_2043 = arith.addi %mul3A_978, %and3A_2024 : vector<16xi32>
        %gather3A_2044 = tpu.vector_load_idx %arg16[%add3A_968, %add3A_2043] : memref<640x128xf32, #tpu.memory_space<vmem>>[vector<16xi32>, vector<16xi32>], vector<16xf32>,
        %mul3A_2045 = arith.mulf %gather3A_2026, %gather3A_2044 : vector<16xf32>
        %add3A_2046 = arith.addf %add3A_2014, %mul3A_2045 : vector<16xf32>
        %add3A_2047 = arith.addi %mul3A_994, %and3A_2024 : vector<16xi32>
        %gather3A_2048 = tpu.vector_load_idx %arg16[%add3A_984, %add3A_2047] : memref<640x128xf32, #tpu.memory_space<vmem>>[vector<16xi32>, vector<16xi32>], vector<16xf32>,
        %mul3A_2049 = arith.mulf %gather3A_2026, %gather3A_2048 : vector<16xf32>
        %add3A_2050 = arith.addf %add3A_2018, %mul3A_2049 : vector<16xf32>
        %add3A_2051 = arith.constant 33 : i32
        %add3A_2052 = vector.broadcast %add3A_2051 : i32 to vector<16xi32>
        %add3A_2053 = arith.addi %add3A_2052, %iota3A : vector<16xi32>
        %and3A_2054 = arith.constant 63 : i32
        %and3A_2055 = vector.broadcast %and3A_2054 : i32 to vector<16xi32>
        %and3A_2056 = arith.andi %add3A_2053, %and3A_2055 : vector<16xi32>
        %add3A_2057 = arith.addi %mul3A_904, %and3A_2056 : vector<16xi32>
        %gather3A_2058 = tpu.vector_load_idx %arg14[%add3A_896, %add3A_2057] : memref<128x128xf32, #tpu.memory_space<vmem>>[vector<16xi32>, vector<16xi32>], vector<16xf32>,
        %add3A_2059 = arith.addi %mul3A_914, %and3A_2056 : vector<16xi32>
        %gather3A_2060 = tpu.vector_load_idx %arg15[%add3A_896, %add3A_2059] : memref<128x128xf32, #tpu.memory_space<vmem>>[vector<16xi32>, vector<16xi32>], vector<16xf32>,
        %mul3A_2061 = arith.mulf %gather3A_2058, %gather3A_2060 : vector<16xf32>
        %add3A_2062 = arith.addf %add3A_2030, %mul3A_2061 : vector<16xf32>
        %add3A_2063 = arith.addi %mul3A_930, %and3A_2056 : vector<16xi32>
        %gather3A_2064 = tpu.vector_load_idx %arg16[%add3A_920, %add3A_2063] : memref<640x128xf32, #tpu.memory_space<vmem>>[vector<16xi32>, vector<16xi32>], vector<16xf32>,
        %mul3A_2065 = arith.mulf %gather3A_2058, %gather3A_2064 : vector<16xf32>
        %add3A_2066 = arith.addf %add3A_2034, %mul3A_2065 : vector<16xf32>
        %add3A_2067 = arith.addi %mul3A_946, %and3A_2056 : vector<16xi32>
        %gather3A_2068 = tpu.vector_load_idx %arg16[%add3A_936, %add3A_2067] : memref<640x128xf32, #tpu.memory_space<vmem>>[vector<16xi32>, vector<16xi32>], vector<16xf32>,
        %mul3A_2069 = arith.mulf %gather3A_2058, %gather3A_2068 : vector<16xf32>
        %add3A_2070 = arith.addf %add3A_2038, %mul3A_2069 : vector<16xf32>
        %add3A_2071 = arith.addi %mul3A_962, %and3A_2056 : vector<16xi32>
        %gather3A_2072 = tpu.vector_load_idx %arg16[%add3A_952, %add3A_2071] : memref<640x128xf32, #tpu.memory_space<vmem>>[vector<16xi32>, vector<16xi32>], vector<16xf32>,
        %mul3A_2073 = arith.mulf %gather3A_2058, %gather3A_2072 : vector<16xf32>
        %add3A_2074 = arith.addf %add3A_2042, %mul3A_2073 : vector<16xf32>
        %add3A_2075 = arith.addi %mul3A_978, %and3A_2056 : vector<16xi32>
        %gather3A_2076 = tpu.vector_load_idx %arg16[%add3A_968, %add3A_2075] : memref<640x128xf32, #tpu.memory_space<vmem>>[vector<16xi32>, vector<16xi32>], vector<16xf32>,
        %mul3A_2077 = arith.mulf %gather3A_2058, %gather3A_2076 : vector<16xf32>
        %add3A_2078 = arith.addf %add3A_2046, %mul3A_2077 : vector<16xf32>
        %add3A_2079 = arith.addi %mul3A_994, %and3A_2056 : vector<16xi32>
        %gather3A_2080 = tpu.vector_load_idx %arg16[%add3A_984, %add3A_2079] : memref<640x128xf32, #tpu.memory_space<vmem>>[vector<16xi32>, vector<16xi32>], vector<16xf32>,
        %mul3A_2081 = arith.mulf %gather3A_2058, %gather3A_2080 : vector<16xf32>
        %add3A_2082 = arith.addf %add3A_2050, %mul3A_2081 : vector<16xf32>
        %add3A_2083 = arith.constant 34 : i32
        %add3A_2084 = vector.broadcast %add3A_2083 : i32 to vector<16xi32>
        %add3A_2085 = arith.addi %add3A_2084, %iota3A : vector<16xi32>
        %and3A_2086 = arith.constant 63 : i32
        %and3A_2087 = vector.broadcast %and3A_2086 : i32 to vector<16xi32>
        %and3A_2088 = arith.andi %add3A_2085, %and3A_2087 : vector<16xi32>
        %add3A_2089 = arith.addi %mul3A_904, %and3A_2088 : vector<16xi32>
        %gather3A_2090 = tpu.vector_load_idx %arg14[%add3A_896, %add3A_2089] : memref<128x128xf32, #tpu.memory_space<vmem>>[vector<16xi32>, vector<16xi32>], vector<16xf32>,
        %add3A_2091 = arith.addi %mul3A_914, %and3A_2088 : vector<16xi32>
        %gather3A_2092 = tpu.vector_load_idx %arg15[%add3A_896, %add3A_2091] : memref<128x128xf32, #tpu.memory_space<vmem>>[vector<16xi32>, vector<16xi32>], vector<16xf32>,
        %mul3A_2093 = arith.mulf %gather3A_2090, %gather3A_2092 : vector<16xf32>
        %add3A_2094 = arith.addf %add3A_2062, %mul3A_2093 : vector<16xf32>
        %add3A_2095 = arith.addi %mul3A_930, %and3A_2088 : vector<16xi32>
        %gather3A_2096 = tpu.vector_load_idx %arg16[%add3A_920, %add3A_2095] : memref<640x128xf32, #tpu.memory_space<vmem>>[vector<16xi32>, vector<16xi32>], vector<16xf32>,
        %mul3A_2097 = arith.mulf %gather3A_2090, %gather3A_2096 : vector<16xf32>
        %add3A_2098 = arith.addf %add3A_2066, %mul3A_2097 : vector<16xf32>
        %add3A_2099 = arith.addi %mul3A_946, %and3A_2088 : vector<16xi32>
        %gather3A_2100 = tpu.vector_load_idx %arg16[%add3A_936, %add3A_2099] : memref<640x128xf32, #tpu.memory_space<vmem>>[vector<16xi32>, vector<16xi32>], vector<16xf32>,
        %mul3A_2101 = arith.mulf %gather3A_2090, %gather3A_2100 : vector<16xf32>
        %add3A_2102 = arith.addf %add3A_2070, %mul3A_2101 : vector<16xf32>
        %add3A_2103 = arith.addi %mul3A_962, %and3A_2088 : vector<16xi32>
        %gather3A_2104 = tpu.vector_load_idx %arg16[%add3A_952, %add3A_2103] : memref<640x128xf32, #tpu.memory_space<vmem>>[vector<16xi32>, vector<16xi32>], vector<16xf32>,
        %mul3A_2105 = arith.mulf %gather3A_2090, %gather3A_2104 : vector<16xf32>
        %add3A_2106 = arith.addf %add3A_2074, %mul3A_2105 : vector<16xf32>
        %add3A_2107 = arith.addi %mul3A_978, %and3A_2088 : vector<16xi32>
        %gather3A_2108 = tpu.vector_load_idx %arg16[%add3A_968, %add3A_2107] : memref<640x128xf32, #tpu.memory_space<vmem>>[vector<16xi32>, vector<16xi32>], vector<16xf32>,
        %mul3A_2109 = arith.mulf %gather3A_2090, %gather3A_2108 : vector<16xf32>
        %add3A_2110 = arith.addf %add3A_2078, %mul3A_2109 : vector<16xf32>
        %add3A_2111 = arith.addi %mul3A_994, %and3A_2088 : vector<16xi32>
        %gather3A_2112 = tpu.vector_load_idx %arg16[%add3A_984, %add3A_2111] : memref<640x128xf32, #tpu.memory_space<vmem>>[vector<16xi32>, vector<16xi32>], vector<16xf32>,
        %mul3A_2113 = arith.mulf %gather3A_2090, %gather3A_2112 : vector<16xf32>
        %add3A_2114 = arith.addf %add3A_2082, %mul3A_2113 : vector<16xf32>
        %add3A_2115 = arith.constant 35 : i32
        %add3A_2116 = vector.broadcast %add3A_2115 : i32 to vector<16xi32>
        %add3A_2117 = arith.addi %add3A_2116, %iota3A : vector<16xi32>
        %and3A_2118 = arith.constant 63 : i32
        %and3A_2119 = vector.broadcast %and3A_2118 : i32 to vector<16xi32>
        %and3A_2120 = arith.andi %add3A_2117, %and3A_2119 : vector<16xi32>
        %add3A_2121 = arith.addi %mul3A_904, %and3A_2120 : vector<16xi32>
        %gather3A_2122 = tpu.vector_load_idx %arg14[%add3A_896, %add3A_2121] : memref<128x128xf32, #tpu.memory_space<vmem>>[vector<16xi32>, vector<16xi32>], vector<16xf32>,
        %add3A_2123 = arith.addi %mul3A_914, %and3A_2120 : vector<16xi32>
        %gather3A_2124 = tpu.vector_load_idx %arg15[%add3A_896, %add3A_2123] : memref<128x128xf32, #tpu.memory_space<vmem>>[vector<16xi32>, vector<16xi32>], vector<16xf32>,
        %mul3A_2125 = arith.mulf %gather3A_2122, %gather3A_2124 : vector<16xf32>
        %add3A_2126 = arith.addf %add3A_2094, %mul3A_2125 : vector<16xf32>
        %add3A_2127 = arith.addi %mul3A_930, %and3A_2120 : vector<16xi32>
        %gather3A_2128 = tpu.vector_load_idx %arg16[%add3A_920, %add3A_2127] : memref<640x128xf32, #tpu.memory_space<vmem>>[vector<16xi32>, vector<16xi32>], vector<16xf32>,
        %mul3A_2129 = arith.mulf %gather3A_2122, %gather3A_2128 : vector<16xf32>
        %add3A_2130 = arith.addf %add3A_2098, %mul3A_2129 : vector<16xf32>
        %add3A_2131 = arith.addi %mul3A_946, %and3A_2120 : vector<16xi32>
        %gather3A_2132 = tpu.vector_load_idx %arg16[%add3A_936, %add3A_2131] : memref<640x128xf32, #tpu.memory_space<vmem>>[vector<16xi32>, vector<16xi32>], vector<16xf32>,
        %mul3A_2133 = arith.mulf %gather3A_2122, %gather3A_2132 : vector<16xf32>
        %add3A_2134 = arith.addf %add3A_2102, %mul3A_2133 : vector<16xf32>
        %add3A_2135 = arith.addi %mul3A_962, %and3A_2120 : vector<16xi32>
        %gather3A_2136 = tpu.vector_load_idx %arg16[%add3A_952, %add3A_2135] : memref<640x128xf32, #tpu.memory_space<vmem>>[vector<16xi32>, vector<16xi32>], vector<16xf32>,
        %mul3A_2137 = arith.mulf %gather3A_2122, %gather3A_2136 : vector<16xf32>
        %add3A_2138 = arith.addf %add3A_2106, %mul3A_2137 : vector<16xf32>
        %add3A_2139 = arith.addi %mul3A_978, %and3A_2120 : vector<16xi32>
        %gather3A_2140 = tpu.vector_load_idx %arg16[%add3A_968, %add3A_2139] : memref<640x128xf32, #tpu.memory_space<vmem>>[vector<16xi32>, vector<16xi32>], vector<16xf32>,
        %mul3A_2141 = arith.mulf %gather3A_2122, %gather3A_2140 : vector<16xf32>
        %add3A_2142 = arith.addf %add3A_2110, %mul3A_2141 : vector<16xf32>
        %add3A_2143 = arith.addi %mul3A_994, %and3A_2120 : vector<16xi32>
        %gather3A_2144 = tpu.vector_load_idx %arg16[%add3A_984, %add3A_2143] : memref<640x128xf32, #tpu.memory_space<vmem>>[vector<16xi32>, vector<16xi32>], vector<16xf32>,
        %mul3A_2145 = arith.mulf %gather3A_2122, %gather3A_2144 : vector<16xf32>
        %add3A_2146 = arith.addf %add3A_2114, %mul3A_2145 : vector<16xf32>
        %add3A_2147 = arith.constant 36 : i32
        %add3A_2148 = vector.broadcast %add3A_2147 : i32 to vector<16xi32>
        %add3A_2149 = arith.addi %add3A_2148, %iota3A : vector<16xi32>
        %and3A_2150 = arith.constant 63 : i32
        %and3A_2151 = vector.broadcast %and3A_2150 : i32 to vector<16xi32>
        %and3A_2152 = arith.andi %add3A_2149, %and3A_2151 : vector<16xi32>
        %add3A_2153 = arith.addi %mul3A_904, %and3A_2152 : vector<16xi32>
        %gather3A_2154 = tpu.vector_load_idx %arg14[%add3A_896, %add3A_2153] : memref<128x128xf32, #tpu.memory_space<vmem>>[vector<16xi32>, vector<16xi32>], vector<16xf32>,
        %add3A_2155 = arith.addi %mul3A_914, %and3A_2152 : vector<16xi32>
        %gather3A_2156 = tpu.vector_load_idx %arg15[%add3A_896, %add3A_2155] : memref<128x128xf32, #tpu.memory_space<vmem>>[vector<16xi32>, vector<16xi32>], vector<16xf32>,
        %mul3A_2157 = arith.mulf %gather3A_2154, %gather3A_2156 : vector<16xf32>
        %add3A_2158 = arith.addf %add3A_2126, %mul3A_2157 : vector<16xf32>
        %add3A_2159 = arith.addi %mul3A_930, %and3A_2152 : vector<16xi32>
        %gather3A_2160 = tpu.vector_load_idx %arg16[%add3A_920, %add3A_2159] : memref<640x128xf32, #tpu.memory_space<vmem>>[vector<16xi32>, vector<16xi32>], vector<16xf32>,
        %mul3A_2161 = arith.mulf %gather3A_2154, %gather3A_2160 : vector<16xf32>
        %add3A_2162 = arith.addf %add3A_2130, %mul3A_2161 : vector<16xf32>
        %add3A_2163 = arith.addi %mul3A_946, %and3A_2152 : vector<16xi32>
        %gather3A_2164 = tpu.vector_load_idx %arg16[%add3A_936, %add3A_2163] : memref<640x128xf32, #tpu.memory_space<vmem>>[vector<16xi32>, vector<16xi32>], vector<16xf32>,
        %mul3A_2165 = arith.mulf %gather3A_2154, %gather3A_2164 : vector<16xf32>
        %add3A_2166 = arith.addf %add3A_2134, %mul3A_2165 : vector<16xf32>
        %add3A_2167 = arith.addi %mul3A_962, %and3A_2152 : vector<16xi32>
        %gather3A_2168 = tpu.vector_load_idx %arg16[%add3A_952, %add3A_2167] : memref<640x128xf32, #tpu.memory_space<vmem>>[vector<16xi32>, vector<16xi32>], vector<16xf32>,
        %mul3A_2169 = arith.mulf %gather3A_2154, %gather3A_2168 : vector<16xf32>
        %add3A_2170 = arith.addf %add3A_2138, %mul3A_2169 : vector<16xf32>
        %add3A_2171 = arith.addi %mul3A_978, %and3A_2152 : vector<16xi32>
        %gather3A_2172 = tpu.vector_load_idx %arg16[%add3A_968, %add3A_2171] : memref<640x128xf32, #tpu.memory_space<vmem>>[vector<16xi32>, vector<16xi32>], vector<16xf32>,
        %mul3A_2173 = arith.mulf %gather3A_2154, %gather3A_2172 : vector<16xf32>
        %add3A_2174 = arith.addf %add3A_2142, %mul3A_2173 : vector<16xf32>
        %add3A_2175 = arith.addi %mul3A_994, %and3A_2152 : vector<16xi32>
        %gather3A_2176 = tpu.vector_load_idx %arg16[%add3A_984, %add3A_2175] : memref<640x128xf32, #tpu.memory_space<vmem>>[vector<16xi32>, vector<16xi32>], vector<16xf32>,
        %mul3A_2177 = arith.mulf %gather3A_2154, %gather3A_2176 : vector<16xf32>
        %add3A_2178 = arith.addf %add3A_2146, %mul3A_2177 : vector<16xf32>
        %add3A_2179 = arith.constant 37 : i32
        %add3A_2180 = vector.broadcast %add3A_2179 : i32 to vector<16xi32>
        %add3A_2181 = arith.addi %add3A_2180, %iota3A : vector<16xi32>
        %and3A_2182 = arith.constant 63 : i32
        %and3A_2183 = vector.broadcast %and3A_2182 : i32 to vector<16xi32>
        %and3A_2184 = arith.andi %add3A_2181, %and3A_2183 : vector<16xi32>
        %add3A_2185 = arith.addi %mul3A_904, %and3A_2184 : vector<16xi32>
        %gather3A_2186 = tpu.vector_load_idx %arg14[%add3A_896, %add3A_2185] : memref<128x128xf32, #tpu.memory_space<vmem>>[vector<16xi32>, vector<16xi32>], vector<16xf32>,
        %add3A_2187 = arith.addi %mul3A_914, %and3A_2184 : vector<16xi32>
        %gather3A_2188 = tpu.vector_load_idx %arg15[%add3A_896, %add3A_2187] : memref<128x128xf32, #tpu.memory_space<vmem>>[vector<16xi32>, vector<16xi32>], vector<16xf32>,
        %mul3A_2189 = arith.mulf %gather3A_2186, %gather3A_2188 : vector<16xf32>
        %add3A_2190 = arith.addf %add3A_2158, %mul3A_2189 : vector<16xf32>
        %add3A_2191 = arith.addi %mul3A_930, %and3A_2184 : vector<16xi32>
        %gather3A_2192 = tpu.vector_load_idx %arg16[%add3A_920, %add3A_2191] : memref<640x128xf32, #tpu.memory_space<vmem>>[vector<16xi32>, vector<16xi32>], vector<16xf32>,
        %mul3A_2193 = arith.mulf %gather3A_2186, %gather3A_2192 : vector<16xf32>
        %add3A_2194 = arith.addf %add3A_2162, %mul3A_2193 : vector<16xf32>
        %add3A_2195 = arith.addi %mul3A_946, %and3A_2184 : vector<16xi32>
        %gather3A_2196 = tpu.vector_load_idx %arg16[%add3A_936, %add3A_2195] : memref<640x128xf32, #tpu.memory_space<vmem>>[vector<16xi32>, vector<16xi32>], vector<16xf32>,
        %mul3A_2197 = arith.mulf %gather3A_2186, %gather3A_2196 : vector<16xf32>
        %add3A_2198 = arith.addf %add3A_2166, %mul3A_2197 : vector<16xf32>
        %add3A_2199 = arith.addi %mul3A_962, %and3A_2184 : vector<16xi32>
        %gather3A_2200 = tpu.vector_load_idx %arg16[%add3A_952, %add3A_2199] : memref<640x128xf32, #tpu.memory_space<vmem>>[vector<16xi32>, vector<16xi32>], vector<16xf32>,
        %mul3A_2201 = arith.mulf %gather3A_2186, %gather3A_2200 : vector<16xf32>
        %add3A_2202 = arith.addf %add3A_2170, %mul3A_2201 : vector<16xf32>
        %add3A_2203 = arith.addi %mul3A_978, %and3A_2184 : vector<16xi32>
        %gather3A_2204 = tpu.vector_load_idx %arg16[%add3A_968, %add3A_2203] : memref<640x128xf32, #tpu.memory_space<vmem>>[vector<16xi32>, vector<16xi32>], vector<16xf32>,
        %mul3A_2205 = arith.mulf %gather3A_2186, %gather3A_2204 : vector<16xf32>
        %add3A_2206 = arith.addf %add3A_2174, %mul3A_2205 : vector<16xf32>
        %add3A_2207 = arith.addi %mul3A_994, %and3A_2184 : vector<16xi32>
        %gather3A_2208 = tpu.vector_load_idx %arg16[%add3A_984, %add3A_2207] : memref<640x128xf32, #tpu.memory_space<vmem>>[vector<16xi32>, vector<16xi32>], vector<16xf32>,
        %mul3A_2209 = arith.mulf %gather3A_2186, %gather3A_2208 : vector<16xf32>
        %add3A_2210 = arith.addf %add3A_2178, %mul3A_2209 : vector<16xf32>
        %add3A_2211 = arith.constant 38 : i32
        %add3A_2212 = vector.broadcast %add3A_2211 : i32 to vector<16xi32>
        %add3A_2213 = arith.addi %add3A_2212, %iota3A : vector<16xi32>
        %and3A_2214 = arith.constant 63 : i32
        %and3A_2215 = vector.broadcast %and3A_2214 : i32 to vector<16xi32>
        %and3A_2216 = arith.andi %add3A_2213, %and3A_2215 : vector<16xi32>
        %add3A_2217 = arith.addi %mul3A_904, %and3A_2216 : vector<16xi32>
        %gather3A_2218 = tpu.vector_load_idx %arg14[%add3A_896, %add3A_2217] : memref<128x128xf32, #tpu.memory_space<vmem>>[vector<16xi32>, vector<16xi32>], vector<16xf32>,
        %add3A_2219 = arith.addi %mul3A_914, %and3A_2216 : vector<16xi32>
        %gather3A_2220 = tpu.vector_load_idx %arg15[%add3A_896, %add3A_2219] : memref<128x128xf32, #tpu.memory_space<vmem>>[vector<16xi32>, vector<16xi32>], vector<16xf32>,
        %mul3A_2221 = arith.mulf %gather3A_2218, %gather3A_2220 : vector<16xf32>
        %add3A_2222 = arith.addf %add3A_2190, %mul3A_2221 : vector<16xf32>
        %add3A_2223 = arith.addi %mul3A_930, %and3A_2216 : vector<16xi32>
        %gather3A_2224 = tpu.vector_load_idx %arg16[%add3A_920, %add3A_2223] : memref<640x128xf32, #tpu.memory_space<vmem>>[vector<16xi32>, vector<16xi32>], vector<16xf32>,
        %mul3A_2225 = arith.mulf %gather3A_2218, %gather3A_2224 : vector<16xf32>
        %add3A_2226 = arith.addf %add3A_2194, %mul3A_2225 : vector<16xf32>
        %add3A_2227 = arith.addi %mul3A_946, %and3A_2216 : vector<16xi32>
        %gather3A_2228 = tpu.vector_load_idx %arg16[%add3A_936, %add3A_2227] : memref<640x128xf32, #tpu.memory_space<vmem>>[vector<16xi32>, vector<16xi32>], vector<16xf32>,
        %mul3A_2229 = arith.mulf %gather3A_2218, %gather3A_2228 : vector<16xf32>
        %add3A_2230 = arith.addf %add3A_2198, %mul3A_2229 : vector<16xf32>
        %add3A_2231 = arith.addi %mul3A_962, %and3A_2216 : vector<16xi32>
        %gather3A_2232 = tpu.vector_load_idx %arg16[%add3A_952, %add3A_2231] : memref<640x128xf32, #tpu.memory_space<vmem>>[vector<16xi32>, vector<16xi32>], vector<16xf32>,
        %mul3A_2233 = arith.mulf %gather3A_2218, %gather3A_2232 : vector<16xf32>
        %add3A_2234 = arith.addf %add3A_2202, %mul3A_2233 : vector<16xf32>
        %add3A_2235 = arith.addi %mul3A_978, %and3A_2216 : vector<16xi32>
        %gather3A_2236 = tpu.vector_load_idx %arg16[%add3A_968, %add3A_2235] : memref<640x128xf32, #tpu.memory_space<vmem>>[vector<16xi32>, vector<16xi32>], vector<16xf32>,
        %mul3A_2237 = arith.mulf %gather3A_2218, %gather3A_2236 : vector<16xf32>
        %add3A_2238 = arith.addf %add3A_2206, %mul3A_2237 : vector<16xf32>
        %add3A_2239 = arith.addi %mul3A_994, %and3A_2216 : vector<16xi32>
        %gather3A_2240 = tpu.vector_load_idx %arg16[%add3A_984, %add3A_2239] : memref<640x128xf32, #tpu.memory_space<vmem>>[vector<16xi32>, vector<16xi32>], vector<16xf32>,
        %mul3A_2241 = arith.mulf %gather3A_2218, %gather3A_2240 : vector<16xf32>
        %add3A_2242 = arith.addf %add3A_2210, %mul3A_2241 : vector<16xf32>
        %add3A_2243 = arith.constant 39 : i32
        %add3A_2244 = vector.broadcast %add3A_2243 : i32 to vector<16xi32>
        %add3A_2245 = arith.addi %add3A_2244, %iota3A : vector<16xi32>
        %and3A_2246 = arith.constant 63 : i32
        %and3A_2247 = vector.broadcast %and3A_2246 : i32 to vector<16xi32>
        %and3A_2248 = arith.andi %add3A_2245, %and3A_2247 : vector<16xi32>
        %add3A_2249 = arith.addi %mul3A_904, %and3A_2248 : vector<16xi32>
        %gather3A_2250 = tpu.vector_load_idx %arg14[%add3A_896, %add3A_2249] : memref<128x128xf32, #tpu.memory_space<vmem>>[vector<16xi32>, vector<16xi32>], vector<16xf32>,
        %add3A_2251 = arith.addi %mul3A_914, %and3A_2248 : vector<16xi32>
        %gather3A_2252 = tpu.vector_load_idx %arg15[%add3A_896, %add3A_2251] : memref<128x128xf32, #tpu.memory_space<vmem>>[vector<16xi32>, vector<16xi32>], vector<16xf32>,
        %mul3A_2253 = arith.mulf %gather3A_2250, %gather3A_2252 : vector<16xf32>
        %add3A_2254 = arith.addf %add3A_2222, %mul3A_2253 : vector<16xf32>
        %add3A_2255 = arith.addi %mul3A_930, %and3A_2248 : vector<16xi32>
        %gather3A_2256 = tpu.vector_load_idx %arg16[%add3A_920, %add3A_2255] : memref<640x128xf32, #tpu.memory_space<vmem>>[vector<16xi32>, vector<16xi32>], vector<16xf32>,
        %mul3A_2257 = arith.mulf %gather3A_2250, %gather3A_2256 : vector<16xf32>
        %add3A_2258 = arith.addf %add3A_2226, %mul3A_2257 : vector<16xf32>
        %add3A_2259 = arith.addi %mul3A_946, %and3A_2248 : vector<16xi32>
        %gather3A_2260 = tpu.vector_load_idx %arg16[%add3A_936, %add3A_2259] : memref<640x128xf32, #tpu.memory_space<vmem>>[vector<16xi32>, vector<16xi32>], vector<16xf32>,
        %mul3A_2261 = arith.mulf %gather3A_2250, %gather3A_2260 : vector<16xf32>
        %add3A_2262 = arith.addf %add3A_2230, %mul3A_2261 : vector<16xf32>
        %add3A_2263 = arith.addi %mul3A_962, %and3A_2248 : vector<16xi32>
        %gather3A_2264 = tpu.vector_load_idx %arg16[%add3A_952, %add3A_2263] : memref<640x128xf32, #tpu.memory_space<vmem>>[vector<16xi32>, vector<16xi32>], vector<16xf32>,
        %mul3A_2265 = arith.mulf %gather3A_2250, %gather3A_2264 : vector<16xf32>
        %add3A_2266 = arith.addf %add3A_2234, %mul3A_2265 : vector<16xf32>
        %add3A_2267 = arith.addi %mul3A_978, %and3A_2248 : vector<16xi32>
        %gather3A_2268 = tpu.vector_load_idx %arg16[%add3A_968, %add3A_2267] : memref<640x128xf32, #tpu.memory_space<vmem>>[vector<16xi32>, vector<16xi32>], vector<16xf32>,
        %mul3A_2269 = arith.mulf %gather3A_2250, %gather3A_2268 : vector<16xf32>
        %add3A_2270 = arith.addf %add3A_2238, %mul3A_2269 : vector<16xf32>
        %add3A_2271 = arith.addi %mul3A_994, %and3A_2248 : vector<16xi32>
        %gather3A_2272 = tpu.vector_load_idx %arg16[%add3A_984, %add3A_2271] : memref<640x128xf32, #tpu.memory_space<vmem>>[vector<16xi32>, vector<16xi32>], vector<16xf32>,
        %mul3A_2273 = arith.mulf %gather3A_2250, %gather3A_2272 : vector<16xf32>
        %add3A_2274 = arith.addf %add3A_2242, %mul3A_2273 : vector<16xf32>
        %add3A_2275 = arith.constant 40 : i32
        %add3A_2276 = vector.broadcast %add3A_2275 : i32 to vector<16xi32>
        %add3A_2277 = arith.addi %add3A_2276, %iota3A : vector<16xi32>
        %and3A_2278 = arith.constant 63 : i32
        %and3A_2279 = vector.broadcast %and3A_2278 : i32 to vector<16xi32>
        %and3A_2280 = arith.andi %add3A_2277, %and3A_2279 : vector<16xi32>
        %add3A_2281 = arith.addi %mul3A_904, %and3A_2280 : vector<16xi32>
        %gather3A_2282 = tpu.vector_load_idx %arg14[%add3A_896, %add3A_2281] : memref<128x128xf32, #tpu.memory_space<vmem>>[vector<16xi32>, vector<16xi32>], vector<16xf32>,
        %add3A_2283 = arith.addi %mul3A_914, %and3A_2280 : vector<16xi32>
        %gather3A_2284 = tpu.vector_load_idx %arg15[%add3A_896, %add3A_2283] : memref<128x128xf32, #tpu.memory_space<vmem>>[vector<16xi32>, vector<16xi32>], vector<16xf32>,
        %mul3A_2285 = arith.mulf %gather3A_2282, %gather3A_2284 : vector<16xf32>
        %add3A_2286 = arith.addf %add3A_2254, %mul3A_2285 : vector<16xf32>
        %add3A_2287 = arith.addi %mul3A_930, %and3A_2280 : vector<16xi32>
        %gather3A_2288 = tpu.vector_load_idx %arg16[%add3A_920, %add3A_2287] : memref<640x128xf32, #tpu.memory_space<vmem>>[vector<16xi32>, vector<16xi32>], vector<16xf32>,
        %mul3A_2289 = arith.mulf %gather3A_2282, %gather3A_2288 : vector<16xf32>
        %add3A_2290 = arith.addf %add3A_2258, %mul3A_2289 : vector<16xf32>
        %add3A_2291 = arith.addi %mul3A_946, %and3A_2280 : vector<16xi32>
        %gather3A_2292 = tpu.vector_load_idx %arg16[%add3A_936, %add3A_2291] : memref<640x128xf32, #tpu.memory_space<vmem>>[vector<16xi32>, vector<16xi32>], vector<16xf32>,
        %mul3A_2293 = arith.mulf %gather3A_2282, %gather3A_2292 : vector<16xf32>
        %add3A_2294 = arith.addf %add3A_2262, %mul3A_2293 : vector<16xf32>
        %add3A_2295 = arith.addi %mul3A_962, %and3A_2280 : vector<16xi32>
        %gather3A_2296 = tpu.vector_load_idx %arg16[%add3A_952, %add3A_2295] : memref<640x128xf32, #tpu.memory_space<vmem>>[vector<16xi32>, vector<16xi32>], vector<16xf32>,
        %mul3A_2297 = arith.mulf %gather3A_2282, %gather3A_2296 : vector<16xf32>
        %add3A_2298 = arith.addf %add3A_2266, %mul3A_2297 : vector<16xf32>
        %add3A_2299 = arith.addi %mul3A_978, %and3A_2280 : vector<16xi32>
        %gather3A_2300 = tpu.vector_load_idx %arg16[%add3A_968, %add3A_2299] : memref<640x128xf32, #tpu.memory_space<vmem>>[vector<16xi32>, vector<16xi32>], vector<16xf32>,
        %mul3A_2301 = arith.mulf %gather3A_2282, %gather3A_2300 : vector<16xf32>
        %add3A_2302 = arith.addf %add3A_2270, %mul3A_2301 : vector<16xf32>
        %add3A_2303 = arith.addi %mul3A_994, %and3A_2280 : vector<16xi32>
        %gather3A_2304 = tpu.vector_load_idx %arg16[%add3A_984, %add3A_2303] : memref<640x128xf32, #tpu.memory_space<vmem>>[vector<16xi32>, vector<16xi32>], vector<16xf32>,
        %mul3A_2305 = arith.mulf %gather3A_2282, %gather3A_2304 : vector<16xf32>
        %add3A_2306 = arith.addf %add3A_2274, %mul3A_2305 : vector<16xf32>
        %add3A_2307 = arith.constant 41 : i32
        %add3A_2308 = vector.broadcast %add3A_2307 : i32 to vector<16xi32>
        %add3A_2309 = arith.addi %add3A_2308, %iota3A : vector<16xi32>
        %and3A_2310 = arith.constant 63 : i32
        %and3A_2311 = vector.broadcast %and3A_2310 : i32 to vector<16xi32>
        %and3A_2312 = arith.andi %add3A_2309, %and3A_2311 : vector<16xi32>
        %add3A_2313 = arith.addi %mul3A_904, %and3A_2312 : vector<16xi32>
        %gather3A_2314 = tpu.vector_load_idx %arg14[%add3A_896, %add3A_2313] : memref<128x128xf32, #tpu.memory_space<vmem>>[vector<16xi32>, vector<16xi32>], vector<16xf32>,
        %add3A_2315 = arith.addi %mul3A_914, %and3A_2312 : vector<16xi32>
        %gather3A_2316 = tpu.vector_load_idx %arg15[%add3A_896, %add3A_2315] : memref<128x128xf32, #tpu.memory_space<vmem>>[vector<16xi32>, vector<16xi32>], vector<16xf32>,
        %mul3A_2317 = arith.mulf %gather3A_2314, %gather3A_2316 : vector<16xf32>
        %add3A_2318 = arith.addf %add3A_2286, %mul3A_2317 : vector<16xf32>
        %add3A_2319 = arith.addi %mul3A_930, %and3A_2312 : vector<16xi32>
        %gather3A_2320 = tpu.vector_load_idx %arg16[%add3A_920, %add3A_2319] : memref<640x128xf32, #tpu.memory_space<vmem>>[vector<16xi32>, vector<16xi32>], vector<16xf32>,
        %mul3A_2321 = arith.mulf %gather3A_2314, %gather3A_2320 : vector<16xf32>
        %add3A_2322 = arith.addf %add3A_2290, %mul3A_2321 : vector<16xf32>
        %add3A_2323 = arith.addi %mul3A_946, %and3A_2312 : vector<16xi32>
        %gather3A_2324 = tpu.vector_load_idx %arg16[%add3A_936, %add3A_2323] : memref<640x128xf32, #tpu.memory_space<vmem>>[vector<16xi32>, vector<16xi32>], vector<16xf32>,
        %mul3A_2325 = arith.mulf %gather3A_2314, %gather3A_2324 : vector<16xf32>
        %add3A_2326 = arith.addf %add3A_2294, %mul3A_2325 : vector<16xf32>
        %add3A_2327 = arith.addi %mul3A_962, %and3A_2312 : vector<16xi32>
        %gather3A_2328 = tpu.vector_load_idx %arg16[%add3A_952, %add3A_2327] : memref<640x128xf32, #tpu.memory_space<vmem>>[vector<16xi32>, vector<16xi32>], vector<16xf32>,
        %mul3A_2329 = arith.mulf %gather3A_2314, %gather3A_2328 : vector<16xf32>
        %add3A_2330 = arith.addf %add3A_2298, %mul3A_2329 : vector<16xf32>
        %add3A_2331 = arith.addi %mul3A_978, %and3A_2312 : vector<16xi32>
        %gather3A_2332 = tpu.vector_load_idx %arg16[%add3A_968, %add3A_2331] : memref<640x128xf32, #tpu.memory_space<vmem>>[vector<16xi32>, vector<16xi32>], vector<16xf32>,
        %mul3A_2333 = arith.mulf %gather3A_2314, %gather3A_2332 : vector<16xf32>
        %add3A_2334 = arith.addf %add3A_2302, %mul3A_2333 : vector<16xf32>
        %add3A_2335 = arith.addi %mul3A_994, %and3A_2312 : vector<16xi32>
        %gather3A_2336 = tpu.vector_load_idx %arg16[%add3A_984, %add3A_2335] : memref<640x128xf32, #tpu.memory_space<vmem>>[vector<16xi32>, vector<16xi32>], vector<16xf32>,
        %mul3A_2337 = arith.mulf %gather3A_2314, %gather3A_2336 : vector<16xf32>
        %add3A_2338 = arith.addf %add3A_2306, %mul3A_2337 : vector<16xf32>
        %add3A_2339 = arith.constant 42 : i32
        %add3A_2340 = vector.broadcast %add3A_2339 : i32 to vector<16xi32>
        %add3A_2341 = arith.addi %add3A_2340, %iota3A : vector<16xi32>
        %and3A_2342 = arith.constant 63 : i32
        %and3A_2343 = vector.broadcast %and3A_2342 : i32 to vector<16xi32>
        %and3A_2344 = arith.andi %add3A_2341, %and3A_2343 : vector<16xi32>
        %add3A_2345 = arith.addi %mul3A_904, %and3A_2344 : vector<16xi32>
        %gather3A_2346 = tpu.vector_load_idx %arg14[%add3A_896, %add3A_2345] : memref<128x128xf32, #tpu.memory_space<vmem>>[vector<16xi32>, vector<16xi32>], vector<16xf32>,
        %add3A_2347 = arith.addi %mul3A_914, %and3A_2344 : vector<16xi32>
        %gather3A_2348 = tpu.vector_load_idx %arg15[%add3A_896, %add3A_2347] : memref<128x128xf32, #tpu.memory_space<vmem>>[vector<16xi32>, vector<16xi32>], vector<16xf32>,
        %mul3A_2349 = arith.mulf %gather3A_2346, %gather3A_2348 : vector<16xf32>
        %add3A_2350 = arith.addf %add3A_2318, %mul3A_2349 : vector<16xf32>
        %add3A_2351 = arith.addi %mul3A_930, %and3A_2344 : vector<16xi32>
        %gather3A_2352 = tpu.vector_load_idx %arg16[%add3A_920, %add3A_2351] : memref<640x128xf32, #tpu.memory_space<vmem>>[vector<16xi32>, vector<16xi32>], vector<16xf32>,
        %mul3A_2353 = arith.mulf %gather3A_2346, %gather3A_2352 : vector<16xf32>
        %add3A_2354 = arith.addf %add3A_2322, %mul3A_2353 : vector<16xf32>
        %add3A_2355 = arith.addi %mul3A_946, %and3A_2344 : vector<16xi32>
        %gather3A_2356 = tpu.vector_load_idx %arg16[%add3A_936, %add3A_2355] : memref<640x128xf32, #tpu.memory_space<vmem>>[vector<16xi32>, vector<16xi32>], vector<16xf32>,
        %mul3A_2357 = arith.mulf %gather3A_2346, %gather3A_2356 : vector<16xf32>
        %add3A_2358 = arith.addf %add3A_2326, %mul3A_2357 : vector<16xf32>
        %add3A_2359 = arith.addi %mul3A_962, %and3A_2344 : vector<16xi32>
        %gather3A_2360 = tpu.vector_load_idx %arg16[%add3A_952, %add3A_2359] : memref<640x128xf32, #tpu.memory_space<vmem>>[vector<16xi32>, vector<16xi32>], vector<16xf32>,
        %mul3A_2361 = arith.mulf %gather3A_2346, %gather3A_2360 : vector<16xf32>
        %add3A_2362 = arith.addf %add3A_2330, %mul3A_2361 : vector<16xf32>
        %add3A_2363 = arith.addi %mul3A_978, %and3A_2344 : vector<16xi32>
        %gather3A_2364 = tpu.vector_load_idx %arg16[%add3A_968, %add3A_2363] : memref<640x128xf32, #tpu.memory_space<vmem>>[vector<16xi32>, vector<16xi32>], vector<16xf32>,
        %mul3A_2365 = arith.mulf %gather3A_2346, %gather3A_2364 : vector<16xf32>
        %add3A_2366 = arith.addf %add3A_2334, %mul3A_2365 : vector<16xf32>
        %add3A_2367 = arith.addi %mul3A_994, %and3A_2344 : vector<16xi32>
        %gather3A_2368 = tpu.vector_load_idx %arg16[%add3A_984, %add3A_2367] : memref<640x128xf32, #tpu.memory_space<vmem>>[vector<16xi32>, vector<16xi32>], vector<16xf32>,
        %mul3A_2369 = arith.mulf %gather3A_2346, %gather3A_2368 : vector<16xf32>
        %add3A_2370 = arith.addf %add3A_2338, %mul3A_2369 : vector<16xf32>
        %add3A_2371 = arith.constant 43 : i32
        %add3A_2372 = vector.broadcast %add3A_2371 : i32 to vector<16xi32>
        %add3A_2373 = arith.addi %add3A_2372, %iota3A : vector<16xi32>
        %and3A_2374 = arith.constant 63 : i32
        %and3A_2375 = vector.broadcast %and3A_2374 : i32 to vector<16xi32>
        %and3A_2376 = arith.andi %add3A_2373, %and3A_2375 : vector<16xi32>
        %add3A_2377 = arith.addi %mul3A_904, %and3A_2376 : vector<16xi32>
        %gather3A_2378 = tpu.vector_load_idx %arg14[%add3A_896, %add3A_2377] : memref<128x128xf32, #tpu.memory_space<vmem>>[vector<16xi32>, vector<16xi32>], vector<16xf32>,
        %add3A_2379 = arith.addi %mul3A_914, %and3A_2376 : vector<16xi32>
        %gather3A_2380 = tpu.vector_load_idx %arg15[%add3A_896, %add3A_2379] : memref<128x128xf32, #tpu.memory_space<vmem>>[vector<16xi32>, vector<16xi32>], vector<16xf32>,
        %mul3A_2381 = arith.mulf %gather3A_2378, %gather3A_2380 : vector<16xf32>
        %add3A_2382 = arith.addf %add3A_2350, %mul3A_2381 : vector<16xf32>
        %add3A_2383 = arith.addi %mul3A_930, %and3A_2376 : vector<16xi32>
        %gather3A_2384 = tpu.vector_load_idx %arg16[%add3A_920, %add3A_2383] : memref<640x128xf32, #tpu.memory_space<vmem>>[vector<16xi32>, vector<16xi32>], vector<16xf32>,
        %mul3A_2385 = arith.mulf %gather3A_2378, %gather3A_2384 : vector<16xf32>
        %add3A_2386 = arith.addf %add3A_2354, %mul3A_2385 : vector<16xf32>
        %add3A_2387 = arith.addi %mul3A_946, %and3A_2376 : vector<16xi32>
        %gather3A_2388 = tpu.vector_load_idx %arg16[%add3A_936, %add3A_2387] : memref<640x128xf32, #tpu.memory_space<vmem>>[vector<16xi32>, vector<16xi32>], vector<16xf32>,
        %mul3A_2389 = arith.mulf %gather3A_2378, %gather3A_2388 : vector<16xf32>
        %add3A_2390 = arith.addf %add3A_2358, %mul3A_2389 : vector<16xf32>
        %add3A_2391 = arith.addi %mul3A_962, %and3A_2376 : vector<16xi32>
        %gather3A_2392 = tpu.vector_load_idx %arg16[%add3A_952, %add3A_2391] : memref<640x128xf32, #tpu.memory_space<vmem>>[vector<16xi32>, vector<16xi32>], vector<16xf32>,
        %mul3A_2393 = arith.mulf %gather3A_2378, %gather3A_2392 : vector<16xf32>
        %add3A_2394 = arith.addf %add3A_2362, %mul3A_2393 : vector<16xf32>
        %add3A_2395 = arith.addi %mul3A_978, %and3A_2376 : vector<16xi32>
        %gather3A_2396 = tpu.vector_load_idx %arg16[%add3A_968, %add3A_2395] : memref<640x128xf32, #tpu.memory_space<vmem>>[vector<16xi32>, vector<16xi32>], vector<16xf32>,
        %mul3A_2397 = arith.mulf %gather3A_2378, %gather3A_2396 : vector<16xf32>
        %add3A_2398 = arith.addf %add3A_2366, %mul3A_2397 : vector<16xf32>
        %add3A_2399 = arith.addi %mul3A_994, %and3A_2376 : vector<16xi32>
        %gather3A_2400 = tpu.vector_load_idx %arg16[%add3A_984, %add3A_2399] : memref<640x128xf32, #tpu.memory_space<vmem>>[vector<16xi32>, vector<16xi32>], vector<16xf32>,
        %mul3A_2401 = arith.mulf %gather3A_2378, %gather3A_2400 : vector<16xf32>
        %add3A_2402 = arith.addf %add3A_2370, %mul3A_2401 : vector<16xf32>
        %add3A_2403 = arith.constant 44 : i32
        %add3A_2404 = vector.broadcast %add3A_2403 : i32 to vector<16xi32>
        %add3A_2405 = arith.addi %add3A_2404, %iota3A : vector<16xi32>
        %and3A_2406 = arith.constant 63 : i32
        %and3A_2407 = vector.broadcast %and3A_2406 : i32 to vector<16xi32>
        %and3A_2408 = arith.andi %add3A_2405, %and3A_2407 : vector<16xi32>
        %add3A_2409 = arith.addi %mul3A_904, %and3A_2408 : vector<16xi32>
        %gather3A_2410 = tpu.vector_load_idx %arg14[%add3A_896, %add3A_2409] : memref<128x128xf32, #tpu.memory_space<vmem>>[vector<16xi32>, vector<16xi32>], vector<16xf32>,
        %add3A_2411 = arith.addi %mul3A_914, %and3A_2408 : vector<16xi32>
        %gather3A_2412 = tpu.vector_load_idx %arg15[%add3A_896, %add3A_2411] : memref<128x128xf32, #tpu.memory_space<vmem>>[vector<16xi32>, vector<16xi32>], vector<16xf32>,
        %mul3A_2413 = arith.mulf %gather3A_2410, %gather3A_2412 : vector<16xf32>
        %add3A_2414 = arith.addf %add3A_2382, %mul3A_2413 : vector<16xf32>
        %add3A_2415 = arith.addi %mul3A_930, %and3A_2408 : vector<16xi32>
        %gather3A_2416 = tpu.vector_load_idx %arg16[%add3A_920, %add3A_2415] : memref<640x128xf32, #tpu.memory_space<vmem>>[vector<16xi32>, vector<16xi32>], vector<16xf32>,
        %mul3A_2417 = arith.mulf %gather3A_2410, %gather3A_2416 : vector<16xf32>
        %add3A_2418 = arith.addf %add3A_2386, %mul3A_2417 : vector<16xf32>
        %add3A_2419 = arith.addi %mul3A_946, %and3A_2408 : vector<16xi32>
        %gather3A_2420 = tpu.vector_load_idx %arg16[%add3A_936, %add3A_2419] : memref<640x128xf32, #tpu.memory_space<vmem>>[vector<16xi32>, vector<16xi32>], vector<16xf32>,
        %mul3A_2421 = arith.mulf %gather3A_2410, %gather3A_2420 : vector<16xf32>
        %add3A_2422 = arith.addf %add3A_2390, %mul3A_2421 : vector<16xf32>
        %add3A_2423 = arith.addi %mul3A_962, %and3A_2408 : vector<16xi32>
        %gather3A_2424 = tpu.vector_load_idx %arg16[%add3A_952, %add3A_2423] : memref<640x128xf32, #tpu.memory_space<vmem>>[vector<16xi32>, vector<16xi32>], vector<16xf32>,
        %mul3A_2425 = arith.mulf %gather3A_2410, %gather3A_2424 : vector<16xf32>
        %add3A_2426 = arith.addf %add3A_2394, %mul3A_2425 : vector<16xf32>
        %add3A_2427 = arith.addi %mul3A_978, %and3A_2408 : vector<16xi32>
        %gather3A_2428 = tpu.vector_load_idx %arg16[%add3A_968, %add3A_2427] : memref<640x128xf32, #tpu.memory_space<vmem>>[vector<16xi32>, vector<16xi32>], vector<16xf32>,
        %mul3A_2429 = arith.mulf %gather3A_2410, %gather3A_2428 : vector<16xf32>
        %add3A_2430 = arith.addf %add3A_2398, %mul3A_2429 : vector<16xf32>
        %add3A_2431 = arith.addi %mul3A_994, %and3A_2408 : vector<16xi32>
        %gather3A_2432 = tpu.vector_load_idx %arg16[%add3A_984, %add3A_2431] : memref<640x128xf32, #tpu.memory_space<vmem>>[vector<16xi32>, vector<16xi32>], vector<16xf32>,
        %mul3A_2433 = arith.mulf %gather3A_2410, %gather3A_2432 : vector<16xf32>
        %add3A_2434 = arith.addf %add3A_2402, %mul3A_2433 : vector<16xf32>
        %add3A_2435 = arith.constant 45 : i32
        %add3A_2436 = vector.broadcast %add3A_2435 : i32 to vector<16xi32>
        %add3A_2437 = arith.addi %add3A_2436, %iota3A : vector<16xi32>
        %and3A_2438 = arith.constant 63 : i32
        %and3A_2439 = vector.broadcast %and3A_2438 : i32 to vector<16xi32>
        %and3A_2440 = arith.andi %add3A_2437, %and3A_2439 : vector<16xi32>
        %add3A_2441 = arith.addi %mul3A_904, %and3A_2440 : vector<16xi32>
        %gather3A_2442 = tpu.vector_load_idx %arg14[%add3A_896, %add3A_2441] : memref<128x128xf32, #tpu.memory_space<vmem>>[vector<16xi32>, vector<16xi32>], vector<16xf32>,
        %add3A_2443 = arith.addi %mul3A_914, %and3A_2440 : vector<16xi32>
        %gather3A_2444 = tpu.vector_load_idx %arg15[%add3A_896, %add3A_2443] : memref<128x128xf32, #tpu.memory_space<vmem>>[vector<16xi32>, vector<16xi32>], vector<16xf32>,
        %mul3A_2445 = arith.mulf %gather3A_2442, %gather3A_2444 : vector<16xf32>
        %add3A_2446 = arith.addf %add3A_2414, %mul3A_2445 : vector<16xf32>
        %add3A_2447 = arith.addi %mul3A_930, %and3A_2440 : vector<16xi32>
        %gather3A_2448 = tpu.vector_load_idx %arg16[%add3A_920, %add3A_2447] : memref<640x128xf32, #tpu.memory_space<vmem>>[vector<16xi32>, vector<16xi32>], vector<16xf32>,
        %mul3A_2449 = arith.mulf %gather3A_2442, %gather3A_2448 : vector<16xf32>
        %add3A_2450 = arith.addf %add3A_2418, %mul3A_2449 : vector<16xf32>
        %add3A_2451 = arith.addi %mul3A_946, %and3A_2440 : vector<16xi32>
        %gather3A_2452 = tpu.vector_load_idx %arg16[%add3A_936, %add3A_2451] : memref<640x128xf32, #tpu.memory_space<vmem>>[vector<16xi32>, vector<16xi32>], vector<16xf32>,
        %mul3A_2453 = arith.mulf %gather3A_2442, %gather3A_2452 : vector<16xf32>
        %add3A_2454 = arith.addf %add3A_2422, %mul3A_2453 : vector<16xf32>
        %add3A_2455 = arith.addi %mul3A_962, %and3A_2440 : vector<16xi32>
        %gather3A_2456 = tpu.vector_load_idx %arg16[%add3A_952, %add3A_2455] : memref<640x128xf32, #tpu.memory_space<vmem>>[vector<16xi32>, vector<16xi32>], vector<16xf32>,
        %mul3A_2457 = arith.mulf %gather3A_2442, %gather3A_2456 : vector<16xf32>
        %add3A_2458 = arith.addf %add3A_2426, %mul3A_2457 : vector<16xf32>
        %add3A_2459 = arith.addi %mul3A_978, %and3A_2440 : vector<16xi32>
        %gather3A_2460 = tpu.vector_load_idx %arg16[%add3A_968, %add3A_2459] : memref<640x128xf32, #tpu.memory_space<vmem>>[vector<16xi32>, vector<16xi32>], vector<16xf32>,
        %mul3A_2461 = arith.mulf %gather3A_2442, %gather3A_2460 : vector<16xf32>
        %add3A_2462 = arith.addf %add3A_2430, %mul3A_2461 : vector<16xf32>
        %add3A_2463 = arith.addi %mul3A_994, %and3A_2440 : vector<16xi32>
        %gather3A_2464 = tpu.vector_load_idx %arg16[%add3A_984, %add3A_2463] : memref<640x128xf32, #tpu.memory_space<vmem>>[vector<16xi32>, vector<16xi32>], vector<16xf32>,
        %mul3A_2465 = arith.mulf %gather3A_2442, %gather3A_2464 : vector<16xf32>
        %add3A_2466 = arith.addf %add3A_2434, %mul3A_2465 : vector<16xf32>
        %add3A_2467 = arith.constant 46 : i32
        %add3A_2468 = vector.broadcast %add3A_2467 : i32 to vector<16xi32>
        %add3A_2469 = arith.addi %add3A_2468, %iota3A : vector<16xi32>
        %and3A_2470 = arith.constant 63 : i32
        %and3A_2471 = vector.broadcast %and3A_2470 : i32 to vector<16xi32>
        %and3A_2472 = arith.andi %add3A_2469, %and3A_2471 : vector<16xi32>
        %add3A_2473 = arith.addi %mul3A_904, %and3A_2472 : vector<16xi32>
        %gather3A_2474 = tpu.vector_load_idx %arg14[%add3A_896, %add3A_2473] : memref<128x128xf32, #tpu.memory_space<vmem>>[vector<16xi32>, vector<16xi32>], vector<16xf32>,
        %add3A_2475 = arith.addi %mul3A_914, %and3A_2472 : vector<16xi32>
        %gather3A_2476 = tpu.vector_load_idx %arg15[%add3A_896, %add3A_2475] : memref<128x128xf32, #tpu.memory_space<vmem>>[vector<16xi32>, vector<16xi32>], vector<16xf32>,
        %mul3A_2477 = arith.mulf %gather3A_2474, %gather3A_2476 : vector<16xf32>
        %add3A_2478 = arith.addf %add3A_2446, %mul3A_2477 : vector<16xf32>
        %add3A_2479 = arith.addi %mul3A_930, %and3A_2472 : vector<16xi32>
        %gather3A_2480 = tpu.vector_load_idx %arg16[%add3A_920, %add3A_2479] : memref<640x128xf32, #tpu.memory_space<vmem>>[vector<16xi32>, vector<16xi32>], vector<16xf32>,
        %mul3A_2481 = arith.mulf %gather3A_2474, %gather3A_2480 : vector<16xf32>
        %add3A_2482 = arith.addf %add3A_2450, %mul3A_2481 : vector<16xf32>
        %add3A_2483 = arith.addi %mul3A_946, %and3A_2472 : vector<16xi32>
        %gather3A_2484 = tpu.vector_load_idx %arg16[%add3A_936, %add3A_2483] : memref<640x128xf32, #tpu.memory_space<vmem>>[vector<16xi32>, vector<16xi32>], vector<16xf32>,
        %mul3A_2485 = arith.mulf %gather3A_2474, %gather3A_2484 : vector<16xf32>
        %add3A_2486 = arith.addf %add3A_2454, %mul3A_2485 : vector<16xf32>
        %add3A_2487 = arith.addi %mul3A_962, %and3A_2472 : vector<16xi32>
        %gather3A_2488 = tpu.vector_load_idx %arg16[%add3A_952, %add3A_2487] : memref<640x128xf32, #tpu.memory_space<vmem>>[vector<16xi32>, vector<16xi32>], vector<16xf32>,
        %mul3A_2489 = arith.mulf %gather3A_2474, %gather3A_2488 : vector<16xf32>
        %add3A_2490 = arith.addf %add3A_2458, %mul3A_2489 : vector<16xf32>
        %add3A_2491 = arith.addi %mul3A_978, %and3A_2472 : vector<16xi32>
        %gather3A_2492 = tpu.vector_load_idx %arg16[%add3A_968, %add3A_2491] : memref<640x128xf32, #tpu.memory_space<vmem>>[vector<16xi32>, vector<16xi32>], vector<16xf32>,
        %mul3A_2493 = arith.mulf %gather3A_2474, %gather3A_2492 : vector<16xf32>
        %add3A_2494 = arith.addf %add3A_2462, %mul3A_2493 : vector<16xf32>
        %add3A_2495 = arith.addi %mul3A_994, %and3A_2472 : vector<16xi32>
        %gather3A_2496 = tpu.vector_load_idx %arg16[%add3A_984, %add3A_2495] : memref<640x128xf32, #tpu.memory_space<vmem>>[vector<16xi32>, vector<16xi32>], vector<16xf32>,
        %mul3A_2497 = arith.mulf %gather3A_2474, %gather3A_2496 : vector<16xf32>
        %add3A_2498 = arith.addf %add3A_2466, %mul3A_2497 : vector<16xf32>
        %add3A_2499 = arith.constant 47 : i32
        %add3A_2500 = vector.broadcast %add3A_2499 : i32 to vector<16xi32>
        %add3A_2501 = arith.addi %add3A_2500, %iota3A : vector<16xi32>
        %and3A_2502 = arith.constant 63 : i32
        %and3A_2503 = vector.broadcast %and3A_2502 : i32 to vector<16xi32>
        %and3A_2504 = arith.andi %add3A_2501, %and3A_2503 : vector<16xi32>
        %add3A_2505 = arith.addi %mul3A_904, %and3A_2504 : vector<16xi32>
        %gather3A_2506 = tpu.vector_load_idx %arg14[%add3A_896, %add3A_2505] : memref<128x128xf32, #tpu.memory_space<vmem>>[vector<16xi32>, vector<16xi32>], vector<16xf32>,
        %add3A_2507 = arith.addi %mul3A_914, %and3A_2504 : vector<16xi32>
        %gather3A_2508 = tpu.vector_load_idx %arg15[%add3A_896, %add3A_2507] : memref<128x128xf32, #tpu.memory_space<vmem>>[vector<16xi32>, vector<16xi32>], vector<16xf32>,
        %mul3A_2509 = arith.mulf %gather3A_2506, %gather3A_2508 : vector<16xf32>
        %add3A_2510 = arith.addf %add3A_2478, %mul3A_2509 : vector<16xf32>
        %add3A_2511 = arith.addi %mul3A_930, %and3A_2504 : vector<16xi32>
        %gather3A_2512 = tpu.vector_load_idx %arg16[%add3A_920, %add3A_2511] : memref<640x128xf32, #tpu.memory_space<vmem>>[vector<16xi32>, vector<16xi32>], vector<16xf32>,
        %mul3A_2513 = arith.mulf %gather3A_2506, %gather3A_2512 : vector<16xf32>
        %add3A_2514 = arith.addf %add3A_2482, %mul3A_2513 : vector<16xf32>
        %add3A_2515 = arith.addi %mul3A_946, %and3A_2504 : vector<16xi32>
        %gather3A_2516 = tpu.vector_load_idx %arg16[%add3A_936, %add3A_2515] : memref<640x128xf32, #tpu.memory_space<vmem>>[vector<16xi32>, vector<16xi32>], vector<16xf32>,
        %mul3A_2517 = arith.mulf %gather3A_2506, %gather3A_2516 : vector<16xf32>
        %add3A_2518 = arith.addf %add3A_2486, %mul3A_2517 : vector<16xf32>
        %add3A_2519 = arith.addi %mul3A_962, %and3A_2504 : vector<16xi32>
        %gather3A_2520 = tpu.vector_load_idx %arg16[%add3A_952, %add3A_2519] : memref<640x128xf32, #tpu.memory_space<vmem>>[vector<16xi32>, vector<16xi32>], vector<16xf32>,
        %mul3A_2521 = arith.mulf %gather3A_2506, %gather3A_2520 : vector<16xf32>
        %add3A_2522 = arith.addf %add3A_2490, %mul3A_2521 : vector<16xf32>
        %add3A_2523 = arith.addi %mul3A_978, %and3A_2504 : vector<16xi32>
        %gather3A_2524 = tpu.vector_load_idx %arg16[%add3A_968, %add3A_2523] : memref<640x128xf32, #tpu.memory_space<vmem>>[vector<16xi32>, vector<16xi32>], vector<16xf32>,
        %mul3A_2525 = arith.mulf %gather3A_2506, %gather3A_2524 : vector<16xf32>
        %add3A_2526 = arith.addf %add3A_2494, %mul3A_2525 : vector<16xf32>
        %add3A_2527 = arith.addi %mul3A_994, %and3A_2504 : vector<16xi32>
        %gather3A_2528 = tpu.vector_load_idx %arg16[%add3A_984, %add3A_2527] : memref<640x128xf32, #tpu.memory_space<vmem>>[vector<16xi32>, vector<16xi32>], vector<16xf32>,
        %mul3A_2529 = arith.mulf %gather3A_2506, %gather3A_2528 : vector<16xf32>
        %add3A_2530 = arith.addf %add3A_2498, %mul3A_2529 : vector<16xf32>
        %add3A_2531 = arith.constant 48 : i32
        %add3A_2532 = vector.broadcast %add3A_2531 : i32 to vector<16xi32>
        %add3A_2533 = arith.addi %add3A_2532, %iota3A : vector<16xi32>
        %and3A_2534 = arith.constant 63 : i32
        %and3A_2535 = vector.broadcast %and3A_2534 : i32 to vector<16xi32>
        %and3A_2536 = arith.andi %add3A_2533, %and3A_2535 : vector<16xi32>
        %add3A_2537 = arith.addi %mul3A_904, %and3A_2536 : vector<16xi32>
        %gather3A_2538 = tpu.vector_load_idx %arg14[%add3A_896, %add3A_2537] : memref<128x128xf32, #tpu.memory_space<vmem>>[vector<16xi32>, vector<16xi32>], vector<16xf32>,
        %add3A_2539 = arith.addi %mul3A_914, %and3A_2536 : vector<16xi32>
        %gather3A_2540 = tpu.vector_load_idx %arg15[%add3A_896, %add3A_2539] : memref<128x128xf32, #tpu.memory_space<vmem>>[vector<16xi32>, vector<16xi32>], vector<16xf32>,
        %mul3A_2541 = arith.mulf %gather3A_2538, %gather3A_2540 : vector<16xf32>
        %add3A_2542 = arith.addf %add3A_2510, %mul3A_2541 : vector<16xf32>
        %add3A_2543 = arith.addi %mul3A_930, %and3A_2536 : vector<16xi32>
        %gather3A_2544 = tpu.vector_load_idx %arg16[%add3A_920, %add3A_2543] : memref<640x128xf32, #tpu.memory_space<vmem>>[vector<16xi32>, vector<16xi32>], vector<16xf32>,
        %mul3A_2545 = arith.mulf %gather3A_2538, %gather3A_2544 : vector<16xf32>
        %add3A_2546 = arith.addf %add3A_2514, %mul3A_2545 : vector<16xf32>
        %add3A_2547 = arith.addi %mul3A_946, %and3A_2536 : vector<16xi32>
        %gather3A_2548 = tpu.vector_load_idx %arg16[%add3A_936, %add3A_2547] : memref<640x128xf32, #tpu.memory_space<vmem>>[vector<16xi32>, vector<16xi32>], vector<16xf32>,
        %mul3A_2549 = arith.mulf %gather3A_2538, %gather3A_2548 : vector<16xf32>
        %add3A_2550 = arith.addf %add3A_2518, %mul3A_2549 : vector<16xf32>
        %add3A_2551 = arith.addi %mul3A_962, %and3A_2536 : vector<16xi32>
        %gather3A_2552 = tpu.vector_load_idx %arg16[%add3A_952, %add3A_2551] : memref<640x128xf32, #tpu.memory_space<vmem>>[vector<16xi32>, vector<16xi32>], vector<16xf32>,
        %mul3A_2553 = arith.mulf %gather3A_2538, %gather3A_2552 : vector<16xf32>
        %add3A_2554 = arith.addf %add3A_2522, %mul3A_2553 : vector<16xf32>
        %add3A_2555 = arith.addi %mul3A_978, %and3A_2536 : vector<16xi32>
        %gather3A_2556 = tpu.vector_load_idx %arg16[%add3A_968, %add3A_2555] : memref<640x128xf32, #tpu.memory_space<vmem>>[vector<16xi32>, vector<16xi32>], vector<16xf32>,
        %mul3A_2557 = arith.mulf %gather3A_2538, %gather3A_2556 : vector<16xf32>
        %add3A_2558 = arith.addf %add3A_2526, %mul3A_2557 : vector<16xf32>
        %add3A_2559 = arith.addi %mul3A_994, %and3A_2536 : vector<16xi32>
        %gather3A_2560 = tpu.vector_load_idx %arg16[%add3A_984, %add3A_2559] : memref<640x128xf32, #tpu.memory_space<vmem>>[vector<16xi32>, vector<16xi32>], vector<16xf32>,
        %mul3A_2561 = arith.mulf %gather3A_2538, %gather3A_2560 : vector<16xf32>
        %add3A_2562 = arith.addf %add3A_2530, %mul3A_2561 : vector<16xf32>
        %add3A_2563 = arith.constant 49 : i32
        %add3A_2564 = vector.broadcast %add3A_2563 : i32 to vector<16xi32>
        %add3A_2565 = arith.addi %add3A_2564, %iota3A : vector<16xi32>
        %and3A_2566 = arith.constant 63 : i32
        %and3A_2567 = vector.broadcast %and3A_2566 : i32 to vector<16xi32>
        %and3A_2568 = arith.andi %add3A_2565, %and3A_2567 : vector<16xi32>
        %add3A_2569 = arith.addi %mul3A_904, %and3A_2568 : vector<16xi32>
        %gather3A_2570 = tpu.vector_load_idx %arg14[%add3A_896, %add3A_2569] : memref<128x128xf32, #tpu.memory_space<vmem>>[vector<16xi32>, vector<16xi32>], vector<16xf32>,
        %add3A_2571 = arith.addi %mul3A_914, %and3A_2568 : vector<16xi32>
        %gather3A_2572 = tpu.vector_load_idx %arg15[%add3A_896, %add3A_2571] : memref<128x128xf32, #tpu.memory_space<vmem>>[vector<16xi32>, vector<16xi32>], vector<16xf32>,
        %mul3A_2573 = arith.mulf %gather3A_2570, %gather3A_2572 : vector<16xf32>
        %add3A_2574 = arith.addf %add3A_2542, %mul3A_2573 : vector<16xf32>
        %add3A_2575 = arith.addi %mul3A_930, %and3A_2568 : vector<16xi32>
        %gather3A_2576 = tpu.vector_load_idx %arg16[%add3A_920, %add3A_2575] : memref<640x128xf32, #tpu.memory_space<vmem>>[vector<16xi32>, vector<16xi32>], vector<16xf32>,
        %mul3A_2577 = arith.mulf %gather3A_2570, %gather3A_2576 : vector<16xf32>
        %add3A_2578 = arith.addf %add3A_2546, %mul3A_2577 : vector<16xf32>
        %add3A_2579 = arith.addi %mul3A_946, %and3A_2568 : vector<16xi32>
        %gather3A_2580 = tpu.vector_load_idx %arg16[%add3A_936, %add3A_2579] : memref<640x128xf32, #tpu.memory_space<vmem>>[vector<16xi32>, vector<16xi32>], vector<16xf32>,
        %mul3A_2581 = arith.mulf %gather3A_2570, %gather3A_2580 : vector<16xf32>
        %add3A_2582 = arith.addf %add3A_2550, %mul3A_2581 : vector<16xf32>
        %add3A_2583 = arith.addi %mul3A_962, %and3A_2568 : vector<16xi32>
        %gather3A_2584 = tpu.vector_load_idx %arg16[%add3A_952, %add3A_2583] : memref<640x128xf32, #tpu.memory_space<vmem>>[vector<16xi32>, vector<16xi32>], vector<16xf32>,
        %mul3A_2585 = arith.mulf %gather3A_2570, %gather3A_2584 : vector<16xf32>
        %add3A_2586 = arith.addf %add3A_2554, %mul3A_2585 : vector<16xf32>
        %add3A_2587 = arith.addi %mul3A_978, %and3A_2568 : vector<16xi32>
        %gather3A_2588 = tpu.vector_load_idx %arg16[%add3A_968, %add3A_2587] : memref<640x128xf32, #tpu.memory_space<vmem>>[vector<16xi32>, vector<16xi32>], vector<16xf32>,
        %mul3A_2589 = arith.mulf %gather3A_2570, %gather3A_2588 : vector<16xf32>
        %add3A_2590 = arith.addf %add3A_2558, %mul3A_2589 : vector<16xf32>
        %add3A_2591 = arith.addi %mul3A_994, %and3A_2568 : vector<16xi32>
        %gather3A_2592 = tpu.vector_load_idx %arg16[%add3A_984, %add3A_2591] : memref<640x128xf32, #tpu.memory_space<vmem>>[vector<16xi32>, vector<16xi32>], vector<16xf32>,
        %mul3A_2593 = arith.mulf %gather3A_2570, %gather3A_2592 : vector<16xf32>
        %add3A_2594 = arith.addf %add3A_2562, %mul3A_2593 : vector<16xf32>
        %add3A_2595 = arith.constant 50 : i32
        %add3A_2596 = vector.broadcast %add3A_2595 : i32 to vector<16xi32>
        %add3A_2597 = arith.addi %add3A_2596, %iota3A : vector<16xi32>
        %and3A_2598 = arith.constant 63 : i32
        %and3A_2599 = vector.broadcast %and3A_2598 : i32 to vector<16xi32>
        %and3A_2600 = arith.andi %add3A_2597, %and3A_2599 : vector<16xi32>
        %add3A_2601 = arith.addi %mul3A_904, %and3A_2600 : vector<16xi32>
        %gather3A_2602 = tpu.vector_load_idx %arg14[%add3A_896, %add3A_2601] : memref<128x128xf32, #tpu.memory_space<vmem>>[vector<16xi32>, vector<16xi32>], vector<16xf32>,
        %add3A_2603 = arith.addi %mul3A_914, %and3A_2600 : vector<16xi32>
        %gather3A_2604 = tpu.vector_load_idx %arg15[%add3A_896, %add3A_2603] : memref<128x128xf32, #tpu.memory_space<vmem>>[vector<16xi32>, vector<16xi32>], vector<16xf32>,
        %mul3A_2605 = arith.mulf %gather3A_2602, %gather3A_2604 : vector<16xf32>
        %add3A_2606 = arith.addf %add3A_2574, %mul3A_2605 : vector<16xf32>
        %add3A_2607 = arith.addi %mul3A_930, %and3A_2600 : vector<16xi32>
        %gather3A_2608 = tpu.vector_load_idx %arg16[%add3A_920, %add3A_2607] : memref<640x128xf32, #tpu.memory_space<vmem>>[vector<16xi32>, vector<16xi32>], vector<16xf32>,
        %mul3A_2609 = arith.mulf %gather3A_2602, %gather3A_2608 : vector<16xf32>
        %add3A_2610 = arith.addf %add3A_2578, %mul3A_2609 : vector<16xf32>
        %add3A_2611 = arith.addi %mul3A_946, %and3A_2600 : vector<16xi32>
        %gather3A_2612 = tpu.vector_load_idx %arg16[%add3A_936, %add3A_2611] : memref<640x128xf32, #tpu.memory_space<vmem>>[vector<16xi32>, vector<16xi32>], vector<16xf32>,
        %mul3A_2613 = arith.mulf %gather3A_2602, %gather3A_2612 : vector<16xf32>
        %add3A_2614 = arith.addf %add3A_2582, %mul3A_2613 : vector<16xf32>
        %add3A_2615 = arith.addi %mul3A_962, %and3A_2600 : vector<16xi32>
        %gather3A_2616 = tpu.vector_load_idx %arg16[%add3A_952, %add3A_2615] : memref<640x128xf32, #tpu.memory_space<vmem>>[vector<16xi32>, vector<16xi32>], vector<16xf32>,
        %mul3A_2617 = arith.mulf %gather3A_2602, %gather3A_2616 : vector<16xf32>
        %add3A_2618 = arith.addf %add3A_2586, %mul3A_2617 : vector<16xf32>
        %add3A_2619 = arith.addi %mul3A_978, %and3A_2600 : vector<16xi32>
        %gather3A_2620 = tpu.vector_load_idx %arg16[%add3A_968, %add3A_2619] : memref<640x128xf32, #tpu.memory_space<vmem>>[vector<16xi32>, vector<16xi32>], vector<16xf32>,
        %mul3A_2621 = arith.mulf %gather3A_2602, %gather3A_2620 : vector<16xf32>
        %add3A_2622 = arith.addf %add3A_2590, %mul3A_2621 : vector<16xf32>
        %add3A_2623 = arith.addi %mul3A_994, %and3A_2600 : vector<16xi32>
        %gather3A_2624 = tpu.vector_load_idx %arg16[%add3A_984, %add3A_2623] : memref<640x128xf32, #tpu.memory_space<vmem>>[vector<16xi32>, vector<16xi32>], vector<16xf32>,
        %mul3A_2625 = arith.mulf %gather3A_2602, %gather3A_2624 : vector<16xf32>
        %add3A_2626 = arith.addf %add3A_2594, %mul3A_2625 : vector<16xf32>
        %add3A_2627 = arith.constant 51 : i32
        %add3A_2628 = vector.broadcast %add3A_2627 : i32 to vector<16xi32>
        %add3A_2629 = arith.addi %add3A_2628, %iota3A : vector<16xi32>
        %and3A_2630 = arith.constant 63 : i32
        %and3A_2631 = vector.broadcast %and3A_2630 : i32 to vector<16xi32>
        %and3A_2632 = arith.andi %add3A_2629, %and3A_2631 : vector<16xi32>
        %add3A_2633 = arith.addi %mul3A_904, %and3A_2632 : vector<16xi32>
        %gather3A_2634 = tpu.vector_load_idx %arg14[%add3A_896, %add3A_2633] : memref<128x128xf32, #tpu.memory_space<vmem>>[vector<16xi32>, vector<16xi32>], vector<16xf32>,
        %add3A_2635 = arith.addi %mul3A_914, %and3A_2632 : vector<16xi32>
        %gather3A_2636 = tpu.vector_load_idx %arg15[%add3A_896, %add3A_2635] : memref<128x128xf32, #tpu.memory_space<vmem>>[vector<16xi32>, vector<16xi32>], vector<16xf32>,
        %mul3A_2637 = arith.mulf %gather3A_2634, %gather3A_2636 : vector<16xf32>
        %add3A_2638 = arith.addf %add3A_2606, %mul3A_2637 : vector<16xf32>
        %add3A_2639 = arith.addi %mul3A_930, %and3A_2632 : vector<16xi32>
        %gather3A_2640 = tpu.vector_load_idx %arg16[%add3A_920, %add3A_2639] : memref<640x128xf32, #tpu.memory_space<vmem>>[vector<16xi32>, vector<16xi32>], vector<16xf32>,
        %mul3A_2641 = arith.mulf %gather3A_2634, %gather3A_2640 : vector<16xf32>
        %add3A_2642 = arith.addf %add3A_2610, %mul3A_2641 : vector<16xf32>
        %add3A_2643 = arith.addi %mul3A_946, %and3A_2632 : vector<16xi32>
        %gather3A_2644 = tpu.vector_load_idx %arg16[%add3A_936, %add3A_2643] : memref<640x128xf32, #tpu.memory_space<vmem>>[vector<16xi32>, vector<16xi32>], vector<16xf32>,
        %mul3A_2645 = arith.mulf %gather3A_2634, %gather3A_2644 : vector<16xf32>
        %add3A_2646 = arith.addf %add3A_2614, %mul3A_2645 : vector<16xf32>
        %add3A_2647 = arith.addi %mul3A_962, %and3A_2632 : vector<16xi32>
        %gather3A_2648 = tpu.vector_load_idx %arg16[%add3A_952, %add3A_2647] : memref<640x128xf32, #tpu.memory_space<vmem>>[vector<16xi32>, vector<16xi32>], vector<16xf32>,
        %mul3A_2649 = arith.mulf %gather3A_2634, %gather3A_2648 : vector<16xf32>
        %add3A_2650 = arith.addf %add3A_2618, %mul3A_2649 : vector<16xf32>
        %add3A_2651 = arith.addi %mul3A_978, %and3A_2632 : vector<16xi32>
        %gather3A_2652 = tpu.vector_load_idx %arg16[%add3A_968, %add3A_2651] : memref<640x128xf32, #tpu.memory_space<vmem>>[vector<16xi32>, vector<16xi32>], vector<16xf32>,
        %mul3A_2653 = arith.mulf %gather3A_2634, %gather3A_2652 : vector<16xf32>
        %add3A_2654 = arith.addf %add3A_2622, %mul3A_2653 : vector<16xf32>
        %add3A_2655 = arith.addi %mul3A_994, %and3A_2632 : vector<16xi32>
        %gather3A_2656 = tpu.vector_load_idx %arg16[%add3A_984, %add3A_2655] : memref<640x128xf32, #tpu.memory_space<vmem>>[vector<16xi32>, vector<16xi32>], vector<16xf32>,
        %mul3A_2657 = arith.mulf %gather3A_2634, %gather3A_2656 : vector<16xf32>
        %add3A_2658 = arith.addf %add3A_2626, %mul3A_2657 : vector<16xf32>
        %add3A_2659 = arith.constant 52 : i32
        %add3A_2660 = vector.broadcast %add3A_2659 : i32 to vector<16xi32>
        %add3A_2661 = arith.addi %add3A_2660, %iota3A : vector<16xi32>
        %and3A_2662 = arith.constant 63 : i32
        %and3A_2663 = vector.broadcast %and3A_2662 : i32 to vector<16xi32>
        %and3A_2664 = arith.andi %add3A_2661, %and3A_2663 : vector<16xi32>
        %add3A_2665 = arith.addi %mul3A_904, %and3A_2664 : vector<16xi32>
        %gather3A_2666 = tpu.vector_load_idx %arg14[%add3A_896, %add3A_2665] : memref<128x128xf32, #tpu.memory_space<vmem>>[vector<16xi32>, vector<16xi32>], vector<16xf32>,
        %add3A_2667 = arith.addi %mul3A_914, %and3A_2664 : vector<16xi32>
        %gather3A_2668 = tpu.vector_load_idx %arg15[%add3A_896, %add3A_2667] : memref<128x128xf32, #tpu.memory_space<vmem>>[vector<16xi32>, vector<16xi32>], vector<16xf32>,
        %mul3A_2669 = arith.mulf %gather3A_2666, %gather3A_2668 : vector<16xf32>
        %add3A_2670 = arith.addf %add3A_2638, %mul3A_2669 : vector<16xf32>
        %add3A_2671 = arith.addi %mul3A_930, %and3A_2664 : vector<16xi32>
        %gather3A_2672 = tpu.vector_load_idx %arg16[%add3A_920, %add3A_2671] : memref<640x128xf32, #tpu.memory_space<vmem>>[vector<16xi32>, vector<16xi32>], vector<16xf32>,
        %mul3A_2673 = arith.mulf %gather3A_2666, %gather3A_2672 : vector<16xf32>
        %add3A_2674 = arith.addf %add3A_2642, %mul3A_2673 : vector<16xf32>
        %add3A_2675 = arith.addi %mul3A_946, %and3A_2664 : vector<16xi32>
        %gather3A_2676 = tpu.vector_load_idx %arg16[%add3A_936, %add3A_2675] : memref<640x128xf32, #tpu.memory_space<vmem>>[vector<16xi32>, vector<16xi32>], vector<16xf32>,
        %mul3A_2677 = arith.mulf %gather3A_2666, %gather3A_2676 : vector<16xf32>
        %add3A_2678 = arith.addf %add3A_2646, %mul3A_2677 : vector<16xf32>
        %add3A_2679 = arith.addi %mul3A_962, %and3A_2664 : vector<16xi32>
        %gather3A_2680 = tpu.vector_load_idx %arg16[%add3A_952, %add3A_2679] : memref<640x128xf32, #tpu.memory_space<vmem>>[vector<16xi32>, vector<16xi32>], vector<16xf32>,
        %mul3A_2681 = arith.mulf %gather3A_2666, %gather3A_2680 : vector<16xf32>
        %add3A_2682 = arith.addf %add3A_2650, %mul3A_2681 : vector<16xf32>
        %add3A_2683 = arith.addi %mul3A_978, %and3A_2664 : vector<16xi32>
        %gather3A_2684 = tpu.vector_load_idx %arg16[%add3A_968, %add3A_2683] : memref<640x128xf32, #tpu.memory_space<vmem>>[vector<16xi32>, vector<16xi32>], vector<16xf32>,
        %mul3A_2685 = arith.mulf %gather3A_2666, %gather3A_2684 : vector<16xf32>
        %add3A_2686 = arith.addf %add3A_2654, %mul3A_2685 : vector<16xf32>
        %add3A_2687 = arith.addi %mul3A_994, %and3A_2664 : vector<16xi32>
        %gather3A_2688 = tpu.vector_load_idx %arg16[%add3A_984, %add3A_2687] : memref<640x128xf32, #tpu.memory_space<vmem>>[vector<16xi32>, vector<16xi32>], vector<16xf32>,
        %mul3A_2689 = arith.mulf %gather3A_2666, %gather3A_2688 : vector<16xf32>
        %add3A_2690 = arith.addf %add3A_2658, %mul3A_2689 : vector<16xf32>
        %add3A_2691 = arith.constant 53 : i32
        %add3A_2692 = vector.broadcast %add3A_2691 : i32 to vector<16xi32>
        %add3A_2693 = arith.addi %add3A_2692, %iota3A : vector<16xi32>
        %and3A_2694 = arith.constant 63 : i32
        %and3A_2695 = vector.broadcast %and3A_2694 : i32 to vector<16xi32>
        %and3A_2696 = arith.andi %add3A_2693, %and3A_2695 : vector<16xi32>
        %add3A_2697 = arith.addi %mul3A_904, %and3A_2696 : vector<16xi32>
        %gather3A_2698 = tpu.vector_load_idx %arg14[%add3A_896, %add3A_2697] : memref<128x128xf32, #tpu.memory_space<vmem>>[vector<16xi32>, vector<16xi32>], vector<16xf32>,
        %add3A_2699 = arith.addi %mul3A_914, %and3A_2696 : vector<16xi32>
        %gather3A_2700 = tpu.vector_load_idx %arg15[%add3A_896, %add3A_2699] : memref<128x128xf32, #tpu.memory_space<vmem>>[vector<16xi32>, vector<16xi32>], vector<16xf32>,
        %mul3A_2701 = arith.mulf %gather3A_2698, %gather3A_2700 : vector<16xf32>
        %add3A_2702 = arith.addf %add3A_2670, %mul3A_2701 : vector<16xf32>
        %add3A_2703 = arith.addi %mul3A_930, %and3A_2696 : vector<16xi32>
        %gather3A_2704 = tpu.vector_load_idx %arg16[%add3A_920, %add3A_2703] : memref<640x128xf32, #tpu.memory_space<vmem>>[vector<16xi32>, vector<16xi32>], vector<16xf32>,
        %mul3A_2705 = arith.mulf %gather3A_2698, %gather3A_2704 : vector<16xf32>
        %add3A_2706 = arith.addf %add3A_2674, %mul3A_2705 : vector<16xf32>
        %add3A_2707 = arith.addi %mul3A_946, %and3A_2696 : vector<16xi32>
        %gather3A_2708 = tpu.vector_load_idx %arg16[%add3A_936, %add3A_2707] : memref<640x128xf32, #tpu.memory_space<vmem>>[vector<16xi32>, vector<16xi32>], vector<16xf32>,
        %mul3A_2709 = arith.mulf %gather3A_2698, %gather3A_2708 : vector<16xf32>
        %add3A_2710 = arith.addf %add3A_2678, %mul3A_2709 : vector<16xf32>
        %add3A_2711 = arith.addi %mul3A_962, %and3A_2696 : vector<16xi32>
        %gather3A_2712 = tpu.vector_load_idx %arg16[%add3A_952, %add3A_2711] : memref<640x128xf32, #tpu.memory_space<vmem>>[vector<16xi32>, vector<16xi32>], vector<16xf32>,
        %mul3A_2713 = arith.mulf %gather3A_2698, %gather3A_2712 : vector<16xf32>
        %add3A_2714 = arith.addf %add3A_2682, %mul3A_2713 : vector<16xf32>
        %add3A_2715 = arith.addi %mul3A_978, %and3A_2696 : vector<16xi32>
        %gather3A_2716 = tpu.vector_load_idx %arg16[%add3A_968, %add3A_2715] : memref<640x128xf32, #tpu.memory_space<vmem>>[vector<16xi32>, vector<16xi32>], vector<16xf32>,
        %mul3A_2717 = arith.mulf %gather3A_2698, %gather3A_2716 : vector<16xf32>
        %add3A_2718 = arith.addf %add3A_2686, %mul3A_2717 : vector<16xf32>
        %add3A_2719 = arith.addi %mul3A_994, %and3A_2696 : vector<16xi32>
        %gather3A_2720 = tpu.vector_load_idx %arg16[%add3A_984, %add3A_2719] : memref<640x128xf32, #tpu.memory_space<vmem>>[vector<16xi32>, vector<16xi32>], vector<16xf32>,
        %mul3A_2721 = arith.mulf %gather3A_2698, %gather3A_2720 : vector<16xf32>
        %add3A_2722 = arith.addf %add3A_2690, %mul3A_2721 : vector<16xf32>
        %add3A_2723 = arith.constant 54 : i32
        %add3A_2724 = vector.broadcast %add3A_2723 : i32 to vector<16xi32>
        %add3A_2725 = arith.addi %add3A_2724, %iota3A : vector<16xi32>
        %and3A_2726 = arith.constant 63 : i32
        %and3A_2727 = vector.broadcast %and3A_2726 : i32 to vector<16xi32>
        %and3A_2728 = arith.andi %add3A_2725, %and3A_2727 : vector<16xi32>
        %add3A_2729 = arith.addi %mul3A_904, %and3A_2728 : vector<16xi32>
        %gather3A_2730 = tpu.vector_load_idx %arg14[%add3A_896, %add3A_2729] : memref<128x128xf32, #tpu.memory_space<vmem>>[vector<16xi32>, vector<16xi32>], vector<16xf32>,
        %add3A_2731 = arith.addi %mul3A_914, %and3A_2728 : vector<16xi32>
        %gather3A_2732 = tpu.vector_load_idx %arg15[%add3A_896, %add3A_2731] : memref<128x128xf32, #tpu.memory_space<vmem>>[vector<16xi32>, vector<16xi32>], vector<16xf32>,
        %mul3A_2733 = arith.mulf %gather3A_2730, %gather3A_2732 : vector<16xf32>
        %add3A_2734 = arith.addf %add3A_2702, %mul3A_2733 : vector<16xf32>
        %add3A_2735 = arith.addi %mul3A_930, %and3A_2728 : vector<16xi32>
        %gather3A_2736 = tpu.vector_load_idx %arg16[%add3A_920, %add3A_2735] : memref<640x128xf32, #tpu.memory_space<vmem>>[vector<16xi32>, vector<16xi32>], vector<16xf32>,
        %mul3A_2737 = arith.mulf %gather3A_2730, %gather3A_2736 : vector<16xf32>
        %add3A_2738 = arith.addf %add3A_2706, %mul3A_2737 : vector<16xf32>
        %add3A_2739 = arith.addi %mul3A_946, %and3A_2728 : vector<16xi32>
        %gather3A_2740 = tpu.vector_load_idx %arg16[%add3A_936, %add3A_2739] : memref<640x128xf32, #tpu.memory_space<vmem>>[vector<16xi32>, vector<16xi32>], vector<16xf32>,
        %mul3A_2741 = arith.mulf %gather3A_2730, %gather3A_2740 : vector<16xf32>
        %add3A_2742 = arith.addf %add3A_2710, %mul3A_2741 : vector<16xf32>
        %add3A_2743 = arith.addi %mul3A_962, %and3A_2728 : vector<16xi32>
        %gather3A_2744 = tpu.vector_load_idx %arg16[%add3A_952, %add3A_2743] : memref<640x128xf32, #tpu.memory_space<vmem>>[vector<16xi32>, vector<16xi32>], vector<16xf32>,
        %mul3A_2745 = arith.mulf %gather3A_2730, %gather3A_2744 : vector<16xf32>
        %add3A_2746 = arith.addf %add3A_2714, %mul3A_2745 : vector<16xf32>
        %add3A_2747 = arith.addi %mul3A_978, %and3A_2728 : vector<16xi32>
        %gather3A_2748 = tpu.vector_load_idx %arg16[%add3A_968, %add3A_2747] : memref<640x128xf32, #tpu.memory_space<vmem>>[vector<16xi32>, vector<16xi32>], vector<16xf32>,
        %mul3A_2749 = arith.mulf %gather3A_2730, %gather3A_2748 : vector<16xf32>
        %add3A_2750 = arith.addf %add3A_2718, %mul3A_2749 : vector<16xf32>
        %add3A_2751 = arith.addi %mul3A_994, %and3A_2728 : vector<16xi32>
        %gather3A_2752 = tpu.vector_load_idx %arg16[%add3A_984, %add3A_2751] : memref<640x128xf32, #tpu.memory_space<vmem>>[vector<16xi32>, vector<16xi32>], vector<16xf32>,
        %mul3A_2753 = arith.mulf %gather3A_2730, %gather3A_2752 : vector<16xf32>
        %add3A_2754 = arith.addf %add3A_2722, %mul3A_2753 : vector<16xf32>
        %add3A_2755 = arith.constant 55 : i32
        %add3A_2756 = vector.broadcast %add3A_2755 : i32 to vector<16xi32>
        %add3A_2757 = arith.addi %add3A_2756, %iota3A : vector<16xi32>
        %and3A_2758 = arith.constant 63 : i32
        %and3A_2759 = vector.broadcast %and3A_2758 : i32 to vector<16xi32>
        %and3A_2760 = arith.andi %add3A_2757, %and3A_2759 : vector<16xi32>
        %add3A_2761 = arith.addi %mul3A_904, %and3A_2760 : vector<16xi32>
        %gather3A_2762 = tpu.vector_load_idx %arg14[%add3A_896, %add3A_2761] : memref<128x128xf32, #tpu.memory_space<vmem>>[vector<16xi32>, vector<16xi32>], vector<16xf32>,
        %add3A_2763 = arith.addi %mul3A_914, %and3A_2760 : vector<16xi32>
        %gather3A_2764 = tpu.vector_load_idx %arg15[%add3A_896, %add3A_2763] : memref<128x128xf32, #tpu.memory_space<vmem>>[vector<16xi32>, vector<16xi32>], vector<16xf32>,
        %mul3A_2765 = arith.mulf %gather3A_2762, %gather3A_2764 : vector<16xf32>
        %add3A_2766 = arith.addf %add3A_2734, %mul3A_2765 : vector<16xf32>
        %add3A_2767 = arith.addi %mul3A_930, %and3A_2760 : vector<16xi32>
        %gather3A_2768 = tpu.vector_load_idx %arg16[%add3A_920, %add3A_2767] : memref<640x128xf32, #tpu.memory_space<vmem>>[vector<16xi32>, vector<16xi32>], vector<16xf32>,
        %mul3A_2769 = arith.mulf %gather3A_2762, %gather3A_2768 : vector<16xf32>
        %add3A_2770 = arith.addf %add3A_2738, %mul3A_2769 : vector<16xf32>
        %add3A_2771 = arith.addi %mul3A_946, %and3A_2760 : vector<16xi32>
        %gather3A_2772 = tpu.vector_load_idx %arg16[%add3A_936, %add3A_2771] : memref<640x128xf32, #tpu.memory_space<vmem>>[vector<16xi32>, vector<16xi32>], vector<16xf32>,
        %mul3A_2773 = arith.mulf %gather3A_2762, %gather3A_2772 : vector<16xf32>
        %add3A_2774 = arith.addf %add3A_2742, %mul3A_2773 : vector<16xf32>
        %add3A_2775 = arith.addi %mul3A_962, %and3A_2760 : vector<16xi32>
        %gather3A_2776 = tpu.vector_load_idx %arg16[%add3A_952, %add3A_2775] : memref<640x128xf32, #tpu.memory_space<vmem>>[vector<16xi32>, vector<16xi32>], vector<16xf32>,
        %mul3A_2777 = arith.mulf %gather3A_2762, %gather3A_2776 : vector<16xf32>
        %add3A_2778 = arith.addf %add3A_2746, %mul3A_2777 : vector<16xf32>
        %add3A_2779 = arith.addi %mul3A_978, %and3A_2760 : vector<16xi32>
        %gather3A_2780 = tpu.vector_load_idx %arg16[%add3A_968, %add3A_2779] : memref<640x128xf32, #tpu.memory_space<vmem>>[vector<16xi32>, vector<16xi32>], vector<16xf32>,
        %mul3A_2781 = arith.mulf %gather3A_2762, %gather3A_2780 : vector<16xf32>
        %add3A_2782 = arith.addf %add3A_2750, %mul3A_2781 : vector<16xf32>
        %add3A_2783 = arith.addi %mul3A_994, %and3A_2760 : vector<16xi32>
        %gather3A_2784 = tpu.vector_load_idx %arg16[%add3A_984, %add3A_2783] : memref<640x128xf32, #tpu.memory_space<vmem>>[vector<16xi32>, vector<16xi32>], vector<16xf32>,
        %mul3A_2785 = arith.mulf %gather3A_2762, %gather3A_2784 : vector<16xf32>
        %add3A_2786 = arith.addf %add3A_2754, %mul3A_2785 : vector<16xf32>
        %add3A_2787 = arith.constant 56 : i32
        %add3A_2788 = vector.broadcast %add3A_2787 : i32 to vector<16xi32>
        %add3A_2789 = arith.addi %add3A_2788, %iota3A : vector<16xi32>
        %and3A_2790 = arith.constant 63 : i32
        %and3A_2791 = vector.broadcast %and3A_2790 : i32 to vector<16xi32>
        %and3A_2792 = arith.andi %add3A_2789, %and3A_2791 : vector<16xi32>
        %add3A_2793 = arith.addi %mul3A_904, %and3A_2792 : vector<16xi32>
        %gather3A_2794 = tpu.vector_load_idx %arg14[%add3A_896, %add3A_2793] : memref<128x128xf32, #tpu.memory_space<vmem>>[vector<16xi32>, vector<16xi32>], vector<16xf32>,
        %add3A_2795 = arith.addi %mul3A_914, %and3A_2792 : vector<16xi32>
        %gather3A_2796 = tpu.vector_load_idx %arg15[%add3A_896, %add3A_2795] : memref<128x128xf32, #tpu.memory_space<vmem>>[vector<16xi32>, vector<16xi32>], vector<16xf32>,
        %mul3A_2797 = arith.mulf %gather3A_2794, %gather3A_2796 : vector<16xf32>
        %add3A_2798 = arith.addf %add3A_2766, %mul3A_2797 : vector<16xf32>
        %add3A_2799 = arith.addi %mul3A_930, %and3A_2792 : vector<16xi32>
        %gather3A_2800 = tpu.vector_load_idx %arg16[%add3A_920, %add3A_2799] : memref<640x128xf32, #tpu.memory_space<vmem>>[vector<16xi32>, vector<16xi32>], vector<16xf32>,
        %mul3A_2801 = arith.mulf %gather3A_2794, %gather3A_2800 : vector<16xf32>
        %add3A_2802 = arith.addf %add3A_2770, %mul3A_2801 : vector<16xf32>
        %add3A_2803 = arith.addi %mul3A_946, %and3A_2792 : vector<16xi32>
        %gather3A_2804 = tpu.vector_load_idx %arg16[%add3A_936, %add3A_2803] : memref<640x128xf32, #tpu.memory_space<vmem>>[vector<16xi32>, vector<16xi32>], vector<16xf32>,
        %mul3A_2805 = arith.mulf %gather3A_2794, %gather3A_2804 : vector<16xf32>
        %add3A_2806 = arith.addf %add3A_2774, %mul3A_2805 : vector<16xf32>
        %add3A_2807 = arith.addi %mul3A_962, %and3A_2792 : vector<16xi32>
        %gather3A_2808 = tpu.vector_load_idx %arg16[%add3A_952, %add3A_2807] : memref<640x128xf32, #tpu.memory_space<vmem>>[vector<16xi32>, vector<16xi32>], vector<16xf32>,
        %mul3A_2809 = arith.mulf %gather3A_2794, %gather3A_2808 : vector<16xf32>
        %add3A_2810 = arith.addf %add3A_2778, %mul3A_2809 : vector<16xf32>
        %add3A_2811 = arith.addi %mul3A_978, %and3A_2792 : vector<16xi32>
        %gather3A_2812 = tpu.vector_load_idx %arg16[%add3A_968, %add3A_2811] : memref<640x128xf32, #tpu.memory_space<vmem>>[vector<16xi32>, vector<16xi32>], vector<16xf32>,
        %mul3A_2813 = arith.mulf %gather3A_2794, %gather3A_2812 : vector<16xf32>
        %add3A_2814 = arith.addf %add3A_2782, %mul3A_2813 : vector<16xf32>
        %add3A_2815 = arith.addi %mul3A_994, %and3A_2792 : vector<16xi32>
        %gather3A_2816 = tpu.vector_load_idx %arg16[%add3A_984, %add3A_2815] : memref<640x128xf32, #tpu.memory_space<vmem>>[vector<16xi32>, vector<16xi32>], vector<16xf32>,
        %mul3A_2817 = arith.mulf %gather3A_2794, %gather3A_2816 : vector<16xf32>
        %add3A_2818 = arith.addf %add3A_2786, %mul3A_2817 : vector<16xf32>
        %add3A_2819 = arith.constant 57 : i32
        %add3A_2820 = vector.broadcast %add3A_2819 : i32 to vector<16xi32>
        %add3A_2821 = arith.addi %add3A_2820, %iota3A : vector<16xi32>
        %and3A_2822 = arith.constant 63 : i32
        %and3A_2823 = vector.broadcast %and3A_2822 : i32 to vector<16xi32>
        %and3A_2824 = arith.andi %add3A_2821, %and3A_2823 : vector<16xi32>
        %add3A_2825 = arith.addi %mul3A_904, %and3A_2824 : vector<16xi32>
        %gather3A_2826 = tpu.vector_load_idx %arg14[%add3A_896, %add3A_2825] : memref<128x128xf32, #tpu.memory_space<vmem>>[vector<16xi32>, vector<16xi32>], vector<16xf32>,
        %add3A_2827 = arith.addi %mul3A_914, %and3A_2824 : vector<16xi32>
        %gather3A_2828 = tpu.vector_load_idx %arg15[%add3A_896, %add3A_2827] : memref<128x128xf32, #tpu.memory_space<vmem>>[vector<16xi32>, vector<16xi32>], vector<16xf32>,
        %mul3A_2829 = arith.mulf %gather3A_2826, %gather3A_2828 : vector<16xf32>
        %add3A_2830 = arith.addf %add3A_2798, %mul3A_2829 : vector<16xf32>
        %add3A_2831 = arith.addi %mul3A_930, %and3A_2824 : vector<16xi32>
        %gather3A_2832 = tpu.vector_load_idx %arg16[%add3A_920, %add3A_2831] : memref<640x128xf32, #tpu.memory_space<vmem>>[vector<16xi32>, vector<16xi32>], vector<16xf32>,
        %mul3A_2833 = arith.mulf %gather3A_2826, %gather3A_2832 : vector<16xf32>
        %add3A_2834 = arith.addf %add3A_2802, %mul3A_2833 : vector<16xf32>
        %add3A_2835 = arith.addi %mul3A_946, %and3A_2824 : vector<16xi32>
        %gather3A_2836 = tpu.vector_load_idx %arg16[%add3A_936, %add3A_2835] : memref<640x128xf32, #tpu.memory_space<vmem>>[vector<16xi32>, vector<16xi32>], vector<16xf32>,
        %mul3A_2837 = arith.mulf %gather3A_2826, %gather3A_2836 : vector<16xf32>
        %add3A_2838 = arith.addf %add3A_2806, %mul3A_2837 : vector<16xf32>
        %add3A_2839 = arith.addi %mul3A_962, %and3A_2824 : vector<16xi32>
        %gather3A_2840 = tpu.vector_load_idx %arg16[%add3A_952, %add3A_2839] : memref<640x128xf32, #tpu.memory_space<vmem>>[vector<16xi32>, vector<16xi32>], vector<16xf32>,
        %mul3A_2841 = arith.mulf %gather3A_2826, %gather3A_2840 : vector<16xf32>
        %add3A_2842 = arith.addf %add3A_2810, %mul3A_2841 : vector<16xf32>
        %add3A_2843 = arith.addi %mul3A_978, %and3A_2824 : vector<16xi32>
        %gather3A_2844 = tpu.vector_load_idx %arg16[%add3A_968, %add3A_2843] : memref<640x128xf32, #tpu.memory_space<vmem>>[vector<16xi32>, vector<16xi32>], vector<16xf32>,
        %mul3A_2845 = arith.mulf %gather3A_2826, %gather3A_2844 : vector<16xf32>
        %add3A_2846 = arith.addf %add3A_2814, %mul3A_2845 : vector<16xf32>
        %add3A_2847 = arith.addi %mul3A_994, %and3A_2824 : vector<16xi32>
        %gather3A_2848 = tpu.vector_load_idx %arg16[%add3A_984, %add3A_2847] : memref<640x128xf32, #tpu.memory_space<vmem>>[vector<16xi32>, vector<16xi32>], vector<16xf32>,
        %mul3A_2849 = arith.mulf %gather3A_2826, %gather3A_2848 : vector<16xf32>
        %add3A_2850 = arith.addf %add3A_2818, %mul3A_2849 : vector<16xf32>
        %add3A_2851 = arith.constant 58 : i32
        %add3A_2852 = vector.broadcast %add3A_2851 : i32 to vector<16xi32>
        %add3A_2853 = arith.addi %add3A_2852, %iota3A : vector<16xi32>
        %and3A_2854 = arith.constant 63 : i32
        %and3A_2855 = vector.broadcast %and3A_2854 : i32 to vector<16xi32>
        %and3A_2856 = arith.andi %add3A_2853, %and3A_2855 : vector<16xi32>
        %add3A_2857 = arith.addi %mul3A_904, %and3A_2856 : vector<16xi32>
        %gather3A_2858 = tpu.vector_load_idx %arg14[%add3A_896, %add3A_2857] : memref<128x128xf32, #tpu.memory_space<vmem>>[vector<16xi32>, vector<16xi32>], vector<16xf32>,
        %add3A_2859 = arith.addi %mul3A_914, %and3A_2856 : vector<16xi32>
        %gather3A_2860 = tpu.vector_load_idx %arg15[%add3A_896, %add3A_2859] : memref<128x128xf32, #tpu.memory_space<vmem>>[vector<16xi32>, vector<16xi32>], vector<16xf32>,
        %mul3A_2861 = arith.mulf %gather3A_2858, %gather3A_2860 : vector<16xf32>
        %add3A_2862 = arith.addf %add3A_2830, %mul3A_2861 : vector<16xf32>
        %add3A_2863 = arith.addi %mul3A_930, %and3A_2856 : vector<16xi32>
        %gather3A_2864 = tpu.vector_load_idx %arg16[%add3A_920, %add3A_2863] : memref<640x128xf32, #tpu.memory_space<vmem>>[vector<16xi32>, vector<16xi32>], vector<16xf32>,
        %mul3A_2865 = arith.mulf %gather3A_2858, %gather3A_2864 : vector<16xf32>
        %add3A_2866 = arith.addf %add3A_2834, %mul3A_2865 : vector<16xf32>
        %add3A_2867 = arith.addi %mul3A_946, %and3A_2856 : vector<16xi32>
        %gather3A_2868 = tpu.vector_load_idx %arg16[%add3A_936, %add3A_2867] : memref<640x128xf32, #tpu.memory_space<vmem>>[vector<16xi32>, vector<16xi32>], vector<16xf32>,
        %mul3A_2869 = arith.mulf %gather3A_2858, %gather3A_2868 : vector<16xf32>
        %add3A_2870 = arith.addf %add3A_2838, %mul3A_2869 : vector<16xf32>
        %add3A_2871 = arith.addi %mul3A_962, %and3A_2856 : vector<16xi32>
        %gather3A_2872 = tpu.vector_load_idx %arg16[%add3A_952, %add3A_2871] : memref<640x128xf32, #tpu.memory_space<vmem>>[vector<16xi32>, vector<16xi32>], vector<16xf32>,
        %mul3A_2873 = arith.mulf %gather3A_2858, %gather3A_2872 : vector<16xf32>
        %add3A_2874 = arith.addf %add3A_2842, %mul3A_2873 : vector<16xf32>
        %add3A_2875 = arith.addi %mul3A_978, %and3A_2856 : vector<16xi32>
        %gather3A_2876 = tpu.vector_load_idx %arg16[%add3A_968, %add3A_2875] : memref<640x128xf32, #tpu.memory_space<vmem>>[vector<16xi32>, vector<16xi32>], vector<16xf32>,
        %mul3A_2877 = arith.mulf %gather3A_2858, %gather3A_2876 : vector<16xf32>
        %add3A_2878 = arith.addf %add3A_2846, %mul3A_2877 : vector<16xf32>
        %add3A_2879 = arith.addi %mul3A_994, %and3A_2856 : vector<16xi32>
        %gather3A_2880 = tpu.vector_load_idx %arg16[%add3A_984, %add3A_2879] : memref<640x128xf32, #tpu.memory_space<vmem>>[vector<16xi32>, vector<16xi32>], vector<16xf32>,
        %mul3A_2881 = arith.mulf %gather3A_2858, %gather3A_2880 : vector<16xf32>
        %add3A_2882 = arith.addf %add3A_2850, %mul3A_2881 : vector<16xf32>
        %add3A_2883 = arith.constant 59 : i32
        %add3A_2884 = vector.broadcast %add3A_2883 : i32 to vector<16xi32>
        %add3A_2885 = arith.addi %add3A_2884, %iota3A : vector<16xi32>
        %and3A_2886 = arith.constant 63 : i32
        %and3A_2887 = vector.broadcast %and3A_2886 : i32 to vector<16xi32>
        %and3A_2888 = arith.andi %add3A_2885, %and3A_2887 : vector<16xi32>
        %add3A_2889 = arith.addi %mul3A_904, %and3A_2888 : vector<16xi32>
        %gather3A_2890 = tpu.vector_load_idx %arg14[%add3A_896, %add3A_2889] : memref<128x128xf32, #tpu.memory_space<vmem>>[vector<16xi32>, vector<16xi32>], vector<16xf32>,
        %add3A_2891 = arith.addi %mul3A_914, %and3A_2888 : vector<16xi32>
        %gather3A_2892 = tpu.vector_load_idx %arg15[%add3A_896, %add3A_2891] : memref<128x128xf32, #tpu.memory_space<vmem>>[vector<16xi32>, vector<16xi32>], vector<16xf32>,
        %mul3A_2893 = arith.mulf %gather3A_2890, %gather3A_2892 : vector<16xf32>
        %add3A_2894 = arith.addf %add3A_2862, %mul3A_2893 : vector<16xf32>
        %add3A_2895 = arith.addi %mul3A_930, %and3A_2888 : vector<16xi32>
        %gather3A_2896 = tpu.vector_load_idx %arg16[%add3A_920, %add3A_2895] : memref<640x128xf32, #tpu.memory_space<vmem>>[vector<16xi32>, vector<16xi32>], vector<16xf32>,
        %mul3A_2897 = arith.mulf %gather3A_2890, %gather3A_2896 : vector<16xf32>
        %add3A_2898 = arith.addf %add3A_2866, %mul3A_2897 : vector<16xf32>
        %add3A_2899 = arith.addi %mul3A_946, %and3A_2888 : vector<16xi32>
        %gather3A_2900 = tpu.vector_load_idx %arg16[%add3A_936, %add3A_2899] : memref<640x128xf32, #tpu.memory_space<vmem>>[vector<16xi32>, vector<16xi32>], vector<16xf32>,
        %mul3A_2901 = arith.mulf %gather3A_2890, %gather3A_2900 : vector<16xf32>
        %add3A_2902 = arith.addf %add3A_2870, %mul3A_2901 : vector<16xf32>
        %add3A_2903 = arith.addi %mul3A_962, %and3A_2888 : vector<16xi32>
        %gather3A_2904 = tpu.vector_load_idx %arg16[%add3A_952, %add3A_2903] : memref<640x128xf32, #tpu.memory_space<vmem>>[vector<16xi32>, vector<16xi32>], vector<16xf32>,
        %mul3A_2905 = arith.mulf %gather3A_2890, %gather3A_2904 : vector<16xf32>
        %add3A_2906 = arith.addf %add3A_2874, %mul3A_2905 : vector<16xf32>
        %add3A_2907 = arith.addi %mul3A_978, %and3A_2888 : vector<16xi32>
        %gather3A_2908 = tpu.vector_load_idx %arg16[%add3A_968, %add3A_2907] : memref<640x128xf32, #tpu.memory_space<vmem>>[vector<16xi32>, vector<16xi32>], vector<16xf32>,
        %mul3A_2909 = arith.mulf %gather3A_2890, %gather3A_2908 : vector<16xf32>
        %add3A_2910 = arith.addf %add3A_2878, %mul3A_2909 : vector<16xf32>
        %add3A_2911 = arith.addi %mul3A_994, %and3A_2888 : vector<16xi32>
        %gather3A_2912 = tpu.vector_load_idx %arg16[%add3A_984, %add3A_2911] : memref<640x128xf32, #tpu.memory_space<vmem>>[vector<16xi32>, vector<16xi32>], vector<16xf32>,
        %mul3A_2913 = arith.mulf %gather3A_2890, %gather3A_2912 : vector<16xf32>
        %add3A_2914 = arith.addf %add3A_2882, %mul3A_2913 : vector<16xf32>
        %add3A_2915 = arith.constant 60 : i32
        %add3A_2916 = vector.broadcast %add3A_2915 : i32 to vector<16xi32>
        %add3A_2917 = arith.addi %add3A_2916, %iota3A : vector<16xi32>
        %and3A_2918 = arith.constant 63 : i32
        %and3A_2919 = vector.broadcast %and3A_2918 : i32 to vector<16xi32>
        %and3A_2920 = arith.andi %add3A_2917, %and3A_2919 : vector<16xi32>
        %add3A_2921 = arith.addi %mul3A_904, %and3A_2920 : vector<16xi32>
        %gather3A_2922 = tpu.vector_load_idx %arg14[%add3A_896, %add3A_2921] : memref<128x128xf32, #tpu.memory_space<vmem>>[vector<16xi32>, vector<16xi32>], vector<16xf32>,
        %add3A_2923 = arith.addi %mul3A_914, %and3A_2920 : vector<16xi32>
        %gather3A_2924 = tpu.vector_load_idx %arg15[%add3A_896, %add3A_2923] : memref<128x128xf32, #tpu.memory_space<vmem>>[vector<16xi32>, vector<16xi32>], vector<16xf32>,
        %mul3A_2925 = arith.mulf %gather3A_2922, %gather3A_2924 : vector<16xf32>
        %add3A_2926 = arith.addf %add3A_2894, %mul3A_2925 : vector<16xf32>
        %add3A_2927 = arith.addi %mul3A_930, %and3A_2920 : vector<16xi32>
        %gather3A_2928 = tpu.vector_load_idx %arg16[%add3A_920, %add3A_2927] : memref<640x128xf32, #tpu.memory_space<vmem>>[vector<16xi32>, vector<16xi32>], vector<16xf32>,
        %mul3A_2929 = arith.mulf %gather3A_2922, %gather3A_2928 : vector<16xf32>
        %add3A_2930 = arith.addf %add3A_2898, %mul3A_2929 : vector<16xf32>
        %add3A_2931 = arith.addi %mul3A_946, %and3A_2920 : vector<16xi32>
        %gather3A_2932 = tpu.vector_load_idx %arg16[%add3A_936, %add3A_2931] : memref<640x128xf32, #tpu.memory_space<vmem>>[vector<16xi32>, vector<16xi32>], vector<16xf32>,
        %mul3A_2933 = arith.mulf %gather3A_2922, %gather3A_2932 : vector<16xf32>
        %add3A_2934 = arith.addf %add3A_2902, %mul3A_2933 : vector<16xf32>
        %add3A_2935 = arith.addi %mul3A_962, %and3A_2920 : vector<16xi32>
        %gather3A_2936 = tpu.vector_load_idx %arg16[%add3A_952, %add3A_2935] : memref<640x128xf32, #tpu.memory_space<vmem>>[vector<16xi32>, vector<16xi32>], vector<16xf32>,
        %mul3A_2937 = arith.mulf %gather3A_2922, %gather3A_2936 : vector<16xf32>
        %add3A_2938 = arith.addf %add3A_2906, %mul3A_2937 : vector<16xf32>
        %add3A_2939 = arith.addi %mul3A_978, %and3A_2920 : vector<16xi32>
        %gather3A_2940 = tpu.vector_load_idx %arg16[%add3A_968, %add3A_2939] : memref<640x128xf32, #tpu.memory_space<vmem>>[vector<16xi32>, vector<16xi32>], vector<16xf32>,
        %mul3A_2941 = arith.mulf %gather3A_2922, %gather3A_2940 : vector<16xf32>
        %add3A_2942 = arith.addf %add3A_2910, %mul3A_2941 : vector<16xf32>
        %add3A_2943 = arith.addi %mul3A_994, %and3A_2920 : vector<16xi32>
        %gather3A_2944 = tpu.vector_load_idx %arg16[%add3A_984, %add3A_2943] : memref<640x128xf32, #tpu.memory_space<vmem>>[vector<16xi32>, vector<16xi32>], vector<16xf32>,
        %mul3A_2945 = arith.mulf %gather3A_2922, %gather3A_2944 : vector<16xf32>
        %add3A_2946 = arith.addf %add3A_2914, %mul3A_2945 : vector<16xf32>
        %add3A_2947 = arith.constant 61 : i32
        %add3A_2948 = vector.broadcast %add3A_2947 : i32 to vector<16xi32>
        %add3A_2949 = arith.addi %add3A_2948, %iota3A : vector<16xi32>
        %and3A_2950 = arith.constant 63 : i32
        %and3A_2951 = vector.broadcast %and3A_2950 : i32 to vector<16xi32>
        %and3A_2952 = arith.andi %add3A_2949, %and3A_2951 : vector<16xi32>
        %add3A_2953 = arith.addi %mul3A_904, %and3A_2952 : vector<16xi32>
        %gather3A_2954 = tpu.vector_load_idx %arg14[%add3A_896, %add3A_2953] : memref<128x128xf32, #tpu.memory_space<vmem>>[vector<16xi32>, vector<16xi32>], vector<16xf32>,
        %add3A_2955 = arith.addi %mul3A_914, %and3A_2952 : vector<16xi32>
        %gather3A_2956 = tpu.vector_load_idx %arg15[%add3A_896, %add3A_2955] : memref<128x128xf32, #tpu.memory_space<vmem>>[vector<16xi32>, vector<16xi32>], vector<16xf32>,
        %mul3A_2957 = arith.mulf %gather3A_2954, %gather3A_2956 : vector<16xf32>
        %add3A_2958 = arith.addf %add3A_2926, %mul3A_2957 : vector<16xf32>
        %add3A_2959 = arith.addi %mul3A_930, %and3A_2952 : vector<16xi32>
        %gather3A_2960 = tpu.vector_load_idx %arg16[%add3A_920, %add3A_2959] : memref<640x128xf32, #tpu.memory_space<vmem>>[vector<16xi32>, vector<16xi32>], vector<16xf32>,
        %mul3A_2961 = arith.mulf %gather3A_2954, %gather3A_2960 : vector<16xf32>
        %add3A_2962 = arith.addf %add3A_2930, %mul3A_2961 : vector<16xf32>
        %add3A_2963 = arith.addi %mul3A_946, %and3A_2952 : vector<16xi32>
        %gather3A_2964 = tpu.vector_load_idx %arg16[%add3A_936, %add3A_2963] : memref<640x128xf32, #tpu.memory_space<vmem>>[vector<16xi32>, vector<16xi32>], vector<16xf32>,
        %mul3A_2965 = arith.mulf %gather3A_2954, %gather3A_2964 : vector<16xf32>
        %add3A_2966 = arith.addf %add3A_2934, %mul3A_2965 : vector<16xf32>
        %add3A_2967 = arith.addi %mul3A_962, %and3A_2952 : vector<16xi32>
        %gather3A_2968 = tpu.vector_load_idx %arg16[%add3A_952, %add3A_2967] : memref<640x128xf32, #tpu.memory_space<vmem>>[vector<16xi32>, vector<16xi32>], vector<16xf32>,
        %mul3A_2969 = arith.mulf %gather3A_2954, %gather3A_2968 : vector<16xf32>
        %add3A_2970 = arith.addf %add3A_2938, %mul3A_2969 : vector<16xf32>
        %add3A_2971 = arith.addi %mul3A_978, %and3A_2952 : vector<16xi32>
        %gather3A_2972 = tpu.vector_load_idx %arg16[%add3A_968, %add3A_2971] : memref<640x128xf32, #tpu.memory_space<vmem>>[vector<16xi32>, vector<16xi32>], vector<16xf32>,
        %mul3A_2973 = arith.mulf %gather3A_2954, %gather3A_2972 : vector<16xf32>
        %add3A_2974 = arith.addf %add3A_2942, %mul3A_2973 : vector<16xf32>
        %add3A_2975 = arith.addi %mul3A_994, %and3A_2952 : vector<16xi32>
        %gather3A_2976 = tpu.vector_load_idx %arg16[%add3A_984, %add3A_2975] : memref<640x128xf32, #tpu.memory_space<vmem>>[vector<16xi32>, vector<16xi32>], vector<16xf32>,
        %mul3A_2977 = arith.mulf %gather3A_2954, %gather3A_2976 : vector<16xf32>
        %add3A_2978 = arith.addf %add3A_2946, %mul3A_2977 : vector<16xf32>
        %add3A_2979 = arith.constant 62 : i32
        %add3A_2980 = vector.broadcast %add3A_2979 : i32 to vector<16xi32>
        %add3A_2981 = arith.addi %add3A_2980, %iota3A : vector<16xi32>
        %and3A_2982 = arith.constant 63 : i32
        %and3A_2983 = vector.broadcast %and3A_2982 : i32 to vector<16xi32>
        %and3A_2984 = arith.andi %add3A_2981, %and3A_2983 : vector<16xi32>
        %add3A_2985 = arith.addi %mul3A_904, %and3A_2984 : vector<16xi32>
        %gather3A_2986 = tpu.vector_load_idx %arg14[%add3A_896, %add3A_2985] : memref<128x128xf32, #tpu.memory_space<vmem>>[vector<16xi32>, vector<16xi32>], vector<16xf32>,
        %add3A_2987 = arith.addi %mul3A_914, %and3A_2984 : vector<16xi32>
        %gather3A_2988 = tpu.vector_load_idx %arg15[%add3A_896, %add3A_2987] : memref<128x128xf32, #tpu.memory_space<vmem>>[vector<16xi32>, vector<16xi32>], vector<16xf32>,
        %mul3A_2989 = arith.mulf %gather3A_2986, %gather3A_2988 : vector<16xf32>
        %add3A_2990 = arith.addf %add3A_2958, %mul3A_2989 : vector<16xf32>
        %add3A_2991 = arith.addi %mul3A_930, %and3A_2984 : vector<16xi32>
        %gather3A_2992 = tpu.vector_load_idx %arg16[%add3A_920, %add3A_2991] : memref<640x128xf32, #tpu.memory_space<vmem>>[vector<16xi32>, vector<16xi32>], vector<16xf32>,
        %mul3A_2993 = arith.mulf %gather3A_2986, %gather3A_2992 : vector<16xf32>
        %add3A_2994 = arith.addf %add3A_2962, %mul3A_2993 : vector<16xf32>
        %add3A_2995 = arith.addi %mul3A_946, %and3A_2984 : vector<16xi32>
        %gather3A_2996 = tpu.vector_load_idx %arg16[%add3A_936, %add3A_2995] : memref<640x128xf32, #tpu.memory_space<vmem>>[vector<16xi32>, vector<16xi32>], vector<16xf32>,
        %mul3A_2997 = arith.mulf %gather3A_2986, %gather3A_2996 : vector<16xf32>
        %add3A_2998 = arith.addf %add3A_2966, %mul3A_2997 : vector<16xf32>
        %add3A_2999 = arith.addi %mul3A_962, %and3A_2984 : vector<16xi32>
        %gather3A_3000 = tpu.vector_load_idx %arg16[%add3A_952, %add3A_2999] : memref<640x128xf32, #tpu.memory_space<vmem>>[vector<16xi32>, vector<16xi32>], vector<16xf32>,
        %mul3A_3001 = arith.mulf %gather3A_2986, %gather3A_3000 : vector<16xf32>
        %add3A_3002 = arith.addf %add3A_2970, %mul3A_3001 : vector<16xf32>
        %add3A_3003 = arith.addi %mul3A_978, %and3A_2984 : vector<16xi32>
        %gather3A_3004 = tpu.vector_load_idx %arg16[%add3A_968, %add3A_3003] : memref<640x128xf32, #tpu.memory_space<vmem>>[vector<16xi32>, vector<16xi32>], vector<16xf32>,
        %mul3A_3005 = arith.mulf %gather3A_2986, %gather3A_3004 : vector<16xf32>
        %add3A_3006 = arith.addf %add3A_2974, %mul3A_3005 : vector<16xf32>
        %add3A_3007 = arith.addi %mul3A_994, %and3A_2984 : vector<16xi32>
        %gather3A_3008 = tpu.vector_load_idx %arg16[%add3A_984, %add3A_3007] : memref<640x128xf32, #tpu.memory_space<vmem>>[vector<16xi32>, vector<16xi32>], vector<16xf32>,
        %mul3A_3009 = arith.mulf %gather3A_2986, %gather3A_3008 : vector<16xf32>
        %add3A_3010 = arith.addf %add3A_2978, %mul3A_3009 : vector<16xf32>
        %add3A_3011 = arith.constant 63 : i32
        %add3A_3012 = vector.broadcast %add3A_3011 : i32 to vector<16xi32>
        %add3A_3013 = arith.addi %add3A_3012, %iota3A : vector<16xi32>
        %and3A_3014 = arith.constant 63 : i32
        %and3A_3015 = vector.broadcast %and3A_3014 : i32 to vector<16xi32>
        %and3A_3016 = arith.andi %add3A_3013, %and3A_3015 : vector<16xi32>
        %add3A_3017 = arith.addi %mul3A_904, %and3A_3016 : vector<16xi32>
        %gather3A_3018 = tpu.vector_load_idx %arg14[%add3A_896, %add3A_3017] : memref<128x128xf32, #tpu.memory_space<vmem>>[vector<16xi32>, vector<16xi32>], vector<16xf32>,
        %add3A_3019 = arith.addi %mul3A_914, %and3A_3016 : vector<16xi32>
        %gather3A_3020 = tpu.vector_load_idx %arg15[%add3A_896, %add3A_3019] : memref<128x128xf32, #tpu.memory_space<vmem>>[vector<16xi32>, vector<16xi32>], vector<16xf32>,
        %mul3A_3021 = arith.mulf %gather3A_3018, %gather3A_3020 : vector<16xf32>
        %add3A_3022 = arith.addf %add3A_2990, %mul3A_3021 : vector<16xf32>
        %add3A_3023 = arith.addi %mul3A_930, %and3A_3016 : vector<16xi32>
        %gather3A_3024 = tpu.vector_load_idx %arg16[%add3A_920, %add3A_3023] : memref<640x128xf32, #tpu.memory_space<vmem>>[vector<16xi32>, vector<16xi32>], vector<16xf32>,
        %mul3A_3025 = arith.mulf %gather3A_3018, %gather3A_3024 : vector<16xf32>
        %add3A_3026 = arith.addf %add3A_2994, %mul3A_3025 : vector<16xf32>
        %add3A_3027 = arith.addi %mul3A_946, %and3A_3016 : vector<16xi32>
        %gather3A_3028 = tpu.vector_load_idx %arg16[%add3A_936, %add3A_3027] : memref<640x128xf32, #tpu.memory_space<vmem>>[vector<16xi32>, vector<16xi32>], vector<16xf32>,
        %mul3A_3029 = arith.mulf %gather3A_3018, %gather3A_3028 : vector<16xf32>
        %add3A_3030 = arith.addf %add3A_2998, %mul3A_3029 : vector<16xf32>
        %add3A_3031 = arith.addi %mul3A_962, %and3A_3016 : vector<16xi32>
        %gather3A_3032 = tpu.vector_load_idx %arg16[%add3A_952, %add3A_3031] : memref<640x128xf32, #tpu.memory_space<vmem>>[vector<16xi32>, vector<16xi32>], vector<16xf32>,
        %mul3A_3033 = arith.mulf %gather3A_3018, %gather3A_3032 : vector<16xf32>
        %add3A_3034 = arith.addf %add3A_3002, %mul3A_3033 : vector<16xf32>
        %add3A_3035 = arith.addi %mul3A_978, %and3A_3016 : vector<16xi32>
        %gather3A_3036 = tpu.vector_load_idx %arg16[%add3A_968, %add3A_3035] : memref<640x128xf32, #tpu.memory_space<vmem>>[vector<16xi32>, vector<16xi32>], vector<16xf32>,
        %mul3A_3037 = arith.mulf %gather3A_3018, %gather3A_3036 : vector<16xf32>
        %add3A_3038 = arith.addf %add3A_3006, %mul3A_3037 : vector<16xf32>
        %add3A_3039 = arith.addi %mul3A_994, %and3A_3016 : vector<16xi32>
        %gather3A_3040 = tpu.vector_load_idx %arg16[%add3A_984, %add3A_3039] : memref<640x128xf32, #tpu.memory_space<vmem>>[vector<16xi32>, vector<16xi32>], vector<16xf32>,
        %mul3A_3041 = arith.mulf %gather3A_3018, %gather3A_3040 : vector<16xf32>
        %add3A_3042 = arith.addf %add3A_3010, %mul3A_3041 : vector<16xf32>
        %mul3A_3043 = arith.constant 16 : i32
        %mul3A_3044 = arith.muli %scan3A_892, %mul3A_3043 : i32
        %swap3A_3045 = arith.constant 0 : i32
        %swap3A_3046 = arith.index_cast %swap3A_3045 : i32 to index
        %swap3A_3047 = arith.index_cast %mul3A_3044 : i32 to index
        %swap3A_3048 = tpu.vector_load %arg17[%swap3A_3046, %swap3A_3047] {strides = array<i32>} : memref<8x128xf32, #tpu.memory_space<vmem>>, vector<16xf32>,
        tpu.vector_store %arg17[%swap3A_3046, %swap3A_3047], %add3A_3022 {strides = array<i32>} : memref<8x128xf32, #tpu.memory_space<vmem>>, vector<16xf32>,
        %swap3A_3049 = arith.constant 1 : i32
        %swap3A_3050 = arith.index_cast %swap3A_3049 : i32 to index
        %swap3A_3051 = arith.index_cast %mul3A_3044 : i32 to index
        %swap3A_3052 = tpu.vector_load %arg17[%swap3A_3050, %swap3A_3051] {strides = array<i32>} : memref<8x128xf32, #tpu.memory_space<vmem>>, vector<16xf32>,
        tpu.vector_store %arg17[%swap3A_3050, %swap3A_3051], %add3A_3026 {strides = array<i32>} : memref<8x128xf32, #tpu.memory_space<vmem>>, vector<16xf32>,
        %swap3A_3053 = arith.constant 2 : i32
        %swap3A_3054 = arith.index_cast %swap3A_3053 : i32 to index
        %swap3A_3055 = arith.index_cast %mul3A_3044 : i32 to index
        %swap3A_3056 = tpu.vector_load %arg17[%swap3A_3054, %swap3A_3055] {strides = array<i32>} : memref<8x128xf32, #tpu.memory_space<vmem>>, vector<16xf32>,
        tpu.vector_store %arg17[%swap3A_3054, %swap3A_3055], %add3A_3030 {strides = array<i32>} : memref<8x128xf32, #tpu.memory_space<vmem>>, vector<16xf32>,
        %swap3A_3057 = arith.constant 3 : i32
        %swap3A_3058 = arith.index_cast %swap3A_3057 : i32 to index
        %swap3A_3059 = arith.index_cast %mul3A_3044 : i32 to index
        %swap3A_3060 = tpu.vector_load %arg17[%swap3A_3058, %swap3A_3059] {strides = array<i32>} : memref<8x128xf32, #tpu.memory_space<vmem>>, vector<16xf32>,
        tpu.vector_store %arg17[%swap3A_3058, %swap3A_3059], %add3A_3034 {strides = array<i32>} : memref<8x128xf32, #tpu.memory_space<vmem>>, vector<16xf32>,
        %swap3A_3061 = arith.constant 4 : i32
        %swap3A_3062 = arith.index_cast %swap3A_3061 : i32 to index
        %swap3A_3063 = arith.index_cast %mul3A_3044 : i32 to index
        %swap3A_3064 = tpu.vector_load %arg17[%swap3A_3062, %swap3A_3063] {strides = array<i32>} : memref<8x128xf32, #tpu.memory_space<vmem>>, vector<16xf32>,
        tpu.vector_store %arg17[%swap3A_3062, %swap3A_3063], %add3A_3038 {strides = array<i32>} : memref<8x128xf32, #tpu.memory_space<vmem>>, vector<16xf32>,
        %swap3A_3065 = arith.constant 5 : i32
        %swap3A_3066 = arith.index_cast %swap3A_3065 : i32 to index
        %swap3A_3067 = arith.index_cast %mul3A_3044 : i32 to index
        %swap3A_3068 = tpu.vector_load %arg17[%swap3A_3066, %swap3A_3067] {strides = array<i32>} : memref<8x128xf32, #tpu.memory_space<vmem>>, vector<16xf32>,
        tpu.vector_store %arg17[%swap3A_3066, %swap3A_3067], %add3A_3042 {strides = array<i32>} : memref<8x128xf32, #tpu.memory_space<vmem>>, vector<16xf32>,
        %swap3A_3069 = arith.constant 6 : i32
        %swap3A_3070 = arith.index_cast %swap3A_3069 : i32 to index
        %swap3A_3071 = arith.index_cast %mul3A_3044 : i32 to index
        %swap3A_3072 = tpu.vector_load %arg17[%swap3A_3070, %swap3A_3071] {strides = array<i32>} : memref<8x128xf32, #tpu.memory_space<vmem>>, vector<16xf32>,
        tpu.vector_store %arg17[%swap3A_3070, %swap3A_3071], %broadcast_in_dim3A_1 {strides = array<i32>} : memref<8x128xf32, #tpu.memory_space<vmem>>, vector<16xf32>,
        %swap3A_3073 = arith.constant 7 : i32
        %swap3A_3074 = arith.index_cast %swap3A_3073 : i32 to index
        %swap3A_3075 = arith.index_cast %mul3A_3044 : i32 to index
        %swap3A_3076 = tpu.vector_load %arg17[%swap3A_3074, %swap3A_3075] {strides = array<i32>} : memref<8x128xf32, #tpu.memory_space<vmem>>, vector<16xf32>,
        tpu.vector_store %arg17[%swap3A_3074, %swap3A_3075], %broadcast_in_dim3A_1 {strides = array<i32>} : memref<8x128xf32, #tpu.memory_space<vmem>>, vector<16xf32>,
      }
      %scan3A_889 = arith.constant 8 : i32
      %mul3A_890 = arith.constant 128 : i32
      %mul3A_891 = arith.muli %scan3A_7, %mul3A_890 : i32
      "tpu.region"() ({
        %run_scoped3A = tpu.sem_alloc : memref<!tpu.dma_semaphore, #tpu.memory_space<semaphore_mem>>
        %dma_start3A_892 = arith.constant 0 : i32
        %dma_start3A_893 = tpu.memref_slice %arg7[%add3A, %dma_start3A_892, %mul3A_891] : memref<32x8x512xf32, #tpu.memory_space<hbm>> -> memref<1x8x128xf32, #tpu.memory_space<hbm>>
        %dma_start3A_894 = tpu.memref_squeeze %dma_start3A_893 : memref<1x8x128xf32, #tpu.memory_space<hbm>> -> memref<8x128xf32, #tpu.memory_space<hbm>>
        %dma_start3A_895 = arith.constant 0 : i32
        %dma_start3A_896 = tpu.memref_slice %arg7[%add3A, %dma_start3A_895, %mul3A_891] : memref<32x8x512xf32, #tpu.memory_space<hbm>> -> memref<1x8x128xf32, #tpu.memory_space<hbm>>
        %dma_start3A_897 = tpu.memref_squeeze %dma_start3A_896 : memref<1x8x128xf32, #tpu.memory_space<hbm>> -> memref<8x128xf32, #tpu.memory_space<hbm>>
        tpu.enqueue_dma source(%arg17 : memref<8x128xf32, #tpu.memory_space<vmem>>) target(%dma_start3A_897 : memref<8x128xf32, #tpu.memory_space<hbm>>) target_semaphore(%run_scoped3A : memref<!tpu.dma_semaphore, #tpu.memory_space<semaphore_mem>>)
        %dma_wait3A_898 = arith.constant 0 : i32
        %dma_wait3A_899 = tpu.memref_slice %arg7[%add3A, %dma_wait3A_898, %mul3A_891] : memref<32x8x512xf32, #tpu.memory_space<hbm>> -> memref<1x8x128xf32, #tpu.memory_space<hbm>>
        %dma_wait3A_900 = tpu.memref_squeeze %dma_wait3A_899 : memref<1x8x128xf32, #tpu.memory_space<hbm>> -> memref<8x128xf32, #tpu.memory_space<hbm>>
        %dma_wait3A_901 = arith.constant 0 : i32
        %dma_wait3A_902 = tpu.memref_slice %arg7[%add3A, %dma_wait3A_901, %mul3A_891] : memref<32x8x512xf32, #tpu.memory_space<hbm>> -> memref<1x8x128xf32, #tpu.memory_space<hbm>>
        %dma_wait3A_903 = tpu.memref_squeeze %dma_wait3A_902 : memref<1x8x128xf32, #tpu.memory_space<hbm>> -> memref<8x128xf32, #tpu.memory_space<hbm>>
        tpu.wait_dma2 semaphore(%run_scoped3A : memref<!tpu.dma_semaphore, #tpu.memory_space<semaphore_mem>>) src(%arg17 : memref<8x128xf32, #tpu.memory_space<vmem>>) dst(%dma_wait3A_903 : memref<8x128xf32, #tpu.memory_space<hbm>>)
        tpu.yield
      }) : () -> ()
    }
    %scan3A_6 = arith.constant 4 : i32
    return
  }
}

module attributes {stable_mosaic.version = 14 : i64} {
  func.func @_tc_loss_kernel(%arg0: memref<32x8x512xf32, #tpu.memory_space<vmem>>, %arg1: memref<1x1xf32, #tpu.memory_space<smem>>) attributes {dimension_semantics = [], scalar_prefetch = 0 : i64, scratch_operands = 0 : i64, tpu.core_type = #tpu.core_type<tc>} {
    %get3A = arith.constant 0 : index
    %get3A_0 = arith.constant 0 : index
    %get3A_1 = arith.constant 0 : index
    %get3A_2 = vector.load %arg0[%get3A, %get3A_0, %get3A_1] : memref<32x8x512xf32, #tpu.memory_space<vmem>>, vector<32x8x512xf32>
    %iota3A = tpu.iota {dimensions = array<i32: 1>} : vector<32x8x512xi32>
    %eq3A = arith.constant 0 : i32
    %eq3A_3 = vector.broadcast %eq3A : i32 to vector<32x8x512xi32>
    %eq3A_4 = arith.cmpi eq, %iota3A, %eq3A_3 : vector<32x8x512xi32>
    %neg3A = arith.constant 0.000000e+00 : f32
    %neg3A_5 = vector.broadcast %neg3A : f32 to vector<32x8x512xf32>
    %neg3A_6 = arith.subf %neg3A_5, %get3A_2 : vector<32x8x512xf32>
    %select_n3A = arith.select %eq3A_4, %get3A_2, %neg3A_6 : vector<32x8x512xi1>, vector<32x8x512xf32>
    %neg3A_7 = arith.constant 0.000000e+00 : f32
    %neg3A_8 = vector.broadcast %neg3A_7 : f32 to vector<32x8x512xf32>
    %neg3A_9 = arith.subf %neg3A_8, %select_n3A : vector<32x8x512xf32>
    %exp3A = math.exp %neg3A_9 : vector<32x8x512xf32>
    %add3A = arith.constant 1.000000e+00 : f32
    %add3A_10 = vector.broadcast %add3A : f32 to vector<32x8x512xf32>
    %add3A_11 = arith.addf %add3A_10, %exp3A : vector<32x8x512xf32>
    %div3A = arith.constant 1.000000e+00 : f32
    %div3A_12 = vector.broadcast %div3A : f32 to vector<32x8x512xf32>
    %div3A_13 = arith.divf %div3A_12, %add3A_11 : vector<32x8x512xf32>
    %log3A = math.log %div3A_13 : vector<32x8x512xf32>
    %lt3A = arith.constant 6 : i32
    %lt3A_14 = vector.broadcast %lt3A : i32 to vector<32x8x512xi32>
    %lt3A_15 = arith.cmpi slt, %iota3A, %lt3A_14 : vector<32x8x512xi32>
    %jit3A = arith.constant 0.000000e+00 : f32
    %broadcast_in_dim3A = vector.broadcast %jit3A : f32 to vector<32x8x512xf32>
    %select_n3A_16 = arith.select %lt3A_15, %log3A, %broadcast_in_dim3A : vector<32x8x512xi1>, vector<32x8x512xf32>
    %reduce_sum3A = vector.shape_cast %select_n3A_16 : vector<32x8x512xf32> to vector<1x32x8x512xf32>
    %reduce_sum3A_17 = arith.constant dense<0.000000e+00> : vector<1xf32>
    %reduce_sum3A_18 = vector.multi_reduction <add>, %reduce_sum3A, %reduce_sum3A_17 [1, 2, 3] : vector<1x32x8x512xf32> to vector<1xf32>
    %reduce_sum3A_19 = vector.shape_cast %reduce_sum3A_18 : vector<1xf32> to vector<1x1x1x1xf32>
    %reduce_sum3A_20 = vector.extract %reduce_sum3A_19[0, 0, 0, 0] : f32 from vector<1x1x1x1xf32>
    %neg3A_21 = arith.constant 0.000000e+00 : f32
    %neg3A_22 = arith.subf %neg3A_21, %reduce_sum3A_20 : f32
    %div3A_23 = arith.constant 1.638400e+04 : f32
    %div3A_24 = arith.divf %neg3A_22, %div3A_23 : f32
    %swap3A = arith.constant 0 : index
    %swap3A_25 = arith.constant 0 : index
    %swap3A_26 = memref.load %arg1[%swap3A, %swap3A_25] : memref<1x1xf32, #tpu.memory_space<smem>>
    memref.store %div3A_24, %arg1[%swap3A, %swap3A_25] : memref<1x1xf32, #tpu.memory_space<smem>>
    return
  }
}

module attributes {stable_mosaic.version = 14 : i64} {
  func.func @_xpose_kernel(%arg0: i32, %arg1: memref<64x2048xf32, #tpu.memory_space<vmem>>, %arg2: memref<1024x128xf32, #tpu.memory_space<vmem>>) attributes {dimension_semantics = [#tpu.dimension_semantics<arbitrary>], iteration_bounds = array<i64: 489>, scalar_prefetch = 0 : i64, scratch_operands = 0 : i64, tpu.core_type = #tpu.core_type<tc>, window_params = [{transform_indices = @transform_0, window_bounds = array<i64: 64, 2048>}, {transform_indices = @transform_1, window_bounds = array<i64: 1024, 128>}]} {
    %get3A = arith.constant 0 : index
    %get3A_0 = arith.constant 0 : index
    %get3A_1 = vector.load %arg1[%get3A, %get3A_0] : memref<64x2048xf32, #tpu.memory_space<vmem>>, vector<64x2048xf32>
    %slice3A = vector.extract_strided_slice %get3A_1 {offsets = [0, 0], sizes = [64, 1024], strides = [1, 1]} : vector<64x2048xf32> to vector<64x1024xf32>
    %slice3A_2 = vector.extract_strided_slice %get3A_1 {offsets = [0, 1024], sizes = [64, 1024], strides = [1, 1]} : vector<64x2048xf32> to vector<64x1024xf32>
    %transpose3A = tpu.transpose %slice3A, [1, 0] : vector<64x1024xf32> -> vector<1024x64xf32>
    %transpose3A_3 = tpu.transpose %slice3A_2, [1, 0] : vector<64x1024xf32> -> vector<1024x64xf32>
    %concatenate3A = tpu.concatenate %transpose3A, %transpose3A_3 in 1 : vector<1024x64xf32>, vector<1024x64xf32> -> vector<1024x128xf32>
    %swap3A = arith.constant 0 : index
    %swap3A_4 = arith.constant 0 : index
    %swap3A_5 = vector.load %arg2[%swap3A, %swap3A_4] : memref<1024x128xf32, #tpu.memory_space<vmem>>, vector<1024x128xf32>
    tpu.vector_store %arg2[%swap3A, %swap3A_4], %concatenate3A {strides = array<i32>} : memref<1024x128xf32, #tpu.memory_space<vmem>>, vector<1024x128xf32>,
    return
  }
  func.func @transform_0(%arg0: i32) -> (i32, i32) {
    %c0_i32 = arith.constant 0 : i32
    %c0_i32_0 = arith.constant 0 : i32
    return %c0_i32, %arg0 : i32, i32
  }
  func.func @transform_1(%arg0: i32) -> (i32, i32) {
    %c0_i32 = arith.constant 0 : i32
    %c0_i32_0 = arith.constant 0 : i32
    return %arg0, %c0_i32 : i32, i32
  }
}

</mosaic_0001>

<sc_bundles>
// kernel: kernel.6.cloned.1.call-start
scs
__scs_entry_jumppad:
0x0: {  	(pc) =	sbr.rel $0x88, $3  }
0x1: {  	(tag) =	ssettag $0x0;
	lr =	simm.s32 $0x1  }
0x2: {  	[smem:$0x3F9C] =	sst lr;
	_ =	strace $0xD0000000  }
0x3: {  	_ = 	snop  }
0x4: {  	_ = 	snop  }
0x5: {  	_ = 	snop  }
0x6: {  	_ = 	snop  }
0x7: {  	_ = 	snop  }
__scs_overlays_trampoline_lowered:
0x8: {  	[smem:$0x3FAB] =	sst s0  }
0x9: {  	[smem:$0x3FAC] =	sst s1  }
0xa: {  	[smem:$0x3FAD] =	sst s2  }
0xb: {  	[smem:$0x3FAE] =	sst s3  }
0xc: {  	[smem:$0x3FAF] =	sst s4  }
0xd: {  	[smem:$0x3FB0] =	sst s5  }
0xe: {  	[smem:$0x3FB1] =	sst s6  }
0xf: {  	[smem:$0x3FB2] =	sst s7  }
0x10: {  	[smem:$0x3FB3] =	sst s8  }
0x11: {  	[smem:$0x3FB4] =	sst s9;
	s0 =	simm.s32 @!p0 $0x0  }
0x12: {  	s1 =	sld [smem:$0x3F9A];
	s0 =	simm.s32 @p0 $0x1  }
0x13: {  	[smem:$0x3FB5] =	sst s0;
	s0 =	simm.s32 @!p1 $0x0  }
0x14: {  	s2 =	sld [smem:$0x3F99];
	s0 =	simm.s32 @p1 $0x1  }
0x15: {  	[smem:$0x3FB6] =	sst s0;
	s0 =	simm.s32 @!p2 $0x0  }
0x16: {  	s3 =	sld [smem:$0x3FDB];
	s0 =	simm.s32 @p2 $0x1  }
0x17: {  	s4 =	simm.s32 $0x1BF5;
	[smem:$0x3FB8] =	sst s0  }
0x18: {  	s0 =	sld [smem:$0x3F9B];
	_ =	swait.ge [sflag:s4], $0x0  }
0x19: {  	s7 =	sld [smem:$0x3F9C]  }
0x1a: {  	s8 =	sadd.s32 $0xFFFFE003, lr  }
0x1b: {  	s9 =	sadd.s32 $0xFFFFFEF7, lr;
	s5 =	simm.s32 $0xFFFFFFFF;
	p2 =	slt.u32 s8, $0xFFFFF086  }
0x1c: {  	p1 =	slt.u32 s9, $0xF7A;
	s5 =	simm.s32 @!p2 $0x0  }
0x1d: {  	s5 =	simm.s32 @p1 $0x1;
	p0 =	seq.s32 s7, s2  }
0x1e: {  	s7 =	smul.u32 @!p0 $0xF7A, s2;
	p2 =	seq.s32 @!p0 s5, $0x0  }
0x1f: {  	s9 =	smul.u32 $0xF7A, s1;
	s8 =	simm.s32 @!p0 $0x1BF5;
	p2 =	por !p2, p0  }
0x20: {  	[sflag:s8] =	ssyncset.s32 @!p0 $0xFFFFF086;
	s6 =	sadd.s32 @!p0 s3, s7;
	s7 =	simm.s32 @!p0 $0x108  }
0x21: {  	s3 =	sadd.s32 s3, s9;
	s6 =	sadd.s32 @!p0 $0x88, s6;
	s7 =	simm.s32 @p2 $0x1082  }
0x22: {  	[simem:s7], [sflag:s8] =	dma.local @!p0 [hbm:s6], $0xF7A  }
0x23: {  	s9 =	sor.u32 $0xD0000000, s2;
	s6 =	simm.s32 $0x108;
	_ =	swait.ge @!p0 [sflag:s8], $0x0  }
0x24: {  	s3 =	sadd.s32 $0x88, s3;
	s6 =	simm.s32 @!p1 $0x1082;
	[sflag:s4] =	ssyncset.s32 $0xFFFFF086  }
0x25: {  	[simem:s6], [sflag:s4] =	dma.local [hbm:s3], $0xF7A  }
0x26: {  	[smem:$0x3F9C] =	sst s1;
	(tag) =	ssettag s2;
	_ =	strace s9  }
0x27: {  	s1 =	sld [smem:$0x3FAC]  }
0x28: {  	s2 =	sld [smem:$0x3FAD]  }
0x29: {  	s4 =	sld [smem:$0x3FAF]  }
0x2a: {  	p0 =	seq.s32 s5, $0x0;
	s5 =	sld [smem:$0x3FB0]  }
0x2b: {  	s6 =	sld [smem:$0x3FB1]  }
0x2c: {  	s7 =	sld [smem:$0x3FB2]  }
0x2d: {  	s3 =	simm.s32 $0x108;
	s8 =	sld [smem:$0x3FB3]  }
0x2e: {  	s3 =	simm.s32 @!p0 $0x1082;
	s9 =	sld [smem:$0x3FB4]  }
0x2f: {  	lr =	sadd.s32 s0, s3;
	s0 =	sld [smem:$0x3FAB]  }
0x30: {  	s3 =	sld [smem:$0x3FAE]  }
0x31: {  	[smem:$0x3FB7] =	sst s10  }
0x32: {  	s10 =	sld [smem:$0x3FB5];
	_ =	sdelay $0x3  }
0x33: {  	p0 =	seq.s32 s10, $0x1;
	s10 =	sld [smem:$0x3FB7];
	_ =	sdelay $0x3  }
0x34: {  	[smem:$0x3FB7] =	sst s10  }
0x35: {  	s10 =	sld [smem:$0x3FB6];
	_ =	sdelay $0x3  }
0x36: {  	p1 =	seq.s32 s10, $0x1;
	s10 =	sld [smem:$0x3FB7];
	_ =	sdelay $0x3  }
0x37: {  	[smem:$0x3FB7] =	sst s10  }
0x38: {  	s10 =	sld [smem:$0x3FB8]  }
0x39: {  	_ = 	snop;
	(pc) =	sbr.ind lr, $3  }
0x3a: {  	_ = 	snop  }
0x3b: {  	_ = 	snop  }
0x3c: {  	p2 =	seq.s32 s10, $0x1;
	s10 =	sld [smem:$0x3FB7]  }
0x3d: {  	_ =	shalt  }
0x3e: {  	_ =	shalt  }
0x3f: {  	_ =	shalt  }
0x40: {  	_ =	shalt  }
0x41: {  	_ =	shalt  }
0x42: {  	_ =	shalt  }
0x43: {  	_ =	shalt  }
0x44: {  	_ =	shalt  }
0x45: {  	_ =	shalt  }
0x46: {  	_ =	shalt  }
0x47: {  	_ =	shalt  }
0x48: {  	_ =	shalt  }
0x49: {  	_ =	shalt  }
0x4a: {  	_ =	shalt  }
0x4b: {  	_ =	shalt  }
0x4c: {  	_ =	shalt  }
0x4d: {  	_ =	shalt  }
0x4e: {  	_ =	shalt  }
0x4f: {  	_ =	shalt  }
0x50: {  	_ =	shalt  }
0x51: {  	_ =	shalt  }
0x52: {  	_ =	shalt  }
0x53: {  	_ =	shalt  }
0x54: {  	_ =	shalt  }
0x55: {  	_ =	shalt  }
0x56: {  	_ =	shalt  }
0x57: {  	_ =	shalt  }
0x58: {  	_ =	shalt  }
0x59: {  	_ =	shalt  }
0x5a: {  	_ =	shalt  }
0x5b: {  	_ =	shalt  }
0x5c: {  	_ =	shalt  }
0x5d: {  	_ =	shalt  }
0x5e: {  	_ =	shalt  }
0x5f: {  	_ =	shalt  }
0x60: {  	_ =	shalt  }
0x61: {  	_ =	shalt  }
0x62: {  	_ =	shalt  }
0x63: {  	_ =	shalt  }
0x64: {  	_ =	shalt  }
0x65: {  	_ =	shalt  }
0x66: {  	_ =	shalt  }
0x67: {  	_ =	shalt  }
0x68: {  	_ =	shalt  }
0x69: {  	_ =	shalt  }
0x6a: {  	_ =	shalt  }
0x6b: {  	_ =	shalt  }
0x6c: {  	_ =	shalt  }
0x6d: {  	_ =	shalt  }
0x6e: {  	_ =	shalt  }
0x6f: {  	_ =	shalt  }
0x70: {  	_ =	shalt  }
0x71: {  	_ =	shalt  }
0x72: {  	_ =	shalt  }
0x73: {  	_ =	shalt  }
0x74: {  	_ =	shalt  }
0x75: {  	_ =	shalt  }
0x76: {  	_ =	shalt  }
0x77: {  	_ =	shalt  }
0x78: {  	_ =	shalt  }
0x79: {  	_ =	shalt  }
0x7a: {  	_ =	shalt  }
0x7b: {  	_ =	shalt  }
0x7c: {  	_ =	shalt  }
0x7d: {  	_ =	shalt  }
0x7e: {  	_ =	shalt  }
0x7f: {  	_ =	shalt  }
0x80: {  	_ =	shalt  }
0x81: {  	_ =	shalt  }
0x82: {  	_ =	shalt  }
0x83: {  	_ =	shalt  }
0x84: {  	_ =	shalt  }
0x85: {  	_ =	shalt  }
0x86: {  	_ =	shalt  }
0x87: {  	_ =	shalt  }
.Lfunc_end0:
.L_simem_size_0:
called_computation_lowered:
.L_overlay_start_0:
0x88: {  	s2 =	sld [smem:$0x3FD9]  }
0x89: {  	s3 =	sld [smem:$0x3FFE];
	_ =	sdelay $0x1  }
0x8a: {  	s1 =	srdreg.scid  }
0x8b: {  	s0 =	sand.u32 $0x1, s1  }
0x8c: {  	s17 =	sshll.u32 s0, $0xA;
	s2 =	sadd.s32 s3, s2  }
0x8d: {  	s2 =	sadd.s32 s2, s17  }
0x8e: {  	[smem:$0x3FC3] =	sst s2  }
0x8f: {  	_ = 	snop  }
0x90: {  	s2 =	sld [smem:$0x3FC9]  }
0x91: {  	s18 =	sld [smem:$0x3FC8]  }
0x92: {  	s4 =	sld [smem:$0x3FC7];
	(tm) =	ssettm $0x1  }
0x93: {  	s5 =	sld [smem:$0x3FFB];
	_ =	sdelay $0x3  }
0x94: {  	_ =	strace s5  }
0x95: {  	s5 =	sld [smem:$0x3FFC];
	_ =	sdelay $0x3  }
0x96: {  	_ =	strace s5  }
0x97: {  	s5 =	sld [smem:$0x3FFD];
	_ =	sdelay $0x3  }
0x98: {  	_ =	strace s5  }
0x99: {  	_ =	strace $0x8FFFFFFF  }
0x9a: {  	s19 =	sld [smem:$0x3FDB];
	_ =	sdelay $0x1  }
0x9b: {  	s6 =	simm.s32 $_scs_section_size  }
0x9c: {  	s7 =	simm.s32 $_size__tile_overlayer_lowered;
	s8 =	simm.s32 $_tile_overlayer_lowered  }
0x9d: {  	s22 =	simm.s32 $0x1BFF;
	s21 =	sshll.u32 s8, $0x1;
	s5 =	sadd.s32 s6, s19  }
0x9e: {  	s9 =	simm.s32 $0x0;
	s20 =	sshll.u32 s7, $0x1;
	s7 =	sadd.s32 s21, s5  }
0x9f: {  	[timem:s9], [sflag:s22] =	dma.local [hbm:s7], s20  }
0xa0: {  	_ =	swait.ge [sflag:s22], s20  }
0xa1: {  	s6 =	ssub.s32 $0x0, s20;
	[sflag:s22] =	ssyncset.done $0x0  }
0xa2: {  	[sflag:s22] =	ssyncadd.s32 s6;
	_ =	sdelay $0x1  }
0xa3: {  	s23 =	simm.s32 $0x1B8B  }
0xa4: {  	_ =	swait.ge [sflag:s23], $0x1  }
0xa5: {  	[sflag:s23] =	ssyncset.done $0x0  }
0xa6: {  	s25 =	simm.s32 $0x1B8E;
	s24 =	sld [smem:$0x3FFE];
	[sflag:s23] =	ssyncadd.s32 $0xFFFFFFFF  }
0xa7: {  	s26 =	simm.s32 $execute0_lowered;
	[smem:$0x3FD2] =	sst s25  }
0xa8: {  	s7 =	sshll.u32 s26, $0x1;
	_ =	strace $0x80000046;
	[dreg:$0x1] =	wrdreg $0xFFFFFFFF  }
0xa9: {  	s28 =	simm.s32 $_size_execute0_lowered;
	s5 =	sadd.s32 s5, s7;
	[dreg:$0x0] =	wrdreg $0x0  }
0xaa: {  	s7 =	sshll.u32 s28, $0x1;
	[dreg:$0x2] =	wrdreg s5  }
0xab: {  	[dreg:$0x3] =	wrdreg s7  }
0xac: {  	[dreg:$0x4] =	wrdreg $0xC0  }
0xad: {  	_ =	task [dreg:s9], $0x5FFFF  }
0xae: {  	[dreg:$0x1] =	wrdreg $0xFFFFFFFF  }
0xaf: {  	[dreg:$0x0] =	wrdreg $0x60  }
0xb0: {  	[dreg:$0x2] =	wrdreg s2  }
0xb1: {  	[dreg:$0x3] =	wrdreg s18  }
0xb2: {  	[dreg:$0x4] =	wrdreg s4  }
0xb3: {  	[dreg:$0x5] =	wrdreg s24  }
0xb4: {  	[dreg:$0x6] =	wrdreg $0x9  }
0xb5: {  	_ =	task.clear_ibuf [dreg:s9], $0x7FFFF;
	_ =	strace $0x90000046  }
0xb6: {  	s29 =	simm.s32 $0x9;
	_ =	strace $0x80000048  }
0xb7: {  	_ =	swait.ge [sflag:s29], $0x1  }
0xb8: {  	[sflag:s29] =	ssyncadd.s32 $0xFFFFFFFF  }
0xb9: {  	_ =	strace $0x90000048  }
0xba: {  	_ =	sfence  }
0xbb: {  	s30 =	sld [smem:$0x0];
	_ =	sdelay $0x2  }
0xbc: {  	s31 =	sshll.u32 s1, $0xD;
	s1 =	sshrl.u32 s1, $0x2  }
0xbd: {  	s3 =	sand.u32 $0x4000, s31;
	s1 =	sadd.s32 s1, s30  }
0xbe: {  	s0 =	sor.u32 s3, s0;
	s1 =	sshll.u32 s1, $0x11  }
0xbf: {  	s0 =	sor.u32 s1, s0  }
0xc0: {  	s0 =	sadd.s32 $0x8F2B, s0  }
0xc1: {  	[sflag:s0] =	ssyncadd.remote.s32 $0x1  }
0xc2: {  	_ =	sfence.sel $0xFFFF  }
0xc3: {  	[dreg:$0x0] =	wrdreg $0xFFFFFFFF;
	(pc) =	sbr.abs _section_cstart, $3  }
0xc4: {  	[dreg:$0x1] =	wrdreg $0xFFFFFFFF  }
0xc5: {  	_ =	task.clear_ibuf [dreg:s9], $0x2FFFF;
	_ =	strace $0x9FFFFFFF  }
0xc6: {  	(tm) =	ssettm $0x7FFFFFFF  }
0xc7: {  	_ =	shalt  }
tec
execute0_lowered:
.L_overlay_start_1:
0x0: {  	(tag) =	ssettag $0x1  }
0x1: {  	v1 =	vimm.s32 $0x34333231;
	v5 =	vimm.s32 $0x38373635  }
0x2: {  	v1 =	vunpack.c.0.s8.s32 v1;
	v3 =	vunpack.c.0.s8.s32 v5  }
0x3: {  	vm0 =	vcmask $0x1F10  }
0x4: {  	v16 =	vimm.s32 $0x35343332;
	v1 =	vsel vm0, v3, v1  }
0x5: {  	v46 =	vlaneseq.u32;
	v17 =	vimm.s32 $0x39383736;
	[tilespmem:$0x1FE00] =	vst v1;
	v1 =	vimm.s32 $0x3C3B3A39  }
0x6: {  	v18 =	vimm.s32 $0x36353433;
	v49 =	vunpack.c.0.s8.s32 v1;
	v1 =	vimm.s32 $0x3F3E3D  }
0x7: {  	v4 =	vunpack.c.0.s8.s32 v17;
	v54 =	vmovc v3;
	v3 =	vunpack.c.0.s8.s32 v1;
	v1 =	vunpack.c.0.s8.s32 v16  }
0x8: {  	v9 =	vimm.s32 $0x3A393837;
	v10 =	vimm.s32 $0x3D3C3B3A;
	v30 =	vimm.s32 $0x3E3D3C3B;
	s1 =	rddreg [dreg:$0x1]  }
0x9: {  	v31 =	vimm.s32 $0x3F3E3D3C;
	v34 =	vimm.s32 $0x37363534;
	s2 =	rddreg [dreg:$0x2];
	s4 =	simm.s32 $0x0;
	v1 =	vsel vm0, v4, v1  }
0xa: {  	v35 =	vimm.s32 $0x3B3A3938;
	v0 =	vadd.s32 $0x1, v46;
	[smem:$0x7FF] =	sst s4;
	[tilespmem:$0x1FE10] =	vst v1  }
0xb: {  	v11 =	vimm.s32 $0x201003F;
	s3 =	rddreg [dreg:$0x3];
	v2 =	vadd.s32 $0x2, v46;
	_ =	strace $0x80000047;
	[tilespmem:$0x1FE50] =	vst v0  }
0xc: {  	v37 =	vimm.s32 $0x4030201;
	v38 =	vimm.s32 $0x5040302;
	v22 =	vadd.s32 $0x3, v46;
	[tilespmem:$0x1FE60] =	vst v2  }
0xd: {  	v39 =	vimm.s32 $0x32107654;
	v41 =	vimm.s32 $0x76543210;
	[tilespmem:$0x1FE70] =	vst v22  }
0xe: {  	v42 =	vimm.s32 $0x43218765;
	v43 =	vimm.s32 $0x87654321;
	v26 =	vadd.s32 $0x4, v46;
	[tilespmem:$0x1FE80] =	vst v54  }
0xf: {  	vm2 =	vcmask $0x2F10;
	v12 =	vimm.s32 $0xB0A0908;
	v27 =	vadd.s32 $0x5, v46;
	[tilespmem:$0x1FE90] =	vst v26  }
0x10: {  	v13 =	vimm.s32 $0x54329876;
	v45 =	vimm.s32 $0xC0B0A09;
	v33 =	vadd.s32 $0x6, v46;
	[tilespmem:$0x1FEA0] =	vst v27  }
0x11: {  	vm1 =	vcmask $0x3F30;
	v50 =	vimm.s32 $0x6543A987;
	v14 =	vimm.s32 $0xD0C0B0A;
	[tilespmem:$0x1FEB0] =	vst v33  }
0x12: {  	v55 =	vimm.s32 $0x98765432;
	v56 =	vimm.s32 $0xA9876543;
	v6 =	vunpack.c.0.s8.s32 v9;
	[tilespmem:$0x1FEC0] =	vst v49  }
0x13: {  	v62 =	vimm.s32 $0xE0D0C0B;
	v5 =	vunpack.c.0.s8.s32 v18;
	v47 =	vunpack.c.0.s8.s32 v10;
	v58 =	vmovc v4;
	[tilespmem:$0x1FED0] =	vst v3  }
0x14: {  	v32 =	vunpack.c.0.s8.s32 v31;
	v9 =	vunpack.c.0.s8.s32 v34;
	v40 =	vunpack.c.l.s4.s8 v39;
	v51 =	vmovc v6;
	[tilespmem:$0x1FEE0] =	vst v58  }
0x15: {  	v7 =	vunpack.c.0.s8.s32 v35;
	v59 =	vunpack.c.0.s8.s32 v30;
	v8 =	vunpack.c.0.s8.s32 v11;
	[tilespmem:$0x1FEF0] =	vst v51  }
0x16: {  	v10 =	vunpack.c.0.s8.s32 v38;
	v57 =	vsel vm0, v6, v5;
	v5 =	vunpack.c.0.s8.s32 v40;
	[tilespmem:$0x1FF00] =	vst v47  }
0x17: {  	v12 =	vunpack.c.0.s8.s32 v12;
	v13 =	vunpack.c.l.s4.s8 v13;
	v14 =	vunpack.c.0.s8.s32 v14;
	[tilespmem:$0x1FF20] =	vst v57  }
0x18: {  	v36 =	vsel vm0, v7, v9;
	v9 =	vunpack.c.0.s8.s32 v37;
	v5 =	vand.u32 $0xF, v5;
	[tilespmem:$0x1FF30] =	vst v32  }
0x19: {  	v48 =	vunpack.c.0.s8.s32 v13;
	v5 =	vsel vm2, v5, v32;
	v1 =	vimm.s32 $0x1003F3E;
	[tilespmem:$0x1FF40] =	vst v7  }
0x1a: {  	v63 =	vsel vm0, v9, v3;
	v19 =	vunpack.c.0.s8.s32 v1;
	v1 =	vimm.s32 $0x3020100;
	[tilespmem:$0x1FF50] =	vst v59  }
0x1b: {  	v9 =	vunpack.c.l.s4.s8 v41;
	v41 =	vsel vm1, v12, v5;
	[tilespmem:$0x1FF60] =	vst v8;
	v1 =	vunpack.c.0.s8.s32 v1  }
0x1c: {  	v12 =	vand.u32 $0xF, v48;
	[tilespmem:$0x1FF80] =	vst v63;
	v60 =	vsel vm0, v10, v19;
	v10 =	vunpack.c.l.s4.s8 v42  }
0x1d: {  	s6 =	srdreg.scid;
	[tilespmem:$0x1FFA0] =	vst v41;
	v52 =	vsel vm2, v12, v19;
	v12 =	vunpack.c.l.s4.s8 v55;
	v1 =	vsel vm0, v1, v32  }
0x1e: {  	s0 =	stileid.u32;
	s12 =	simm.s32 $0x80;
	s13 =	simm.s32 $0x100;
	v11 =	vunpack.c.l.s4.s8 v43;
	[tilespmem:$0x1FF10] =	vst v19;
	v43 =	vsel vm1, v14, v52;
	v61 =	vcombine.low v36, v1  }
0x1f: {  	s14 =	simm.s32 $0x380;
	s15 =	simm.s32 $0x700;
	s16 =	simm.s32 $0x400;
	[tilespmem:$0x1FF90] =	vst v60;
	v1 =	vimm.s32 $0x6050403;
	v10 =	vunpack.c.0.s8.s32 v10;
	v12 =	vunpack.c.0.s8.s32 v12  }
0x20: {  	s17 =	simm.s32 $0x4700;
	s18 =	simm.s32 $0x480;
	s19 =	simm.s32 $0x8700;
	v13 =	vunpack.c.l.s4.s8 v50;
	v11 =	vunpack.c.0.s8.s32 v11;
	[tilespmem:$0x1FFC0] =	vst v43;
	v1 =	vunpack.c.0.s8.s32 v1  }
0x21: {  	s20 =	simm.s32 $0x500;
	s21 =	simm.s32 $0xC700;
	s22 =	simm.s32 $0x580;
	v44 =	vand.u32 $0xF, v10;
	v10 =	vunpack.c.0.s8.s32 v45;
	v45 =	vand.u32 $0xF, v12;
	[tilespmem:$0x1FF70] =	vst v61  }
0x22: {  	s23 =	simm.s32 $0x10700;
	s24 =	simm.s32 $0x600;
	s25 =	simm.s32 $0x14700;
	v53 =	vunpack.c.0.s8.s32 v13;
	v5 =	vsel vm2, v44, v3;
	v1 =	vsel vm0, v1, v8;
	[tilespmem:$0x1FFE0] =	vst v45  }
0x23: {  	s28 =	simm.s32 $0x18700;
	s29 =	simm.s32 $0x1;
	s6 =	sand.u32 $0x1, s6;
	v44 =	vand.u32 $0xF, v11;
	v42 =	vsel vm1, v10, v5;
	v5 =	vunpack.c.l.s4.s8 v56;
	[tilespmem:$0x1FE20] =	vst v1  }
0x24: {  	s30 =	simm.s32 $0x1C700;
	s5 =	sadd.s32 $0x600, s3;
	s9 =	ssub.s32 $0x2, s6;
	v13 =	vunpack.c.0.s8.s32 v62;
	v10 =	vand.u32 $0xF, v53;
	v1 =	vunpack.c.0.s8.s32 v9;
	[tilespmem:$0x1FFD0] =	vst v44  }
0x25: {  	s7 =	sadd.s32 $0x7A4600, s3;
	s11 =	sshll.u32 s0, $0xA;
	s10 =	sshrl.u32 s9, $0x1;
	v10 =	vsel vm2, v10, v8;
	[tilespmem:$0x1FFB0] =	vst v42;
	v5 =	vunpack.c.0.s8.s32 v5  }
0x26: {  	s8 =	sadd.s32 $0xF48600, s3;
	s6 =	sshll.u32 s6, $0x9;
	s26 =	ssub.s32 s9, s10;
	[tilespmem:$0x1FE30] =	vst v1;
	v39 =	vsel vm1, v13, v10  }
0x27: {  	s3 =	simm.s32 $0x0;
	s9 =	sor.u32 s6, s11;
	s31 =	smax.u32 s26, $0x1;
	[tilespmem:$0x1FFF0] =	vst v39;
	v1 =	vand.u32 $0xF, v5  }
0x28: {  	s11 =	simm.s32 $0x2;
	s26 =	simm.s32 $0x680;
	[dreg:$0x5] =	wrdreg s31;
	[tilespmem:$0x1FE40] =	vst v1  }
.LBB2_1:
0x29: {  	[dreg:$0x6] =	wrdreg s3;
	s3 =	simm.s32 $0x0  }
.LBB2_2:
0x2a: {  	s6 =	sshll.u32 s3, $0x7  }
0x2b: {  	s6 =	sadd.s32 s9, s6  }
0x2c: {  	s0 =	rddreg [dreg:$0x0];
	s31 =	sshrl.u32 s6, $0x3  }
0x2d: {  	s10 =	simm.s32 $0x0;
	s0 =	sadd.s32 s0, s31  }
0x2e: {  	[tilespmem:s10], [sflag:$0x2] =	stream.linear.gather [hbm4b:s0+s10], $0x80, $0x38;
	[tilespmem:$0x1CB00] =	vst v63  }
0x2f: {  	_ =	swait.ge [sflag:s11], $0x80  }
0x30: {  	[sflag:s11] =	ssyncset.done $0x0  }
0x31: {  	s0 =	sadd.s32 s1, s31;
	[sflag:s11] =	ssyncadd.s32 $0xFFFFFF80  }
0x32: {  	[tilespmem:s12], [sflag:$0x2] =	stream.linear.gather [hbm4b:s0+s10], $0x80, $0x38;
	[tilespmem:$0x1CB00] =	vst v63  }
0x33: {  	s0 =	smul.u32 $0x5, s6  }
0x34: {  	_ =	swait.ge [sflag:s11], $0x80  }
0x35: {  	[sflag:s11] =	ssyncset.done $0x0;
	s0 =	sshrl.u32 s0, $0x3  }
0x36: {  	[sflag:s11] =	ssyncadd.s32 $0xFFFFFF80;
	s0 =	sadd.s32 s2, s0  }
0x37: {  	[tilespmem:s13], [sflag:$0x2] =	stream.linear.gather [hbm4b:s0+s10], $0x280, $0x38;
	[tilespmem:$0x1CB00] =	vst v63  }
0x38: {  	_ =	swait.ge [sflag:s11], $0x280  }
0x39: {  	[sflag:s11] =	ssyncset.done $0x0  }
0x3a: {  	[sflag:s11] =	ssyncadd.s32 $0xFFFFFD80  }
0x3b: {  	v1 =	vld [tilespmem:$0x0]  }
0x3c: {  	v5 =	vld [tilespmem:$0x80]  }
0x3d: {  	v9 =	vld [tilespmem:$0x10]  }
0x3e: {  	v10 =	vld [tilespmem:$0x90]  }
0x3f: {  	v12 =	vld [tilespmem:$0x20]  }
0x40: {  	v14 =	vld [tilespmem:$0xA0]  }
0x41: {  	v15 =	vld [tilespmem:$0x30]  }
0x42: {  	v60 =	vld [tilespmem:$0xB0]  }
0x43: {  	v17 =	vld [tilespmem:$0x40]  }
0x44: {  	v18 =	vld [tilespmem:$0xC0]  }
0x45: {  	v35 =	vld [tilespmem:$0x50];
	v11 =	vshrl.u32 v1, $0x1  }
0x46: {  	v40 =	vld [tilespmem:$0xE0];
	v1 =	vand.u32 $0x3FF, v1;
	v13 =	vshrl.u32 v5, $0x1;
	v58 =	vshrl.u32 v9, $0x1  }
0x47: {  	v31 =	vld [tilespmem:$0x120];
	v5 =	vand.u32 $0x3FF, v5;
	v9 =	vand.u32 $0x3FF, v9;
	v59 =	vshrl.u32 v10, $0x1  }
0x48: {  	v32 =	vld [tilespmem:$0x140];
	v10 =	vand.u32 $0x3FF, v10;
	v16 =	vshrl.u32 v12, $0x1;
	v62 =	vshrl.u32 v14, $0x1  }
0x49: {  	v12 =	vand.u32 $0x3FF, v12;
	v14 =	vand.u32 $0x3FF, v14;
	v34 =	vshrl.u32 v15, $0x1  }
0x4a: {  	v15 =	vand.u32 $0x3FF, v15;
	v19 =	vshrl.u32 v60, $0x1;
	v37 =	vshrl.u32 v17, $0x1  }
0x4b: {  	v20 =	vld [tilespmem:$0xD0];
	v17 =	vand.u32 $0x3FF, v17;
	v39 =	vshrl.u32 v18, $0x1;
	v18 =	vand.u32 $0x3FF, v18  }
0x4c: {  	v23 =	vshrl.u32 v35, $0x1;
	v29 =	vshrl.u32 v40, $0x1;
	v47 =	vshrl.u32 v31, $0x1  }
0x4d: {  	v48 =	vand.u32 $0x3FF, v31;
	v51 =	vshrl.u32 v32, $0x1;
	v11 =	vand.u32 $0x7FFFFC00, v11  }
0x4e: {  	v57 =	vand.u32 $0x7FFFFC00, v13;
	v13 =	vand.u32 $0x7FFFFC00, v58;
	v61 =	vand.u32 $0x7FFFFC00, v16  }
0x4f: {  	v16 =	vand.u32 $0x7FFFFC00, v62;
	v36 =	vand.u32 $0x7FFFFC00, v19;
	v19 =	vand.u32 $0x7FFFFC00, v37  }
0x50: {  	v49 =	vld [tilespmem:$0x170];
	v41 =	vand.u32 $0x7FFFFC00, v23;
	v23 =	vshrl.u32 v20, $0x1;
	v20 =	vand.u32 $0x3FF, v20  }
0x51: {  	v1 =	vor.u32 v1, v11;
	v5 =	vor.u32 v5, v57;
	v9 =	vor.u32 v9, v13  }
0x52: {  	v21 =	vld [tilespmem:$0x60];
	v11 =	vand.u32 $0x7FFFFC00, v59;
	v63 =	vor.u32 v14, v16;
	v14 =	vand.u32 $0x7FFFFC00, v34  }
0x53: {  	v13 =	vand.u32 $0x3FF, v60;
	v38 =	vor.u32 v17, v19;
	v17 =	vand.u32 $0x7FFFFC00, v39  }
0x54: {  	v24 =	vld [tilespmem:$0x70];
	v16 =	vand.u32 $0x3FF, v35;
	v23 =	vand.u32 $0x7FFFFC00, v23;
	v19 =	vand.u32 $0x3FF, v40  }
0x55: {  	v57 =	vshrl.u32 v49, $0x1;
	v10 =	vor.u32 v10, v11;
	v11 =	vor.u32 v12, v61  }
0x56: {  	v28 =	vld [tilespmem:$0xF0];
	v14 =	vor.u32 v15, v14;
	v13 =	vor.u32 v13, v36;
	v17 =	vor.u32 v18, v17  }
0x57: {  	v16 =	vor.u32 v16, v41;
	v42 =	vor.u32 v20, v23;
	v20 =	vshrl.u32 v21, $0x1;
	v23 =	vld [tilespmem:$0x100]  }
0x58: {  	v30 =	vld [tilespmem:$0x110];
	v21 =	vand.u32 $0x3FF, v21;
	v12 =	vand.u32 $0x7FFFFC00, v51;
	v20 =	vand.u32 $0x7FFFFC00, v20  }
0x59: {  	v54 =	vld [tilespmem:$0x190];
	v20 =	vor.u32 v21, v20;
	v21 =	vand.u32 $0x7FFFFC00, v29;
	v29 =	vshrl.u32 v24, $0x1  }
0x5a: {  	v40 =	vld [tilespmem:$0x220];
	[tilespmem:$0x410] =	vst v10;
	v10 =	vand.u32 $0x7FFFFC00, v47;
	v24 =	vand.u32 $0x3FF, v24;
	v29 =	vand.u32 $0x7FFFFC00, v29  }
0x5b: {  	[tilespmem:$0x380] =	vst v1;
	v19 =	vor.u32 v19, v21;
	v21 =	vor.u32 v24, v29;
	v24 =	vshrl.u32 v28, $0x1;
	v29 =	vld [tilespmem:$0x130]  }
0x5c: {  	[tilespmem:$0x400] =	vst v5;
	v61 =	vld [tilespmem:$0x1C0];
	v1 =	vand.u32 $0x7FFFFC00, v24;
	v24 =	vand.u32 $0x3FF, v28;
	v28 =	vshrl.u32 v23, $0x1  }
0x5d: {  	[tilespmem:$0x390] =	vst v9;
	v44 =	vand.u32 $0x3FF, v23;
	v1 =	vor.u32 v24, v1;
	v24 =	vshrl.u32 v30, $0x1  }
0x5e: {  	[tilespmem:$0x3B0] =	vst v14;
	v43 =	vand.u32 $0x7FFFFC00, v28;
	v28 =	vld [tilespmem:$0x150];
	v23 =	vand.u32 $0x7FFFFC00, v24;
	v24 =	vand.u32 $0x3FF, v30  }
0x5f: {  	[tilespmem:$0x440] =	vst v17;
	v17 =	vand.u32 $0x7FFFFC00, v57;
	v14 =	vand.u32 $0x3FF, v54;
	v45 =	vor.u32 v24, v23;
	v23 =	vld [tilespmem:$0x160]  }
0x60: {  	[tilespmem:$0x420] =	vst v63;
	v10 =	vor.u32 v48, v10;
	v51 =	vshrl.u32 v40, $0x1;
	v24 =	vshrl.u32 v29, $0x1  }
0x61: {  	[tilespmem:$0x3C0] =	vst v38;
	v35 =	vand.u32 $0x3FF, v61;
	v52 =	vand.u32 $0x3FF, v29;
	v29 =	vld [tilespmem:$0x180];
	v50 =	vand.u32 $0x7FFFFC00, v24  }
0x62: {  	[tilespmem:$0x3A0] =	vst v11;
	v5 =	vor.u32 v44, v43;
	v24 =	vand.u32 $0x3FF, v32;
	v11 =	vor.u32 v52, v50  }
0x63: {  	[tilespmem:$0x430] =	vst v13;
	v12 =	vor.u32 v24, v12;
	v53 =	vshrl.u32 v28, $0x1;
	v55 =	vand.u32 $0x3FF, v28  }
0x64: {  	[tilespmem:$0x3D0] =	vst v16;
	v28 =	vld [tilespmem:$0x1A0];
	v52 =	vand.u32 $0x7FFFFC00, v51;
	v13 =	vand.u32 $0x7FFFFC00, v53;
	v24 =	vshrl.u32 v23, $0x1  }
0x65: {  	[tilespmem:$0x450] =	vst v42;
	v13 =	vor.u32 v55, v13;
	v58 =	vand.u32 $0x3FF, v23;
	v23 =	vand.u32 $0x3FF, v49  }
0x66: {  	[tilespmem:$0x3E0] =	vst v20;
	v49 =	vld [tilespmem:$0x250];
	v56 =	vand.u32 $0x7FFFFC00, v24;
	v59 =	vor.u32 v23, v17;
	v60 =	vshrl.u32 v29, $0x1  }
0x67: {  	[tilespmem:$0x4A0] =	vst v10;
	v24 =	vld [tilespmem:$0x1B0];
	v20 =	vand.u32 $0x3FF, v29;
	v23 =	vshrl.u32 v54, $0x1;
	v54 =	vand.u32 $0x3FF, v40  }
0x68: {  	[tilespmem:$0x460] =	vst v19;
	v29 =	vld [tilespmem:$0x1D0];
	v15 =	vor.u32 v58, v56;
	v17 =	vand.u32 $0x7FFFFC00, v60;
	v62 =	vand.u32 $0x7FFFFC00, v23  }
0x69: {  	[tilespmem:$0x3F0] =	vst v21;
	v57 =	vor.u32 v54, v52;
	v17 =	vor.u32 v20, v17;
	v20 =	vshrl.u32 v28, $0x1  }
0x6a: {  	[tilespmem:$0x470] =	vst v1;
	v23 =	vld [tilespmem:$0x1E0];
	v21 =	vand.u32 $0x3FF, v28;
	v1 =	vor.u32 v14, v62;
	v20 =	vand.u32 $0x7FFFFC00, v20  }
0x6b: {  	[tilespmem:$0x480] =	vst v5;
	v56 =	vld [tilespmem:$0x270];
	v63 =	vor.u32 v21, v20;
	v21 =	vshrl.u32 v61, $0x1;
	v7 =	vand.u32 $0x3FF, v49  }
0x6c: {  	[tilespmem:$0x490] =	vst v45;
	v60 =	vld [tilespmem:$0x280];
	v8 =	vshrl.u32 v24, $0x1;
	v31 =	vand.u32 $0x3FF, v24;
	v32 =	vand.u32 $0x7FFFFC00, v21  }
0x6d: {  	v34 =	vshrl.u32 v29, $0x1;
	v37 =	vand.u32 $0x3FF, v29;
	[tilespmem:$0x520] =	vst v63;
	v63 =	vshrl.u32 v49, $0x1  }
0x6e: {  	[tilespmem:$0x4B0] =	vst v11;
	v20 =	vld [tilespmem:$0x1F0];
	v30 =	vand.u32 $0x7FFFFC00, v8;
	v36 =	vand.u32 $0x7FFFFC00, v34;
	v9 =	vor.u32 v35, v32  }
0x6f: {  	[tilespmem:$0x4C0] =	vst v12;
	v24 =	vld [tilespmem:$0x200];
	v39 =	vshrl.u32 v23, $0x1;
	v41 =	vand.u32 $0x3FF, v23;
	v4 =	vand.u32 $0x7FFFFC00, v63  }
0x70: {  	[tilespmem:$0x4D0] =	vst v13;
	v21 =	vld [tilespmem:$0x210];
	v34 =	vshrl.u32 v56, $0x1;
	v5 =	vor.u32 v31, v30;
	v38 =	vor.u32 v37, v36  }
0x71: {  	[tilespmem:$0x4F0] =	vst v59;
	v23 =	vld [tilespmem:$0x230];
	v11 =	vand.u32 $0x7FFFFC00, v39;
	v10 =	vor.u32 v7, v4;
	v37 =	vshrl.u32 v60, $0x1  }
0x72: {  	[tilespmem:$0x4E0] =	vst v15;
	v35 =	vld [tilespmem:$0x2B0];
	v36 =	vand.u32 $0x3FF, v56;
	v11 =	vor.u32 v41, v11;
	v39 =	vand.u32 $0x7FFFFC00, v37  }
0x73: {  	[tilespmem:$0x5A0] =	vst v57;
	v63 =	vld [tilespmem:$0x320];
	v41 =	vand.u32 $0x3FF, v60;
	v42 =	vshrl.u32 v20, $0x1;
	v45 =	vand.u32 $0x3FF, v20  }
0x74: {  	v31 =	vld [tilespmem:$0x2A0];
	[tilespmem:$0x530] =	vst v5;
	v5 =	vor.u32 v41, v39;
	v43 =	vand.u32 $0x7FFFFC00, v42;
	v44 =	vshrl.u32 v24, $0x1  }
0x75: {  	[tilespmem:$0x500] =	vst v17;
	v56 =	vld [tilespmem:$0x300];
	v47 =	vand.u32 $0x3FF, v24;
	v48 =	vshrl.u32 v21, $0x1;
	v50 =	vand.u32 $0x3FF, v21  }
0x76: {  	[tilespmem:$0x550] =	vst v38;
	v38 =	vld [tilespmem:$0x2C0];
	v13 =	vand.u32 $0x7FFFFC00, v44;
	v12 =	vor.u32 v45, v43;
	v15 =	vand.u32 $0x7FFFFC00, v48  }
0x77: {  	[tilespmem:$0x510] =	vst v1;
	v37 =	vld [tilespmem:$0x340];
	v53 =	vshrl.u32 v23, $0x1;
	v55 =	vand.u32 $0x3FF, v23;
	v54 =	vand.u32 $0x3FF, v35  }
0x78: {  	[tilespmem:$0x540] =	vst v9;
	v20 =	vld [tilespmem:$0x240];
	v13 =	vor.u32 v47, v13;
	v1 =	vor.u32 v50, v15;
	v17 =	vand.u32 $0x7FFFFC00, v53  }
0x79: {  	[tilespmem:$0x570] =	vst v12;
	v12 =	vand.u32 $0x7FFFFC00, v34;
	v45 =	vshrl.u32 v31, $0x1;
	v49 =	vand.u32 $0x3FF, v31  }
0x7a: {  	[tilespmem:$0x5D0] =	vst v10;
	v21 =	vld [tilespmem:$0x260];
	v50 =	vshrl.u32 v35, $0x1;
	v39 =	vand.u32 $0x3FF, v56;
	v58 =	vor.u32 v55, v17  }
0x7b: {  	v43 =	vld [tilespmem:$0x2D0];
	[tilespmem:$0x590] =	vst v1;
	v1 =	vor.u32 v36, v12;
	v48 =	vand.u32 $0x7FFFFC00, v45;
	v52 =	vand.u32 $0x7FFFFC00, v50  }
0x7c: {  	v51 =	vld [tilespmem:$0x2F0];
	[tilespmem:$0x560] =	vst v11;
	v53 =	vshrl.u32 v38, $0x1;
	v55 =	vand.u32 $0x3FF, v38;
	v36 =	vshrl.u32 v56, $0x1  }
0x7d: {  	[tilespmem:$0x600] =	vst v5;
	v47 =	vld [tilespmem:$0x2E0];
	v45 =	vand.u32 $0x3FF, v63;
	v56 =	vand.u32 $0x3FF, v37;
	v59 =	vshrl.u32 v20, $0x1  }
0x7e: {  	v34 =	vld [tilespmem:$0x330];
	v62 =	vand.u32 $0x3FF, v20;
	[tilespmem:$0x5F0] =	vst v1;
	v1 =	vor.u32 v54, v52;
	v38 =	vand.u32 $0x7FFFFC00, v36  }
0x7f: {  	[tilespmem:$0x580] =	vst v13;
	v61 =	vand.u32 $0x7FFFFC00, v59;
	v6 =	vshrl.u32 v21, $0x1;
	v30 =	vand.u32 $0x3FF, v21  }
0x80: {  	v20 =	vld [tilespmem:$0x290];
	[tilespmem:$0x5B0] =	vst v58;
	v9 =	vor.u32 v62, v61;
	v15 =	vand.u32 $0x7FFFFC00, v6;
	v58 =	vshrl.u32 v43, $0x1  }
0x81: {  	v61 =	vand.u32 $0x3FF, v43;
	v32 =	vor.u32 v30, v15;
	[tilespmem:$0x5C0] =	vst v9;
	v9 =	vor.u32 v49, v48  }
0x82: {  	v50 =	vld [tilespmem:$0x370];
	[tilespmem:$0x630] =	vst v1;
	v60 =	vand.u32 $0x7FFFFC00, v58;
	v62 =	vshrl.u32 v47, $0x1;
	v30 =	vshrl.u32 v51, $0x1  }
0x83: {  	v59 =	vld [tilespmem:$0x310];
	v31 =	vand.u32 $0x3FF, v47;
	v49 =	vshrl.u32 v34, $0x1;
	v52 =	vand.u32 $0x3FF, v34;
	[tilespmem:$0x5E0] =	vst v32  }
0x84: {  	v5 =	vor.u32 v61, v60;
	v19 =	vand.u32 $0x7FFFFC00, v62;
	[tilespmem:$0x620] =	vst v9;
	v12 =	vand.u32 $0x7FFFFC00, v30  }
0x85: {  	v32 =	vand.u32 $0x3FF, v51;
	v40 =	vshrl.u32 v20, $0x1;
	v1 =	vor.u32 v31, v19;
	[tilespmem:$0x650] =	vst v5  }
0x86: {  	v41 =	vld [tilespmem:$0x350];
	v42 =	vand.u32 $0x3FF, v20;
	v35 =	vor.u32 v32, v12;
	v13 =	vand.u32 $0x7FFFFC00, v40;
	[tilespmem:$0x660] =	vst v1  }
0x87: {  	v47 =	vld [tilespmem:$0x360];
	v51 =	vand.u32 $0x7FFFFC00, v49;
	v61 =	vshrl.u32 v50, $0x1;
	[tilespmem:$0x670] =	vst v35;
	v44 =	vor.u32 v42, v13  }
0x88: {  	v40 =	vshrl.u32 v59, $0x1;
	v13 =	vand.u32 $0x7FFFFC00, v53;
	v42 =	vor.u32 v39, v38;
	[tilespmem:$0x610] =	vst v44  }
0x89: {  	v1 =	vand.u32 $0x3FF, v59;
	v43 =	vand.u32 $0x7FFFFC00, v40;
	v57 =	vor.u32 v55, v13;
	[tilespmem:$0x680] =	vst v42  }
0x8a: {  	v53 =	vshrl.u32 v37, $0x1;
	v44 =	vshrl.u32 v63, $0x1;
	v1 =	vor.u32 v1, v43;
	[tilespmem:$0x640] =	vst v57  }
0x8b: {  	v54 =	vand.u32 $0x7FFFFC00, v53;
	v11 =	vand.u32 $0x7FFFFC00, v44;
	[tilespmem:$0x690] =	vst v1;
	v1 =	vor.u32 v52, v51  }
0x8c: {  	v55 =	vshrl.u32 v41, $0x1;
	v59 =	vshrl.u32 v47, $0x1;
	v48 =	vor.u32 v45, v11;
	[tilespmem:$0x6B0] =	vst v1  }
0x8d: {  	v10 =	vand.u32 $0x7FFFFC00, v55;
	v57 =	vand.u32 $0x3FF, v41;
	v1 =	vor.u32 v56, v54;
	[tilespmem:$0x6A0] =	vst v48  }
0x8e: {  	v60 =	vand.u32 $0x3FF, v47;
	v58 =	vor.u32 v57, v10;
	[tilespmem:$0x6C0] =	vst v1;
	v1 =	vand.u32 $0x7FFFFC00, v59  }
0x8f: {  	v62 =	vand.u32 $0x7FFFFC00, v61;
	v63 =	vand.u32 $0x3FF, v50;
	[tilespmem:$0x6D0] =	vst v58;
	v1 =	vor.u32 v60, v1  }
0x90: {  	[tilespmem:$0x6E0] =	vst v1;
	v1 =	vor.u32 v63, v62  }
0x91: {  	[tilespmem:$0x6F0] =	vst v1  }
0x92: {  	[tilespmem:s15], [sflag:$0x1] =	stream.indirect.gather [hbm4b:s5+s12], $0x80, s14, s12, $0xb8;
	[tilespmem:$0x1CB00] =	vst v63  }
0x93: {  	_ = 	snop  }
0x94: {  	[tilespmem:s17], [sflag:$0x1] =	stream.indirect.gather [hbm4b:s7+s12], $0x80, s16, s12, $0xb8;
	[tilespmem:$0x1CB00] =	vst v63  }
0x95: {  	_ = 	snop  }
0x96: {  	[tilespmem:s19], [sflag:$0x1] =	stream.indirect.gather [hbm4b:s7+s12], $0x80, s18, s12, $0xb8;
	[tilespmem:$0x1CB00] =	vst v63  }
0x97: {  	_ = 	snop  }
0x98: {  	[tilespmem:s21], [sflag:$0x1] =	stream.indirect.gather [hbm4b:s7+s12], $0x80, s20, s12, $0xb8;
	[tilespmem:$0x1CB00] =	vst v63  }
0x99: {  	_ = 	snop  }
0x9a: {  	[tilespmem:s23], [sflag:$0x1] =	stream.indirect.gather [hbm4b:s7+s12], $0x80, s22, s12, $0xb8;
	[tilespmem:$0x1CB00] =	vst v63  }
0x9b: {  	_ = 	snop  }
0x9c: {  	[tilespmem:s25], [sflag:$0x1] =	stream.indirect.gather [hbm4b:s7+s12], $0x80, s24, s12, $0xb8;
	[tilespmem:$0x1CB00] =	vst v63  }
0x9d: {  	_ = 	snop  }
0x9e: {  	[tilespmem:s28], [sflag:$0x1] =	stream.indirect.gather [hbm4b:s7+s12], $0x80, s26, s12, $0xb8;
	[tilespmem:$0x1CB00] =	vst v63  }
0x9f: {  	_ =	swait.ge [sflag:s29], $0x4000  }
0xa0: {  	[sflag:s29] =	ssyncset.done $0x0  }
0xa1: {  	[sflag:s29] =	ssyncadd.s32 $0xFFFFC000  }
0xa2: {  	_ =	swait.ge [sflag:s29], $0x4000  }
0xa3: {  	[sflag:s29] =	ssyncset.done $0x0  }
0xa4: {  	[sflag:s29] =	ssyncadd.s32 $0xFFFFC000  }
0xa5: {  	_ =	swait.ge [sflag:s29], $0x4000  }
0xa6: {  	[sflag:s29] =	ssyncset.done $0x0  }
0xa7: {  	[sflag:s29] =	ssyncadd.s32 $0xFFFFC000  }
0xa8: {  	_ =	swait.ge [sflag:s29], $0x4000  }
0xa9: {  	[sflag:s29] =	ssyncset.done $0x0  }
0xaa: {  	[sflag:s29] =	ssyncadd.s32 $0xFFFFC000  }
0xab: {  	_ =	swait.ge [sflag:s29], $0x4000  }
0xac: {  	[sflag:s29] =	ssyncset.done $0x0  }
0xad: {  	[sflag:s29] =	ssyncadd.s32 $0xFFFFC000  }
0xae: {  	_ =	swait.ge [sflag:s29], $0x4000  }
0xaf: {  	[sflag:s29] =	ssyncset.done $0x0  }
0xb0: {  	[sflag:s29] =	ssyncadd.s32 $0xFFFFC000  }
0xb1: {  	_ =	swait.ge [sflag:s29], $0x4000  }
0xb2: {  	[sflag:s29] =	ssyncset.done $0x0  }
0xb3: {  	s31 =	simm.s32 $0x1C900;
	[sflag:s29] =	ssyncadd.s32 $0xFFFFC000  }
.LBB2_3:
0xb4: {  	v1 =	vor.u32 s10, v46  }
0xb5: {  	v5 =	vmul.u32 $0x5, v1;
	_ =	sdelay $0x1  }
0xb6: {  	v9 =	vadd.s32 $0x1, v5  }
0xb7: {  	v10 =	vadd.s32 $0x2, v5  }
0xb8: {  	v12 =	vadd.s32 $0x3, v5;
	v11 =	vld.idx.msk [tilespmem:v1+s4+$0x0], $0xffff  }
0xb9: {  	v13 =	vld.idx.msk [tilespmem:v1+s12+$0x0], $0xffff  }
0xba: {  	v14 =	vld.idx.msk [tilespmem:v5+s13+$0x0], $0xffff  }
0xbb: {  	v15 =	vld.idx.msk [tilespmem:v9+s13+$0x0], $0xffff  }
0xbc: {  	v16 =	vld.idx.msk [tilespmem:v10+s13+$0x0], $0xffff  }
0xbd: {  	v17 =	vld.idx.msk [tilespmem:v12+s13+$0x0], $0xffff  }
0xbe: {  	v19 =	vshll.u32 v1, $0x7;
	v5 =	vadd.s32 $0x4, v5  }
0xbf: {  	v1 =	vmul.u32 $0x280, v1;
	v11 =	vshrl.u32 v11, $0x4;
	v13 =	vshrl.u32 v13, $0x4  }
0xc0: {  	v11 =	vand.u32 $0x40, v11;
	v13 =	vand.u32 $0x40, v13;
	v14 =	vshrl.u32 v14, $0x4  }
0xc1: {  	v39 =	vor.u32 v19, v11;
	v40 =	vor.u32 v19, v13;
	v14 =	vand.u32 $0x40, v14  }
0xc2: {  	v15 =	vshrl.u32 v15, $0x4;
	v16 =	vshrl.u32 v16, $0x4;
	v17 =	vshrl.u32 v17, $0x4  }
0xc3: {  	v18 =	vld.idx.msk [tilespmem:v5+s13+$0x0], $0xffff;
	v60 =	vor.u32 v46, v39;
	v13 =	vor.u32 v46, v40;
	v47 =	vor.u32 v2, v39  }
0xc4: {  	v15 =	vand.u32 $0x40, v15;
	v16 =	vand.u32 $0x40, v16;
	v38 =	vor.u32 v1, v14  }
0xc5: {  	v17 =	vand.u32 $0x40, v17;
	v1 =	vshll.u32 v9, $0x7;
	v61 =	vor.u32 v46, v38  }
0xc6: {  	v37 =	vor.u32 v1, v15;
	v1 =	vshll.u32 v10, $0x7;
	v19 =	vor.u32 v0, v38  }
0xc7: {  	v23 =	vor.u32 v27, v38;
	v36 =	vor.u32 v1, v16;
	v1 =	vshll.u32 v12, $0x7  }
0xc8: {  	v18 =	vshrl.u32 v18, $0x4;
	v34 =	vor.u32 v1, v17;
	v1 =	vshll.u32 v5, $0x7;
	v5 =	vld.idx.msk [tilespmem:v60+s15+$0x0], $0xffff  }
0xc9: {  	v62 =	vor.u32 v46, v37;
	v59 =	vand.u32 $0x40, v18;
	v9 =	vld.idx.msk [tilespmem:v47+s15+$0x0], $0xffff  }
0xca: {  	v30 =	vor.u32 v0, v37;
	v35 =	vor.u32 v1, v59;
	v1 =	vld.idx.msk [tilespmem:v13+s17+$0x0], $0xffff  }
0xcb: {  	v49 =	vor.u32 v2, v40;
	v16 =	vld.idx.msk [tilespmem:v61+s19+$0x0], $0xffff  }
0xcc: {  	v15 =	vor.u32 v2, v37;
	v45 =	vld.idx.msk [tilespmem:v19+s19+$0x0], $0xffff  }
0xcd: {  	v63 =	vor.u32 v46, v36;
	v10 =	vld.idx.msk [tilespmem:v23+s19+$0x0], $0xffff  }
0xce: {  	v17 =	vor.u32 v0, v39;
	v24 =	vld.idx.msk [tilespmem:v62+s19+$0x0], $0xffff  }
0xcf: {  	v31 =	vor.u32 v0, v36;
	v50 =	vld.idx.msk [tilespmem:v30+s19+$0x0], $0xffff  }
0xd0: {  	v51 =	vor.u32 v2, v38;
	v62 =	vld.idx.msk [tilespmem:v49+s17+$0x0], $0xffff  }
0xd1: {  	v57 =	vor.u32 v2, v36;
	v3 =	vld.idx.msk [tilespmem:v15+s19+$0x0], $0xffff  }
0xd2: {  	v56 =	vor.u32 v26, v37;
	v29 =	vld.idx.msk [tilespmem:v63+s19+$0x0], $0xffff  }
0xd3: {  	v7 =	vor.u32 v46, v34;
	v44 =	vld.idx.msk [tilespmem:v17+s15+$0x0], $0xffff  }
0xd4: {  	v18 =	vor.u32 v0, v40;
	v53 =	vld.idx.msk [tilespmem:v31+s19+$0x0], $0xffff  }
0xd5: {  	v32 =	vor.u32 v0, v34;
	v63 =	vld.idx.msk [tilespmem:v51+s19+$0x0], $0xffff  }
0xd6: {  	v47 =	vor.u32 v22, v36;
	v4 =	vld.idx.msk [tilespmem:v57+s19+$0x0], $0xffff  }
0xd7: {  	v20 =	vor.u32 v26, v36;
	v17 =	vld.idx.msk [tilespmem:v56+s19+$0x0], $0xffff  }
0xd8: {  	v60 =	vor.u32 v27, v39;
	v14 =	vld.idx.msk [tilespmem:v7+s19+$0x0], $0xffff  }
0xd9: {  	v30 =	vor.u32 v2, v35;
	v41 =	vld.idx.msk [tilespmem:v18+s17+$0x0], $0xffff  }
0xda: {  	v49 =	vor.u32 v22, v35;
	v54 =	vld.idx.msk [tilespmem:v32+s19+$0x0], $0xffff  }
0xdb: {  	v21 =	vor.u32 v27, v40;
	v25 =	vld.idx.msk [tilespmem:v47+s19+$0x0], $0xffff  }
0xdc: {  	v59 =	vor.u32 v2, v34;
	v18 =	vld.idx.msk [tilespmem:v20+s19+$0x0], $0xffff  }
0xdd: {  	v11 =	vor.u32 v46, v35;
	v47 =	vld.idx.msk [tilespmem:v60+s15+$0x0], $0xffff  }
0xde: {  	v42 =	vor.u32 v0, v35;
	v7 =	vld.idx.msk [tilespmem:v30+s19+$0x0], $0xffff  }
0xdf: {  	v30 =	vld.idx.msk [tilespmem:v49+s19+$0x0], $0xffff;
	v49 =	vor.u32 v27, v35  }
0xe0: {  	v46 =	vor.u32 v22, v37;
	v20 =	vld.idx.msk [tilespmem:v21+s17+$0x0], $0xffff  }
0xe1: {  	v48 =	vor.u32 v22, v34;
	v6 =	vld.idx.msk [tilespmem:v59+s19+$0x0], $0xffff  }
0xe2: {  	v61 =	vor.u32 v27, v36;
	v43 =	vld.idx.msk [tilespmem:v11+s19+$0x0], $0xffff  }
0xe3: {  	v57 =	vor.u32 v26, v34;
	v58 =	vld.idx.msk [tilespmem:v42+s19+$0x0], $0xffff  }
0xe4: {  	v12 =	vld.idx.msk [tilespmem:v49+s19+$0x0], $0xffff;
	v49 =	vor.u32 v33, v36  }
0xe5: {  	v31 =	vor.u32 v22, v39;
	v32 =	vor.u32 v22, v40;
	v42 =	vor.u32 v22, v38;
	v22 =	vld.idx.msk [tilespmem:v46+s19+$0x0], $0xffff  }
0xe6: {  	v51 =	vor.u32 v26, v39;
	v11 =	vld.idx.msk [tilespmem:v48+s19+$0x0], $0xffff  }
0xe7: {  	v55 =	vor.u32 v26, v38;
	v13 =	vld.idx.msk [tilespmem:v61+s19+$0x0], $0xffff  }
0xe8: {  	v0 =	vlaneseq.u32;
	v59 =	vor.u32 v26, v35;
	v28 =	vld.idx.msk [tilespmem:v57+s19+$0x0], $0xffff  }
0xe9: {  	v60 =	vadd.s32 $0x7, v0;
	v57 =	vor.u32 v33, v34;
	v0 =	vld.idx.msk [tilespmem:v49+s19+$0x0], $0xffff  }
0xea: {  	v56 =	vor.u32 v33, v38;
	v15 =	vld.idx.msk [tilespmem:v31+s15+$0x0], $0xffff  }
0xeb: {  	v46 =	vld.idx.msk [tilespmem:v51+s15+$0x0], $0xffff  }
0xec: {  	v31 =	vld.idx.msk [tilespmem:v55+s19+$0x0], $0xffff  }
0xed: {  	v52 =	vor.u32 v26, v40;
	v55 =	vld.idx.msk [tilespmem:v59+s19+$0x0], $0xffff  }
0xee: {  	v59 =	vor.u32 v33, v35;
	[tilespmem:$0x1FDD0] =	vst v0;
	v0 =	vld.idx.msk [tilespmem:v57+s19+$0x0], $0xffff  }
0xef: {  	v48 =	vor.u32 v27, v34;
	v56 =	vld.idx.msk [tilespmem:v56+s19+$0x0], $0xffff  }
0xf0: {  	v1 =	vmul.f32 v1, v5;
	v26 =	vor.u32 v60, v40;
	v19 =	vld.idx.msk [tilespmem:v42+s19+$0x0], $0xffff;
	v42 =	vor.u32 v27, v37  }
0xf1: {  	v61 =	vor.u32 v60, v39;
	v16 =	vmul.f32 v16, v5;
	v51 =	vor.u32 v33, v39;
	v8 =	vld.idx.msk [tilespmem:v32+s17+$0x0], $0xffff  }
0xf2: {  	v24 =	vmul.f32 v24, v5;
	v29 =	vmul.f32 v29, v5;
	v32 =	vld.idx.msk [tilespmem:v52+s17+$0x0], $0xffff;
	v52 =	vor.u32 v33, v40  }
0xf3: {  	v1 =	vadd.f32 $0.0e+00, v1;
	v62 =	vmul.f32 v62, v9;
	v16 =	vadd.f32 $0.0e+00, v16;
	[tilespmem:$0x1FDE0] =	vst v0;
	v0 =	vld.idx.msk [tilespmem:v59+s19+$0x0], $0xffff  }
0xf4: {  	v24 =	vadd.f32 $0.0e+00, v24;
	v14 =	vmul.f32 v14, v5;
	v29 =	vadd.f32 $0.0e+00, v29;
	v23 =	vld.idx.msk [tilespmem:v48+s19+$0x0], $0xffff  }
0xf5: {  	v48 =	vor.u32 v33, v37;
	v5 =	vmul.f32 v43, v5;
	v33 =	vor.u32 v60, v37;
	v21 =	vld.idx.msk [tilespmem:v42+s19+$0x0], $0xffff  }
0xf6: {  	v27 =	vor.u32 v60, v38;
	v43 =	vmul.f32 v45, v44;
	v45 =	vmul.f32 v50, v44;
	v42 =	vld.idx.msk [tilespmem:v51+s15+$0x0], $0xffff  }
0xf7: {  	v14 =	vadd.f32 $0.0e+00, v14;
	v7 =	vmul.f32 v7, v9;
	v51 =	vld.idx.msk [tilespmem:v52+s17+$0x0], $0xffff;
	v49 =	vor.u32 v60, v36  }
0xf8: {  	v52 =	vmul.f32 v41, v44;
	v41 =	vld.idx.msk [tilespmem:v61+s15+$0x0], $0xffff;
	v61 =	vor.u32 v60, v34;
	[tilespmem:$0x1FDF0] =	vst v0;
	v0 =	vlaneseq.u32  }
0xf9: {  	v16 =	vadd.f32 v43, v16;
	v57 =	vld.idx.msk [tilespmem:v26+s17+$0x0], $0xffff;
	v26 =	vor.u32 v60, v35;
	v60 =	vadd.s32 $0x8, v0  }
0xfa: {  	v24 =	vadd.f32 v45, v24;
	v50 =	vld.idx.msk [tilespmem:v33+s19+$0x0], $0xffff;
	v59 =	vadd.f32 v52, v1;
	v1 =	vor.u32 v60, v39  }
0xfb: {  	v5 =	vadd.f32 $0.0e+00, v5;
	v52 =	vld.idx.msk [tilespmem:v27+s19+$0x0], $0xffff;
	v0 =	vmul.f32 v53, v44;
	v33 =	vor.u32 v60, v40  }
0xfc: {  	v22 =	vmul.f32 v22, v15;
	v53 =	vld.idx.msk [tilespmem:v49+s19+$0x0], $0xffff;
	v2 =	vor.u32 v60, v38;
	v45 =	vor.u32 v60, v37  }
0xfd: {  	v49 =	vld.idx.msk [tilespmem:v61+s19+$0x0], $0xffff;
	v0 =	vadd.f32 v0, v29;
	v29 =	vmul.f32 v54, v44;
	v44 =	vmul.f32 v58, v44  }
0xfe: {  	v25 =	vmul.f32 v25, v15;
	v59 =	vadd.f32 v62, v59;
	v61 =	vld.idx.msk [tilespmem:v26+s19+$0x0], $0xffff;
	v26 =	vor.u32 v60, v36  }
0xff: {  	v54 =	vor.u32 v60, v34;
	v5 =	vadd.f32 v44, v5;
	v43 =	vld.idx.msk [tilespmem:v1+s15+$0x0], $0xffff;
	v1 =	vlaneseq.u32  }
0x100: {  	v44 =	vmul.f32 v63, v9;
	v58 =	vld.idx.msk [tilespmem:v33+s17+$0x0], $0xffff;
	v33 =	vor.u32 v60, v35;
	v60 =	vadd.s32 $0x9, v1  }
0x101: {  	v29 =	vadd.f32 v29, v14;
	v63 =	vmul.f32 v3, v9;
	v27 =	vld.idx.msk [tilespmem:v2+s19+$0x0], $0xffff;
	v2 =	vor.u32 v60, v39  }
0x102: {  	v14 =	vld.idx.msk [tilespmem:v45+s19+$0x0], $0xffff;
	v62 =	vadd.f32 v44, v16;
	v44 =	vmul.f32 v4, v9;
	v45 =	vor.u32 v60, v40  }
0x103: {  	v19 =	vmul.f32 v19, v15;
	v3 =	vld.idx.msk [tilespmem:v26+s19+$0x0], $0xffff;
	v63 =	vadd.f32 v63, v24;
	v26 =	vor.u32 v60, v38  }
0x104: {  	v48 =	vld.idx.msk [tilespmem:v48+s19+$0x0], $0xffff;
	v24 =	vmul.f32 v6, v9;
	v4 =	vor.u32 v60, v37;
	v0 =	vadd.f32 v44, v0  }
0x105: {  	v16 =	vlaneseq.u32;
	v5 =	vadd.f32 v7, v5;
	v6 =	vld.idx.msk [tilespmem:v33+s19+$0x0], $0xffff;
	v33 =	vor.u32 v60, v36  }
0x106: {  	v1 =	vadd.f32 v24, v29;
	v0 =	vadd.f32 v25, v0;
	v44 =	vld.idx.msk [tilespmem:v2+s15+$0x0], $0xffff;
	v2 =	vor.u32 v60, v34  }
0x107: {  	v25 =	vmul.f32 v11, v15;
	v29 =	vld.idx.msk [tilespmem:v45+s17+$0x0], $0xffff;
	v45 =	vor.u32 v60, v35;
	v60 =	vadd.s32 $0xA, v16  }
0x108: {  	v7 =	vmul.f32 v8, v15;
	v15 =	vmul.f32 v30, v15;
	v9 =	vld.idx.msk [tilespmem:v26+s19+$0x0], $0xffff;
	v8 =	vor.u32 v60, v39  }
0x109: {  	v1 =	vadd.f32 v25, v1;
	v25 =	vlaneseq.u32;
	v16 =	vld.idx.msk [tilespmem:v4+s19+$0x0], $0xffff;
	v4 =	vor.u32 v60, v40  }
0x10a: {  	v20 =	vmul.f32 v20, v47;
	v25 =	vadd.s32 $0xB, v25;
	v26 =	vor.u32 v60, v38;
	v24 =	vld.idx.msk [tilespmem:v33+s19+$0x0], $0xffff  }
0x10b: {  	v22 =	vadd.f32 v22, v63;
	v5 =	vadd.f32 v15, v5;
	v15 =	vor.u32 v25, v39;
	v63 =	vld.idx.msk [tilespmem:v2+s19+$0x0], $0xffff  }
0x10c: {  	v32 =	vmul.f32 v32, v46;
	v7 =	vadd.f32 v7, v59;
	v2 =	vor.u32 v60, v37;
	v11 =	vld.idx.msk [tilespmem:v45+s19+$0x0], $0xffff  }
0x10d: {  	v55 =	vmul.f32 v55, v46;
	v21 =	vmul.f32 v21, v47;
	v33 =	vor.u32 v60, v36;
	v45 =	vld.idx.msk [tilespmem:v8+s15+$0x0], $0xffff  }
0x10e: {  	v59 =	vmul.f32 v18, v46;
	v7 =	vadd.f32 v32, v7;
	v8 =	vor.u32 v60, v34;
	v30 =	vld.idx.msk [tilespmem:v4+s17+$0x0], $0xffff  }
0x10f: {  	v4 =	vor.u32 v60, v35;
	v32 =	vld.idx.msk [tilespmem:v26+s19+$0x0], $0xffff;
	v26 =	vmul.f32 v31, v46;
	v31 =	vmul.f32 v17, v46  }
0x110: {  	v19 =	vadd.f32 v19, v62;
	v62 =	vlaneseq.u32;
	v60 =	vmul.f32 v28, v46;
	v46 =	vld.idx.msk [tilespmem:v15+s15+$0x0], $0xffff  }
0x111: {  	v0 =	vadd.f32 v59, v0;
	v22 =	vadd.f32 v31, v22;
	v17 =	vld.idx.msk [tilespmem:v2+s19+$0x0], $0xffff;
	v2 =	vor.u32 v25, v40  }
0x112: {  	v7 =	vadd.f32 v20, v7;
	v5 =	vadd.f32 v55, v5;
	v28 =	vld.idx.msk [tilespmem:v33+s19+$0x0], $0xffff;
	v33 =	vor.u32 v25, v38  }
0x113: {  	v21 =	vadd.f32 v21, v22;
	v22 =	vmul.f32 v12, v47;
	v18 =	vld.idx.msk [tilespmem:v8+s19+$0x0], $0xffff;
	v8 =	vor.u32 v25, v37  }
0x114: {  	v26 =	vadd.f32 v26, v19;
	v1 =	vadd.f32 v60, v1;
	v19 =	vld.idx.msk [tilespmem:v4+s19+$0x0], $0xffff;
	v4 =	vor.u32 v25, v36  }
0x115: {  	v60 =	vmul.f32 v10, v47;
	v5 =	vadd.f32 v22, v5;
	v22 =	vmul.f32 v51, v42;
	v51 =	vld [tilespmem:$0x1FDD0]  }
0x116: {  	v59 =	vor.u32 v25, v34;
	v31 =	vld.idx.msk [tilespmem:v2+s17+$0x0], $0xffff;
	v2 =	vor.u32 v25, v35;
	v25 =	vadd.s32 $0xC, v62  }
0x117: {  	v26 =	vadd.f32 v60, v26;
	v10 =	vld.idx.msk [tilespmem:v33+s19+$0x0], $0xffff;
	v20 =	vor.u32 v25, v39  }
0x118: {  	v7 =	vadd.f32 v22, v7;
	v22 =	vmul.f32 v48, v42;
	v15 =	vld.idx.msk [tilespmem:v8+s19+$0x0], $0xffff;
	v60 =	vor.u32 v25, v37  }
0x119: {  	v13 =	vmul.f32 v13, v47;
	v55 =	vmul.f32 v23, v47;
	v23 =	vld.idx.msk [tilespmem:v4+s19+$0x0], $0xffff  }
0x11a: {  	v8 =	vor.u32 v25, v40;
	v22 =	vadd.f32 v22, v21;
	v21 =	vld [tilespmem:$0x1FDE0]  }
0x11b: {  	v0 =	vadd.f32 v13, v0;
	v13 =	vld.idx.msk [tilespmem:v2+s19+$0x0], $0xffff  }
0x11c: {  	v4 =	vor.u32 v25, v38;
	v47 =	vld.idx.msk [tilespmem:v20+s15+$0x0], $0xffff  }
0x11d: {  	v57 =	vmul.f32 v57, v41;
	v33 =	vmul.f32 v51, v42;
	v51 =	vld.idx.msk [tilespmem:v60+s19+$0x0], $0xffff  }
0x11e: {  	v14 =	vmul.f32 v14, v43;
	v1 =	vadd.f32 v55, v1;
	v2 =	vor.u32 v25, v36;
	v60 =	vld [tilespmem:$0x1FDF0]  }
0x11f: {  	v20 =	vor.u32 v25, v34;
	v55 =	vld.idx.msk [tilespmem:v8+s17+$0x0], $0xffff;
	v8 =	vor.u32 v25, v35;
	v25 =	vlaneseq.u32  }
0x120: {  	v3 =	vmul.f32 v3, v43;
	v6 =	vmul.f32 v6, v43;
	v25 =	vadd.s32 $0xD, v25  }
0x121: {  	v29 =	vmul.f32 v29, v44;
	v62 =	vmul.f32 v56, v42;
	v56 =	vld.idx.msk [tilespmem:v4+s19+$0x0], $0xffff;
	v4 =	vor.u32 v25, v39  }
0x122: {  	v16 =	vmul.f32 v16, v44;
	v12 =	vld.idx.msk [tilespmem:v59+s19+$0x0], $0xffff;
	v21 =	vmul.f32 v21, v42;
	v59 =	vor.u32 v25, v40  }
0x123: {  	v0 =	vadd.f32 v33, v0;
	v48 =	vld.idx.msk [tilespmem:v2+s19+$0x0], $0xffff;
	v2 =	vor.u32 v25, v38;
	v33 =	vmul.f32 v60, v42  }
0x124: {  	v54 =	vld.idx.msk [tilespmem:v54+s19+$0x0], $0xffff;
	v26 =	vadd.f32 v62, v26;
	v1 =	vadd.f32 v21, v1;
	v60 =	vor.u32 v25, v37  }
0x125: {  	v21 =	vld.idx.msk [tilespmem:v8+s19+$0x0], $0xffff;
	v8 =	vor.u32 v25, v36;
	v5 =	vadd.f32 v33, v5;
	v33 =	vmul.f32 v52, v41  }
0x126: {  	v7 =	vadd.f32 v57, v7;
	v62 =	vlaneseq.u32;
	v42 =	vld.idx.msk [tilespmem:v4+s15+$0x0], $0xffff;
	v4 =	vor.u32 v25, v34  }
0x127: {  	v62 =	vadd.s32 $0xE, v62;
	v52 =	vld.idx.msk [tilespmem:v59+s17+$0x0], $0xffff;
	v25 =	vor.u32 v25, v35;
	v26 =	vadd.f32 v33, v26  }
0x128: {  	v33 =	vmul.f32 v50, v41;
	v57 =	vld.idx.msk [tilespmem:v2+s19+$0x0], $0xffff;
	v2 =	vor.u32 v62, v39;
	v50 =	vmul.f32 v53, v41  }
0x129: {  	v53 =	vmul.f32 v49, v41;
	v41 =	vmul.f32 v61, v41;
	v59 =	vld.idx.msk [tilespmem:v60+s19+$0x0], $0xffff;
	v60 =	vor.u32 v62, v40  }
0x12a: {  	v49 =	vld.idx.msk [tilespmem:v8+s19+$0x0], $0xffff;
	v8 =	vor.u32 v62, v38;
	v22 =	vadd.f32 v33, v22;
	v0 =	vadd.f32 v50, v0  }
0x12b: {  	v61 =	vadd.f32 v53, v1;
	v33 =	vadd.f32 v41, v5;
	v50 =	vld.idx.msk [tilespmem:v4+s19+$0x0], $0xffff;
	v4 =	vor.u32 v62, v37  }
0x12c: {  	v1 =	vmul.f32 v58, v43;
	v5 =	vor.u32 v62, v36;
	v53 =	vld.idx.msk [tilespmem:v25+s19+$0x0], $0xffff;
	v25 =	vmul.f32 v27, v43  }
0x12d: {  	v27 =	vor.u32 v62, v35;
	v41 =	vld.idx.msk [tilespmem:v2+s15+$0x0], $0xffff;
	v2 =	vor.u32 v62, v34;
	v62 =	vlaneseq.u32  }
0x12e: {  	v24 =	vmul.f32 v24, v44;
	v7 =	vadd.f32 v1, v7;
	v1 =	vld.idx.msk [tilespmem:v60+s17+$0x0], $0xffff;
	v60 =	vadd.s32 $0xF, v62  }
0x12f: {  	v11 =	vmul.f32 v11, v44;
	v22 =	vadd.f32 v14, v22;
	v14 =	vld.idx.msk [tilespmem:v8+s19+$0x0], $0xffff;
	v8 =	vor.u32 v60, v39  }
0x130: {  	v25 =	vadd.f32 v25, v26;
	v26 =	vmul.f32 v54, v43;
	v54 =	vld.idx.msk [tilespmem:v4+s19+$0x0], $0xffff;
	v4 =	vor.u32 v60, v40  }
0x131: {  	v28 =	vmul.f32 v28, v45;
	v17 =	vmul.f32 v17, v45;
	v58 =	vld.idx.msk [tilespmem:v5+s19+$0x0], $0xffff  }
0x132: {  	v31 =	vmul.f32 v31, v46;
	v7 =	vadd.f32 v29, v7;
	v62 =	vor.u32 v60, v38;
	v29 =	vld.idx.msk [tilespmem:v27+s19+$0x0], $0xffff  }
0x133: {  	v23 =	vmul.f32 v23, v46;
	v0 =	vadd.f32 v3, v0;
	v5 =	vld.idx.msk [tilespmem:v2+s19+$0x0], $0xffff;
	v2 =	vor.u32 v60, v37  }
0x134: {  	v3 =	vadd.f32 v26, v61;
	v26 =	vor.u32 v60, v36;
	v27 =	vmul.f32 v9, v44;
	v43 =	vld.idx.msk [tilespmem:v8+s15+$0x0], $0xffff  }
0x135: {  	v8 =	vor.u32 v60, v34;
	v9 =	vld.idx.msk [tilespmem:v4+s17+$0x0], $0xffff;
	v4 =	vor.u32 v60, v35;
	v60 =	vlaneseq.u32  }
0x136: {  	v13 =	vmul.f32 v13, v46;
	v20 =	vld.idx.msk [tilespmem:v20+s19+$0x0], $0xffff;
	v6 =	vadd.f32 v6, v33;
	v33 =	vor.u32 $0x10, v60  }
0x137: {  	v22 =	vadd.f32 v16, v22;
	v25 =	vadd.f32 v27, v25;
	v16 =	vld.idx.msk [tilespmem:v62+s19+$0x0], $0xffff;
	v27 =	vor.u32 v33, v39  }
0x138: {  	v56 =	vmul.f32 v56, v47;
	v0 =	vadd.f32 v24, v0;
	v24 =	vld.idx.msk [tilespmem:v2+s19+$0x0], $0xffff;
	v2 =	vor.u32 v33, v40  }
0x139: {  	v60 =	vmul.f32 v63, v44;
	v44 =	vmul.f32 v30, v45;
	v30 =	vld.idx.msk [tilespmem:v26+s19+$0x0], $0xffff;
	v26 =	vor.u32 v33, v38  }
0x13a: {  	v51 =	vmul.f32 v51, v47;
	v61 =	vmul.f32 v32, v45;
	v32 =	vld.idx.msk [tilespmem:v8+s19+$0x0], $0xffff;
	v8 =	vor.u32 v33, v37  }
0x13b: {  	v20 =	vmul.f32 v20, v47;
	v6 =	vadd.f32 v11, v6;
	v3 =	vadd.f32 v60, v3;
	v60 =	vld.idx.msk [tilespmem:v4+s19+$0x0], $0xffff  }
0x13c: {  	v22 =	vadd.f32 v17, v22;
	v7 =	vadd.f32 v44, v7;
	v4 =	vor.u32 v33, v36;
	v44 =	vld.idx.msk [tilespmem:v27+s15+$0x0], $0xffff  }
0x13d: {  	v25 =	vadd.f32 v61, v25;
	v61 =	vlaneseq.u32;
	v27 =	vor.u32 v33, v34;
	v11 =	vld.idx.msk [tilespmem:v2+s17+$0x0], $0xffff  }
0x13e: {  	v2 =	vor.u32 v33, v35;
	v33 =	vadd.s32 $0x11, v61;
	v61 =	vmul.f32 v18, v45;
	v17 =	vld.idx.msk [tilespmem:v26+s19+$0x0], $0xffff  }
0x13f: {  	v49 =	vmul.f32 v49, v42;
	v0 =	vadd.f32 v28, v0;
	v26 =	vor.u32 v33, v39;
	v18 =	vld.idx.msk [tilespmem:v8+s19+$0x0], $0xffff  }
0x140: {  	v28 =	vmul.f32 v19, v45;
	v63 =	vor.u32 v33, v35;
	v3 =	vadd.f32 v61, v3;
	v61 =	vld [tilespmem:$0x1FF70]  }
0x141: {  	v50 =	vmul.f32 v50, v42;
	v53 =	vmul.f32 v53, v42;
	v8 =	vor.u32 v33, v40;
	v19 =	vld.idx.msk [tilespmem:v4+s19+$0x0], $0xffff  }
0x142: {  	v6 =	vadd.f32 v28, v6;
	v28 =	vmul.f32 v10, v46;
	v4 =	vor.u32 v33, v38;
	v10 =	vld.idx.msk [tilespmem:v27+s19+$0x0], $0xffff  }
0x143: {  	v0 =	vadd.f32 v23, v0;
	v62 =	vmul.f32 v15, v46;
	v27 =	vor.u32 v33, v37;
	v15 =	vld.idx.msk [tilespmem:v2+s19+$0x0], $0xffff  }
0x144: {  	v25 =	vadd.f32 v28, v25;
	v28 =	vlaneseq.u32;
	v2 =	vor.u32 v33, v36;
	v45 =	vld.idx.msk [tilespmem:v26+s15+$0x0], $0xffff  }
0x145: {  	v6 =	vadd.f32 v13, v6;
	v26 =	vor.u32 v33, v34;
	v33 =	vadd.s32 $0x12, v28;
	v13 =	vld.idx.msk [tilespmem:v63+s19+$0x0], $0xffff  }
0x146: {  	v1 =	vmul.f32 v1, v41;
	v7 =	vadd.f32 v31, v7;
	v31 =	vld.idx.msk [tilespmem:v8+s17+$0x0], $0xffff;
	v8 =	vor.u32 v33, v36  }
0x147: {  	v22 =	vadd.f32 v62, v22;
	v28 =	vmul.f32 v12, v46;
	v12 =	vld.idx.msk [tilespmem:v4+s19+$0x0], $0xffff;
	v4 =	vor.u32 v33, v39  }
0x148: {  	v54 =	vmul.f32 v54, v41;
	v62 =	vmul.f32 v55, v47;
	v23 =	vld.idx.msk [tilespmem:v27+s19+$0x0], $0xffff;
	v27 =	vor.u32 v33, v40  }
0x149: {  	v22 =	vadd.f32 v51, v22;
	v3 =	vadd.f32 v28, v3;
	v28 =	vld.idx.msk [tilespmem:v2+s19+$0x0], $0xffff;
	v2 =	vor.u32 v33, v38  }
0x14a: {  	v51 =	vmul.f32 v52, v42;
	v52 =	vmul.f32 v57, v42;
	v55 =	vld.idx.msk [tilespmem:v26+s19+$0x0], $0xffff;
	v26 =	vor.u32 v33, v37  }
0x14b: {  	v63 =	vmul.f32 v48, v47;
	v47 =	vmul.f32 v21, v47;
	v21 =	vld.idx.msk [tilespmem:v8+s19+$0x0], $0xffff  }
0x14c: {  	v7 =	vadd.f32 v62, v7;
	v62 =	vlaneseq.u32;
	v46 =	vld.idx.msk [tilespmem:v4+s15+$0x0], $0xffff;
	v4 =	vor.u32 v33, v34  }
0x14d: {  	v57 =	vmul.f32 v59, v42;
	v48 =	vld.idx.msk [tilespmem:v27+s17+$0x0], $0xffff;
	v27 =	vor.u32 v33, v35;
	v33 =	vadd.s32 $0x13, v62  }
0x14e: {  	v25 =	vadd.f32 v56, v25;
	v59 =	vlaneseq.u32;
	v56 =	vld.idx.msk [tilespmem:v2+s19+$0x0], $0xffff;
	v2 =	vor.u32 v33, v39  }
0x14f: {  	v22 =	vadd.f32 v57, v22;
	v3 =	vadd.f32 v20, v3;
	v20 =	vld.idx.msk [tilespmem:v26+s19+$0x0], $0xffff;
	v26 =	vor.u32 v33, v40  }
0x150: {  	v7 =	vadd.f32 v51, v7;
	v0 =	vadd.f32 v63, v0;
	v62 =	vld [tilespmem:$0x1FF50];
	v63 =	vor.u32 v33, v38  }
0x151: {  	v25 =	vadd.f32 v52, v25;
	v22 =	vadd.f32 v54, v22;
	v51 =	vld.idx.msk [tilespmem:v4+s19+$0x0], $0xffff;
	v4 =	vor.u32 v33, v37  }
0x152: {  	v7 =	vadd.f32 v1, v7;
	v1 =	vmul.f32 v58, v41;
	v52 =	vld.idx.msk [tilespmem:v27+s19+$0x0], $0xffff;
	v27 =	vor.u32 v33, v36  }
0x153: {  	v58 =	vmul.f32 v9, v43;
	v6 =	vadd.f32 v47, v6;
	v47 =	vld.idx.msk [tilespmem:v2+s15+$0x0], $0xffff;
	v2 =	vor.u32 v33, v34  }
0x154: {  	v42 =	vld.idx.msk [tilespmem:v26+s17+$0x0], $0xffff;
	v26 =	vor.u32 v33, v35;
	v33 =	vadd.s32 $0x14, v59;
	v59 =	vmul.f32 v14, v41  }
0x155: {  	v11 =	vmul.f32 v11, v44;
	v7 =	vadd.f32 v58, v7;
	v0 =	vadd.f32 v49, v0;
	v57 =	vld.idx.msk [tilespmem:v63+s19+$0x0], $0xffff  }
0x156: {  	v63 =	vor.u32 v33, v39;
	v49 =	vld.idx.msk [tilespmem:v4+s19+$0x0], $0xffff;
	v25 =	vadd.f32 v59, v25;
	v59 =	vmul.f32 v24, v43  }
0x157: {  	v5 =	vmul.f32 v5, v41;
	v18 =	vmul.f32 v18, v44;
	v4 =	vor.u32 v33, v40;
	v14 =	vld.idx.msk [tilespmem:v27+s19+$0x0], $0xffff  }
0x158: {  	v7 =	vadd.f32 v11, v7;
	v27 =	vor.u32 v33, v38;
	v22 =	vadd.f32 v59, v22;
	v59 =	vld [tilespmem:$0x1FF60]  }
0x159: {  	v6 =	vadd.f32 v53, v6;
	v3 =	vadd.f32 v50, v3;
	v50 =	vld.idx.msk [tilespmem:v2+s19+$0x0], $0xffff;
	v2 =	vor.u32 v33, v37  }
0x15a: {  	v10 =	vmul.f32 v10, v44;
	v0 =	vadd.f32 v1, v0;
	v8 =	vor.u32 v33, v34;
	v53 =	vld.idx.msk [tilespmem:v26+s19+$0x0], $0xffff  }
0x15b: {  	v26 =	vor.u32 v33, v36;
	v1 =	vld.idx.msk [tilespmem:v63+s15+$0x0], $0xffff;
	v63 =	vmul.f32 v29, v41;
	v41 =	vlaneseq.u32  }
0x15c: {  	v13 =	vmul.f32 v13, v45;
	v29 =	vld.idx.msk [tilespmem:v4+s17+$0x0], $0xffff;
	v4 =	vor.u32 v33, v35;
	v33 =	vadd.s32 $0x15, v41  }
0x15d: {  	v3 =	vadd.f32 v5, v3;
	v9 =	vor.u32 v33, v39;
	v41 =	vld.idx.msk [tilespmem:v27+s19+$0x0], $0xffff;
	v27 =	vmul.f32 v16, v43  }
0x15e: {  	v21 =	vmul.f32 v21, v46;
	v51 =	vmul.f32 v51, v46;
	v16 =	vld.idx.msk [tilespmem:v2+s19+$0x0], $0xffff;
	v2 =	vor.u32 v33, v40  }
0x15f: {  	v54 =	vld.idx.msk [tilespmem:v8+s19+$0x0], $0xffff;
	v8 =	vor.u32 v33, v37;
	v25 =	vadd.f32 v27, v25;
	v27 =	vmul.f32 v30, v43  }
0x160: {  	v42 =	vmul.f32 v42, v47;
	v6 =	vadd.f32 v63, v6;
	v24 =	vld.idx.msk [tilespmem:v26+s19+$0x0], $0xffff;
	v26 =	vor.u32 v33, v38  }
0x161: {  	v63 =	vmul.f32 v32, v43;
	v32 =	vld.idx.msk [tilespmem:v4+s19+$0x0], $0xffff;
	v4 =	vor.u32 v33, v36;
	v0 =	vadd.f32 v27, v0  }
0x162: {  	v27 =	vmul.f32 v60, v43;
	v5 =	vld.idx.msk [tilespmem:v9+s15+$0x0], $0xffff;
	v9 =	vor.u32 v33, v34;
	v60 =	vlaneseq.u32  }
0x163: {  	v3 =	vadd.f32 v63, v3;
	v30 =	vld.idx.msk [tilespmem:v2+s17+$0x0], $0xffff;
	v2 =	vor.u32 v33, v35;
	v33 =	vadd.s32 $0x16, v60  }
0x164: {  	v22 =	vadd.f32 v18, v22;
	v63 =	vmul.f32 v19, v44;
	v8 =	vld.idx.msk [tilespmem:v8+s19+$0x0], $0xffff;
	v58 =	vor.u32 v33, v40  }
0x165: {  	v3 =	vadd.f32 v10, v3;
	v6 =	vadd.f32 v27, v6;
	v43 =	vld.idx.msk [tilespmem:v26+s19+$0x0], $0xffff;
	v26 =	vor.u32 v33, v39  }
0x166: {  	v27 =	vmul.f32 v17, v44;
	v60 =	vmul.f32 v15, v44;
	v17 =	vld.idx.msk [tilespmem:v4+s19+$0x0], $0xffff;
	v4 =	vor.u32 v33, v38  }
0x167: {  	v0 =	vadd.f32 v63, v0;
	v63 =	vmul.f32 v31, v45;
	v10 =	vor.u32 v33, v35;
	v18 =	vld.idx.msk [tilespmem:v9+s19+$0x0], $0xffff  }
0x168: {  	v25 =	vadd.f32 v27, v25;
	v27 =	vor.u32 v33, v37;
	v6 =	vadd.f32 v60, v6;
	v19 =	vld.idx.msk [tilespmem:v2+s19+$0x0], $0xffff  }
0x169: {  	v7 =	vadd.f32 v63, v7;
	v60 =	vmul.f32 v12, v45;
	v44 =	vld.idx.msk [tilespmem:v58+s17+$0x0], $0xffff;
	v58 =	vlaneseq.u32  }
0x16a: {  	v2 =	vor.u32 v33, v36;
	v9 =	vld.idx.msk [tilespmem:v26+s15+$0x0], $0xffff;
	v26 =	vor.u32 v33, v34;
	v33 =	vadd.s32 $0x17, v58  }
0x16b: {  	v63 =	vmul.f32 v23, v45;
	v23 =	vmul.f32 v28, v45;
	v31 =	vld.idx.msk [tilespmem:v4+s19+$0x0], $0xffff;
	v4 =	vor.u32 v33, v39  }
0x16c: {  	v14 =	vmul.f32 v14, v47;
	v11 =	vadd.f32 v60, v25;
	v60 =	vld [tilespmem:$0x1FF20];
	v58 =	vor.u32 v33, v40  }
0x16d: {  	v54 =	vmul.f32 v54, v1;
	v28 =	vmul.f32 v55, v45;
	v0 =	vadd.f32 v23, v0;
	v23 =	vld.idx.msk [tilespmem:v10+s19+$0x0], $0xffff  }
0x16e: {  	v29 =	vmul.f32 v29, v1;
	v16 =	vmul.f32 v16, v1;
	v27 =	vld.idx.msk [tilespmem:v27+s19+$0x0], $0xffff;
	v55 =	vor.u32 v33, v38  }
0x16f: {  	v12 =	vadd.f32 v63, v22;
	v3 =	vadd.f32 v28, v3;
	v22 =	vor.u32 v33, v37;
	v15 =	vld.idx.msk [tilespmem:v26+s19+$0x0], $0xffff  }
0x170: {  	v28 =	vmul.f32 v56, v46;
	v6 =	vadd.f32 v13, v6;
	v25 =	vor.u32 v33, v36;
	v10 =	vld.idx.msk [tilespmem:v4+s15+$0x0], $0xffff  }
0x171: {  	v26 =	vmul.f32 v48, v46;
	v4 =	vor.u32 v33, v34;
	v45 =	vld.idx.msk [tilespmem:v58+s17+$0x0], $0xffff;
	v58 =	vlaneseq.u32  }
0x172: {  	v63 =	vmul.f32 v20, v46;
	v2 =	vld.idx.msk [tilespmem:v2+s19+$0x0], $0xffff;
	v33 =	vor.u32 v33, v35;
	v48 =	vadd.s32 $0x18, v58  }
0x173: {  	v56 =	vmul.f32 v50, v47;
	v7 =	vadd.f32 v26, v7;
	v13 =	vld.idx.msk [tilespmem:v55+s19+$0x0], $0xffff;
	v26 =	vor.u32 v48, v39  }
0x174: {  	v28 =	vadd.f32 v28, v11;
	v12 =	vadd.f32 v63, v12;
	v20 =	vld.idx.msk [tilespmem:v22+s19+$0x0], $0xffff;
	v22 =	vor.u32 v48, v40  }
0x175: {  	v63 =	vmul.f32 v57, v47;
	v57 =	vlaneseq.u32;
	v25 =	vld.idx.msk [tilespmem:v25+s19+$0x0], $0xffff;
	v55 =	vor.u32 v48, v38  }
0x176: {  	v58 =	vmul.f32 v52, v46;
	v52 =	vadd.s32 $0x19, v57;
	v46 =	vor.u32 v48, v37;
	v4 =	vld.idx.msk [tilespmem:v4+s19+$0x0], $0xffff  }
0x177: {  	v0 =	vadd.f32 v21, v0;
	v28 =	vadd.f32 v63, v28;
	v63 =	vor.u32 v52, v40;
	v21 =	vld.idx.msk [tilespmem:v33+s19+$0x0], $0xffff  }
0x178: {  	v3 =	vadd.f32 v51, v3;
	v57 =	vmul.f32 v53, v47;
	v50 =	vor.u32 v52, v38;
	v11 =	vld.idx.msk [tilespmem:v26+s15+$0x0], $0xffff  }
0x179: {  	v53 =	vor.u32 v52, v36;
	v6 =	vadd.f32 v58, v6;
	v58 =	vmul.f32 v49, v47;
	v22 =	vld.idx.msk [tilespmem:v22+s17+$0x0], $0xffff  }
0x17a: {  	v24 =	vmul.f32 v24, v1;
	v0 =	vadd.f32 v14, v0;
	v7 =	vadd.f32 v42, v7;
	v49 =	vld.idx.msk [tilespmem:v55+s19+$0x0], $0xffff  }
0x17b: {  	v47 =	vor.u32 v52, v37;
	v42 =	vadd.f32 v58, v12;
	v58 =	vmul.f32 v41, v1;
	v46 =	vld.idx.msk [tilespmem:v46+s19+$0x0], $0xffff  }
0x17c: {  	v3 =	vadd.f32 v56, v3;
	v7 =	vadd.f32 v29, v7;
	v33 =	vor.u32 v48, v36;
	v29 =	vld.idx.msk [tilespmem:v63+s17+$0x0], $0xffff  }
0x17d: {  	v56 =	vlaneseq.u32;
	v41 =	vor.u32 v52, v34;
	v14 =	vadd.f32 v58, v28;
	v28 =	vld.idx.msk [tilespmem:v50+s19+$0x0], $0xffff  }
0x17e: {  	v1 =	vmul.f32 v32, v1;
	v26 =	vor.u32 v48, v34;
	v48 =	vor.u32 v48, v35;
	v32 =	vld.idx.msk [tilespmem:v53+s19+$0x0], $0xffff  }
0x17f: {  	v55 =	vor.u32 v52, v39;
	v63 =	vor.u32 v52, v35;
	v52 =	vadd.s32 $0x1A, v56;
	v56 =	vld [tilespmem:$0x1FF10]  }
0x180: {  	v47 =	vld.idx.msk [tilespmem:v47+s19+$0x0], $0xffff  }
0x181: {  	v8 =	vmul.f32 v8, v5;
	v30 =	vmul.f32 v30, v5;
	v33 =	vld.idx.msk [tilespmem:v33+s19+$0x0], $0xffff  }
0x182: {  	v43 =	vmul.f32 v43, v5;
	v17 =	vmul.f32 v17, v5;
	v0 =	vadd.f32 v24, v0;
	v24 =	vld.idx.msk [tilespmem:v41+s19+$0x0], $0xffff  }
0x183: {  	v18 =	vmul.f32 v18, v5;
	v6 =	vadd.f32 v57, v6;
	v57 =	vor.u32 v52, v39;
	v26 =	vld.idx.msk [tilespmem:v26+s19+$0x0], $0xffff  }
0x184: {  	v3 =	vadd.f32 v54, v3;
	v0 =	vadd.f32 v17, v0;
	v58 =	vor.u32 v52, v40;
	v48 =	vld.idx.msk [tilespmem:v48+s19+$0x0], $0xffff  }
0x185: {  	v2 =	vmul.f32 v2, v9;
	v16 =	vadd.f32 v16, v42;
	v42 =	vor.u32 v52, v38;
	v12 =	vld.idx.msk [tilespmem:v55+s15+$0x0], $0xffff  }
0x186: {  	v5 =	vmul.f32 v19, v5;
	v3 =	vadd.f32 v18, v3;
	v53 =	vor.u32 v52, v36;
	v51 =	vld.idx.msk [tilespmem:v63+s19+$0x0], $0xffff  }
0x187: {  	v31 =	vmul.f32 v31, v9;
	v0 =	vadd.f32 v2, v0;
	v41 =	vor.u32 v52, v37;
	v55 =	vld [tilespmem:$0x1FF00]  }
0x188: {  	v6 =	vadd.f32 v1, v6;
	v63 =	vor.u32 v52, v34;
	v1 =	vld.idx.msk [tilespmem:v57+s15+$0x0], $0xffff;
	v57 =	vlaneseq.u32  }
0x189: {  	v7 =	vadd.f32 v30, v7;
	v52 =	vor.u32 v52, v35;
	v30 =	vld.idx.msk [tilespmem:v58+s17+$0x0], $0xffff;
	v54 =	vadd.s32 $0x1B, v57  }
0x18a: {  	v2 =	vmul.f32 v15, v9;
	v8 =	vadd.f32 v8, v16;
	v16 =	vld.idx.msk [tilespmem:v42+s19+$0x0], $0xffff;
	v42 =	vor.u32 v54, v39  }
0x18b: {  	v14 =	vadd.f32 v43, v14;
	v58 =	vmul.f32 v44, v9;
	v44 =	vld.idx.msk [tilespmem:v53+s19+$0x0], $0xffff;
	v43 =	vor.u32 v54, v40  }
0x18c: {  	v27 =	vmul.f32 v27, v9;
	v25 =	vmul.f32 v25, v10;
	v41 =	vld.idx.msk [tilespmem:v41+s19+$0x0], $0xffff;
	v53 =	vor.u32 v54, v38  }
0x18d: {  	v2 =	vadd.f32 v2, v3;
	v3 =	vmul.f32 v13, v10;
	v57 =	vor.u32 v54, v36;
	v17 =	vld.idx.msk [tilespmem:v63+s19+$0x0], $0xffff  }
0x18e: {  	v0 =	vadd.f32 v25, v0;
	v6 =	vadd.f32 v5, v6;
	v63 =	vor.u32 v54, v37;
	v19 =	vld.idx.msk [tilespmem:v52+s19+$0x0], $0xffff  }
0x18f: {  	v7 =	vadd.f32 v58, v7;
	v58 =	vlaneseq.u32;
	v52 =	vor.u32 v54, v35;
	v5 =	vld.idx.msk [tilespmem:v42+s15+$0x0], $0xffff  }
0x190: {  	v4 =	vmul.f32 v4, v10;
	v42 =	vor.u32 v54, v34;
	v43 =	vld.idx.msk [tilespmem:v43+s17+$0x0], $0xffff;
	v54 =	vadd.s32 $0x1C, v58  }
0x191: {  	v14 =	vadd.f32 v31, v14;
	v8 =	vadd.f32 v27, v8;
	v27 =	vld.idx.msk [tilespmem:v53+s19+$0x0], $0xffff;
	v31 =	vor.u32 v54, v39  }
0x192: {  	v9 =	vmul.f32 v23, v9;
	v23 =	vmul.f32 v45, v10;
	v45 =	vld.idx.msk [tilespmem:v57+s19+$0x0], $0xffff;
	v57 =	vor.u32 v54, v38  }
0x193: {  	v2 =	vadd.f32 v4, v2;
	v3 =	vadd.f32 v3, v14;
	v15 =	vld.idx.msk [tilespmem:v63+s19+$0x0], $0xffff;
	v63 =	vor.u32 v54, v40  }
0x194: {  	v7 =	vadd.f32 v23, v7;
	v58 =	vmul.f32 v20, v10;
	v20 =	vor.u32 v54, v34;
	v23 =	vld.idx.msk [tilespmem:v52+s19+$0x0], $0xffff  }
0x195: {  	v33 =	vmul.f32 v33, v11;
	v26 =	vmul.f32 v26, v11;
	v52 =	vor.u32 v54, v36;
	v13 =	vld.idx.msk [tilespmem:v42+s19+$0x0], $0xffff  }
0x196: {  	v6 =	vadd.f32 v9, v6;
	v29 =	vmul.f32 v29, v12;
	v32 =	vmul.f32 v32, v12;
	v9 =	vld.idx.msk [tilespmem:v31+s15+$0x0], $0xffff  }
0x197: {  	v24 =	vmul.f32 v24, v12;
	v2 =	vadd.f32 v26, v2;
	v42 =	vor.u32 v54, v37;
	v14 =	vld.idx.msk [tilespmem:v57+s19+$0x0], $0xffff  }
0x198: {  	v8 =	vadd.f32 v58, v8;
	v31 =	vor.u32 v54, v35;
	v18 =	vld.idx.msk [tilespmem:v63+s17+$0x0], $0xffff;
	v63 =	vlaneseq.u32  }
0x199: {  	v58 =	vmul.f32 v22, v11;
	v20 =	vld.idx.msk [tilespmem:v20+s19+$0x0], $0xffff;
	v54 =	vmul.f32 v46, v11;
	v53 =	vadd.s32 $0x1D, v63  }
0x19a: {  	v26 =	vmul.f32 v28, v12;
	v22 =	vld.idx.msk [tilespmem:v52+s19+$0x0], $0xffff;
	v52 =	vmul.f32 v49, v11;
	v57 =	vor.u32 v53, v39  }
0x19b: {  	v4 =	vadd.f32 v58, v7;
	v7 =	vadd.f32 v54, v8;
	v54 =	vld [tilespmem:$0x1FE10];
	v25 =	vor.u32 v53, v40  }
0x19c: {  	v10 =	vmul.f32 v21, v10;
	v63 =	vor.u32 v53, v38;
	v3 =	vadd.f32 v52, v3;
	v21 =	vld.idx.msk [tilespmem:v42+s19+$0x0], $0xffff  }
0x19d: {  	v58 =	vlaneseq.u32;
	v49 =	vor.u32 v53, v37;
	v46 =	vor.u32 v53, v36;
	v31 =	vld.idx.msk [tilespmem:v31+s19+$0x0], $0xffff  }
0x19e: {  	v3 =	vadd.f32 v26, v3;
	v26 =	vmul.f32 v47, v12;
	v12 =	vmul.f32 v51, v12;
	v51 =	vld [tilespmem:$0x1FEE0]  }
0x19f: {  	v6 =	vadd.f32 v10, v6;
	v52 =	vadd.s32 $0x1E, v58;
	v10 =	vld.idx.msk [tilespmem:v57+s15+$0x0], $0xffff;
	v57 =	vor.u32 v53, v34  }
0x1a0: {  	v58 =	vor.u32 v52, v36;
	v8 =	vld.idx.msk [tilespmem:v25+s17+$0x0], $0xffff  }
0x1a1: {  	v0 =	vadd.f32 v33, v0;
	v33 =	vld.idx.msk [tilespmem:v63+s19+$0x0], $0xffff;
	v63 =	vor.u32 v52, v39  }
0x1a2: {  	v11 =	vmul.f32 v48, v11;
	v42 =	vor.u32 v52, v34;
	v48 =	vld.idx.msk [tilespmem:v49+s19+$0x0], $0xffff  }
0x1a3: {  	v28 =	vld.idx.msk [tilespmem:v46+s19+$0x0], $0xffff;
	v46 =	vor.u32 v52, v38  }
0x1a4: {  	v4 =	vadd.f32 v29, v4;
	v29 =	vld.idx.msk [tilespmem:v57+s19+$0x0], $0xffff;
	v57 =	vor.u32 v52, v37  }
0x1a5: {  	v30 =	vmul.f32 v30, v1;
	v44 =	vmul.f32 v44, v1;
	v25 =	vor.u32 v53, v35;
	v47 =	vld.idx.msk [tilespmem:v58+s19+$0x0], $0xffff  }
0x1a6: {  	v6 =	vadd.f32 v11, v6;
	v53 =	vor.u32 v52, v40;
	v11 =	vld.idx.msk [tilespmem:v63+s15+$0x0], $0xffff;
	v63 =	vlaneseq.u32  }
0x1a7: {  	v4 =	vadd.f32 v30, v4;
	v49 =	vor.u32 v52, v35;
	v30 =	vld.idx.msk [tilespmem:v42+s19+$0x0], $0xffff;
	v52 =	vadd.s32 $0x1F, v63  }
0x1a8: {  	v0 =	vadd.f32 v32, v0;
	v2 =	vadd.f32 v24, v2;
	v24 =	vld.idx.msk [tilespmem:v46+s19+$0x0], $0xffff;
	v32 =	vor.u32 v52, v39  }
0x1a9: {  	v46 =	vld.idx.msk [tilespmem:v57+s19+$0x0], $0xffff;
	v57 =	vor.u32 v52, v40  }
0x1aa: {  	v16 =	vmul.f32 v16, v1;
	v41 =	vmul.f32 v41, v1;
	v0 =	vadd.f32 v44, v0;
	v25 =	vld.idx.msk [tilespmem:v25+s19+$0x0], $0xffff  }
0x1ab: {  	v17 =	vmul.f32 v17, v1;
	v7 =	vadd.f32 v26, v7;
	v26 =	vld.idx.msk [tilespmem:v53+s17+$0x0], $0xffff;
	v58 =	vor.u32 v52, v38  }
0x1ac: {  	v1 =	vmul.f32 v19, v1;
	v3 =	vadd.f32 v16, v3;
	v16 =	vld.idx.msk [tilespmem:v49+s19+$0x0], $0xffff;
	v63 =	vor.u32 v52, v37  }
0x1ad: {  	v6 =	vadd.f32 v12, v6;
	v7 =	vadd.f32 v41, v7;
	v41 =	vor.u32 v52, v36;
	v12 =	vld.idx.msk [tilespmem:v32+s15+$0x0], $0xffff  }
0x1ae: {  	v2 =	vadd.f32 v17, v2;
	v49 =	vor.u32 v52, v35;
	v19 =	vld.idx.msk [tilespmem:v57+s17+$0x0], $0xffff;
	v57 =	vlaneseq.u32  }
0x1af: {  	v13 =	vmul.f32 v13, v5;
	v32 =	vor.u32 v52, v34;
	v52 =	vld [tilespmem:$0x1FEF0];
	v50 =	vor.u32 $0x20, v57  }
0x1b0: {  	v6 =	vadd.f32 v1, v6;
	v1 =	vmul.f32 v43, v5;
	v17 =	vld.idx.msk [tilespmem:v58+s19+$0x0], $0xffff;
	v58 =	vor.u32 v50, v39  }
0x1b1: {  	v27 =	vmul.f32 v27, v5;
	v15 =	vmul.f32 v15, v5;
	v42 =	vld.idx.msk [tilespmem:v63+s19+$0x0], $0xffff;
	v63 =	vor.u32 v50, v40  }
0x1b2: {  	v2 =	vadd.f32 v13, v2;
	v4 =	vadd.f32 v1, v4;
	v41 =	vld.idx.msk [tilespmem:v41+s19+$0x0], $0xffff;
	v57 =	vor.u32 v50, v38  }
0x1b3: {  	v1 =	vmul.f32 v45, v5;
	v7 =	vadd.f32 v15, v7;
	v15 =	vld.idx.msk [tilespmem:v49+s19+$0x0], $0xffff;
	v45 =	vor.u32 v50, v37  }
0x1b4: {  	v3 =	vadd.f32 v27, v3;
	v5 =	vmul.f32 v23, v5;
	v32 =	vld.idx.msk [tilespmem:v32+s19+$0x0], $0xffff;
	v27 =	vor.u32 v50, v36  }
0x1b5: {  	v0 =	vadd.f32 v1, v0;
	v44 =	vor.u32 v50, v34;
	v1 =	vld.idx.msk [tilespmem:v58+s15+$0x0], $0xffff;
	v58 =	vlaneseq.u32  }
0x1b6: {  	v5 =	vadd.f32 v5, v6;
	v43 =	vor.u32 v50, v35;
	v23 =	vld.idx.msk [tilespmem:v63+s17+$0x0], $0xffff;
	v49 =	vadd.s32 $0x21, v58  }
0x1b7: {  	v53 =	vmul.f32 v20, v9;
	v63 =	vmul.f32 v18, v9;
	v18 =	vld.idx.msk [tilespmem:v57+s19+$0x0], $0xffff;
	v50 =	vor.u32 v49, v39  }
0x1b8: {  	v33 =	vmul.f32 v33, v10;
	v57 =	vmul.f32 v14, v9;
	v14 =	vld.idx.msk [tilespmem:v45+s19+$0x0], $0xffff;
	v45 =	vor.u32 v49, v40  }
0x1b9: {  	v48 =	vmul.f32 v48, v10;
	v58 =	vmul.f32 v21, v9;
	v21 =	vld.idx.msk [tilespmem:v27+s19+$0x0], $0xffff;
	v27 =	vor.u32 v49, v38  }
0x1ba: {  	v4 =	vadd.f32 v63, v4;
	v63 =	vmul.f32 v22, v9;
	v22 =	vld.idx.msk [tilespmem:v44+s19+$0x0], $0xffff;
	v44 =	vor.u32 v49, v37  }
0x1bb: {  	v20 =	vld.idx.msk [tilespmem:v43+s19+$0x0], $0xffff;
	v3 =	vadd.f32 v57, v3;
	v43 =	vor.u32 v49, v36;
	v57 =	vmul.f32 v31, v9  }
0x1bc: {  	v31 =	vor.u32 v49, v34;
	v7 =	vadd.f32 v58, v7;
	v58 =	vlaneseq.u32;
	v9 =	vld.idx.msk [tilespmem:v50+s15+$0x0], $0xffff  }
0x1bd: {  	v2 =	vadd.f32 v53, v2;
	v13 =	vld.idx.msk [tilespmem:v45+s17+$0x0], $0xffff;
	v45 =	vor.u32 v49, v35;
	v49 =	vadd.s32 $0x22, v58  }
0x1be: {  	v0 =	vadd.f32 v63, v0;
	v63 =	vmul.f32 v8, v10;
	v8 =	vld.idx.msk [tilespmem:v27+s19+$0x0], $0xffff;
	v27 =	vor.u32 v49, v39  }
0x1bf: {  	v53 =	vmul.f32 v28, v10;
	v24 =	vmul.f32 v24, v11;
	v44 =	vld.idx.msk [tilespmem:v44+s19+$0x0], $0xffff;
	v50 =	vor.u32 v49, v40  }
0x1c0: {  	v47 =	vmul.f32 v47, v11;
	v5 =	vadd.f32 v57, v5;
	v28 =	vld.idx.msk [tilespmem:v43+s19+$0x0], $0xffff;
	v57 =	vor.u32 v49, v38  }
0x1c1: {  	v3 =	vadd.f32 v33, v3;
	v7 =	vadd.f32 v48, v7;
	v31 =	vld.idx.msk [tilespmem:v31+s19+$0x0], $0xffff;
	v33 =	vor.u32 v49, v37  }
0x1c2: {  	v4 =	vadd.f32 v63, v4;
	v58 =	vmul.f32 v29, v10;
	v63 =	vor.u32 v49, v36;
	v29 =	vld.idx.msk [tilespmem:v45+s19+$0x0], $0xffff  }
0x1c3: {  	v10 =	vmul.f32 v25, v10;
	v25 =	vmul.f32 v26, v11;
	v48 =	vor.u32 v49, v35;
	v26 =	vld.idx.msk [tilespmem:v27+s15+$0x0], $0xffff  }
0x1c4: {  	v30 =	vmul.f32 v30, v11;
	v0 =	vadd.f32 v53, v0;
	v53 =	vlaneseq.u32;
	v6 =	vld.idx.msk [tilespmem:v50+s17+$0x0], $0xffff  }
0x1c5: {  	v5 =	vadd.f32 v10, v5;
	v27 =	vor.u32 v49, v34;
	v49 =	vadd.s32 $0x23, v53;
	v10 =	vld.idx.msk [tilespmem:v57+s19+$0x0], $0xffff  }
0x1c6: {  	v2 =	vadd.f32 v58, v2;
	v4 =	vadd.f32 v25, v4;
	v33 =	vld.idx.msk [tilespmem:v33+s19+$0x0], $0xffff;
	v25 =	vor.u32 v49, v39  }
0x1c7: {  	v17 =	vmul.f32 v17, v12;
	v57 =	vmul.f32 v46, v11;
	v45 =	vld.idx.msk [tilespmem:v63+s19+$0x0], $0xffff;
	v58 =	vor.u32 v49, v40  }
0x1c8: {  	v41 =	vmul.f32 v41, v12;
	v2 =	vadd.f32 v30, v2;
	v30 =	vld.idx.msk [tilespmem:v48+s19+$0x0], $0xffff;
	v63 =	vor.u32 v49, v38  }
0x1c9: {  	v50 =	vld [tilespmem:$0x1FED0];
	v43 =	vor.u32 v49, v36;
	v7 =	vadd.f32 v57, v7;
	v57 =	vlaneseq.u32  }
0x1ca: {  	v32 =	vmul.f32 v32, v12;
	v3 =	vadd.f32 v24, v3;
	v48 =	vadd.s32 $0x24, v57;
	v24 =	vld.idx.msk [tilespmem:v27+s19+$0x0], $0xffff  }
0x1cb: {  	v11 =	vmul.f32 v16, v11;
	v53 =	vmul.f32 v19, v12;
	v16 =	vor.u32 v48, v39;
	v19 =	vld.idx.msk [tilespmem:v25+s15+$0x0], $0xffff  }
0x1cc: {  	v0 =	vadd.f32 v47, v0;
	v3 =	vadd.f32 v17, v3;
	v17 =	vor.u32 v48, v37;
	v46 =	vld.idx.msk [tilespmem:v58+s17+$0x0], $0xffff  }
0x1cd: {  	v2 =	vadd.f32 v32, v2;
	v5 =	vadd.f32 v11, v5;
	v32 =	vor.u32 v48, v36;
	v11 =	vld.idx.msk [tilespmem:v63+s19+$0x0], $0xffff  }
0x1ce: {  	v18 =	vmul.f32 v18, v1;
	v25 =	vor.u32 v49, v34;
	v43 =	vld.idx.msk [tilespmem:v43+s19+$0x0], $0xffff  }
0x1cf: {  	v0 =	vadd.f32 v41, v0;
	v47 =	vor.u32 v49, v35;
	v27 =	vor.u32 v49, v37;
	v49 =	vld [tilespmem:$0x1FEC0]  }
0x1d0: {  	v4 =	vadd.f32 v53, v4;
	v57 =	vmul.f32 v23, v1;
	v63 =	vor.u32 v48, v40;
	v16 =	vld.idx.msk [tilespmem:v16+s15+$0x0], $0xffff  }
0x1d1: {  	v3 =	vadd.f32 v18, v3;
	v53 =	vor.u32 v48, v38;
	v58 =	vmul.f32 v42, v12;
	v17 =	vld.idx.msk [tilespmem:v17+s19+$0x0], $0xffff  }
0x1d2: {  	v23 =	vor.u32 v48, v34;
	v4 =	vadd.f32 v57, v4;
	v57 =	vmul.f32 v22, v1;
	v22 =	vld.idx.msk [tilespmem:v32+s19+$0x0], $0xffff  }
0x1d3: {  	v12 =	vmul.f32 v15, v12;
	v7 =	vadd.f32 v58, v7;
	v58 =	vlaneseq.u32;
	v15 =	vld.idx.msk [tilespmem:v25+s19+$0x0], $0xffff  }
0x1d4: {  	v28 =	vmul.f32 v28, v9;
	v42 =	vor.u32 v48, v35;
	v25 =	vld.idx.msk [tilespmem:v47+s19+$0x0], $0xffff;
	v47 =	vadd.s32 $0x25, v58  }
0x1d5: {  	v31 =	vmul.f32 v31, v9;
	v6 =	vmul.f32 v6, v26;
	v41 =	vld.idx.msk [tilespmem:v63+s17+$0x0], $0xffff;
	v48 =	vor.u32 v47, v39  }
0x1d6: {  	v63 =	vmul.f32 v14, v1;
	v14 =	vld.idx.msk [tilespmem:v53+s19+$0x0], $0xffff;
	v53 =	vmul.f32 v21, v1;
	v21 =	vor.u32 v47, v40  }
0x1d7: {  	v10 =	vmul.f32 v10, v26;
	v2 =	vadd.f32 v57, v2;
	v18 =	vld.idx.msk [tilespmem:v23+s19+$0x0], $0xffff;
	v32 =	vor.u32 v47, v38  }
0x1d8: {  	v57 =	vmul.f32 v44, v9;
	v27 =	vld.idx.msk [tilespmem:v27+s19+$0x0], $0xffff;
	v1 =	vmul.f32 v20, v1;
	v20 =	vor.u32 v47, v37  }
0x1d9: {  	v5 =	vadd.f32 v12, v5;
	v58 =	vmul.f32 v13, v9;
	v13 =	vld.idx.msk [tilespmem:v42+s19+$0x0], $0xffff;
	v23 =	vor.u32 v47, v36  }
0x1da: {  	v42 =	vor.u32 v47, v34;
	v7 =	vadd.f32 v63, v7;
	v63 =	vmul.f32 v8, v9;
	v8 =	vld.idx.msk [tilespmem:v48+s15+$0x0], $0xffff  }
0x1db: {  	v2 =	vadd.f32 v31, v2;
	v0 =	vadd.f32 v53, v0;
	v53 =	vlaneseq.u32;
	v12 =	vld.idx.msk [tilespmem:v21+s17+$0x0], $0xffff  }
0x1dc: {  	v24 =	vmul.f32 v24, v26;
	v21 =	vor.u32 v47, v35;
	v47 =	vadd.s32 $0x26, v53;
	v32 =	vld.idx.msk [tilespmem:v32+s19+$0x0], $0xffff  }
0x1dd: {  	v1 =	vadd.f32 v1, v5;
	v4 =	vadd.f32 v58, v4;
	v20 =	vld.idx.msk [tilespmem:v20+s19+$0x0], $0xffff;
	v58 =	vor.u32 v47, v39  }
0x1de: {  	v3 =	vadd.f32 v63, v3;
	v53 =	vmul.f32 v29, v9;
	v9 =	vld.idx.msk [tilespmem:v23+s19+$0x0], $0xffff;
	v63 =	vor.u32 v47, v40  }
0x1df: {  	v11 =	vmul.f32 v11, v19;
	v0 =	vadd.f32 v28, v0;
	v28 =	vld.idx.msk [tilespmem:v42+s19+$0x0], $0xffff;
	v23 =	vor.u32 v47, v38  }
0x1e0: {  	v43 =	vmul.f32 v43, v19;
	v29 =	vor.u32 v47, v37;
	v1 =	vadd.f32 v53, v1;
	v53 =	vld [tilespmem:$0x1FE00]  }
0x1e1: {  	v2 =	vadd.f32 v24, v2;
	v5 =	vadd.f32 v57, v7;
	v42 =	vor.u32 v47, v34;
	v7 =	vld.idx.msk [tilespmem:v21+s19+$0x0], $0xffff  }
0x1e2: {  	v57 =	vmul.f32 v33, v26;
	v44 =	vor.u32 v47, v35;
	v33 =	vld.idx.msk [tilespmem:v58+s15+$0x0], $0xffff;
	v58 =	vlaneseq.u32  }
0x1e3: {  	v4 =	vadd.f32 v6, v4;
	v21 =	vor.u32 v47, v36;
	v6 =	vld.idx.msk [tilespmem:v63+s17+$0x0], $0xffff;
	v47 =	vadd.s32 $0x27, v58  }
0x1e4: {  	v27 =	vmul.f32 v27, v19;
	v3 =	vadd.f32 v10, v3;
	v10 =	vld.idx.msk [tilespmem:v23+s19+$0x0], $0xffff;
	v23 =	vor.u32 v47, v39  }
0x1e5: {  	v63 =	vmul.f32 v45, v26;
	v29 =	vld.idx.msk [tilespmem:v29+s19+$0x0], $0xffff;
	v26 =	vmul.f32 v30, v26;
	v48 =	vor.u32 v47, v40  }
0x1e6: {  	v5 =	vadd.f32 v57, v5;
	v57 =	vmul.f32 v46, v19;
	v24 =	vld.idx.msk [tilespmem:v42+s19+$0x0], $0xffff;
	v46 =	vor.u32 v47, v38  }
0x1e7: {  	v15 =	vmul.f32 v15, v19;
	v58 =	vor.u32 v47, v37;
	v1 =	vadd.f32 v26, v1;
	v26 =	vld.idx.msk [tilespmem:v44+s19+$0x0], $0xffff  }
0x1e8: {  	v19 =	vmul.f32 v25, v19;
	v0 =	vadd.f32 v63, v0;
	v63 =	vor.u32 v47, v36;
	v21 =	vld.idx.msk [tilespmem:v21+s19+$0x0], $0xffff  }
0x1e9: {  	v4 =	vadd.f32 v57, v4;
	v57 =	vlaneseq.u32;
	v42 =	vor.u32 v47, v34;
	v23 =	vld.idx.msk [tilespmem:v23+s15+$0x0], $0xffff  }
0x1ea: {  	v25 =	vmul.f32 v41, v16;
	v44 =	vld.idx.msk [tilespmem:v48+s17+$0x0], $0xffff;
	v48 =	vor.u32 v47, v35;
	v47 =	vadd.s32 $0x28, v57  }
0x1eb: {  	v3 =	vadd.f32 v11, v3;
	v5 =	vadd.f32 v27, v5;
	v11 =	vld.idx.msk [tilespmem:v46+s19+$0x0], $0xffff;
	v27 =	vor.u32 v47, v39  }
0x1ec: {  	v22 =	vmul.f32 v22, v16;
	v14 =	vmul.f32 v14, v16;
	v31 =	vld.idx.msk [tilespmem:v58+s19+$0x0], $0xffff;
	v58 =	vor.u32 v47, v40  }
0x1ed: {  	v13 =	vmul.f32 v13, v16;
	v2 =	vadd.f32 v15, v2;
	v4 =	vadd.f32 v25, v4;
	v30 =	vld.idx.msk [tilespmem:v63+s19+$0x0], $0xffff  }
0x1ee: {  	v3 =	vadd.f32 v14, v3;
	v12 =	vmul.f32 v12, v8;
	v15 =	vld.idx.msk [tilespmem:v42+s19+$0x0], $0xffff;
	v63 =	vor.u32 v47, v38  }
0x1ef: {  	v0 =	vadd.f32 v43, v0;
	v1 =	vadd.f32 v19, v1;
	v42 =	vor.u32 v47, v37;
	v19 =	vld.idx.msk [tilespmem:v48+s19+$0x0], $0xffff  }
0x1f0: {  	v57 =	vlaneseq.u32;
	v25 =	vor.u32 v47, v36;
	v48 =	vmul.f32 v17, v16;
	v17 =	vld.idx.msk [tilespmem:v27+s15+$0x0], $0xffff  }
0x1f1: {  	v9 =	vmul.f32 v9, v8;
	v45 =	vor.u32 v47, v35;
	v46 =	vadd.s32 $0x29, v57;
	v43 =	vld.idx.msk [tilespmem:v58+s17+$0x0], $0xffff  }
0x1f2: {  	v0 =	vadd.f32 v22, v0;
	v22 =	vor.u32 v46, v40;
	v27 =	vor.u32 v47, v34;
	v47 =	vld [tilespmem:$0x1FE80]  }
0x1f3: {  	v7 =	vmul.f32 v7, v8;
	v58 =	vmul.f32 v18, v16;
	v18 =	vld.idx.msk [tilespmem:v63+s19+$0x0], $0xffff;
	v63 =	vor.u32 v46, v39  }
0x1f4: {  	v4 =	vadd.f32 v12, v4;
	v6 =	vmul.f32 v6, v33;
	v24 =	vmul.f32 v24, v33;
	v16 =	vld.idx.msk [tilespmem:v42+s19+$0x0], $0xffff  }
0x1f5: {  	v1 =	vadd.f32 v13, v1;
	v57 =	vmul.f32 v20, v8;
	v14 =	vld.idx.msk [tilespmem:v25+s19+$0x0], $0xffff;
	v25 =	vor.u32 v46, v38  }
0x1f6: {  	v20 =	vld.idx.msk [tilespmem:v45+s19+$0x0], $0xffff;
	v5 =	vadd.f32 v48, v5;
	v48 =	vmul.f32 v32, v8;
	v32 =	vor.u32 v46, v37  }
0x1f7: {  	v4 =	vadd.f32 v6, v4;
	v12 =	vld.idx.msk [tilespmem:v22+s17+$0x0], $0xffff;
	v2 =	vadd.f32 v58, v2;
	v58 =	vor.u32 v46, v36  }
0x1f8: {  	v22 =	vor.u32 v46, v35;
	v13 =	vld.idx.msk [tilespmem:v63+s15+$0x0], $0xffff;
	v63 =	vor.u32 v46, v34;
	v46 =	vlaneseq.u32  }
0x1f9: {  	v26 =	vmul.f32 v26, v33;
	v0 =	vadd.f32 v9, v0;
	v27 =	vld.idx.msk [tilespmem:v27+s19+$0x0], $0xffff;
	v45 =	vadd.s32 $0x2A, v46  }
0x1fa: {  	v3 =	vadd.f32 v48, v3;
	v48 =	vmul.f32 v28, v8;
	v25 =	vld.idx.msk [tilespmem:v25+s19+$0x0], $0xffff;
	v28 =	vor.u32 v45, v39  }
0x1fb: {  	v1 =	vadd.f32 v7, v1;
	v21 =	vmul.f32 v21, v33;
	v8 =	vld.idx.msk [tilespmem:v32+s19+$0x0], $0xffff;
	v32 =	vor.u32 v45, v40  }
0x1fc: {  	v5 =	vadd.f32 v57, v5;
	v57 =	vmul.f32 v10, v33;
	v10 =	vld.idx.msk [tilespmem:v58+s19+$0x0], $0xffff;
	v58 =	vor.u32 v45, v38  }
0x1fd: {  	v1 =	vadd.f32 v26, v1;
	v0 =	vadd.f32 v21, v0;
	v22 =	vld.idx.msk [tilespmem:v22+s19+$0x0], $0xffff;
	v7 =	vor.u32 v45, v37  }
0x1fe: {  	v11 =	vmul.f32 v11, v23;
	v2 =	vadd.f32 v48, v2;
	v48 =	vor.u32 v45, v34;
	v6 =	vld.idx.msk [tilespmem:v63+s19+$0x0], $0xffff  }
0x1ff: {  	v30 =	vmul.f32 v30, v23;
	v3 =	vadd.f32 v57, v3;
	v57 =	vor.u32 v45, v35;
	v28 =	vld.idx.msk [tilespmem:v28+s15+$0x0], $0xffff  }
0x200: {  	v63 =	vmul.f32 v29, v33;
	v29 =	vor.u32 v45, v36;
	v45 =	vadd.s32 $0x2B, v46;
	v9 =	vld.idx.msk [tilespmem:v32+s17+$0x0], $0xffff  }
0x201: {  	v31 =	vmul.f32 v31, v23;
	v2 =	vadd.f32 v24, v2;
	v24 =	vor.u32 v45, v39;
	v21 =	vld.idx.msk [tilespmem:v58+s19+$0x0], $0xffff  }
0x202: {  	v15 =	vmul.f32 v15, v23;
	v0 =	vadd.f32 v30, v0;
	v42 =	vor.u32 v45, v40;
	v7 =	vld.idx.msk [tilespmem:v7+s19+$0x0], $0xffff  }
0x203: {  	v19 =	vmul.f32 v19, v23;
	v18 =	vmul.f32 v18, v17;
	v41 =	vor.u32 v45, v35;
	v26 =	vld.idx.msk [tilespmem:v48+s19+$0x0], $0xffff  }
0x204: {  	v3 =	vadd.f32 v11, v3;
	v5 =	vadd.f32 v63, v5;
	v48 =	vor.u32 v45, v37;
	v11 =	vld.idx.msk [tilespmem:v57+s19+$0x0], $0xffff  }
0x205: {  	v16 =	vmul.f32 v16, v17;
	v58 =	vmul.f32 v44, v23;
	v57 =	vor.u32 v45, v36;
	v29 =	vld.idx.msk [tilespmem:v29+s19+$0x0], $0xffff  }
0x206: {  	v14 =	vmul.f32 v14, v17;
	v63 =	vor.u32 v45, v38;
	v5 =	vadd.f32 v31, v5;
	v24 =	vld.idx.msk [tilespmem:v24+s15+$0x0], $0xffff  }
0x207: {  	v4 =	vadd.f32 v58, v4;
	v58 =	vor.u32 v45, v34;
	v23 =	vld.idx.msk [tilespmem:v42+s17+$0x0], $0xffff;
	v42 =	vadd.s32 $0x2C, v46  }
0x208: {  	v1 =	vadd.f32 v19, v1;
	v5 =	vadd.f32 v16, v5;
	v16 =	vld.idx.msk [tilespmem:v41+s19+$0x0], $0xffff;
	v30 =	vor.u32 v42, v39  }
0x209: {  	v0 =	vadd.f32 v14, v0;
	v2 =	vadd.f32 v15, v2;
	v33 =	vld.idx.msk [tilespmem:v48+s19+$0x0], $0xffff;
	v48 =	vor.u32 v42, v40  }
0x20a: {  	v3 =	vadd.f32 v18, v3;
	v10 =	vmul.f32 v10, v13;
	v31 =	vld.idx.msk [tilespmem:v57+s19+$0x0], $0xffff;
	v57 =	vor.u32 v42, v38  }
0x20b: {  	v12 =	vmul.f32 v12, v13;
	v15 =	vld.idx.msk [tilespmem:v63+s19+$0x0], $0xffff;
	v63 =	vmul.f32 v43, v17;
	v18 =	vor.u32 v42, v36  }
0x20c: {  	v8 =	vmul.f32 v8, v13;
	v0 =	vadd.f32 v10, v0;
	v45 =	vor.u32 v42, v34;
	v19 =	vld.idx.msk [tilespmem:v58+s19+$0x0], $0xffff  }
0x20d: {  	v4 =	vadd.f32 v63, v4;
	v58 =	vor.u32 v42, v37;
	v63 =	vmul.f32 v27, v17;
	v27 =	vld.idx.msk [tilespmem:v30+s15+$0x0], $0xffff  }
0x20e: {  	v17 =	vmul.f32 v20, v17;
	v20 =	vld.idx.msk [tilespmem:v48+s17+$0x0], $0xffff;
	v48 =	vor.u32 v42, v35;
	v42 =	vadd.s32 $0x2D, v46  }
0x20f: {  	v6 =	vmul.f32 v6, v13;
	v41 =	vsel vm0, v50, v49;
	v14 =	vld.idx.msk [tilespmem:v57+s19+$0x0], $0xffff;
	v43 =	vor.u32 v42, v39  }
0x210: {  	v2 =	vadd.f32 v63, v2;
	v4 =	vadd.f32 v12, v4;
	v12 =	vld.idx.msk [tilespmem:v18+s19+$0x0], $0xffff;
	v63 =	vor.u32 v42, v38  }
0x211: {  	v1 =	vadd.f32 v17, v1;
	v57 =	vmul.f32 v25, v13;
	v17 =	vld.idx.msk [tilespmem:v45+s19+$0x0], $0xffff;
	v45 =	vor.u32 v42, v37  }
0x212: {  	v9 =	vmul.f32 v9, v28;
	v5 =	vadd.f32 v8, v5;
	v25 =	vld.idx.msk [tilespmem:v58+s19+$0x0], $0xffff;
	v58 =	vor.u32 v42, v40  }
0x213: {  	v3 =	vadd.f32 v57, v3;
	v57 =	vmul.f32 v22, v13;
	v22 =	vor.u32 v42, v34;
	v8 =	vld.idx.msk [tilespmem:v48+s19+$0x0], $0xffff  }
0x214: {  	v21 =	vmul.f32 v21, v28;
	v7 =	vmul.f32 v7, v28;
	v32 =	vor.u32 v42, v35;
	v13 =	vld.idx.msk [tilespmem:v43+s15+$0x0], $0xffff  }
0x215: {  	v11 =	vmul.f32 v11, v28;
	v48 =	vor.u32 v42, v36;
	v42 =	vadd.s32 $0x2E, v46;
	v10 =	vld.idx.msk [tilespmem:v63+s19+$0x0], $0xffff  }
0x216: {  	v5 =	vadd.f32 v7, v5;
	v23 =	vmul.f32 v23, v24;
	v30 =	vld.idx.msk [tilespmem:v45+s19+$0x0], $0xffff;
	v63 =	vor.u32 v42, v40  }
0x217: {  	v2 =	vadd.f32 v6, v2;
	v3 =	vadd.f32 v21, v3;
	v21 =	vor.u32 v42, v37;
	v6 =	vld.idx.msk [tilespmem:v58+s17+$0x0], $0xffff  }
0x218: {  	v1 =	vadd.f32 v57, v1;
	v57 =	vmul.f32 v26, v28;
	v26 =	vor.u32 v42, v36;
	v7 =	vld.idx.msk [tilespmem:v22+s19+$0x0], $0xffff  }
0x219: {  	v16 =	vmul.f32 v16, v24;
	v45 =	vmul.f32 v29, v28;
	v58 =	vor.u32 v42, v39;
	v22 =	vld.idx.msk [tilespmem:v32+s19+$0x0], $0xffff  }
0x21a: {  	v15 =	vmul.f32 v15, v24;
	v28 =	vor.u32 v42, v34;
	v43 =	vadd.s32 $0x2F, v46;
	v29 =	vld.idx.msk [tilespmem:v48+s19+$0x0], $0xffff  }
0x21b: {  	v4 =	vadd.f32 v9, v4;
	v0 =	vadd.f32 v45, v0;
	v45 =	vor.u32 v43, v36;
	v32 =	vld.idx.msk [tilespmem:v63+s17+$0x0], $0xffff  }
0x21c: {  	v31 =	vmul.f32 v31, v24;
	v3 =	vadd.f32 v15, v3;
	v48 =	vor.u32 v42, v38;
	v15 =	vld.idx.msk [tilespmem:v21+s19+$0x0], $0xffff  }
0x21d: {  	v4 =	vadd.f32 v23, v4;
	v23 =	vmul.f32 v33, v24;
	v21 =	vor.u32 v43, v40;
	v26 =	vld.idx.msk [tilespmem:v26+s19+$0x0], $0xffff  }
0x21e: {  	v19 =	vmul.f32 v19, v24;
	v14 =	vmul.f32 v14, v27;
	v18 =	vld.idx.msk [tilespmem:v58+s15+$0x0], $0xffff;
	v58 =	vor.u32 v43, v39  }
0x21f: {  	v5 =	vadd.f32 v23, v5;
	v12 =	vmul.f32 v12, v27;
	v63 =	vor.u32 v43, v38;
	v24 =	vld.idx.msk [tilespmem:v28+s19+$0x0], $0xffff  }
0x220: {  	v2 =	vadd.f32 v57, v2;
	v3 =	vadd.f32 v14, v3;
	v28 =	vor.u32 v43, v37;
	v14 =	vld.idx.msk [tilespmem:v45+s19+$0x0], $0xffff  }
0x221: {  	v1 =	vadd.f32 v11, v1;
	v57 =	vmul.f32 v20, v27;
	v42 =	vor.u32 v42, v35;
	v9 =	vld.idx.msk [tilespmem:v48+s19+$0x0], $0xffff  }
0x222: {  	v25 =	vmul.f32 v25, v27;
	v2 =	vadd.f32 v19, v2;
	v48 =	vor.u32 v43, v34;
	v20 =	vld.idx.msk [tilespmem:v21+s17+$0x0], $0xffff  }
0x223: {  	v1 =	vadd.f32 v16, v1;
	v21 =	vor.u32 v43, v35;
	v11 =	vld.idx.msk [tilespmem:v58+s15+$0x0], $0xffff;
	v58 =	vor.u32 $0x30, v46  }
0x224: {  	v4 =	vadd.f32 v57, v4;
	v5 =	vadd.f32 v25, v5;
	v33 =	vld.idx.msk [tilespmem:v63+s19+$0x0], $0xffff;
	v63 =	vor.u32 v58, v39  }
0x225: {  	v0 =	vadd.f32 v31, v0;
	v8 =	vmul.f32 v8, v27;
	v19 =	vld.idx.msk [tilespmem:v28+s19+$0x0], $0xffff;
	v28 =	vor.u32 v58, v40  }
0x226: {  	v10 =	vmul.f32 v10, v13;
	v30 =	vmul.f32 v30, v13;
	v23 =	vld.idx.msk [tilespmem:v42+s19+$0x0], $0xffff;
	v25 =	vor.u32 v58, v38  }
0x227: {  	v0 =	vadd.f32 v12, v0;
	v45 =	vmul.f32 v17, v27;
	v27 =	vor.u32 v58, v36;
	v16 =	vld.idx.msk [tilespmem:v48+s19+$0x0], $0xffff  }
0x228: {  	v1 =	vadd.f32 v8, v1;
	v43 =	vcombine.low v53, v41;
	v50 =	vor.u32 v58, v34;
	v21 =	vld.idx.msk [tilespmem:v21+s19+$0x0], $0xffff  }
0x229: {  	v6 =	vmul.f32 v6, v13;
	v3 =	vadd.f32 v10, v3;
	v48 =	vor.u32 v58, v37;
	v12 =	vld.idx.msk [tilespmem:v63+s15+$0x0], $0xffff  }
0x22a: {  	v5 =	vadd.f32 v30, v5;
	v57 =	vmul.f32 v29, v13;
	v53 =	vor.u32 v43, v39;
	v8 =	vld.idx.msk [tilespmem:v28+s17+$0x0], $0xffff  }
0x22b: {  	v4 =	vadd.f32 v6, v4;
	v2 =	vadd.f32 v45, v2;
	v29 =	vor.u32 v43, v40;
	v25 =	vld.idx.msk [tilespmem:v25+s19+$0x0], $0xffff  }
0x22c: {  	v42 =	vsel vm0, v56, v55;
	v0 =	vadd.f32 v57, v0;
	v28 =	vor.u32 v58, v35;
	v10 =	vld.idx.msk [tilespmem:v27+s19+$0x0], $0xffff  }
0x22d: {  	v15 =	vmul.f32 v15, v18;
	v27 =	vor.u32 v43, v38;
	v58 =	vmul.f32 v7, v13;
	v7 =	vld.idx.msk [tilespmem:v50+s19+$0x0], $0xffff  }
0x22e: {  	v26 =	vmul.f32 v26, v18;
	v57 =	vmul.f32 v24, v18;
	v63 =	vor.u32 v43, v37;
	v17 =	vld.idx.msk [tilespmem:v48+s19+$0x0], $0xffff  }
0x22f: {  	v50 =	vor.u32 v43, v34;
	v48 =	vmul.f32 v32, v18;
	v32 =	vld.idx.msk [tilespmem:v53+s15+$0x0], $0xffff;
	v53 =	vcombine.low v54, v42  }
0x230: {  	v5 =	vadd.f32 v15, v5;
	v9 =	vmul.f32 v9, v18;
	v6 =	vld.idx.msk [tilespmem:v29+s17+$0x0], $0xffff;
	v54 =	vor.u32 v43, v35  }
0x231: {  	v0 =	vadd.f32 v26, v0;
	v13 =	vmul.f32 v22, v13;
	v29 =	vor.u32 v53, v39;
	v22 =	vld.idx.msk [tilespmem:v28+s19+$0x0], $0xffff  }
0x232: {  	v3 =	vadd.f32 v9, v3;
	v20 =	vmul.f32 v20, v11;
	v56 =	vor.u32 v53, v40;
	v27 =	vld.idx.msk [tilespmem:v27+s19+$0x0], $0xffff  }
0x233: {  	v33 =	vmul.f32 v33, v11;
	v2 =	vadd.f32 v58, v2;
	v26 =	vor.u32 v53, v37;
	v30 =	vld.idx.msk [tilespmem:v63+s19+$0x0], $0xffff  }
0x234: {  	v1 =	vadd.f32 v13, v1;
	v18 =	vmul.f32 v23, v18;
	v58 =	vor.u32 v53, v36;
	v15 =	vld.idx.msk [tilespmem:v50+s19+$0x0], $0xffff  }
0x235: {  	v45 =	vor.u32 v53, v35;
	v28 =	vor.u32 v43, v36;
	v43 =	vsel vm0, v59, v62;
	v9 =	vld.idx.msk [tilespmem:v54+s19+$0x0], $0xffff  }
0x236: {  	v14 =	vmul.f32 v14, v11;
	v4 =	vadd.f32 v48, v4;
	v60 =	vcombine.low v60, v43;
	v23 =	vld.idx.msk [tilespmem:v29+s15+$0x0], $0xffff  }
0x237: {  	v16 =	vmul.f32 v16, v11;
	v1 =	vadd.f32 v18, v1;
	v63 =	vmul.f32 v19, v11;
	v31 =	vld.idx.msk [tilespmem:v56+s17+$0x0], $0xffff  }
0x238: {  	v11 =	vmul.f32 v21, v11;
	v4 =	vadd.f32 v20, v4;
	v48 =	vor.u32 v60, v38;
	v20 =	vld.idx.msk [tilespmem:v26+s19+$0x0], $0xffff  }
0x239: {  	v0 =	vadd.f32 v14, v0;
	v2 =	vadd.f32 v57, v2;
	v50 =	vor.u32 v60, v36;
	v13 =	vld.idx.msk [tilespmem:v58+s19+$0x0], $0xffff  }
0x23a: {  	v1 =	vadd.f32 v11, v1;
	v29 =	vor.u32 v53, v34;
	v14 =	vld.idx.msk [tilespmem:v45+s19+$0x0], $0xffff;
	v57 =	vmul.f32 v22, v12  }
0x23b: {  	v26 =	vor.u32 v60, v40;
	v24 =	vld.idx.msk [tilespmem:v28+s19+$0x0], $0xffff  }
0x23c: {  	v10 =	vmul.f32 v10, v12;
	v56 =	vor.u32 v61, v38;
	v1 =	vadd.f32 v57, v1;
	v57 =	vld [tilespmem:$0x1FF90]  }
0x23d: {  	v58 =	vor.u32 v61, v37;
	v18 =	vld.idx.msk [tilespmem:v48+s19+$0x0], $0xffff  }
0x23e: {  	v0 =	vadd.f32 v10, v0;
	v28 =	vor.u32 v53, v38;
	v10 =	vld.idx.msk [tilespmem:v50+s19+$0x0], $0xffff  }
0x23f: {  	v5 =	vadd.f32 v63, v5;
	v17 =	vmul.f32 v17, v12;
	v53 =	vor.u32 v60, v34;
	v21 =	vld.idx.msk [tilespmem:v29+s19+$0x0], $0xffff  }
0x240: {  	v55 =	vsel vm0, v55, v51;
	v54 =	vmul.f32 v25, v12;
	v25 =	vld.idx.msk [tilespmem:v26+s17+$0x0], $0xffff  }
0x241: {  	v3 =	vadd.f32 v33, v3;
	v8 =	vmul.f32 v8, v12;
	v5 =	vadd.f32 v17, v5;
	v17 =	vld.idx.msk [tilespmem:v56+s19+$0x0], $0xffff  }
0x242: {  	v7 =	vmul.f32 v7, v12;
	v2 =	vadd.f32 v16, v2;
	v48 =	vmul.f32 v15, v32;
	v15 =	vld.idx.msk [tilespmem:v58+s19+$0x0], $0xffff  }
0x243: {  	v6 =	vmul.f32 v6, v32;
	v4 =	vadd.f32 v8, v4;
	v29 =	vor.u32 v60, v37;
	v19 =	vld.idx.msk [tilespmem:v28+s19+$0x0], $0xffff  }
0x244: {  	v2 =	vadd.f32 v7, v2;
	v30 =	vmul.f32 v30, v32;
	v26 =	vor.u32 v60, v35;
	v12 =	vld.idx.msk [tilespmem:v53+s19+$0x0], $0xffff  }
0x245: {  	v4 =	vadd.f32 v6, v4;
	v28 =	vor.u32 v60, v39;
	v60 =	vld [tilespmem:$0x1FF80];
	v53 =	vmul.f32 v31, v23  }
0x246: {  	v63 =	vmul.f32 v27, v32;
	v5 =	vadd.f32 v30, v5;
	v2 =	vadd.f32 v48, v2;
	v48 =	vld [tilespmem:$0x1FE20]  }
0x247: {  	v50 =	vmul.f32 v9, v32;
	v20 =	vmul.f32 v20, v23;
	v4 =	vadd.f32 v53, v4;
	v53 =	vld [tilespmem:$0x1FF30]  }
0x248: {  	v24 =	vmul.f32 v24, v32;
	v32 =	vcombine.low v55, v57;
	v8 =	vld.idx.msk [tilespmem:v29+s19+$0x0], $0xffff;
	v29 =	vor.u32 v61, v40  }
0x249: {  	v59 =	vsel vm0, v49, v47;
	v5 =	vadd.f32 v20, v5;
	v22 =	vld.idx.msk [tilespmem:v26+s19+$0x0], $0xffff;
	v26 =	vor.u32 v61, v36  }
0x24a: {  	v57 =	vld [tilespmem:$0x1FFD0];
	v20 =	vor.u32 v32, v38;
	v33 =	vcombine.low v59, v60;
	v60 =	vmul.f32 v21, v23  }
0x24b: {  	v11 =	vld.idx.msk [tilespmem:v28+s15+$0x0], $0xffff;
	v28 =	vor.u32 v61, v39  }
0x24c: {  	v13 =	vmul.f32 v13, v23;
	v59 =	vor.u32 v32, v39;
	v2 =	vadd.f32 v60, v2;
	v60 =	vld [tilespmem:$0x1FFE0]  }
0x24d: {  	v14 =	vmul.f32 v14, v23;
	v19 =	vmul.f32 v19, v23;
	v23 =	vor.u32 v32, v37;
	v27 =	vld.idx.msk [tilespmem:v29+s17+$0x0], $0xffff  }
0x24e: {  	v0 =	vadd.f32 v24, v0;
	v44 =	vor.u32 v33, v39;
	v24 =	vld.idx.msk [tilespmem:v26+s19+$0x0], $0xffff  }
0x24f: {  	v1 =	vadd.f32 v50, v1;
	v49 =	vor.u32 v33, v40;
	v20 =	vld.idx.msk [tilespmem:v20+s19+$0x0], $0xffff  }
0x250: {  	v3 =	vadd.f32 v54, v3;
	v54 =	vor.u32 v33, v36;
	v7 =	vld.idx.msk [tilespmem:v28+s15+$0x0], $0xffff  }
0x251: {  	v1 =	vadd.f32 v14, v1;
	v56 =	vor.u32 v33, v34;
	v14 =	vld.idx.msk [tilespmem:v59+s15+$0x0], $0xffff  }
0x252: {  	v58 =	vor.u32 v33, v35;
	v50 =	vld.idx.msk [tilespmem:v23+s19+$0x0], $0xffff  }
0x253: {  	v3 =	vadd.f32 v63, v3;
	v63 =	vor.u32 v32, v34;
	v6 =	vld.idx.msk [tilespmem:v44+s15+$0x0], $0xffff  }
0x254: {  	v16 =	vld.idx.msk [tilespmem:v49+s17+$0x0], $0xffff  }
0x255: {  	v0 =	vadd.f32 v13, v0;
	v13 =	vld.idx.msk [tilespmem:v54+s19+$0x0], $0xffff  }
0x256: {  	v3 =	vadd.f32 v19, v3;
	v29 =	vor.u32 v61, v35;
	v12 =	vmul.f32 v12, v11;
	v19 =	vld.idx.msk [tilespmem:v56+s19+$0x0], $0xffff  }
0x257: {  	v26 =	vor.u32 v33, v38;
	v30 =	vld.idx.msk [tilespmem:v58+s19+$0x0], $0xffff  }
0x258: {  	v41 =	vcombine.low v41, v57;
	v28 =	vor.u32 v61, v34;
	v2 =	vadd.f32 v12, v2;
	v12 =	vld.idx.msk [tilespmem:v63+s19+$0x0], $0xffff  }
0x259: {  	v62 =	vsel vm0, v62, v52;
	v61 =	vor.u32 v32, v36;
	v54 =	vld [tilespmem:$0x1FF40]  }
0x25a: {  	v47 =	vor.u32 v41, v37;
	v44 =	vcombine.low v62, v48;
	v56 =	vld [tilespmem:$0x1FE30]  }
0x25b: {  	v29 =	vld.idx.msk [tilespmem:v29+s19+$0x0], $0xffff  }
0x25c: {  	v8 =	vmul.f32 v8, v11;
	v26 =	vld.idx.msk [tilespmem:v26+s19+$0x0], $0xffff;
	v23 =	vor.u32 v44, v40  }
0x25d: {  	v25 =	vmul.f32 v25, v11;
	v18 =	vmul.f32 v18, v11;
	v51 =	vor.u32 v44, v38;
	v9 =	vld.idx.msk [tilespmem:v28+s19+$0x0], $0xffff  }
0x25e: {  	v10 =	vmul.f32 v10, v11;
	v5 =	vadd.f32 v8, v5;
	v28 =	vor.u32 v33, v37;
	v8 =	vld.idx.msk [tilespmem:v61+s19+$0x0], $0xffff  }
0x25f: {  	v11 =	vmul.f32 v22, v11;
	v22 =	vor.u32 v44, v37;
	v33 =	vsel vm0, v53, v54;
	v54 =	vld.idx.msk [tilespmem:v47+s19+$0x0], $0xffff  }
0x260: {  	v52 =	vor.u32 v44, v36;
	v47 =	vld [tilespmem:$0x1FFA0]  }
0x261: {  	v1 =	vadd.f32 v11, v1;
	v55 =	vor.u32 v44, v34;
	v11 =	vld.idx.msk [tilespmem:v23+s17+$0x0], $0xffff  }
0x262: {  	v4 =	vadd.f32 v25, v4;
	v0 =	vadd.f32 v10, v0;
	v23 =	vor.u32 v44, v35;
	v10 =	vld.idx.msk [tilespmem:v51+s19+$0x0], $0xffff  }
0x263: {  	v27 =	vmul.f32 v27, v7;
	v33 =	vcombine.low v33, v56;
	v21 =	vld.idx.msk [tilespmem:v28+s19+$0x0], $0xffff;
	v28 =	vor.u32 v32, v40  }
0x264: {  	v49 =	vor.u32 v44, v39;
	v17 =	vmul.f32 v17, v7;
	v22 =	vld.idx.msk [tilespmem:v22+s19+$0x0], $0xffff;
	v9 =	vmul.f32 v9, v7  }
0x265: {  	v15 =	vmul.f32 v15, v7;
	v24 =	vmul.f32 v24, v7;
	v59 =	vld.idx.msk [tilespmem:v52+s19+$0x0], $0xffff;
	v58 =	vor.u32 v33, v39  }
0x266: {  	v4 =	vadd.f32 v27, v4;
	v27 =	vor.u32 v33, v40;
	v2 =	vadd.f32 v9, v2;
	v9 =	vld.idx.msk [tilespmem:v55+s19+$0x0], $0xffff  }
0x267: {  	v61 =	vmul.f32 v16, v6;
	v7 =	vmul.f32 v29, v7;
	v29 =	vor.u32 v33, v38;
	v16 =	vld.idx.msk [tilespmem:v23+s19+$0x0], $0xffff  }
0x268: {  	v3 =	vadd.f32 v18, v3;
	v0 =	vadd.f32 v24, v0;
	v24 =	vor.u32 v33, v37;
	v25 =	vld.idx.msk [tilespmem:v28+s17+$0x0], $0xffff  }
0x269: {  	v28 =	vor.u32 v32, v35;
	v32 =	vld.idx.msk [tilespmem:v49+s15+$0x0], $0xffff  }
0x26a: {  	v3 =	vadd.f32 v17, v3;
	v26 =	vmul.f32 v26, v6;
	v17 =	vld.idx.msk [tilespmem:v58+s15+$0x0], $0xffff  }
0x26b: {  	v23 =	vor.u32 v33, v36;
	v63 =	vmul.f32 v21, v6;
	v21 =	vld.idx.msk [tilespmem:v27+s17+$0x0], $0xffff  }
0x26c: {  	v3 =	vadd.f32 v26, v3;
	v26 =	vld.idx.msk [tilespmem:v29+s19+$0x0], $0xffff  }
0x26d: {  	v62 =	vor.u32 v33, v34;
	v27 =	vor.u32 v33, v35;
	v33 =	vmul.f32 v19, v6;
	v19 =	vld.idx.msk [tilespmem:v24+s19+$0x0], $0xffff  }
0x26e: {  	v13 =	vmul.f32 v13, v6;
	v49 =	vcombine.low v42, v60;
	v42 =	vld [tilespmem:$0x1FFB0]  }
0x26f: {  	v29 =	vor.u32 v41, v39;
	v60 =	vld [tilespmem:$0x1FE40]  }
0x270: {  	v0 =	vadd.f32 v13, v0;
	v24 =	vor.u32 v41, v40;
	v13 =	vld.idx.msk [tilespmem:v23+s19+$0x0], $0xffff  }
0x271: {  	v28 =	vld.idx.msk [tilespmem:v28+s19+$0x0], $0xffff  }
0x272: {  	v48 =	vmul.f32 v20, v14;
	v52 =	vor.u32 v49, v39;
	v44 =	vmul.f32 v25, v14;
	v25 =	vld.idx.msk [tilespmem:v62+s19+$0x0], $0xffff  }
0x273: {  	v50 =	vmul.f32 v50, v14;
	v5 =	vadd.f32 v15, v5;
	v56 =	vor.u32 v49, v38;
	v20 =	vld.idx.msk [tilespmem:v27+s19+$0x0], $0xffff  }
0x274: {  	v12 =	vmul.f32 v12, v14;
	v1 =	vadd.f32 v7, v1;
	v23 =	vor.u32 v41, v38;
	v7 =	vld.idx.msk [tilespmem:v29+s15+$0x0], $0xffff  }
0x275: {  	v8 =	vmul.f32 v8, v14;
	v2 =	vadd.f32 v33, v2;
	v27 =	vor.u32 v41, v36;
	v51 =	vld.idx.msk [tilespmem:v24+s17+$0x0], $0xffff  }
0x276: {  	v29 =	vor.u32 v41, v34;
	v24 =	vor.u32 v41, v35;
	v41 =	vcombine.low v43, v60;
	v43 =	vld [tilespmem:$0x1FFC0]  }
0x277: {  	v4 =	vadd.f32 v61, v4;
	v0 =	vadd.f32 v8, v0;
	v6 =	vmul.f32 v30, v6;
	v30 =	vld.idx.msk [tilespmem:v52+s15+$0x0], $0xffff  }
0x278: {  	v2 =	vadd.f32 v12, v2;
	v15 =	vmul.f32 v59, v32;
	v59 =	vor.u32 v49, v34;
	v12 =	vld.idx.msk [tilespmem:v56+s19+$0x0], $0xffff  }
0x279: {  	v3 =	vadd.f32 v48, v3;
	v10 =	vmul.f32 v10, v32;
	v62 =	vor.u32 v49, v35;
	v23 =	vld.idx.msk [tilespmem:v23+s19+$0x0], $0xffff  }
0x27a: {  	v5 =	vadd.f32 v63, v5;
	v1 =	vadd.f32 v6, v1;
	v63 =	vor.u32 v41, v39;
	v55 =	vld.idx.msk [tilespmem:v27+s19+$0x0], $0xffff  }
0x27b: {  	v26 =	vmul.f32 v26, v17;
	v3 =	vadd.f32 v10, v3;
	v56 =	vor.u32 v42, v40;
	v58 =	vld.idx.msk [tilespmem:v29+s19+$0x0], $0xffff  }
0x27c: {  	v5 =	vadd.f32 v50, v5;
	v4 =	vadd.f32 v44, v4;
	v45 =	vor.u32 v41, v37;
	v24 =	vld.idx.msk [tilespmem:v24+s19+$0x0], $0xffff  }
0x27d: {  	v3 =	vadd.f32 v26, v3;
	v26 =	vor.u32 v41, v34;
	v53 =	vmul.f32 v28, v14;
	v44 =	vld.idx.msk [tilespmem:v59+s19+$0x0], $0xffff  }
0x27e: {  	v57 =	vmul.f32 v11, v32;
	v16 =	vmul.f32 v16, v32;
	v28 =	vor.u32 v49, v40;
	v10 =	vld.idx.msk [tilespmem:v62+s19+$0x0], $0xffff  }
0x27f: {  	v0 =	vadd.f32 v15, v0;
	v27 =	vor.u32 v49, v37;
	v1 =	vadd.f32 v53, v1;
	v15 =	vld.idx.msk [tilespmem:v63+s15+$0x0], $0xffff  }
0x280: {  	v22 =	vmul.f32 v22, v32;
	v9 =	vmul.f32 v9, v32;
	v29 =	vor.u32 v49, v36;
	v59 =	vld.idx.msk [tilespmem:v56+s17+$0x0], $0xffff  }
0x281: {  	v21 =	vmul.f32 v21, v17;
	v49 =	vor.u32 v47, v39;
	v1 =	vadd.f32 v16, v1;
	v16 =	vld.idx.msk [tilespmem:v45+s19+$0x0], $0xffff  }
0x282: {  	v4 =	vadd.f32 v57, v4;
	v14 =	vmul.f32 v54, v7;
	v54 =	vor.u32 v47, v35;
	v26 =	vld.idx.msk [tilespmem:v26+s19+$0x0], $0xffff  }
0x283: {  	v5 =	vadd.f32 v22, v5;
	v2 =	vadd.f32 v9, v2;
	v31 =	vor.u32 v43, v36;
	v61 =	vld.idx.msk [tilespmem:v28+s17+$0x0], $0xffff  }
0x284: {  	v25 =	vmul.f32 v25, v17;
	v4 =	vadd.f32 v21, v4;
	v21 =	vor.u32 v41, v36;
	v22 =	vld.idx.msk [tilespmem:v27+s19+$0x0], $0xffff  }
0x285: {  	v50 =	vor.u32 v47, v40;
	v19 =	vmul.f32 v19, v17;
	v13 =	vmul.f32 v13, v17;
	v28 =	vld.idx.msk [tilespmem:v29+s19+$0x0], $0xffff  }
0x286: {  	v18 =	vmul.f32 v51, v7;
	v2 =	vadd.f32 v25, v2;
	v25 =	vor.u32 v47, v38;
	v52 =	vld.idx.msk [tilespmem:v49+s15+$0x0], $0xffff  }
0x287: {  	v5 =	vadd.f32 v19, v5;
	v23 =	vmul.f32 v23, v7;
	v27 =	vor.u32 v41, v40;
	v19 =	vld.idx.msk [tilespmem:v54+s19+$0x0], $0xffff  }
0x288: {  	v17 =	vmul.f32 v20, v17;
	v53 =	vor.u32 v47, v34;
	v4 =	vadd.f32 v18, v4;
	v18 =	vld.idx.msk [tilespmem:v31+s19+$0x0], $0xffff  }
0x289: {  	v21 =	vld.idx.msk [tilespmem:v21+s19+$0x0], $0xffff;
	v3 =	vadd.f32 v23, v3;
	v23 =	vor.u32 v47, v36  }
0x28a: {  	v29 =	vor.u32 v41, v38;
	v8 =	vmul.f32 v55, v7;
	v1 =	vadd.f32 v17, v1;
	v17 =	vld.idx.msk [tilespmem:v50+s17+$0x0], $0xffff  }
0x28b: {  	v11 =	vmul.f32 v58, v7;
	v7 =	vmul.f32 v24, v7;
	v58 =	vor.u32 v42, v38;
	v24 =	vld.idx.msk [tilespmem:v25+s19+$0x0], $0xffff  }
0x28c: {  	v60 =	vor.u32 v42, v35;
	v0 =	vadd.f32 v13, v0;
	v20 =	vld.idx.msk [tilespmem:v27+s17+$0x0], $0xffff;
	v27 =	vor.u32 v41, v35  }
0x28d: {  	v5 =	vadd.f32 v14, v5;
	v12 =	vmul.f32 v12, v30;
	v9 =	vmul.f32 v44, v30;
	v14 =	vld.idx.msk [tilespmem:v53+s19+$0x0], $0xffff  }
0x28e: {  	v0 =	vadd.f32 v8, v0;
	v25 =	vor.u32 v42, v39;
	v57 =	vld.idx.msk [tilespmem:v23+s19+$0x0], $0xffff;
	v23 =	vmul.f32 v28, v30  }
0x28f: {  	v10 =	vmul.f32 v10, v30;
	v2 =	vadd.f32 v11, v2;
	v1 =	vadd.f32 v7, v1;
	v48 =	vld.idx.msk [tilespmem:v29+s19+$0x0], $0xffff  }
0x290: {  	v3 =	vadd.f32 v12, v3;
	v12 =	vld.idx.msk [tilespmem:v58+s19+$0x0], $0xffff;
	v0 =	vadd.f32 v23, v0;
	v23 =	vor.u32 v42, v34  }
0x291: {  	v63 =	vor.u32 v43, v38;
	v22 =	vmul.f32 v22, v30;
	v51 =	vld.idx.msk [tilespmem:v27+s19+$0x0], $0xffff;
	v27 =	vor.u32 v42, v37  }
0x292: {  	v2 =	vadd.f32 v9, v2;
	v6 =	vmul.f32 v61, v30;
	v1 =	vadd.f32 v10, v1;
	v10 =	vld.idx.msk [tilespmem:v60+s19+$0x0], $0xffff  }
0x293: {  	v16 =	vmul.f32 v16, v15;
	v29 =	vor.u32 v47, v37;
	v5 =	vadd.f32 v22, v5;
	v22 =	vld.idx.msk [tilespmem:v25+s15+$0x0], $0xffff  }
0x294: {  	v28 =	vor.u32 v42, v36;
	v21 =	vmul.f32 v21, v15;
	v4 =	vadd.f32 v6, v4;
	v42 =	vld [tilespmem:$0x1FFF0]  }
0x295: {  	v61 =	vmul.f32 v20, v15;
	v20 =	vor.u32 v43, v39;
	v30 =	vld.idx.msk [tilespmem:v23+s19+$0x0], $0xffff;
	v23 =	vmul.f32 v26, v15  }
0x296: {  	v0 =	vadd.f32 v21, v0;
	v21 =	vor.u32 v43, v37;
	v26 =	vor.u32 v43, v34;
	v25 =	vld.idx.msk [tilespmem:v27+s19+$0x0], $0xffff  }
0x297: {  	v27 =	vor.u32 v43, v40;
	v2 =	vadd.f32 v23, v2;
	v23 =	vor.u32 v43, v35;
	v43 =	vld [tilespmem:$0x1FFF0]  }
0x298: {  	v8 =	vmul.f32 v19, v52;
	v55 =	vld.idx.msk [tilespmem:v29+s19+$0x0], $0xffff;
	v13 =	vmul.f32 v48, v15  }
0x299: {  	v17 =	vmul.f32 v17, v52;
	v24 =	vmul.f32 v24, v52;
	v62 =	vld.idx.msk [tilespmem:v28+s19+$0x0], $0xffff;
	v4 =	vadd.f32 v61, v4  }
0x29a: {  	v14 =	vmul.f32 v14, v52;
	v5 =	vadd.f32 v16, v5;
	v3 =	vadd.f32 v13, v3;
	v13 =	vld.idx.msk [tilespmem:v63+s19+$0x0], $0xffff  }
0x29b: {  	v6 =	vmul.f32 v57, v52;
	v4 =	vadd.f32 v17, v4;
	v20 =	vld.idx.msk [tilespmem:v20+s15+$0x0], $0xffff;
	v17 =	vor.u32 v42, v39  }
0x29c: {  	v9 =	vmul.f32 v59, v22;
	v3 =	vadd.f32 v24, v3;
	v21 =	vld.idx.msk [tilespmem:v21+s19+$0x0], $0xffff;
	v24 =	vor.u32 v43, v40  }
0x29d: {  	v12 =	vmul.f32 v12, v22;
	v10 =	vmul.f32 v10, v22;
	v45 =	vld.idx.msk [tilespmem:v26+s19+$0x0], $0xffff;
	v44 =	vor.u32 v43, v38  }
0x29e: {  	v0 =	vadd.f32 v6, v0;
	v15 =	vmul.f32 v51, v15;
	v32 =	vld.idx.msk [tilespmem:v27+s17+$0x0], $0xffff;
	v47 =	vor.u32 v43, v37  }
0x29f: {  	v7 =	vmul.f32 v55, v52;
	v11 =	vmul.f32 v62, v22;
	v48 =	vld.idx.msk [tilespmem:v23+s19+$0x0], $0xffff;
	v49 =	vor.u32 v43, v36  }
0x2a0: {  	v4 =	vadd.f32 v9, v4;
	v3 =	vadd.f32 v12, v3;
	v17 =	vld.idx.msk [tilespmem:v17+s15+$0x0], $0xffff;
	v23 =	vor.u32 v43, v34  }
0x2a1: {  	v1 =	vadd.f32 v15, v1;
	v5 =	vadd.f32 v7, v5;
	v26 =	vor.u32 v43, v35;
	v24 =	vld.idx.msk [tilespmem:v24+s17+$0x0], $0xffff  }
0x2a2: {  	v2 =	vadd.f32 v14, v2;
	v50 =	vmul.f32 v30, v22;
	v0 =	vadd.f32 v11, v0;
	v51 =	vld.idx.msk [tilespmem:v44+s19+$0x0], $0xffff  }
0x2a3: {  	v1 =	vadd.f32 v8, v1;
	v25 =	vmul.f32 v25, v22;
	v53 =	vmul.f32 v13, v20;
	v7 =	vld.idx.msk [tilespmem:v47+s19+$0x0], $0xffff  }
0x2a4: {  	v2 =	vadd.f32 v50, v2;
	v55 =	vmul.f32 v21, v20;
	v52 =	vmul.f32 v32, v20;
	v54 =	vld.idx.msk [tilespmem:v49+s19+$0x0], $0xffff  }
0x2a5: {  	v56 =	vmul.f32 v18, v20;
	v1 =	vadd.f32 v10, v1;
	v5 =	vadd.f32 v25, v5;
	v57 =	vld.idx.msk [tilespmem:v23+s19+$0x0], $0xffff  }
0x2a6: {  	v3 =	vadd.f32 v53, v3;
	v59 =	vld.idx.msk [tilespmem:v26+s19+$0x0], $0xffff;
	v4 =	vadd.f32 v52, v4;
	v58 =	vmul.f32 v24, v17  }
0x2a7: {  	v0 =	vadd.f32 v56, v0;
	v6 =	vmul.f32 v45, v20;
	v60 =	vmul.f32 v51, v17  }
0x2a8: {  	v5 =	vadd.f32 v55, v5;
	v7 =	vmul.f32 v7, v17;
	v4 =	vadd.f32 v58, v4  }
0x2a9: {  	v8 =	vmul.f32 v48, v20;
	v61 =	vmul.f32 v54, v17;
	v3 =	vadd.f32 v60, v3  }
0x2aa: {  	v2 =	vadd.f32 v6, v2;
	v62 =	vmul.f32 v57, v17;
	v5 =	vadd.f32 v7, v5;
	[tilespmem:s31+$0xFFFFFE00] =	vst v4  }
0x2ab: {  	v1 =	vadd.f32 v8, v1;
	v63 =	vmul.f32 v59, v17;
	v0 =	vadd.f32 v61, v0;
	[tilespmem:s31+$0xFFFFFE80] =	vst v3  }
0x2ac: {  	p0 =	sne.s32 s10, $0x70;
	v33 =	vld [tilespmem:$0x1FEB0];
	v2 =	vadd.f32 v62, v2;
	[tilespmem:s31+$0xFFFFFF00] =	vst v5  }
.Ltmp0:
0x2ad: {  	v27 =	vld [tilespmem:$0x1FEA0];
	v1 =	vadd.f32 v63, v1;
	[tilespmem:s31+$0xFFFFFF80] =	vst v0;
	(pc) =	sbr.rel @p0 .LBB2_3-.Ltmp0, $4  }
0x2ae: {  	v22 =	vld [tilespmem:$0x1FE70];
	[tilespmem:s31+$0x0] =	vst v2  }
0x2af: {  	v26 =	vld [tilespmem:$0x1FE90];
	v0 =	vimm.f32 $0.0e+00;
	[tilespmem:s31+$0x80] =	vst v1  }
0x2b0: {  	v2 =	vld [tilespmem:$0x1FE60];
	[tilespmem:s31+$0x100] =	vst v0  }
0x2b1: {  	s10 =	sadd.s32 $0x10, s10;
	[tilespmem:s31+$0x180] =	vst v0;
	v0 =	vld [tilespmem:$0x1FE50];
	s31 =	sadd.s32 $0x10, s31  }
0x2b2: {  	s3 =	sadd.s32 $0x1, s3  }
0x2b3: {  	p0 =	sne.s32 s3, $0x4  }
.Ltmp1:
0x2b4: {  	s0 =	sadd.s32 s8, s6;
	(pc) =	sbr.rel @p0 .LBB2_2-.Ltmp1, $4  }
0x2b5: {  	[hbm4b:s0+s4] =	stream.linear.scatter [tilespmem:s30], [sflag:$0x2], $0x400, $0x38;
	[tilespmem:$0x1CB00] =	vst v63  }
0x2b6: {  	_ =	swait.ge [sflag:s11], $0x400  }
0x2b7: {  	[sflag:s11] =	ssyncset.done $0x0  }
0x2b8: {  	[sflag:s11] =	ssyncadd.s32 $0xFFFFFC00  }
0x2b9: {  	s3 =	rddreg [dreg:$0x6]  }
0x2ba: {  	s0 =	rddreg [dreg:$0x5];
	s3 =	sadd.s32 $0x1, s3  }
0x2bb: {  	p0 =	sne.s32 s3, s0  }
.Ltmp2:
0x2bc: {  	_ = 	snop;
	(pc) =	sbr.rel @p0 .LBB2_1-.Ltmp2, $1  }
0x2bd: {  	_ =	sdelay $0x3  }
0x2be: {  	_ =	sfence.sel $0x180000  }
0x2bf: {  	[bflag:$0x0] =	sbarrier.arrive $0xFFFF  }
0x2c0: {  	_ =	strace $0x90000047  }
0x2c1: {  	s0 =	stileid.u32;
	[bflag:$0x2] =	sbarrier.arrive $0xFFFF  }
0x2c2: {  	p0 =	sne.s32 s0, $0x0;
	s0 =	rddreg [dreg:$0x4]  }
0x2c3: {  	s0 =	sadd.s32 @!p0 $0x100000, s0  }
0x2c4: {  	[sflag:s0] =	ssyncadd.tile.s32 @!p0 $0x1;
	_ =	shalt  }
.Lfunc_end2:
_tile_overlayer_lowered:
.L_overlay_start_2:
0x2c5: {  	(tag) =	ssettag $0x2  }
0x2c6: {  	s0 =	rddreg [dreg:$0x0];
	s2 =	stileid.u32  }
0x2c7: {  	s1 =	rddreg [dreg:$0x1];
	p0 =	sne.s32 s2, $0x0  }
0x2c8: {  	s3 =	rddreg [dreg:$0x2];
	[bflag:$0x3] =	sbarrier.arrive $0xFFFF;
	s2 =	simm.s32 @!p0 $0x1C02  }
0x2c9: {  	[timem:s3], [sflag:s2] =	dma.local @!p0 [hbm:s0], s1  }
0x2ca: {  	s0 =	simm.s32 @!p0 $0x2  }
0x2cb: {  	_ =	swait.ge @!p0 [sflag:s0], s1  }
0x2cc: {  	s1 =	ssub.s32 @!p0 $0x0, s1;
	[sflag:s0] =	ssyncset.done @!p0 $0x0  }
0x2cd: {  	[sflag:s0] =	ssyncadd.s32 @!p0 s1  }
0x2ce: {  	[bflag:$0x3] =	sbarrier.arrive $0xFFFF  }
0x2cf: {  	_ =	shalt  }

</sc_bundles>
